<compile_context>
chip_gen: v7x
topology: tpu7x:2x2x1
jax: 0.10.2.dev20260603
libtpu: 0.0.44.dev20260713+nightly
codegen_flags: <defaults>
</compile_context>

<pallas_src>
import functools

import jax
import jax.numpy as jnp
from jax import lax
from jax.experimental import pallas as pl
from jax.experimental.pallas import tpu as pltpu
from jax.experimental.pallas import tpu_sc as plsc

_EMBED_SCALE = 1.0
_LN_EPS = 1e-5
_NC, _NS, _L = 2, 16, 16
_NW = _NC * _NS


def _rne_bf16_bits(u):
    return (u + jnp.uint32(0x7FFF) + ((u >> 16) & jnp.uint32(1))) >> 16


def _ln_body(w_ref, g_ref, b_ref, o_ref):
    x = w_ref[...] * _EMBED_SCALE
    mean = jnp.mean(x, axis=-1, keepdims=True)
    xc = x - mean
    var = jnp.mean(xc * xc, axis=-1, keepdims=True)
    y = xc * lax.rsqrt(var + _LN_EPS) * g_ref[...] + b_ref[...]
    yu = lax.bitcast_convert_type(y, jnp.uint32)
    ep = yu.shape[-1] // 2
    packed = _rne_bf16_bits(yu[:, :ep]) | (_rne_bf16_bits(yu[:, ep:]) << 16)
    o_ref[...] = lax.bitcast_convert_type(packed, jnp.int32)


def _ln_table(w, gamma, beta):
    v, e = w.shape
    blk = 2048
    return pl.pallas_call(
        _ln_body,
        grid=(v // blk,),
        in_specs=[
            pl.BlockSpec((blk, e), lambda i: (i, 0)),
            pl.BlockSpec((1, e), lambda i: (0, 0)),
            pl.BlockSpec((1, e), lambda i: (0, 0)),
        ],
        out_specs=pl.BlockSpec((blk, e // 2), lambda i: (i, 0)),
        out_shape=jax.ShapeDtypeStruct((v, e // 2), jnp.int32),
    )(w, gamma.reshape(1, e), beta.reshape(1, e))


@functools.lru_cache(maxsize=None)
def _make_sc_gather(e, n_out, cs, b):
    k_per_w = n_out // _NW
    r = b
    n_chunk = k_per_w // r
    ep = e // 2
    rc = r * cs
    mesh = plsc.VectorSubcoreMesh(core_axis_name="c", subcore_axis_name="s")

    @functools.partial(
        pl.kernel,
        mesh=mesh,
        out_type=jax.ShapeDtypeStruct((n_out, e), jnp.float32),
        compiler_params=pltpu.CompilerParams(needs_layout_passes=False),
        scratch_types=[
            pltpu.VMEM((b, n_chunk * cs), jnp.int32),
            pltpu.VMEM((2 * rc,), jnp.int32),
            pltpu.VMEM((2, rc, ep), jnp.int32),
            pltpu.VMEM((2, r, e), jnp.float32),
            pltpu.SemaphoreType.DMA,
            pltpu.SemaphoreType.DMA,
            pltpu.SemaphoreType.DMA,
            pltpu.SemaphoreType.DMA,
        ],
    )
    def sc_gather(tab_hbm, ids_hbm, out_hbm, idx2_v, idxc_v, rows_v, acc_v,
                  gsem0, gsem1, osem0, osem1):
        wid = lax.axis_index("s") * _NC + lax.axis_index("c")
        base = wid * k_per_w
        gsems = (gsem0, gsem1)
        osems = (osem0, osem1)

        pltpu.sync_copy(ids_hbm.at[:, pl.ds(wid * n_chunk * cs, n_chunk * cs)],
                        idx2_v)

        lane = lax.iota(jnp.int32, _L)
        rvec = lane >> 2
        svec = lane & 3

        def build_idx(slot, i):
            cvec = svec + cs * i
            for v4 in range(rc // _L):
                g = plsc.load_gather(idx2_v, [rvec + (_L // cs) * v4, cvec])
                idxc_v[pl.ds(slot * rc + _L * v4, _L)] = g

        def gather_cp(slot, i):
            return pltpu.make_async_copy(
                tab_hbm.at[idxc_v.at[pl.ds(slot * rc, rc)]],
                rows_v.at[slot], gsems[slot])

        def out_cp(aslot, i):
            return pltpu.make_async_copy(
                acc_v.at[aslot], out_hbm.at[pl.ds(base + i * r, r)],
                osems[aslot])

        def accumulate(slot, aslot):
            def row(rr, c2):
                for j in range(ep // _L):
                    o = _L * j
                    lo = None
                    hi = None
                    for s in range(cs):
                        w = rows_v[slot, cs * rr + s, pl.ds(o, _L)]
                        a = plsc.bitcast(w << 16, jnp.float32)
                        b2 = plsc.bitcast(w, jnp.float32)
                        lo = a if lo is None else lo + a
                        hi = b2 if hi is None else hi + b2
                    acc_v[aslot, rr, pl.ds(o, _L)] = lo
                    acc_v[aslot, rr, pl.ds(ep + o, _L)] = hi
                return c2
            lax.fori_loop(0, r, row, 0)

        build_idx(0, 0)
        gather_cp(0, 0).start()

        def outer(i2, carry):
            for slot in range(2):
                i = i2 * 2 + slot

                @pl.when(i + 1 < n_chunk)
                def _():
                    build_idx(1 - slot, i + 1)
                    gather_cp(1 - slot, i + 1).start()

                gather_cp(slot, i).wait()

                @pl.when(i >= 2)
                def _():
                    out_cp(slot, i - 2).wait()

                accumulate(slot, slot)
                out_cp(slot, i).start()
            return carry

        lax.fori_loop(0, n_chunk // 2, outer, 0)
        out_cp(0, n_chunk - 2).wait()
        out_cp(1, n_chunk - 1).wait()

    return sc_gather


def kernel(input_ids, embed_weight, weighted_sum, ln_gamma, ln_beta):
    del weighted_sum
    cs = 4
    b, f = input_ids.shape
    code_dim = f // cs
    v, e = embed_weight.shape
    n_out = b * code_dim

    tab_pk = _ln_table(embed_weight, ln_gamma, ln_beta)
    out_flat = _make_sc_gather(e, n_out, cs, b)(tab_pk, input_ids)
    return out_flat.reshape(b, code_dim, e)

# --- scband reference (transcript-rebuilt; emitter-appended) ---
"""Pipeline reference for scband-rqcode-embed-adapter-66133906424197 (READ-ONLY COPY).

The authoritative reference and input builder live on the scoring server;
editing this copy changes nothing except your own understanding.
"""

import jax, jax.numpy as jnp
import numpy as np

CODE_SIZE = 4
EMBED_SIZE = 768
EMBED_SCALE = 1.0
NORMALIZED = True
VOCAB = 8192
B = 16
CODE_DIM = 1024
LN_EPS = 1e-5


def setup_inputs(seed: int = 0) -> dict:
    key = jax.random.key(seed)
    k1, k2 = jax.random.split(key)
    input_ids = jax.random.randint(k1, (B, CODE_DIM * CODE_SIZE), 0, VOCAB, dtype=jnp.int32)
    embed_weight = jax.random.normal(k2, (VOCAB, EMBED_SIZE), dtype=jnp.float32) * 0.02
    # learned parameters per __init__
    weighted_sum = jnp.arange(CODE_SIZE, 0, -1).astype(jnp.float32).reshape(1, 1, CODE_SIZE, 1)
    ln_gamma = jnp.ones((EMBED_SIZE,), dtype=jnp.float32)
    ln_beta = jnp.zeros((EMBED_SIZE,), dtype=jnp.float32)
    return {
        'input_ids': input_ids,
        'embed_weight': embed_weight,
        'weighted_sum': weighted_sum,
        'ln_gamma': ln_gamma,
        'ln_beta': ln_beta,
    }


def _layer_norm(x, gamma, beta):
    mean = jnp.mean(x, axis=-1, keepdims=True)
    var = jnp.var(x, axis=-1, keepdims=True)
    return (x - mean) / jnp.sqrt(var + LN_EPS) * gamma + beta


def reference(input_ids, embed_weight, weighted_sum, ln_gamma, ln_beta):
    code_size = CODE_SIZE
    batch_dim = input_ids.shape[0]
    code_dim = input_ids.shape[1] // code_size
    ids = input_ids.reshape(batch_dim, code_dim, code_size)
    # embed_fun is an embedding-table lookup: table[ids]  (SparseCore gather)
    emb = jnp.take(embed_weight, ids, axis=0) * EMBED_SCALE  # [B, code_dim, code_size, E]
    if NORMALIZED:
        emb = _layer_norm(emb, ln_gamma, ln_beta)
    # stacking over code_dim (loop in torch) == transpose to [code_dim, B, code_size, E]
    stacked_inputs = jnp.transpose(emb, (1, 0, 2, 3))
    # NB: softmax over dim 0 of a size-1 dim is all ones (faithful to original)
    w = jax.nn.softmax(weighted_sum, axis=0)
    weighted = stacked_inputs * w
    summed = jnp.sum(weighted, axis=2)  # [code_dim, B, E]
    return summed.reshape(batch_dim, -1, EMBED_SIZE)

if __name__ == "__main__":
    import jax
    _d = setup_inputs()
    print(jax.jit(kernel)(*tuple(_d.values())))

</pallas_src>

<mosaic_0001>
#map = affine_map<(d0, d1) -> (0, 0)>
module attributes {stable_mosaic.version = 14 : i64} {
  func.func @sc_gather(%arg0: i32, %arg1: i32, %arg2: memref<8192x384xi32, #tpu.memory_space<hbm>>, %arg3: memref<16x4096xi32, #tpu.memory_space<hbm>>, %arg4: memref<16384x768xf32, #tpu.memory_space<hbm>>, %arg5: memref<16x128xi32, #tpu.memory_space<vmem>>, %arg6: memref<128xi32, #tpu.memory_space<vmem>>, %arg7: memref<2x64x384xi32, #tpu.memory_space<vmem>>, %arg8: memref<2x16x768xf32, #tpu.memory_space<vmem>>, %arg9: memref<!tpu.dma_semaphore, #tpu.memory_space<semaphore_mem>>, %arg10: memref<!tpu.dma_semaphore, #tpu.memory_space<semaphore_mem>>, %arg11: memref<!tpu.dma_semaphore, #tpu.memory_space<semaphore_mem>>, %arg12: memref<!tpu.dma_semaphore, #tpu.memory_space<semaphore_mem>>) attributes {dimension_semantics = [#tpu.dimension_semantics<core_parallel>, #tpu.dimension_semantics<subcore_parallel>], iteration_bounds = array<i64: 2, 16>, scalar_prefetch = 0 : i64, scratch_operands = 8 : i64, tpu.core_type = #tpu.core_type<sc_vector_subcore>, window_params = [{transform_indices = #map}, {transform_indices = #map}, {transform_indices = #map}]} {
    %mul3A = arith.constant 2 : i32
    %mul3A_0 = arith.muli %arg1, %mul3A : i32
    %add3A = arith.addi %mul3A_0, %arg0 : i32
    %mul3A_1 = arith.constant 512 : i32
    %mul3A_2 = arith.muli %add3A, %mul3A_1 : i32
    %mul3A_3 = arith.constant 32 : i32
    %mul3A_4 = arith.muli %add3A, %mul3A_3 : i32
    %mul3A_5 = arith.constant 4 : i32
    %mul3A_6 = arith.muli %mul3A_4, %mul3A_5 : i32
    "tpu.region"() ({
      %run_scoped3A = tpu.sem_alloc : memref<!tpu.dma_semaphore, #tpu.memory_space<semaphore_mem>>
      %dma_start3A_79 = arith.constant 0 : i32
      %dma_start3A_80 = tpu.memref_slice %arg3[%dma_start3A_79, %mul3A_6] : memref<16x4096xi32, #tpu.memory_space<hbm>> -> memref<16x128xi32, #tpu.memory_space<hbm>>
      %dma_start3A_81 = arith.constant 0 : i32
      %dma_start3A_82 = tpu.memref_slice %arg3[%dma_start3A_81, %mul3A_6] : memref<16x4096xi32, #tpu.memory_space<hbm>> -> memref<16x128xi32, #tpu.memory_space<hbm>>
      tpu.enqueue_dma source(%dma_start3A_82 : memref<16x128xi32, #tpu.memory_space<hbm>>) target(%arg5 : memref<16x128xi32, #tpu.memory_space<vmem>>) target_semaphore(%run_scoped3A : memref<!tpu.dma_semaphore, #tpu.memory_space<semaphore_mem>>)
      %dma_wait3A_83 = arith.constant 0 : i32
      %dma_wait3A_84 = tpu.memref_slice %arg3[%dma_wait3A_83, %mul3A_6] : memref<16x4096xi32, #tpu.memory_space<hbm>> -> memref<16x128xi32, #tpu.memory_space<hbm>>
      %dma_wait3A_85 = arith.constant 0 : i32
      %dma_wait3A_86 = tpu.memref_slice %arg3[%dma_wait3A_85, %mul3A_6] : memref<16x4096xi32, #tpu.memory_space<hbm>> -> memref<16x128xi32, #tpu.memory_space<hbm>>
      tpu.wait_dma2 semaphore(%run_scoped3A : memref<!tpu.dma_semaphore, #tpu.memory_space<semaphore_mem>>) src(%dma_wait3A_86 : memref<16x128xi32, #tpu.memory_space<hbm>>) dst(%arg5 : memref<16x128xi32, #tpu.memory_space<vmem>>)
      tpu.yield
    }) : () -> ()
    %iota3A = tpu.iota {dimensions = array<i32: 0>} : vector<16xi32>
    %shift_right_arithmetic3A = arith.constant 2 : i32
    %shift_right_arithmetic3A_7 = vector.broadcast %shift_right_arithmetic3A : i32 to vector<16xi32>
    %shift_right_arithmetic3A_8 = arith.shrsi %iota3A, %shift_right_arithmetic3A_7 : vector<16xi32>
    %and3A = arith.constant 3 : i32
    %and3A_9 = vector.broadcast %and3A : i32 to vector<16xi32>
    %and3A_10 = arith.andi %iota3A, %and3A_9 : vector<16xi32>
    %add3A_11 = arith.constant 0 : i32
    %add3A_12 = vector.broadcast %add3A_11 : i32 to vector<16xi32>
    %add3A_13 = arith.addi %and3A_10, %add3A_12 : vector<16xi32>
    %add3A_14 = arith.constant 0 : i32
    %add3A_15 = vector.broadcast %add3A_14 : i32 to vector<16xi32>
    %add3A_16 = arith.addi %shift_right_arithmetic3A_8, %add3A_15 : vector<16xi32>
    %gather3A = tpu.vector_load_idx %arg5[%add3A_16, %add3A_13] : memref<16x128xi32, #tpu.memory_space<vmem>>[vector<16xi32>, vector<16xi32>], vector<16xi32>,
    %swap3A = arith.constant 0 : index
    %swap3A_17 = tpu.vector_load %arg6[%swap3A] {strides = array<i32>} : memref<128xi32, #tpu.memory_space<vmem>>, vector<16xi32>,
    tpu.vector_store %arg6[%swap3A], %gather3A {strides = array<i32>} : memref<128xi32, #tpu.memory_space<vmem>>, vector<16xi32>,
    %add3A_18 = arith.constant 4 : i32
    %add3A_19 = vector.broadcast %add3A_18 : i32 to vector<16xi32>
    %add3A_20 = arith.addi %shift_right_arithmetic3A_8, %add3A_19 : vector<16xi32>
    %gather3A_21 = tpu.vector_load_idx %arg5[%add3A_20, %add3A_13] : memref<16x128xi32, #tpu.memory_space<vmem>>[vector<16xi32>, vector<16xi32>], vector<16xi32>,
    %swap3A_22 = arith.constant 16 : index
    %swap3A_23 = tpu.vector_load %arg6[%swap3A_22] {strides = array<i32>} : memref<128xi32, #tpu.memory_space<vmem>>, vector<16xi32>,
    tpu.vector_store %arg6[%swap3A_22], %gather3A_21 {strides = array<i32>} : memref<128xi32, #tpu.memory_space<vmem>>, vector<16xi32>,
    %add3A_24 = arith.constant 8 : i32
    %add3A_25 = vector.broadcast %add3A_24 : i32 to vector<16xi32>
    %add3A_26 = arith.addi %shift_right_arithmetic3A_8, %add3A_25 : vector<16xi32>
    %gather3A_27 = tpu.vector_load_idx %arg5[%add3A_26, %add3A_13] : memref<16x128xi32, #tpu.memory_space<vmem>>[vector<16xi32>, vector<16xi32>], vector<16xi32>,
    %swap3A_28 = arith.constant 32 : index
    %swap3A_29 = tpu.vector_load %arg6[%swap3A_28] {strides = array<i32>} : memref<128xi32, #tpu.memory_space<vmem>>, vector<16xi32>,
    tpu.vector_store %arg6[%swap3A_28], %gather3A_27 {strides = array<i32>} : memref<128xi32, #tpu.memory_space<vmem>>, vector<16xi32>,
    %add3A_30 = arith.constant 12 : i32
    %add3A_31 = vector.broadcast %add3A_30 : i32 to vector<16xi32>
    %add3A_32 = arith.addi %shift_right_arithmetic3A_8, %add3A_31 : vector<16xi32>
    %gather3A_33 = tpu.vector_load_idx %arg5[%add3A_32, %add3A_13] : memref<16x128xi32, #tpu.memory_space<vmem>>[vector<16xi32>, vector<16xi32>], vector<16xi32>,
    %swap3A_34 = arith.constant 48 : index
    %swap3A_35 = tpu.vector_load %arg6[%swap3A_34] {strides = array<i32>} : memref<128xi32, #tpu.memory_space<vmem>>, vector<16xi32>,
    tpu.vector_store %arg6[%swap3A_34], %gather3A_33 {strides = array<i32>} : memref<128xi32, #tpu.memory_space<vmem>>, vector<16xi32>,
    %dma_start3A = arith.constant 0 : i32
    %dma_start3A_36 = arith.constant 0 : i32
    %dma_start3A_37 = arith.constant 0 : i32
    %dma_start3A_38 = tpu.memref_slice %arg7[%dma_start3A, %dma_start3A_36, %dma_start3A_37] : memref<2x64x384xi32, #tpu.memory_space<vmem>> -> memref<1x64x384xi32, #tpu.memory_space<vmem>>
    %dma_start3A_39 = tpu.memref_squeeze %dma_start3A_38 : memref<1x64x384xi32, #tpu.memory_space<vmem>> -> memref<64x384xi32, #tpu.memory_space<vmem>>
    %dma_start3A_40 = arith.constant 0 : i32
    %dma_start3A_41 = tpu.memref_slice %arg6[%dma_start3A_40] : memref<128xi32, #tpu.memory_space<vmem>> -> memref<64xi32, #tpu.memory_space<vmem>>
    %dma_start3A_42 = arith.constant 0 : i32
    %dma_start3A_43 = arith.constant 0 : i32
    %dma_start3A_44 = tpu.memref_slice %arg2[%dma_start3A_42, %dma_start3A_43] : memref<8192x384xi32, #tpu.memory_space<hbm>> -> memref<8192x384xi32, #tpu.memory_space<hbm>>
    tpu.enqueue_indirect_dma source(%dma_start3A_44 : memref<8192x384xi32, #tpu.memory_space<hbm>>) target(%dma_start3A_39 : memref<64x384xi32, #tpu.memory_space<vmem>>) offsets(%dma_start3A_41 : memref<64xi32, #tpu.memory_space<vmem>>) semaphore(%arg9 : memref<!tpu.dma_semaphore, #tpu.memory_space<semaphore_mem>>)
    %scan3A = arith.constant 0 : i32
    %scan3A_45 = arith.constant 0 : i32
    %scan3A_46 = arith.constant 16 : i32
    %scan3A_47 = arith.addi %scan3A_45, %scan3A_46 : i32
    %scan3A_48 = arith.constant 1 : i32
    scf.for %scan3A_79 = %scan3A_45 to %scan3A_47 step %scan3A_48  : i32 {
      %mul3A_80 = arith.constant 2 : i32
      %mul3A_81 = arith.muli %scan3A_79, %mul3A_80 : i32
      %add3A_82 = arith.constant 0 : i32
      %add3A_83 = arith.addi %mul3A_81, %add3A_82 : i32
      %add3A_84 = arith.constant 1 : i32
      %add3A_85 = arith.addi %add3A_83, %add3A_84 : i32
      %lt3A = arith.constant 32 : i32
      %lt3A_86 = arith.cmpi slt, %add3A_85, %lt3A : i32
      %convert_element_type3A = arith.extui %lt3A_86 : i1 to i32
      %cond3A = arith.constant 0 : i32
      %cond3A_87 = arith.cmpi ne, %convert_element_type3A, %cond3A : i32
      scf.if %cond3A_87 {
        %add3A_172 = arith.constant 1 : i32
        %add3A_173 = arith.addi %add3A_83, %add3A_172 : i32
        %mul3A_174 = arith.constant 4 : i32
        %mul3A_175 = arith.muli %mul3A_174, %add3A_173 : i32
        %add3A_176 = vector.broadcast %mul3A_175 : i32 to vector<16xi32>
        %add3A_177 = arith.addi %and3A_10, %add3A_176 : vector<16xi32>
        %add3A_178 = arith.constant 0 : i32
        %add3A_179 = vector.broadcast %add3A_178 : i32 to vector<16xi32>
        %add3A_180 = arith.addi %shift_right_arithmetic3A_8, %add3A_179 : vector<16xi32>
        %gather3A_181 = tpu.vector_load_idx %arg5[%add3A_180, %add3A_177] : memref<16x128xi32, #tpu.memory_space<vmem>>[vector<16xi32>, vector<16xi32>], vector<16xi32>,
        %swap3A_182 = arith.constant 64 : index
        %swap3A_183 = tpu.vector_load %arg6[%swap3A_182] {strides = array<i32>} : memref<128xi32, #tpu.memory_space<vmem>>, vector<16xi32>,
        tpu.vector_store %arg6[%swap3A_182], %gather3A_181 {strides = array<i32>} : memref<128xi32, #tpu.memory_space<vmem>>, vector<16xi32>,
        %add3A_184 = arith.constant 4 : i32
        %add3A_185 = vector.broadcast %add3A_184 : i32 to vector<16xi32>
        %add3A_186 = arith.addi %shift_right_arithmetic3A_8, %add3A_185 : vector<16xi32>
        %gather3A_187 = tpu.vector_load_idx %arg5[%add3A_186, %add3A_177] : memref<16x128xi32, #tpu.memory_space<vmem>>[vector<16xi32>, vector<16xi32>], vector<16xi32>,
        %swap3A_188 = arith.constant 80 : index
        %swap3A_189 = tpu.vector_load %arg6[%swap3A_188] {strides = array<i32>} : memref<128xi32, #tpu.memory_space<vmem>>, vector<16xi32>,
        tpu.vector_store %arg6[%swap3A_188], %gather3A_187 {strides = array<i32>} : memref<128xi32, #tpu.memory_space<vmem>>, vector<16xi32>,
        %add3A_190 = arith.constant 8 : i32
        %add3A_191 = vector.broadcast %add3A_190 : i32 to vector<16xi32>
        %add3A_192 = arith.addi %shift_right_arithmetic3A_8, %add3A_191 : vector<16xi32>
        %gather3A_193 = tpu.vector_load_idx %arg5[%add3A_192, %add3A_177] : memref<16x128xi32, #tpu.memory_space<vmem>>[vector<16xi32>, vector<16xi32>], vector<16xi32>,
        %swap3A_194 = arith.constant 96 : index
        %swap3A_195 = tpu.vector_load %arg6[%swap3A_194] {strides = array<i32>} : memref<128xi32, #tpu.memory_space<vmem>>, vector<16xi32>,
        tpu.vector_store %arg6[%swap3A_194], %gather3A_193 {strides = array<i32>} : memref<128xi32, #tpu.memory_space<vmem>>, vector<16xi32>,
        %add3A_196 = arith.constant 12 : i32
        %add3A_197 = vector.broadcast %add3A_196 : i32 to vector<16xi32>
        %add3A_198 = arith.addi %shift_right_arithmetic3A_8, %add3A_197 : vector<16xi32>
        %gather3A_199 = tpu.vector_load_idx %arg5[%add3A_198, %add3A_177] : memref<16x128xi32, #tpu.memory_space<vmem>>[vector<16xi32>, vector<16xi32>], vector<16xi32>,
        %swap3A_200 = arith.constant 112 : index
        %swap3A_201 = tpu.vector_load %arg6[%swap3A_200] {strides = array<i32>} : memref<128xi32, #tpu.memory_space<vmem>>, vector<16xi32>,
        tpu.vector_store %arg6[%swap3A_200], %gather3A_199 {strides = array<i32>} : memref<128xi32, #tpu.memory_space<vmem>>, vector<16xi32>,
        %add3A_202 = arith.constant 1 : i32
        %add3A_203 = arith.addi %add3A_83, %add3A_202 : i32
        %dma_start3A_204 = arith.constant 1 : i32
        %dma_start3A_205 = arith.constant 0 : i32
        %dma_start3A_206 = arith.constant 0 : i32
        %dma_start3A_207 = tpu.memref_slice %arg7[%dma_start3A_204, %dma_start3A_205, %dma_start3A_206] : memref<2x64x384xi32, #tpu.memory_space<vmem>> -> memref<1x64x384xi32, #tpu.memory_space<vmem>>
        %dma_start3A_208 = tpu.memref_squeeze %dma_start3A_207 : memref<1x64x384xi32, #tpu.memory_space<vmem>> -> memref<64x384xi32, #tpu.memory_space<vmem>>
        %dma_start3A_209 = arith.constant 64 : i32
        %dma_start3A_210 = tpu.memref_slice %arg6[%dma_start3A_209] : memref<128xi32, #tpu.memory_space<vmem>> -> memref<64xi32, #tpu.memory_space<vmem>>
        %dma_start3A_211 = arith.constant 0 : i32
        %dma_start3A_212 = arith.constant 0 : i32
        %dma_start3A_213 = tpu.memref_slice %arg2[%dma_start3A_211, %dma_start3A_212] : memref<8192x384xi32, #tpu.memory_space<hbm>> -> memref<8192x384xi32, #tpu.memory_space<hbm>>
        tpu.enqueue_indirect_dma source(%dma_start3A_213 : memref<8192x384xi32, #tpu.memory_space<hbm>>) target(%dma_start3A_208 : memref<64x384xi32, #tpu.memory_space<vmem>>) offsets(%dma_start3A_210 : memref<64xi32, #tpu.memory_space<vmem>>) semaphore(%arg10 : memref<!tpu.dma_semaphore, #tpu.memory_space<semaphore_mem>>)
      } else {
      }
      %dma_wait3A_88 = arith.constant 0 : i32
      %dma_wait3A_89 = arith.constant 0 : i32
      %dma_wait3A_90 = arith.constant 0 : i32
      %dma_wait3A_91 = tpu.memref_slice %arg7[%dma_wait3A_88, %dma_wait3A_89, %dma_wait3A_90] : memref<2x64x384xi32, #tpu.memory_space<vmem>> -> memref<1x64x384xi32, #tpu.memory_space<vmem>>
      %dma_wait3A_92 = tpu.memref_squeeze %dma_wait3A_91 : memref<1x64x384xi32, #tpu.memory_space<vmem>> -> memref<64x384xi32, #tpu.memory_space<vmem>>
      %dma_wait3A_93 = arith.constant 0 : i32
      %dma_wait3A_94 = tpu.memref_slice %arg6[%dma_wait3A_93] : memref<128xi32, #tpu.memory_space<vmem>> -> memref<64xi32, #tpu.memory_space<vmem>>
      %dma_wait3A_95 = arith.constant 0 : i32
      %dma_wait3A_96 = arith.constant 0 : i32
      %dma_wait3A_97 = tpu.memref_slice %arg2[%dma_wait3A_95, %dma_wait3A_96] : memref<8192x384xi32, #tpu.memory_space<hbm>> -> memref<8192x384xi32, #tpu.memory_space<hbm>>
      tpu.wait_indirect_dma semaphore(%arg9 : memref<!tpu.dma_semaphore, #tpu.memory_space<semaphore_mem>>) src(%dma_wait3A_97 : memref<8192x384xi32, #tpu.memory_space<hbm>>) dst(%dma_wait3A_92 : memref<64x384xi32, #tpu.memory_space<vmem>>)
      %ge3A = arith.constant 2 : i32
      %ge3A_98 = arith.cmpi sge, %add3A_83, %ge3A : i32
      %convert_element_type3A_99 = arith.extui %ge3A_98 : i1 to i32
      %cond3A_100 = arith.constant 0 : i32
      %cond3A_101 = arith.cmpi ne, %convert_element_type3A_99, %cond3A_100 : i32
      scf.if %cond3A_101 {
        %sub3A = arith.constant 2 : i32
        %sub3A_172 = arith.subi %add3A_83, %sub3A : i32
        %mul3A_173 = arith.constant 16 : i32
        %mul3A_174 = arith.muli %sub3A_172, %mul3A_173 : i32
        %add3A_175 = arith.addi %mul3A_2, %mul3A_174 : i32
        %dma_wait3A_176 = arith.constant 0 : i32
        %dma_wait3A_177 = arith.constant 0 : i32
        %dma_wait3A_178 = arith.constant 0 : i32
        %dma_wait3A_179 = tpu.memref_slice %arg8[%dma_wait3A_176, %dma_wait3A_177, %dma_wait3A_178] : memref<2x16x768xf32, #tpu.memory_space<vmem>> -> memref<1x16x768xf32, #tpu.memory_space<vmem>>
        %dma_wait3A_180 = tpu.memref_squeeze %dma_wait3A_179 : memref<1x16x768xf32, #tpu.memory_space<vmem>> -> memref<16x768xf32, #tpu.memory_space<vmem>>
        %dma_wait3A_181 = arith.constant 0 : i32
        %dma_wait3A_182 = tpu.memref_slice %arg4[%add3A_175, %dma_wait3A_181] : memref<16384x768xf32, #tpu.memory_space<hbm>> -> memref<16x768xf32, #tpu.memory_space<hbm>>
        %dma_wait3A_183 = arith.constant 0 : i32
        %dma_wait3A_184 = tpu.memref_slice %arg4[%add3A_175, %dma_wait3A_183] : memref<16384x768xf32, #tpu.memory_space<hbm>> -> memref<16x768xf32, #tpu.memory_space<hbm>>
        %dma_wait3A_185 = arith.constant 0 : i32
        %dma_wait3A_186 = arith.constant 0 : i32
        %dma_wait3A_187 = tpu.memref_slice %arg8[%dma_wait3A_176, %dma_wait3A_185, %dma_wait3A_186] : memref<2x16x768xf32, #tpu.memory_space<vmem>> -> memref<1x16x768xf32, #tpu.memory_space<vmem>>
        %dma_wait3A_188 = tpu.memref_squeeze %dma_wait3A_187 : memref<1x16x768xf32, #tpu.memory_space<vmem>> -> memref<16x768xf32, #tpu.memory_space<vmem>>
        tpu.wait_dma2 semaphore(%arg11 : memref<!tpu.dma_semaphore, #tpu.memory_space<semaphore_mem>>) src(%dma_wait3A_188 : memref<16x768xf32, #tpu.memory_space<vmem>>) dst(%dma_wait3A_184 : memref<16x768xf32, #tpu.memory_space<hbm>>)
      } else {
      }
      %scan3A_102 = arith.constant 0 : i32
      %scan3A_103 = arith.constant 0 : i32
      %scan3A_104 = arith.constant 16 : i32
      %scan3A_105 = arith.addi %scan3A_103, %scan3A_104 : i32
      %scan3A_106 = arith.constant 1 : i32
      scf.for %scan3A_172 = %scan3A_103 to %scan3A_105 step %scan3A_106  : i32 {
        %mul3A_173 = arith.constant 4 : i32
        %mul3A_174 = arith.muli %mul3A_173, %scan3A_172 : i32
        %add3A_175 = arith.constant 0 : i32
        %add3A_176 = arith.addi %mul3A_174, %add3A_175 : i32
        %get3A = arith.constant 0 : i32
        %get3A_177 = arith.index_cast %get3A : i32 to index
        %get3A_178 = arith.index_cast %add3A_176 : i32 to index
        %get3A_179 = arith.constant 0 : index
        %get3A_180 = tpu.vector_load %arg7[%get3A_177, %get3A_178, %get3A_179] {strides = array<i32>} : memref<2x64x384xi32, #tpu.memory_space<vmem>>, vector<16xi32>,
        %shift_left3A = arith.constant 16 : i32
        %shift_left3A_181 = vector.broadcast %shift_left3A : i32 to vector<16xi32>
        %shift_left3A_182 = arith.shli %get3A_180, %shift_left3A_181 : vector<16xi32>
        %bitcast3A = vector.bitcast %shift_left3A_182 : vector<16xi32> to vector<16xf32>
        %bitcast3A_183 = vector.bitcast %get3A_180 : vector<16xi32> to vector<16xf32>
        %mul3A_184 = arith.constant 4 : i32
        %mul3A_185 = arith.muli %mul3A_184, %scan3A_172 : i32
        %add3A_186 = arith.constant 1 : i32
        %add3A_187 = arith.addi %mul3A_185, %add3A_186 : i32
        %get3A_188 = arith.constant 0 : i32
        %get3A_189 = arith.index_cast %get3A_188 : i32 to index
        %get3A_190 = arith.index_cast %add3A_187 : i32 to index
        %get3A_191 = arith.constant 0 : index
        %get3A_192 = tpu.vector_load %arg7[%get3A_189, %get3A_190, %get3A_191] {strides = array<i32>} : memref<2x64x384xi32, #tpu.memory_space<vmem>>, vector<16xi32>,
        %shift_left3A_193 = arith.constant 16 : i32
        %shift_left3A_194 = vector.broadcast %shift_left3A_193 : i32 to vector<16xi32>
        %shift_left3A_195 = arith.shli %get3A_192, %shift_left3A_194 : vector<16xi32>
        %bitcast3A_196 = vector.bitcast %shift_left3A_195 : vector<16xi32> to vector<16xf32>
        %bitcast3A_197 = vector.bitcast %get3A_192 : vector<16xi32> to vector<16xf32>
        %add3A_198 = arith.addf %bitcast3A, %bitcast3A_196 : vector<16xf32>
        %add3A_199 = arith.addf %bitcast3A_183, %bitcast3A_197 : vector<16xf32>
        %mul3A_200 = arith.constant 4 : i32
        %mul3A_201 = arith.muli %mul3A_200, %scan3A_172 : i32
        %add3A_202 = arith.constant 2 : i32
        %add3A_203 = arith.addi %mul3A_201, %add3A_202 : i32
        %get3A_204 = arith.constant 0 : i32
        %get3A_205 = arith.index_cast %get3A_204 : i32 to index
        %get3A_206 = arith.index_cast %add3A_203 : i32 to index
        %get3A_207 = arith.constant 0 : index
        %get3A_208 = tpu.vector_load %arg7[%get3A_205, %get3A_206, %get3A_207] {strides = array<i32>} : memref<2x64x384xi32, #tpu.memory_space<vmem>>, vector<16xi32>,
        %shift_left3A_209 = arith.constant 16 : i32
        %shift_left3A_210 = vector.broadcast %shift_left3A_209 : i32 to vector<16xi32>
        %shift_left3A_211 = arith.shli %get3A_208, %shift_left3A_210 : vector<16xi32>
        %bitcast3A_212 = vector.bitcast %shift_left3A_211 : vector<16xi32> to vector<16xf32>
        %bitcast3A_213 = vector.bitcast %get3A_208 : vector<16xi32> to vector<16xf32>
        %add3A_214 = arith.addf %add3A_198, %bitcast3A_212 : vector<16xf32>
        %add3A_215 = arith.addf %add3A_199, %bitcast3A_213 : vector<16xf32>
        %mul3A_216 = arith.constant 4 : i32
        %mul3A_217 = arith.muli %mul3A_216, %scan3A_172 : i32
        %add3A_218 = arith.constant 3 : i32
        %add3A_219 = arith.addi %mul3A_217, %add3A_218 : i32
        %get3A_220 = arith.constant 0 : i32
        %get3A_221 = arith.index_cast %get3A_220 : i32 to index
        %get3A_222 = arith.index_cast %add3A_219 : i32 to index
        %get3A_223 = arith.constant 0 : index
        %get3A_224 = tpu.vector_load %arg7[%get3A_221, %get3A_222, %get3A_223] {strides = array<i32>} : memref<2x64x384xi32, #tpu.memory_space<vmem>>, vector<16xi32>,
        %shift_left3A_225 = arith.constant 16 : i32
        %shift_left3A_226 = vector.broadcast %shift_left3A_225 : i32 to vector<16xi32>
        %shift_left3A_227 = arith.shli %get3A_224, %shift_left3A_226 : vector<16xi32>
        %bitcast3A_228 = vector.bitcast %shift_left3A_227 : vector<16xi32> to vector<16xf32>
        %bitcast3A_229 = vector.bitcast %get3A_224 : vector<16xi32> to vector<16xf32>
        %add3A_230 = arith.addf %add3A_214, %bitcast3A_228 : vector<16xf32>
        %add3A_231 = arith.addf %add3A_215, %bitcast3A_229 : vector<16xf32>
        %swap3A_232 = arith.constant 0 : i32
        %swap3A_233 = arith.index_cast %swap3A_232 : i32 to index
        %swap3A_234 = arith.index_cast %scan3A_172 : i32 to index
        %swap3A_235 = arith.constant 0 : index
        %swap3A_236 = tpu.vector_load %arg8[%swap3A_233, %swap3A_234, %swap3A_235] {strides = array<i32>} : memref<2x16x768xf32, #tpu.memory_space<vmem>>, vector<16xf32>,
        tpu.vector_store %arg8[%swap3A_233, %swap3A_234, %swap3A_235], %add3A_230 {strides = array<i32>} : memref<2x16x768xf32, #tpu.memory_space<vmem>>, vector<16xf32>,
        %swap3A_237 = arith.constant 0 : i32
        %swap3A_238 = arith.index_cast %swap3A_237 : i32 to index
        %swap3A_239 = arith.index_cast %scan3A_172 : i32 to index
        %swap3A_240 = arith.constant 384 : index
        %swap3A_241 = tpu.vector_load %arg8[%swap3A_238, %swap3A_239, %swap3A_240] {strides = array<i32>} : memref<2x16x768xf32, #tpu.memory_space<vmem>>, vector<16xf32>,
        tpu.vector_store %arg8[%swap3A_238, %swap3A_239, %swap3A_240], %add3A_231 {strides = array<i32>} : memref<2x16x768xf32, #tpu.memory_space<vmem>>, vector<16xf32>,
        %mul3A_242 = arith.constant 4 : i32
        %mul3A_243 = arith.muli %mul3A_242, %scan3A_172 : i32
        %add3A_244 = arith.constant 0 : i32
        %add3A_245 = arith.addi %mul3A_243, %add3A_244 : i32
        %get3A_246 = arith.constant 0 : i32
        %get3A_247 = arith.index_cast %get3A_246 : i32 to index
        %get3A_248 = arith.index_cast %add3A_245 : i32 to index
        %get3A_249 = arith.constant 16 : index
        %get3A_250 = tpu.vector_load %arg7[%get3A_247, %get3A_248, %get3A_249] {strides = array<i32>} : memref<2x64x384xi32, #tpu.memory_space<vmem>>, vector<16xi32>,
        %shift_left3A_251 = arith.constant 16 : i32
        %shift_left3A_252 = vector.broadcast %shift_left3A_251 : i32 to vector<16xi32>
        %shift_left3A_253 = arith.shli %get3A_250, %shift_left3A_252 : vector<16xi32>
        %bitcast3A_254 = vector.bitcast %shift_left3A_253 : vector<16xi32> to vector<16xf32>
        %bitcast3A_255 = vector.bitcast %get3A_250 : vector<16xi32> to vector<16xf32>
        %mul3A_256 = arith.constant 4 : i32
        %mul3A_257 = arith.muli %mul3A_256, %scan3A_172 : i32
        %add3A_258 = arith.constant 1 : i32
        %add3A_259 = arith.addi %mul3A_257, %add3A_258 : i32
        %get3A_260 = arith.constant 0 : i32
        %get3A_261 = arith.index_cast %get3A_260 : i32 to index
        %get3A_262 = arith.index_cast %add3A_259 : i32 to index
        %get3A_263 = arith.constant 16 : index
        %get3A_264 = tpu.vector_load %arg7[%get3A_261, %get3A_262, %get3A_263] {strides = array<i32>} : memref<2x64x384xi32, #tpu.memory_space<vmem>>, vector<16xi32>,
        %shift_left3A_265 = arith.constant 16 : i32
        %shift_left3A_266 = vector.broadcast %shift_left3A_265 : i32 to vector<16xi32>
        %shift_left3A_267 = arith.shli %get3A_264, %shift_left3A_266 : vector<16xi32>
        %bitcast3A_268 = vector.bitcast %shift_left3A_267 : vector<16xi32> to vector<16xf32>
        %bitcast3A_269 = vector.bitcast %get3A_264 : vector<16xi32> to vector<16xf32>
        %add3A_270 = arith.addf %bitcast3A_254, %bitcast3A_268 : vector<16xf32>
        %add3A_271 = arith.addf %bitcast3A_255, %bitcast3A_269 : vector<16xf32>
        %mul3A_272 = arith.constant 4 : i32
        %mul3A_273 = arith.muli %mul3A_272, %scan3A_172 : i32
        %add3A_274 = arith.constant 2 : i32
        %add3A_275 = arith.addi %mul3A_273, %add3A_274 : i32
        %get3A_276 = arith.constant 0 : i32
        %get3A_277 = arith.index_cast %get3A_276 : i32 to index
        %get3A_278 = arith.index_cast %add3A_275 : i32 to index
        %get3A_279 = arith.constant 16 : index
        %get3A_280 = tpu.vector_load %arg7[%get3A_277, %get3A_278, %get3A_279] {strides = array<i32>} : memref<2x64x384xi32, #tpu.memory_space<vmem>>, vector<16xi32>,
        %shift_left3A_281 = arith.constant 16 : i32
        %shift_left3A_282 = vector.broadcast %shift_left3A_281 : i32 to vector<16xi32>
        %shift_left3A_283 = arith.shli %get3A_280, %shift_left3A_282 : vector<16xi32>
        %bitcast3A_284 = vector.bitcast %shift_left3A_283 : vector<16xi32> to vector<16xf32>
        %bitcast3A_285 = vector.bitcast %get3A_280 : vector<16xi32> to vector<16xf32>
        %add3A_286 = arith.addf %add3A_270, %bitcast3A_284 : vector<16xf32>
        %add3A_287 = arith.addf %add3A_271, %bitcast3A_285 : vector<16xf32>
        %mul3A_288 = arith.constant 4 : i32
        %mul3A_289 = arith.muli %mul3A_288, %scan3A_172 : i32
        %add3A_290 = arith.constant 3 : i32
        %add3A_291 = arith.addi %mul3A_289, %add3A_290 : i32
        %get3A_292 = arith.constant 0 : i32
        %get3A_293 = arith.index_cast %get3A_292 : i32 to index
        %get3A_294 = arith.index_cast %add3A_291 : i32 to index
        %get3A_295 = arith.constant 16 : index
        %get3A_296 = tpu.vector_load %arg7[%get3A_293, %get3A_294, %get3A_295] {strides = array<i32>} : memref<2x64x384xi32, #tpu.memory_space<vmem>>, vector<16xi32>,
        %shift_left3A_297 = arith.constant 16 : i32
        %shift_left3A_298 = vector.broadcast %shift_left3A_297 : i32 to vector<16xi32>
        %shift_left3A_299 = arith.shli %get3A_296, %shift_left3A_298 : vector<16xi32>
        %bitcast3A_300 = vector.bitcast %shift_left3A_299 : vector<16xi32> to vector<16xf32>
        %bitcast3A_301 = vector.bitcast %get3A_296 : vector<16xi32> to vector<16xf32>
        %add3A_302 = arith.addf %add3A_286, %bitcast3A_300 : vector<16xf32>
        %add3A_303 = arith.addf %add3A_287, %bitcast3A_301 : vector<16xf32>
        %swap3A_304 = arith.constant 0 : i32
        %swap3A_305 = arith.index_cast %swap3A_304 : i32 to index
        %swap3A_306 = arith.index_cast %scan3A_172 : i32 to index
        %swap3A_307 = arith.constant 16 : index
        %swap3A_308 = tpu.vector_load %arg8[%swap3A_305, %swap3A_306, %swap3A_307] {strides = array<i32>} : memref<2x16x768xf32, #tpu.memory_space<vmem>>, vector<16xf32>,
        tpu.vector_store %arg8[%swap3A_305, %swap3A_306, %swap3A_307], %add3A_302 {strides = array<i32>} : memref<2x16x768xf32, #tpu.memory_space<vmem>>, vector<16xf32>,
        %swap3A_309 = arith.constant 0 : i32
        %swap3A_310 = arith.index_cast %swap3A_309 : i32 to index
        %swap3A_311 = arith.index_cast %scan3A_172 : i32 to index
        %swap3A_312 = arith.constant 400 : index
        %swap3A_313 = tpu.vector_load %arg8[%swap3A_310, %swap3A_311, %swap3A_312] {strides = array<i32>} : memref<2x16x768xf32, #tpu.memory_space<vmem>>, vector<16xf32>,
        tpu.vector_store %arg8[%swap3A_310, %swap3A_311, %swap3A_312], %add3A_303 {strides = array<i32>} : memref<2x16x768xf32, #tpu.memory_space<vmem>>, vector<16xf32>,
        %mul3A_314 = arith.constant 4 : i32
        %mul3A_315 = arith.muli %mul3A_314, %scan3A_172 : i32
        %add3A_316 = arith.constant 0 : i32
        %add3A_317 = arith.addi %mul3A_315, %add3A_316 : i32
        %get3A_318 = arith.constant 0 : i32
        %get3A_319 = arith.index_cast %get3A_318 : i32 to index
        %get3A_320 = arith.index_cast %add3A_317 : i32 to index
        %get3A_321 = arith.constant 32 : index
        %get3A_322 = tpu.vector_load %arg7[%get3A_319, %get3A_320, %get3A_321] {strides = array<i32>} : memref<2x64x384xi32, #tpu.memory_space<vmem>>, vector<16xi32>,
        %shift_left3A_323 = arith.constant 16 : i32
        %shift_left3A_324 = vector.broadcast %shift_left3A_323 : i32 to vector<16xi32>
        %shift_left3A_325 = arith.shli %get3A_322, %shift_left3A_324 : vector<16xi32>
        %bitcast3A_326 = vector.bitcast %shift_left3A_325 : vector<16xi32> to vector<16xf32>
        %bitcast3A_327 = vector.bitcast %get3A_322 : vector<16xi32> to vector<16xf32>
        %mul3A_328 = arith.constant 4 : i32
        %mul3A_329 = arith.muli %mul3A_328, %scan3A_172 : i32
        %add3A_330 = arith.constant 1 : i32
        %add3A_331 = arith.addi %mul3A_329, %add3A_330 : i32
        %get3A_332 = arith.constant 0 : i32
        %get3A_333 = arith.index_cast %get3A_332 : i32 to index
        %get3A_334 = arith.index_cast %add3A_331 : i32 to index
        %get3A_335 = arith.constant 32 : index
        %get3A_336 = tpu.vector_load %arg7[%get3A_333, %get3A_334, %get3A_335] {strides = array<i32>} : memref<2x64x384xi32, #tpu.memory_space<vmem>>, vector<16xi32>,
        %shift_left3A_337 = arith.constant 16 : i32
        %shift_left3A_338 = vector.broadcast %shift_left3A_337 : i32 to vector<16xi32>
        %shift_left3A_339 = arith.shli %get3A_336, %shift_left3A_338 : vector<16xi32>
        %bitcast3A_340 = vector.bitcast %shift_left3A_339 : vector<16xi32> to vector<16xf32>
        %bitcast3A_341 = vector.bitcast %get3A_336 : vector<16xi32> to vector<16xf32>
        %add3A_342 = arith.addf %bitcast3A_326, %bitcast3A_340 : vector<16xf32>
        %add3A_343 = arith.addf %bitcast3A_327, %bitcast3A_341 : vector<16xf32>
        %mul3A_344 = arith.constant 4 : i32
        %mul3A_345 = arith.muli %mul3A_344, %scan3A_172 : i32
        %add3A_346 = arith.constant 2 : i32
        %add3A_347 = arith.addi %mul3A_345, %add3A_346 : i32
        %get3A_348 = arith.constant 0 : i32
        %get3A_349 = arith.index_cast %get3A_348 : i32 to index
        %get3A_350 = arith.index_cast %add3A_347 : i32 to index
        %get3A_351 = arith.constant 32 : index
        %get3A_352 = tpu.vector_load %arg7[%get3A_349, %get3A_350, %get3A_351] {strides = array<i32>} : memref<2x64x384xi32, #tpu.memory_space<vmem>>, vector<16xi32>,
        %shift_left3A_353 = arith.constant 16 : i32
        %shift_left3A_354 = vector.broadcast %shift_left3A_353 : i32 to vector<16xi32>
        %shift_left3A_355 = arith.shli %get3A_352, %shift_left3A_354 : vector<16xi32>
        %bitcast3A_356 = vector.bitcast %shift_left3A_355 : vector<16xi32> to vector<16xf32>
        %bitcast3A_357 = vector.bitcast %get3A_352 : vector<16xi32> to vector<16xf32>
        %add3A_358 = arith.addf %add3A_342, %bitcast3A_356 : vector<16xf32>
        %add3A_359 = arith.addf %add3A_343, %bitcast3A_357 : vector<16xf32>
        %mul3A_360 = arith.constant 4 : i32
        %mul3A_361 = arith.muli %mul3A_360, %scan3A_172 : i32
        %add3A_362 = arith.constant 3 : i32
        %add3A_363 = arith.addi %mul3A_361, %add3A_362 : i32
        %get3A_364 = arith.constant 0 : i32
        %get3A_365 = arith.index_cast %get3A_364 : i32 to index
        %get3A_366 = arith.index_cast %add3A_363 : i32 to index
        %get3A_367 = arith.constant 32 : index
        %get3A_368 = tpu.vector_load %arg7[%get3A_365, %get3A_366, %get3A_367] {strides = array<i32>} : memref<2x64x384xi32, #tpu.memory_space<vmem>>, vector<16xi32>,
        %shift_left3A_369 = arith.constant 16 : i32
        %shift_left3A_370 = vector.broadcast %shift_left3A_369 : i32 to vector<16xi32>
        %shift_left3A_371 = arith.shli %get3A_368, %shift_left3A_370 : vector<16xi32>
        %bitcast3A_372 = vector.bitcast %shift_left3A_371 : vector<16xi32> to vector<16xf32>
        %bitcast3A_373 = vector.bitcast %get3A_368 : vector<16xi32> to vector<16xf32>
        %add3A_374 = arith.addf %add3A_358, %bitcast3A_372 : vector<16xf32>
        %add3A_375 = arith.addf %add3A_359, %bitcast3A_373 : vector<16xf32>
        %swap3A_376 = arith.constant 0 : i32
        %swap3A_377 = arith.index_cast %swap3A_376 : i32 to index
        %swap3A_378 = arith.index_cast %scan3A_172 : i32 to index
        %swap3A_379 = arith.constant 32 : index
        %swap3A_380 = tpu.vector_load %arg8[%swap3A_377, %swap3A_378, %swap3A_379] {strides = array<i32>} : memref<2x16x768xf32, #tpu.memory_space<vmem>>, vector<16xf32>,
        tpu.vector_store %arg8[%swap3A_377, %swap3A_378, %swap3A_379], %add3A_374 {strides = array<i32>} : memref<2x16x768xf32, #tpu.memory_space<vmem>>, vector<16xf32>,
        %swap3A_381 = arith.constant 0 : i32
        %swap3A_382 = arith.index_cast %swap3A_381 : i32 to index
        %swap3A_383 = arith.index_cast %scan3A_172 : i32 to index
        %swap3A_384 = arith.constant 416 : index
        %swap3A_385 = tpu.vector_load %arg8[%swap3A_382, %swap3A_383, %swap3A_384] {strides = array<i32>} : memref<2x16x768xf32, #tpu.memory_space<vmem>>, vector<16xf32>,
        tpu.vector_store %arg8[%swap3A_382, %swap3A_383, %swap3A_384], %add3A_375 {strides = array<i32>} : memref<2x16x768xf32, #tpu.memory_space<vmem>>, vector<16xf32>,
        %mul3A_386 = arith.constant 4 : i32
        %mul3A_387 = arith.muli %mul3A_386, %scan3A_172 : i32
        %add3A_388 = arith.constant 0 : i32
        %add3A_389 = arith.addi %mul3A_387, %add3A_388 : i32
        %get3A_390 = arith.constant 0 : i32
        %get3A_391 = arith.index_cast %get3A_390 : i32 to index
        %get3A_392 = arith.index_cast %add3A_389 : i32 to index
        %get3A_393 = arith.constant 48 : index
        %get3A_394 = tpu.vector_load %arg7[%get3A_391, %get3A_392, %get3A_393] {strides = array<i32>} : memref<2x64x384xi32, #tpu.memory_space<vmem>>, vector<16xi32>,
        %shift_left3A_395 = arith.constant 16 : i32
        %shift_left3A_396 = vector.broadcast %shift_left3A_395 : i32 to vector<16xi32>
        %shift_left3A_397 = arith.shli %get3A_394, %shift_left3A_396 : vector<16xi32>
        %bitcast3A_398 = vector.bitcast %shift_left3A_397 : vector<16xi32> to vector<16xf32>
        %bitcast3A_399 = vector.bitcast %get3A_394 : vector<16xi32> to vector<16xf32>
        %mul3A_400 = arith.constant 4 : i32
        %mul3A_401 = arith.muli %mul3A_400, %scan3A_172 : i32
        %add3A_402 = arith.constant 1 : i32
        %add3A_403 = arith.addi %mul3A_401, %add3A_402 : i32
        %get3A_404 = arith.constant 0 : i32
        %get3A_405 = arith.index_cast %get3A_404 : i32 to index
        %get3A_406 = arith.index_cast %add3A_403 : i32 to index
        %get3A_407 = arith.constant 48 : index
        %get3A_408 = tpu.vector_load %arg7[%get3A_405, %get3A_406, %get3A_407] {strides = array<i32>} : memref<2x64x384xi32, #tpu.memory_space<vmem>>, vector<16xi32>,
        %shift_left3A_409 = arith.constant 16 : i32
        %shift_left3A_410 = vector.broadcast %shift_left3A_409 : i32 to vector<16xi32>
        %shift_left3A_411 = arith.shli %get3A_408, %shift_left3A_410 : vector<16xi32>
        %bitcast3A_412 = vector.bitcast %shift_left3A_411 : vector<16xi32> to vector<16xf32>
        %bitcast3A_413 = vector.bitcast %get3A_408 : vector<16xi32> to vector<16xf32>
        %add3A_414 = arith.addf %bitcast3A_398, %bitcast3A_412 : vector<16xf32>
        %add3A_415 = arith.addf %bitcast3A_399, %bitcast3A_413 : vector<16xf32>
        %mul3A_416 = arith.constant 4 : i32
        %mul3A_417 = arith.muli %mul3A_416, %scan3A_172 : i32
        %add3A_418 = arith.constant 2 : i32
        %add3A_419 = arith.addi %mul3A_417, %add3A_418 : i32
        %get3A_420 = arith.constant 0 : i32
        %get3A_421 = arith.index_cast %get3A_420 : i32 to index
        %get3A_422 = arith.index_cast %add3A_419 : i32 to index
        %get3A_423 = arith.constant 48 : index
        %get3A_424 = tpu.vector_load %arg7[%get3A_421, %get3A_422, %get3A_423] {strides = array<i32>} : memref<2x64x384xi32, #tpu.memory_space<vmem>>, vector<16xi32>,
        %shift_left3A_425 = arith.constant 16 : i32
        %shift_left3A_426 = vector.broadcast %shift_left3A_425 : i32 to vector<16xi32>
        %shift_left3A_427 = arith.shli %get3A_424, %shift_left3A_426 : vector<16xi32>
        %bitcast3A_428 = vector.bitcast %shift_left3A_427 : vector<16xi32> to vector<16xf32>
        %bitcast3A_429 = vector.bitcast %get3A_424 : vector<16xi32> to vector<16xf32>
        %add3A_430 = arith.addf %add3A_414, %bitcast3A_428 : vector<16xf32>
        %add3A_431 = arith.addf %add3A_415, %bitcast3A_429 : vector<16xf32>
        %mul3A_432 = arith.constant 4 : i32
        %mul3A_433 = arith.muli %mul3A_432, %scan3A_172 : i32
        %add3A_434 = arith.constant 3 : i32
        %add3A_435 = arith.addi %mul3A_433, %add3A_434 : i32
        %get3A_436 = arith.constant 0 : i32
        %get3A_437 = arith.index_cast %get3A_436 : i32 to index
        %get3A_438 = arith.index_cast %add3A_435 : i32 to index
        %get3A_439 = arith.constant 48 : index
        %get3A_440 = tpu.vector_load %arg7[%get3A_437, %get3A_438, %get3A_439] {strides = array<i32>} : memref<2x64x384xi32, #tpu.memory_space<vmem>>, vector<16xi32>,
        %shift_left3A_441 = arith.constant 16 : i32
        %shift_left3A_442 = vector.broadcast %shift_left3A_441 : i32 to vector<16xi32>
        %shift_left3A_443 = arith.shli %get3A_440, %shift_left3A_442 : vector<16xi32>
        %bitcast3A_444 = vector.bitcast %shift_left3A_443 : vector<16xi32> to vector<16xf32>
        %bitcast3A_445 = vector.bitcast %get3A_440 : vector<16xi32> to vector<16xf32>
        %add3A_446 = arith.addf %add3A_430, %bitcast3A_444 : vector<16xf32>
        %add3A_447 = arith.addf %add3A_431, %bitcast3A_445 : vector<16xf32>
        %swap3A_448 = arith.constant 0 : i32
        %swap3A_449 = arith.index_cast %swap3A_448 : i32 to index
        %swap3A_450 = arith.index_cast %scan3A_172 : i32 to index
        %swap3A_451 = arith.constant 48 : index
        %swap3A_452 = tpu.vector_load %arg8[%swap3A_449, %swap3A_450, %swap3A_451] {strides = array<i32>} : memref<2x16x768xf32, #tpu.memory_space<vmem>>, vector<16xf32>,
        tpu.vector_store %arg8[%swap3A_449, %swap3A_450, %swap3A_451], %add3A_446 {strides = array<i32>} : memref<2x16x768xf32, #tpu.memory_space<vmem>>, vector<16xf32>,
        %swap3A_453 = arith.constant 0 : i32
        %swap3A_454 = arith.index_cast %swap3A_453 : i32 to index
        %swap3A_455 = arith.index_cast %scan3A_172 : i32 to index
        %swap3A_456 = arith.constant 432 : index
        %swap3A_457 = tpu.vector_load %arg8[%swap3A_454, %swap3A_455, %swap3A_456] {strides = array<i32>} : memref<2x16x768xf32, #tpu.memory_space<vmem>>, vector<16xf32>,
        tpu.vector_store %arg8[%swap3A_454, %swap3A_455, %swap3A_456], %add3A_447 {strides = array<i32>} : memref<2x16x768xf32, #tpu.memory_space<vmem>>, vector<16xf32>,
        %mul3A_458 = arith.constant 4 : i32
        %mul3A_459 = arith.muli %mul3A_458, %scan3A_172 : i32
        %add3A_460 = arith.constant 0 : i32
        %add3A_461 = arith.addi %mul3A_459, %add3A_460 : i32
        %get3A_462 = arith.constant 0 : i32
        %get3A_463 = arith.index_cast %get3A_462 : i32 to index
        %get3A_464 = arith.index_cast %add3A_461 : i32 to index
        %get3A_465 = arith.constant 64 : index
        %get3A_466 = tpu.vector_load %arg7[%get3A_463, %get3A_464, %get3A_465] {strides = array<i32>} : memref<2x64x384xi32, #tpu.memory_space<vmem>>, vector<16xi32>,
        %shift_left3A_467 = arith.constant 16 : i32
        %shift_left3A_468 = vector.broadcast %shift_left3A_467 : i32 to vector<16xi32>
        %shift_left3A_469 = arith.shli %get3A_466, %shift_left3A_468 : vector<16xi32>
        %bitcast3A_470 = vector.bitcast %shift_left3A_469 : vector<16xi32> to vector<16xf32>
        %bitcast3A_471 = vector.bitcast %get3A_466 : vector<16xi32> to vector<16xf32>
        %mul3A_472 = arith.constant 4 : i32
        %mul3A_473 = arith.muli %mul3A_472, %scan3A_172 : i32
        %add3A_474 = arith.constant 1 : i32
        %add3A_475 = arith.addi %mul3A_473, %add3A_474 : i32
        %get3A_476 = arith.constant 0 : i32
        %get3A_477 = arith.index_cast %get3A_476 : i32 to index
        %get3A_478 = arith.index_cast %add3A_475 : i32 to index
        %get3A_479 = arith.constant 64 : index
        %get3A_480 = tpu.vector_load %arg7[%get3A_477, %get3A_478, %get3A_479] {strides = array<i32>} : memref<2x64x384xi32, #tpu.memory_space<vmem>>, vector<16xi32>,
        %shift_left3A_481 = arith.constant 16 : i32
        %shift_left3A_482 = vector.broadcast %shift_left3A_481 : i32 to vector<16xi32>
        %shift_left3A_483 = arith.shli %get3A_480, %shift_left3A_482 : vector<16xi32>
        %bitcast3A_484 = vector.bitcast %shift_left3A_483 : vector<16xi32> to vector<16xf32>
        %bitcast3A_485 = vector.bitcast %get3A_480 : vector<16xi32> to vector<16xf32>
        %add3A_486 = arith.addf %bitcast3A_470, %bitcast3A_484 : vector<16xf32>
        %add3A_487 = arith.addf %bitcast3A_471, %bitcast3A_485 : vector<16xf32>
        %mul3A_488 = arith.constant 4 : i32
        %mul3A_489 = arith.muli %mul3A_488, %scan3A_172 : i32
        %add3A_490 = arith.constant 2 : i32
        %add3A_491 = arith.addi %mul3A_489, %add3A_490 : i32
        %get3A_492 = arith.constant 0 : i32
        %get3A_493 = arith.index_cast %get3A_492 : i32 to index
        %get3A_494 = arith.index_cast %add3A_491 : i32 to index
        %get3A_495 = arith.constant 64 : index
        %get3A_496 = tpu.vector_load %arg7[%get3A_493, %get3A_494, %get3A_495] {strides = array<i32>} : memref<2x64x384xi32, #tpu.memory_space<vmem>>, vector<16xi32>,
        %shift_left3A_497 = arith.constant 16 : i32
        %shift_left3A_498 = vector.broadcast %shift_left3A_497 : i32 to vector<16xi32>
        %shift_left3A_499 = arith.shli %get3A_496, %shift_left3A_498 : vector<16xi32>
        %bitcast3A_500 = vector.bitcast %shift_left3A_499 : vector<16xi32> to vector<16xf32>
        %bitcast3A_501 = vector.bitcast %get3A_496 : vector<16xi32> to vector<16xf32>
        %add3A_502 = arith.addf %add3A_486, %bitcast3A_500 : vector<16xf32>
        %add3A_503 = arith.addf %add3A_487, %bitcast3A_501 : vector<16xf32>
        %mul3A_504 = arith.constant 4 : i32
        %mul3A_505 = arith.muli %mul3A_504, %scan3A_172 : i32
        %add3A_506 = arith.constant 3 : i32
        %add3A_507 = arith.addi %mul3A_505, %add3A_506 : i32
        %get3A_508 = arith.constant 0 : i32
        %get3A_509 = arith.index_cast %get3A_508 : i32 to index
        %get3A_510 = arith.index_cast %add3A_507 : i32 to index
        %get3A_511 = arith.constant 64 : index
        %get3A_512 = tpu.vector_load %arg7[%get3A_509, %get3A_510, %get3A_511] {strides = array<i32>} : memref<2x64x384xi32, #tpu.memory_space<vmem>>, vector<16xi32>,
        %shift_left3A_513 = arith.constant 16 : i32
        %shift_left3A_514 = vector.broadcast %shift_left3A_513 : i32 to vector<16xi32>
        %shift_left3A_515 = arith.shli %get3A_512, %shift_left3A_514 : vector<16xi32>
        %bitcast3A_516 = vector.bitcast %shift_left3A_515 : vector<16xi32> to vector<16xf32>
        %bitcast3A_517 = vector.bitcast %get3A_512 : vector<16xi32> to vector<16xf32>
        %add3A_518 = arith.addf %add3A_502, %bitcast3A_516 : vector<16xf32>
        %add3A_519 = arith.addf %add3A_503, %bitcast3A_517 : vector<16xf32>
        %swap3A_520 = arith.constant 0 : i32
        %swap3A_521 = arith.index_cast %swap3A_520 : i32 to index
        %swap3A_522 = arith.index_cast %scan3A_172 : i32 to index
        %swap3A_523 = arith.constant 64 : index
        %swap3A_524 = tpu.vector_load %arg8[%swap3A_521, %swap3A_522, %swap3A_523] {strides = array<i32>} : memref<2x16x768xf32, #tpu.memory_space<vmem>>, vector<16xf32>,
        tpu.vector_store %arg8[%swap3A_521, %swap3A_522, %swap3A_523], %add3A_518 {strides = array<i32>} : memref<2x16x768xf32, #tpu.memory_space<vmem>>, vector<16xf32>,
        %swap3A_525 = arith.constant 0 : i32
        %swap3A_526 = arith.index_cast %swap3A_525 : i32 to index
        %swap3A_527 = arith.index_cast %scan3A_172 : i32 to index
        %swap3A_528 = arith.constant 448 : index
        %swap3A_529 = tpu.vector_load %arg8[%swap3A_526, %swap3A_527, %swap3A_528] {strides = array<i32>} : memref<2x16x768xf32, #tpu.memory_space<vmem>>, vector<16xf32>,
        tpu.vector_store %arg8[%swap3A_526, %swap3A_527, %swap3A_528], %add3A_519 {strides = array<i32>} : memref<2x16x768xf32, #tpu.memory_space<vmem>>, vector<16xf32>,
        %mul3A_530 = arith.constant 4 : i32
        %mul3A_531 = arith.muli %mul3A_530, %scan3A_172 : i32
        %add3A_532 = arith.constant 0 : i32
        %add3A_533 = arith.addi %mul3A_531, %add3A_532 : i32
        %get3A_534 = arith.constant 0 : i32
        %get3A_535 = arith.index_cast %get3A_534 : i32 to index
        %get3A_536 = arith.index_cast %add3A_533 : i32 to index
        %get3A_537 = arith.constant 80 : index
        %get3A_538 = tpu.vector_load %arg7[%get3A_535, %get3A_536, %get3A_537] {strides = array<i32>} : memref<2x64x384xi32, #tpu.memory_space<vmem>>, vector<16xi32>,
        %shift_left3A_539 = arith.constant 16 : i32
        %shift_left3A_540 = vector.broadcast %shift_left3A_539 : i32 to vector<16xi32>
        %shift_left3A_541 = arith.shli %get3A_538, %shift_left3A_540 : vector<16xi32>
        %bitcast3A_542 = vector.bitcast %shift_left3A_541 : vector<16xi32> to vector<16xf32>
        %bitcast3A_543 = vector.bitcast %get3A_538 : vector<16xi32> to vector<16xf32>
        %mul3A_544 = arith.constant 4 : i32
        %mul3A_545 = arith.muli %mul3A_544, %scan3A_172 : i32
        %add3A_546 = arith.constant 1 : i32
        %add3A_547 = arith.addi %mul3A_545, %add3A_546 : i32
        %get3A_548 = arith.constant 0 : i32
        %get3A_549 = arith.index_cast %get3A_548 : i32 to index
        %get3A_550 = arith.index_cast %add3A_547 : i32 to index
        %get3A_551 = arith.constant 80 : index
        %get3A_552 = tpu.vector_load %arg7[%get3A_549, %get3A_550, %get3A_551] {strides = array<i32>} : memref<2x64x384xi32, #tpu.memory_space<vmem>>, vector<16xi32>,
        %shift_left3A_553 = arith.constant 16 : i32
        %shift_left3A_554 = vector.broadcast %shift_left3A_553 : i32 to vector<16xi32>
        %shift_left3A_555 = arith.shli %get3A_552, %shift_left3A_554 : vector<16xi32>
        %bitcast3A_556 = vector.bitcast %shift_left3A_555 : vector<16xi32> to vector<16xf32>
        %bitcast3A_557 = vector.bitcast %get3A_552 : vector<16xi32> to vector<16xf32>
        %add3A_558 = arith.addf %bitcast3A_542, %bitcast3A_556 : vector<16xf32>
        %add3A_559 = arith.addf %bitcast3A_543, %bitcast3A_557 : vector<16xf32>
        %mul3A_560 = arith.constant 4 : i32
        %mul3A_561 = arith.muli %mul3A_560, %scan3A_172 : i32
        %add3A_562 = arith.constant 2 : i32
        %add3A_563 = arith.addi %mul3A_561, %add3A_562 : i32
        %get3A_564 = arith.constant 0 : i32
        %get3A_565 = arith.index_cast %get3A_564 : i32 to index
        %get3A_566 = arith.index_cast %add3A_563 : i32 to index
        %get3A_567 = arith.constant 80 : index
        %get3A_568 = tpu.vector_load %arg7[%get3A_565, %get3A_566, %get3A_567] {strides = array<i32>} : memref<2x64x384xi32, #tpu.memory_space<vmem>>, vector<16xi32>,
        %shift_left3A_569 = arith.constant 16 : i32
        %shift_left3A_570 = vector.broadcast %shift_left3A_569 : i32 to vector<16xi32>
        %shift_left3A_571 = arith.shli %get3A_568, %shift_left3A_570 : vector<16xi32>
        %bitcast3A_572 = vector.bitcast %shift_left3A_571 : vector<16xi32> to vector<16xf32>
        %bitcast3A_573 = vector.bitcast %get3A_568 : vector<16xi32> to vector<16xf32>
        %add3A_574 = arith.addf %add3A_558, %bitcast3A_572 : vector<16xf32>
        %add3A_575 = arith.addf %add3A_559, %bitcast3A_573 : vector<16xf32>
        %mul3A_576 = arith.constant 4 : i32
        %mul3A_577 = arith.muli %mul3A_576, %scan3A_172 : i32
        %add3A_578 = arith.constant 3 : i32
        %add3A_579 = arith.addi %mul3A_577, %add3A_578 : i32
        %get3A_580 = arith.constant 0 : i32
        %get3A_581 = arith.index_cast %get3A_580 : i32 to index
        %get3A_582 = arith.index_cast %add3A_579 : i32 to index
        %get3A_583 = arith.constant 80 : index
        %get3A_584 = tpu.vector_load %arg7[%get3A_581, %get3A_582, %get3A_583] {strides = array<i32>} : memref<2x64x384xi32, #tpu.memory_space<vmem>>, vector<16xi32>,
        %shift_left3A_585 = arith.constant 16 : i32
        %shift_left3A_586 = vector.broadcast %shift_left3A_585 : i32 to vector<16xi32>
        %shift_left3A_587 = arith.shli %get3A_584, %shift_left3A_586 : vector<16xi32>
        %bitcast3A_588 = vector.bitcast %shift_left3A_587 : vector<16xi32> to vector<16xf32>
        %bitcast3A_589 = vector.bitcast %get3A_584 : vector<16xi32> to vector<16xf32>
        %add3A_590 = arith.addf %add3A_574, %bitcast3A_588 : vector<16xf32>
        %add3A_591 = arith.addf %add3A_575, %bitcast3A_589 : vector<16xf32>
        %swap3A_592 = arith.constant 0 : i32
        %swap3A_593 = arith.index_cast %swap3A_592 : i32 to index
        %swap3A_594 = arith.index_cast %scan3A_172 : i32 to index
        %swap3A_595 = arith.constant 80 : index
        %swap3A_596 = tpu.vector_load %arg8[%swap3A_593, %swap3A_594, %swap3A_595] {strides = array<i32>} : memref<2x16x768xf32, #tpu.memory_space<vmem>>, vector<16xf32>,
        tpu.vector_store %arg8[%swap3A_593, %swap3A_594, %swap3A_595], %add3A_590 {strides = array<i32>} : memref<2x16x768xf32, #tpu.memory_space<vmem>>, vector<16xf32>,
        %swap3A_597 = arith.constant 0 : i32
        %swap3A_598 = arith.index_cast %swap3A_597 : i32 to index
        %swap3A_599 = arith.index_cast %scan3A_172 : i32 to index
        %swap3A_600 = arith.constant 464 : index
        %swap3A_601 = tpu.vector_load %arg8[%swap3A_598, %swap3A_599, %swap3A_600] {strides = array<i32>} : memref<2x16x768xf32, #tpu.memory_space<vmem>>, vector<16xf32>,
        tpu.vector_store %arg8[%swap3A_598, %swap3A_599, %swap3A_600], %add3A_591 {strides = array<i32>} : memref<2x16x768xf32, #tpu.memory_space<vmem>>, vector<16xf32>,
        %mul3A_602 = arith.constant 4 : i32
        %mul3A_603 = arith.muli %mul3A_602, %scan3A_172 : i32
        %add3A_604 = arith.constant 0 : i32
        %add3A_605 = arith.addi %mul3A_603, %add3A_604 : i32
        %get3A_606 = arith.constant 0 : i32
        %get3A_607 = arith.index_cast %get3A_606 : i32 to index
        %get3A_608 = arith.index_cast %add3A_605 : i32 to index
        %get3A_609 = arith.constant 96 : index
        %get3A_610 = tpu.vector_load %arg7[%get3A_607, %get3A_608, %get3A_609] {strides = array<i32>} : memref<2x64x384xi32, #tpu.memory_space<vmem>>, vector<16xi32>,
        %shift_left3A_611 = arith.constant 16 : i32
        %shift_left3A_612 = vector.broadcast %shift_left3A_611 : i32 to vector<16xi32>
        %shift_left3A_613 = arith.shli %get3A_610, %shift_left3A_612 : vector<16xi32>
        %bitcast3A_614 = vector.bitcast %shift_left3A_613 : vector<16xi32> to vector<16xf32>
        %bitcast3A_615 = vector.bitcast %get3A_610 : vector<16xi32> to vector<16xf32>
        %mul3A_616 = arith.constant 4 : i32
        %mul3A_617 = arith.muli %mul3A_616, %scan3A_172 : i32
        %add3A_618 = arith.constant 1 : i32
        %add3A_619 = arith.addi %mul3A_617, %add3A_618 : i32
        %get3A_620 = arith.constant 0 : i32
        %get3A_621 = arith.index_cast %get3A_620 : i32 to index
        %get3A_622 = arith.index_cast %add3A_619 : i32 to index
        %get3A_623 = arith.constant 96 : index
        %get3A_624 = tpu.vector_load %arg7[%get3A_621, %get3A_622, %get3A_623] {strides = array<i32>} : memref<2x64x384xi32, #tpu.memory_space<vmem>>, vector<16xi32>,
        %shift_left3A_625 = arith.constant 16 : i32
        %shift_left3A_626 = vector.broadcast %shift_left3A_625 : i32 to vector<16xi32>
        %shift_left3A_627 = arith.shli %get3A_624, %shift_left3A_626 : vector<16xi32>
        %bitcast3A_628 = vector.bitcast %shift_left3A_627 : vector<16xi32> to vector<16xf32>
        %bitcast3A_629 = vector.bitcast %get3A_624 : vector<16xi32> to vector<16xf32>
        %add3A_630 = arith.addf %bitcast3A_614, %bitcast3A_628 : vector<16xf32>
        %add3A_631 = arith.addf %bitcast3A_615, %bitcast3A_629 : vector<16xf32>
        %mul3A_632 = arith.constant 4 : i32
        %mul3A_633 = arith.muli %mul3A_632, %scan3A_172 : i32
        %add3A_634 = arith.constant 2 : i32
        %add3A_635 = arith.addi %mul3A_633, %add3A_634 : i32
        %get3A_636 = arith.constant 0 : i32
        %get3A_637 = arith.index_cast %get3A_636 : i32 to index
        %get3A_638 = arith.index_cast %add3A_635 : i32 to index
        %get3A_639 = arith.constant 96 : index
        %get3A_640 = tpu.vector_load %arg7[%get3A_637, %get3A_638, %get3A_639] {strides = array<i32>} : memref<2x64x384xi32, #tpu.memory_space<vmem>>, vector<16xi32>,
        %shift_left3A_641 = arith.constant 16 : i32
        %shift_left3A_642 = vector.broadcast %shift_left3A_641 : i32 to vector<16xi32>
        %shift_left3A_643 = arith.shli %get3A_640, %shift_left3A_642 : vector<16xi32>
        %bitcast3A_644 = vector.bitcast %shift_left3A_643 : vector<16xi32> to vector<16xf32>
        %bitcast3A_645 = vector.bitcast %get3A_640 : vector<16xi32> to vector<16xf32>
        %add3A_646 = arith.addf %add3A_630, %bitcast3A_644 : vector<16xf32>
        %add3A_647 = arith.addf %add3A_631, %bitcast3A_645 : vector<16xf32>
        %mul3A_648 = arith.constant 4 : i32
        %mul3A_649 = arith.muli %mul3A_648, %scan3A_172 : i32
        %add3A_650 = arith.constant 3 : i32
        %add3A_651 = arith.addi %mul3A_649, %add3A_650 : i32
        %get3A_652 = arith.constant 0 : i32
        %get3A_653 = arith.index_cast %get3A_652 : i32 to index
        %get3A_654 = arith.index_cast %add3A_651 : i32 to index
        %get3A_655 = arith.constant 96 : index
        %get3A_656 = tpu.vector_load %arg7[%get3A_653, %get3A_654, %get3A_655] {strides = array<i32>} : memref<2x64x384xi32, #tpu.memory_space<vmem>>, vector<16xi32>,
        %shift_left3A_657 = arith.constant 16 : i32
        %shift_left3A_658 = vector.broadcast %shift_left3A_657 : i32 to vector<16xi32>
        %shift_left3A_659 = arith.shli %get3A_656, %shift_left3A_658 : vector<16xi32>
        %bitcast3A_660 = vector.bitcast %shift_left3A_659 : vector<16xi32> to vector<16xf32>
        %bitcast3A_661 = vector.bitcast %get3A_656 : vector<16xi32> to vector<16xf32>
        %add3A_662 = arith.addf %add3A_646, %bitcast3A_660 : vector<16xf32>
        %add3A_663 = arith.addf %add3A_647, %bitcast3A_661 : vector<16xf32>
        %swap3A_664 = arith.constant 0 : i32
        %swap3A_665 = arith.index_cast %swap3A_664 : i32 to index
        %swap3A_666 = arith.index_cast %scan3A_172 : i32 to index
        %swap3A_667 = arith.constant 96 : index
        %swap3A_668 = tpu.vector_load %arg8[%swap3A_665, %swap3A_666, %swap3A_667] {strides = array<i32>} : memref<2x16x768xf32, #tpu.memory_space<vmem>>, vector<16xf32>,
        tpu.vector_store %arg8[%swap3A_665, %swap3A_666, %swap3A_667], %add3A_662 {strides = array<i32>} : memref<2x16x768xf32, #tpu.memory_space<vmem>>, vector<16xf32>,
        %swap3A_669 = arith.constant 0 : i32
        %swap3A_670 = arith.index_cast %swap3A_669 : i32 to index
        %swap3A_671 = arith.index_cast %scan3A_172 : i32 to index
        %swap3A_672 = arith.constant 480 : index
        %swap3A_673 = tpu.vector_load %arg8[%swap3A_670, %swap3A_671, %swap3A_672] {strides = array<i32>} : memref<2x16x768xf32, #tpu.memory_space<vmem>>, vector<16xf32>,
        tpu.vector_store %arg8[%swap3A_670, %swap3A_671, %swap3A_672], %add3A_663 {strides = array<i32>} : memref<2x16x768xf32, #tpu.memory_space<vmem>>, vector<16xf32>,
        %mul3A_674 = arith.constant 4 : i32
        %mul3A_675 = arith.muli %mul3A_674, %scan3A_172 : i32
        %add3A_676 = arith.constant 0 : i32
        %add3A_677 = arith.addi %mul3A_675, %add3A_676 : i32
        %get3A_678 = arith.constant 0 : i32
        %get3A_679 = arith.index_cast %get3A_678 : i32 to index
        %get3A_680 = arith.index_cast %add3A_677 : i32 to index
        %get3A_681 = arith.constant 112 : index
        %get3A_682 = tpu.vector_load %arg7[%get3A_679, %get3A_680, %get3A_681] {strides = array<i32>} : memref<2x64x384xi32, #tpu.memory_space<vmem>>, vector<16xi32>,
        %shift_left3A_683 = arith.constant 16 : i32
        %shift_left3A_684 = vector.broadcast %shift_left3A_683 : i32 to vector<16xi32>
        %shift_left3A_685 = arith.shli %get3A_682, %shift_left3A_684 : vector<16xi32>
        %bitcast3A_686 = vector.bitcast %shift_left3A_685 : vector<16xi32> to vector<16xf32>
        %bitcast3A_687 = vector.bitcast %get3A_682 : vector<16xi32> to vector<16xf32>
        %mul3A_688 = arith.constant 4 : i32
        %mul3A_689 = arith.muli %mul3A_688, %scan3A_172 : i32
        %add3A_690 = arith.constant 1 : i32
        %add3A_691 = arith.addi %mul3A_689, %add3A_690 : i32
        %get3A_692 = arith.constant 0 : i32
        %get3A_693 = arith.index_cast %get3A_692 : i32 to index
        %get3A_694 = arith.index_cast %add3A_691 : i32 to index
        %get3A_695 = arith.constant 112 : index
        %get3A_696 = tpu.vector_load %arg7[%get3A_693, %get3A_694, %get3A_695] {strides = array<i32>} : memref<2x64x384xi32, #tpu.memory_space<vmem>>, vector<16xi32>,
        %shift_left3A_697 = arith.constant 16 : i32
        %shift_left3A_698 = vector.broadcast %shift_left3A_697 : i32 to vector<16xi32>
        %shift_left3A_699 = arith.shli %get3A_696, %shift_left3A_698 : vector<16xi32>
        %bitcast3A_700 = vector.bitcast %shift_left3A_699 : vector<16xi32> to vector<16xf32>
        %bitcast3A_701 = vector.bitcast %get3A_696 : vector<16xi32> to vector<16xf32>
        %add3A_702 = arith.addf %bitcast3A_686, %bitcast3A_700 : vector<16xf32>
        %add3A_703 = arith.addf %bitcast3A_687, %bitcast3A_701 : vector<16xf32>
        %mul3A_704 = arith.constant 4 : i32
        %mul3A_705 = arith.muli %mul3A_704, %scan3A_172 : i32
        %add3A_706 = arith.constant 2 : i32
        %add3A_707 = arith.addi %mul3A_705, %add3A_706 : i32
        %get3A_708 = arith.constant 0 : i32
        %get3A_709 = arith.index_cast %get3A_708 : i32 to index
        %get3A_710 = arith.index_cast %add3A_707 : i32 to index
        %get3A_711 = arith.constant 112 : index
        %get3A_712 = tpu.vector_load %arg7[%get3A_709, %get3A_710, %get3A_711] {strides = array<i32>} : memref<2x64x384xi32, #tpu.memory_space<vmem>>, vector<16xi32>,
        %shift_left3A_713 = arith.constant 16 : i32
        %shift_left3A_714 = vector.broadcast %shift_left3A_713 : i32 to vector<16xi32>
        %shift_left3A_715 = arith.shli %get3A_712, %shift_left3A_714 : vector<16xi32>
        %bitcast3A_716 = vector.bitcast %shift_left3A_715 : vector<16xi32> to vector<16xf32>
        %bitcast3A_717 = vector.bitcast %get3A_712 : vector<16xi32> to vector<16xf32>
        %add3A_718 = arith.addf %add3A_702, %bitcast3A_716 : vector<16xf32>
        %add3A_719 = arith.addf %add3A_703, %bitcast3A_717 : vector<16xf32>
        %mul3A_720 = arith.constant 4 : i32
        %mul3A_721 = arith.muli %mul3A_720, %scan3A_172 : i32
        %add3A_722 = arith.constant 3 : i32
        %add3A_723 = arith.addi %mul3A_721, %add3A_722 : i32
        %get3A_724 = arith.constant 0 : i32
        %get3A_725 = arith.index_cast %get3A_724 : i32 to index
        %get3A_726 = arith.index_cast %add3A_723 : i32 to index
        %get3A_727 = arith.constant 112 : index
        %get3A_728 = tpu.vector_load %arg7[%get3A_725, %get3A_726, %get3A_727] {strides = array<i32>} : memref<2x64x384xi32, #tpu.memory_space<vmem>>, vector<16xi32>,
        %shift_left3A_729 = arith.constant 16 : i32
        %shift_left3A_730 = vector.broadcast %shift_left3A_729 : i32 to vector<16xi32>
        %shift_left3A_731 = arith.shli %get3A_728, %shift_left3A_730 : vector<16xi32>
        %bitcast3A_732 = vector.bitcast %shift_left3A_731 : vector<16xi32> to vector<16xf32>
        %bitcast3A_733 = vector.bitcast %get3A_728 : vector<16xi32> to vector<16xf32>
        %add3A_734 = arith.addf %add3A_718, %bitcast3A_732 : vector<16xf32>
        %add3A_735 = arith.addf %add3A_719, %bitcast3A_733 : vector<16xf32>
        %swap3A_736 = arith.constant 0 : i32
        %swap3A_737 = arith.index_cast %swap3A_736 : i32 to index
        %swap3A_738 = arith.index_cast %scan3A_172 : i32 to index
        %swap3A_739 = arith.constant 112 : index
        %swap3A_740 = tpu.vector_load %arg8[%swap3A_737, %swap3A_738, %swap3A_739] {strides = array<i32>} : memref<2x16x768xf32, #tpu.memory_space<vmem>>, vector<16xf32>,
        tpu.vector_store %arg8[%swap3A_737, %swap3A_738, %swap3A_739], %add3A_734 {strides = array<i32>} : memref<2x16x768xf32, #tpu.memory_space<vmem>>, vector<16xf32>,
        %swap3A_741 = arith.constant 0 : i32
        %swap3A_742 = arith.index_cast %swap3A_741 : i32 to index
        %swap3A_743 = arith.index_cast %scan3A_172 : i32 to index
        %swap3A_744 = arith.constant 496 : index
        %swap3A_745 = tpu.vector_load %arg8[%swap3A_742, %swap3A_743, %swap3A_744] {strides = array<i32>} : memref<2x16x768xf32, #tpu.memory_space<vmem>>, vector<16xf32>,
        tpu.vector_store %arg8[%swap3A_742, %swap3A_743, %swap3A_744], %add3A_735 {strides = array<i32>} : memref<2x16x768xf32, #tpu.memory_space<vmem>>, vector<16xf32>,
        %mul3A_746 = arith.constant 4 : i32
        %mul3A_747 = arith.muli %mul3A_746, %scan3A_172 : i32
        %add3A_748 = arith.constant 0 : i32
        %add3A_749 = arith.addi %mul3A_747, %add3A_748 : i32
        %get3A_750 = arith.constant 0 : i32
        %get3A_751 = arith.index_cast %get3A_750 : i32 to index
        %get3A_752 = arith.index_cast %add3A_749 : i32 to index
        %get3A_753 = arith.constant 128 : index
        %get3A_754 = tpu.vector_load %arg7[%get3A_751, %get3A_752, %get3A_753] {strides = array<i32>} : memref<2x64x384xi32, #tpu.memory_space<vmem>>, vector<16xi32>,
        %shift_left3A_755 = arith.constant 16 : i32
        %shift_left3A_756 = vector.broadcast %shift_left3A_755 : i32 to vector<16xi32>
        %shift_left3A_757 = arith.shli %get3A_754, %shift_left3A_756 : vector<16xi32>
        %bitcast3A_758 = vector.bitcast %shift_left3A_757 : vector<16xi32> to vector<16xf32>
        %bitcast3A_759 = vector.bitcast %get3A_754 : vector<16xi32> to vector<16xf32>
        %mul3A_760 = arith.constant 4 : i32
        %mul3A_761 = arith.muli %mul3A_760, %scan3A_172 : i32
        %add3A_762 = arith.constant 1 : i32
        %add3A_763 = arith.addi %mul3A_761, %add3A_762 : i32
        %get3A_764 = arith.constant 0 : i32
        %get3A_765 = arith.index_cast %get3A_764 : i32 to index
        %get3A_766 = arith.index_cast %add3A_763 : i32 to index
        %get3A_767 = arith.constant 128 : index
        %get3A_768 = tpu.vector_load %arg7[%get3A_765, %get3A_766, %get3A_767] {strides = array<i32>} : memref<2x64x384xi32, #tpu.memory_space<vmem>>, vector<16xi32>,
        %shift_left3A_769 = arith.constant 16 : i32
        %shift_left3A_770 = vector.broadcast %shift_left3A_769 : i32 to vector<16xi32>
        %shift_left3A_771 = arith.shli %get3A_768, %shift_left3A_770 : vector<16xi32>
        %bitcast3A_772 = vector.bitcast %shift_left3A_771 : vector<16xi32> to vector<16xf32>
        %bitcast3A_773 = vector.bitcast %get3A_768 : vector<16xi32> to vector<16xf32>
        %add3A_774 = arith.addf %bitcast3A_758, %bitcast3A_772 : vector<16xf32>
        %add3A_775 = arith.addf %bitcast3A_759, %bitcast3A_773 : vector<16xf32>
        %mul3A_776 = arith.constant 4 : i32
        %mul3A_777 = arith.muli %mul3A_776, %scan3A_172 : i32
        %add3A_778 = arith.constant 2 : i32
        %add3A_779 = arith.addi %mul3A_777, %add3A_778 : i32
        %get3A_780 = arith.constant 0 : i32
        %get3A_781 = arith.index_cast %get3A_780 : i32 to index
        %get3A_782 = arith.index_cast %add3A_779 : i32 to index
        %get3A_783 = arith.constant 128 : index
        %get3A_784 = tpu.vector_load %arg7[%get3A_781, %get3A_782, %get3A_783] {strides = array<i32>} : memref<2x64x384xi32, #tpu.memory_space<vmem>>, vector<16xi32>,
        %shift_left3A_785 = arith.constant 16 : i32
        %shift_left3A_786 = vector.broadcast %shift_left3A_785 : i32 to vector<16xi32>
        %shift_left3A_787 = arith.shli %get3A_784, %shift_left3A_786 : vector<16xi32>
        %bitcast3A_788 = vector.bitcast %shift_left3A_787 : vector<16xi32> to vector<16xf32>
        %bitcast3A_789 = vector.bitcast %get3A_784 : vector<16xi32> to vector<16xf32>
        %add3A_790 = arith.addf %add3A_774, %bitcast3A_788 : vector<16xf32>
        %add3A_791 = arith.addf %add3A_775, %bitcast3A_789 : vector<16xf32>
        %mul3A_792 = arith.constant 4 : i32
        %mul3A_793 = arith.muli %mul3A_792, %scan3A_172 : i32
        %add3A_794 = arith.constant 3 : i32
        %add3A_795 = arith.addi %mul3A_793, %add3A_794 : i32
        %get3A_796 = arith.constant 0 : i32
        %get3A_797 = arith.index_cast %get3A_796 : i32 to index
        %get3A_798 = arith.index_cast %add3A_795 : i32 to index
        %get3A_799 = arith.constant 128 : index
        %get3A_800 = tpu.vector_load %arg7[%get3A_797, %get3A_798, %get3A_799] {strides = array<i32>} : memref<2x64x384xi32, #tpu.memory_space<vmem>>, vector<16xi32>,
        %shift_left3A_801 = arith.constant 16 : i32
        %shift_left3A_802 = vector.broadcast %shift_left3A_801 : i32 to vector<16xi32>
        %shift_left3A_803 = arith.shli %get3A_800, %shift_left3A_802 : vector<16xi32>
        %bitcast3A_804 = vector.bitcast %shift_left3A_803 : vector<16xi32> to vector<16xf32>
        %bitcast3A_805 = vector.bitcast %get3A_800 : vector<16xi32> to vector<16xf32>
        %add3A_806 = arith.addf %add3A_790, %bitcast3A_804 : vector<16xf32>
        %add3A_807 = arith.addf %add3A_791, %bitcast3A_805 : vector<16xf32>
        %swap3A_808 = arith.constant 0 : i32
        %swap3A_809 = arith.index_cast %swap3A_808 : i32 to index
        %swap3A_810 = arith.index_cast %scan3A_172 : i32 to index
        %swap3A_811 = arith.constant 128 : index
        %swap3A_812 = tpu.vector_load %arg8[%swap3A_809, %swap3A_810, %swap3A_811] {strides = array<i32>} : memref<2x16x768xf32, #tpu.memory_space<vmem>>, vector<16xf32>,
        tpu.vector_store %arg8[%swap3A_809, %swap3A_810, %swap3A_811], %add3A_806 {strides = array<i32>} : memref<2x16x768xf32, #tpu.memory_space<vmem>>, vector<16xf32>,
        %swap3A_813 = arith.constant 0 : i32
        %swap3A_814 = arith.index_cast %swap3A_813 : i32 to index
        %swap3A_815 = arith.index_cast %scan3A_172 : i32 to index
        %swap3A_816 = arith.constant 512 : index
        %swap3A_817 = tpu.vector_load %arg8[%swap3A_814, %swap3A_815, %swap3A_816] {strides = array<i32>} : memref<2x16x768xf32, #tpu.memory_space<vmem>>, vector<16xf32>,
        tpu.vector_store %arg8[%swap3A_814, %swap3A_815, %swap3A_816], %add3A_807 {strides = array<i32>} : memref<2x16x768xf32, #tpu.memory_space<vmem>>, vector<16xf32>,
        %mul3A_818 = arith.constant 4 : i32
        %mul3A_819 = arith.muli %mul3A_818, %scan3A_172 : i32
        %add3A_820 = arith.constant 0 : i32
        %add3A_821 = arith.addi %mul3A_819, %add3A_820 : i32
        %get3A_822 = arith.constant 0 : i32
        %get3A_823 = arith.index_cast %get3A_822 : i32 to index
        %get3A_824 = arith.index_cast %add3A_821 : i32 to index
        %get3A_825 = arith.constant 144 : index
        %get3A_826 = tpu.vector_load %arg7[%get3A_823, %get3A_824, %get3A_825] {strides = array<i32>} : memref<2x64x384xi32, #tpu.memory_space<vmem>>, vector<16xi32>,
        %shift_left3A_827 = arith.constant 16 : i32
        %shift_left3A_828 = vector.broadcast %shift_left3A_827 : i32 to vector<16xi32>
        %shift_left3A_829 = arith.shli %get3A_826, %shift_left3A_828 : vector<16xi32>
        %bitcast3A_830 = vector.bitcast %shift_left3A_829 : vector<16xi32> to vector<16xf32>
        %bitcast3A_831 = vector.bitcast %get3A_826 : vector<16xi32> to vector<16xf32>
        %mul3A_832 = arith.constant 4 : i32
        %mul3A_833 = arith.muli %mul3A_832, %scan3A_172 : i32
        %add3A_834 = arith.constant 1 : i32
        %add3A_835 = arith.addi %mul3A_833, %add3A_834 : i32
        %get3A_836 = arith.constant 0 : i32
        %get3A_837 = arith.index_cast %get3A_836 : i32 to index
        %get3A_838 = arith.index_cast %add3A_835 : i32 to index
        %get3A_839 = arith.constant 144 : index
        %get3A_840 = tpu.vector_load %arg7[%get3A_837, %get3A_838, %get3A_839] {strides = array<i32>} : memref<2x64x384xi32, #tpu.memory_space<vmem>>, vector<16xi32>,
        %shift_left3A_841 = arith.constant 16 : i32
        %shift_left3A_842 = vector.broadcast %shift_left3A_841 : i32 to vector<16xi32>
        %shift_left3A_843 = arith.shli %get3A_840, %shift_left3A_842 : vector<16xi32>
        %bitcast3A_844 = vector.bitcast %shift_left3A_843 : vector<16xi32> to vector<16xf32>
        %bitcast3A_845 = vector.bitcast %get3A_840 : vector<16xi32> to vector<16xf32>
        %add3A_846 = arith.addf %bitcast3A_830, %bitcast3A_844 : vector<16xf32>
        %add3A_847 = arith.addf %bitcast3A_831, %bitcast3A_845 : vector<16xf32>
        %mul3A_848 = arith.constant 4 : i32
        %mul3A_849 = arith.muli %mul3A_848, %scan3A_172 : i32
        %add3A_850 = arith.constant 2 : i32
        %add3A_851 = arith.addi %mul3A_849, %add3A_850 : i32
        %get3A_852 = arith.constant 0 : i32
        %get3A_853 = arith.index_cast %get3A_852 : i32 to index
        %get3A_854 = arith.index_cast %add3A_851 : i32 to index
        %get3A_855 = arith.constant 144 : index
        %get3A_856 = tpu.vector_load %arg7[%get3A_853, %get3A_854, %get3A_855] {strides = array<i32>} : memref<2x64x384xi32, #tpu.memory_space<vmem>>, vector<16xi32>,
        %shift_left3A_857 = arith.constant 16 : i32
        %shift_left3A_858 = vector.broadcast %shift_left3A_857 : i32 to vector<16xi32>
        %shift_left3A_859 = arith.shli %get3A_856, %shift_left3A_858 : vector<16xi32>
        %bitcast3A_860 = vector.bitcast %shift_left3A_859 : vector<16xi32> to vector<16xf32>
        %bitcast3A_861 = vector.bitcast %get3A_856 : vector<16xi32> to vector<16xf32>
        %add3A_862 = arith.addf %add3A_846, %bitcast3A_860 : vector<16xf32>
        %add3A_863 = arith.addf %add3A_847, %bitcast3A_861 : vector<16xf32>
        %mul3A_864 = arith.constant 4 : i32
        %mul3A_865 = arith.muli %mul3A_864, %scan3A_172 : i32
        %add3A_866 = arith.constant 3 : i32
        %add3A_867 = arith.addi %mul3A_865, %add3A_866 : i32
        %get3A_868 = arith.constant 0 : i32
        %get3A_869 = arith.index_cast %get3A_868 : i32 to index
        %get3A_870 = arith.index_cast %add3A_867 : i32 to index
        %get3A_871 = arith.constant 144 : index
        %get3A_872 = tpu.vector_load %arg7[%get3A_869, %get3A_870, %get3A_871] {strides = array<i32>} : memref<2x64x384xi32, #tpu.memory_space<vmem>>, vector<16xi32>,
        %shift_left3A_873 = arith.constant 16 : i32
        %shift_left3A_874 = vector.broadcast %shift_left3A_873 : i32 to vector<16xi32>
        %shift_left3A_875 = arith.shli %get3A_872, %shift_left3A_874 : vector<16xi32>
        %bitcast3A_876 = vector.bitcast %shift_left3A_875 : vector<16xi32> to vector<16xf32>
        %bitcast3A_877 = vector.bitcast %get3A_872 : vector<16xi32> to vector<16xf32>
        %add3A_878 = arith.addf %add3A_862, %bitcast3A_876 : vector<16xf32>
        %add3A_879 = arith.addf %add3A_863, %bitcast3A_877 : vector<16xf32>
        %swap3A_880 = arith.constant 0 : i32
        %swap3A_881 = arith.index_cast %swap3A_880 : i32 to index
        %swap3A_882 = arith.index_cast %scan3A_172 : i32 to index
        %swap3A_883 = arith.constant 144 : index
        %swap3A_884 = tpu.vector_load %arg8[%swap3A_881, %swap3A_882, %swap3A_883] {strides = array<i32>} : memref<2x16x768xf32, #tpu.memory_space<vmem>>, vector<16xf32>,
        tpu.vector_store %arg8[%swap3A_881, %swap3A_882, %swap3A_883], %add3A_878 {strides = array<i32>} : memref<2x16x768xf32, #tpu.memory_space<vmem>>, vector<16xf32>,
        %swap3A_885 = arith.constant 0 : i32
        %swap3A_886 = arith.index_cast %swap3A_885 : i32 to index
        %swap3A_887 = arith.index_cast %scan3A_172 : i32 to index
        %swap3A_888 = arith.constant 528 : index
        %swap3A_889 = tpu.vector_load %arg8[%swap3A_886, %swap3A_887, %swap3A_888] {strides = array<i32>} : memref<2x16x768xf32, #tpu.memory_space<vmem>>, vector<16xf32>,
        tpu.vector_store %arg8[%swap3A_886, %swap3A_887, %swap3A_888], %add3A_879 {strides = array<i32>} : memref<2x16x768xf32, #tpu.memory_space<vmem>>, vector<16xf32>,
        %mul3A_890 = arith.constant 4 : i32
        %mul3A_891 = arith.muli %mul3A_890, %scan3A_172 : i32
        %add3A_892 = arith.constant 0 : i32
        %add3A_893 = arith.addi %mul3A_891, %add3A_892 : i32
        %get3A_894 = arith.constant 0 : i32
        %get3A_895 = arith.index_cast %get3A_894 : i32 to index
        %get3A_896 = arith.index_cast %add3A_893 : i32 to index
        %get3A_897 = arith.constant 160 : index
        %get3A_898 = tpu.vector_load %arg7[%get3A_895, %get3A_896, %get3A_897] {strides = array<i32>} : memref<2x64x384xi32, #tpu.memory_space<vmem>>, vector<16xi32>,
        %shift_left3A_899 = arith.constant 16 : i32
        %shift_left3A_900 = vector.broadcast %shift_left3A_899 : i32 to vector<16xi32>
        %shift_left3A_901 = arith.shli %get3A_898, %shift_left3A_900 : vector<16xi32>
        %bitcast3A_902 = vector.bitcast %shift_left3A_901 : vector<16xi32> to vector<16xf32>
        %bitcast3A_903 = vector.bitcast %get3A_898 : vector<16xi32> to vector<16xf32>
        %mul3A_904 = arith.constant 4 : i32
        %mul3A_905 = arith.muli %mul3A_904, %scan3A_172 : i32
        %add3A_906 = arith.constant 1 : i32
        %add3A_907 = arith.addi %mul3A_905, %add3A_906 : i32
        %get3A_908 = arith.constant 0 : i32
        %get3A_909 = arith.index_cast %get3A_908 : i32 to index
        %get3A_910 = arith.index_cast %add3A_907 : i32 to index
        %get3A_911 = arith.constant 160 : index
        %get3A_912 = tpu.vector_load %arg7[%get3A_909, %get3A_910, %get3A_911] {strides = array<i32>} : memref<2x64x384xi32, #tpu.memory_space<vmem>>, vector<16xi32>,
        %shift_left3A_913 = arith.constant 16 : i32
        %shift_left3A_914 = vector.broadcast %shift_left3A_913 : i32 to vector<16xi32>
        %shift_left3A_915 = arith.shli %get3A_912, %shift_left3A_914 : vector<16xi32>
        %bitcast3A_916 = vector.bitcast %shift_left3A_915 : vector<16xi32> to vector<16xf32>
        %bitcast3A_917 = vector.bitcast %get3A_912 : vector<16xi32> to vector<16xf32>
        %add3A_918 = arith.addf %bitcast3A_902, %bitcast3A_916 : vector<16xf32>
        %add3A_919 = arith.addf %bitcast3A_903, %bitcast3A_917 : vector<16xf32>
        %mul3A_920 = arith.constant 4 : i32
        %mul3A_921 = arith.muli %mul3A_920, %scan3A_172 : i32
        %add3A_922 = arith.constant 2 : i32
        %add3A_923 = arith.addi %mul3A_921, %add3A_922 : i32
        %get3A_924 = arith.constant 0 : i32
        %get3A_925 = arith.index_cast %get3A_924 : i32 to index
        %get3A_926 = arith.index_cast %add3A_923 : i32 to index
        %get3A_927 = arith.constant 160 : index
        %get3A_928 = tpu.vector_load %arg7[%get3A_925, %get3A_926, %get3A_927] {strides = array<i32>} : memref<2x64x384xi32, #tpu.memory_space<vmem>>, vector<16xi32>,
        %shift_left3A_929 = arith.constant 16 : i32
        %shift_left3A_930 = vector.broadcast %shift_left3A_929 : i32 to vector<16xi32>
        %shift_left3A_931 = arith.shli %get3A_928, %shift_left3A_930 : vector<16xi32>
        %bitcast3A_932 = vector.bitcast %shift_left3A_931 : vector<16xi32> to vector<16xf32>
        %bitcast3A_933 = vector.bitcast %get3A_928 : vector<16xi32> to vector<16xf32>
        %add3A_934 = arith.addf %add3A_918, %bitcast3A_932 : vector<16xf32>
        %add3A_935 = arith.addf %add3A_919, %bitcast3A_933 : vector<16xf32>
        %mul3A_936 = arith.constant 4 : i32
        %mul3A_937 = arith.muli %mul3A_936, %scan3A_172 : i32
        %add3A_938 = arith.constant 3 : i32
        %add3A_939 = arith.addi %mul3A_937, %add3A_938 : i32
        %get3A_940 = arith.constant 0 : i32
        %get3A_941 = arith.index_cast %get3A_940 : i32 to index
        %get3A_942 = arith.index_cast %add3A_939 : i32 to index
        %get3A_943 = arith.constant 160 : index
        %get3A_944 = tpu.vector_load %arg7[%get3A_941, %get3A_942, %get3A_943] {strides = array<i32>} : memref<2x64x384xi32, #tpu.memory_space<vmem>>, vector<16xi32>,
        %shift_left3A_945 = arith.constant 16 : i32
        %shift_left3A_946 = vector.broadcast %shift_left3A_945 : i32 to vector<16xi32>
        %shift_left3A_947 = arith.shli %get3A_944, %shift_left3A_946 : vector<16xi32>
        %bitcast3A_948 = vector.bitcast %shift_left3A_947 : vector<16xi32> to vector<16xf32>
        %bitcast3A_949 = vector.bitcast %get3A_944 : vector<16xi32> to vector<16xf32>
        %add3A_950 = arith.addf %add3A_934, %bitcast3A_948 : vector<16xf32>
        %add3A_951 = arith.addf %add3A_935, %bitcast3A_949 : vector<16xf32>
        %swap3A_952 = arith.constant 0 : i32
        %swap3A_953 = arith.index_cast %swap3A_952 : i32 to index
        %swap3A_954 = arith.index_cast %scan3A_172 : i32 to index
        %swap3A_955 = arith.constant 160 : index
        %swap3A_956 = tpu.vector_load %arg8[%swap3A_953, %swap3A_954, %swap3A_955] {strides = array<i32>} : memref<2x16x768xf32, #tpu.memory_space<vmem>>, vector<16xf32>,
        tpu.vector_store %arg8[%swap3A_953, %swap3A_954, %swap3A_955], %add3A_950 {strides = array<i32>} : memref<2x16x768xf32, #tpu.memory_space<vmem>>, vector<16xf32>,
        %swap3A_957 = arith.constant 0 : i32
        %swap3A_958 = arith.index_cast %swap3A_957 : i32 to index
        %swap3A_959 = arith.index_cast %scan3A_172 : i32 to index
        %swap3A_960 = arith.constant 544 : index
        %swap3A_961 = tpu.vector_load %arg8[%swap3A_958, %swap3A_959, %swap3A_960] {strides = array<i32>} : memref<2x16x768xf32, #tpu.memory_space<vmem>>, vector<16xf32>,
        tpu.vector_store %arg8[%swap3A_958, %swap3A_959, %swap3A_960], %add3A_951 {strides = array<i32>} : memref<2x16x768xf32, #tpu.memory_space<vmem>>, vector<16xf32>,
        %mul3A_962 = arith.constant 4 : i32
        %mul3A_963 = arith.muli %mul3A_962, %scan3A_172 : i32
        %add3A_964 = arith.constant 0 : i32
        %add3A_965 = arith.addi %mul3A_963, %add3A_964 : i32
        %get3A_966 = arith.constant 0 : i32
        %get3A_967 = arith.index_cast %get3A_966 : i32 to index
        %get3A_968 = arith.index_cast %add3A_965 : i32 to index
        %get3A_969 = arith.constant 176 : index
        %get3A_970 = tpu.vector_load %arg7[%get3A_967, %get3A_968, %get3A_969] {strides = array<i32>} : memref<2x64x384xi32, #tpu.memory_space<vmem>>, vector<16xi32>,
        %shift_left3A_971 = arith.constant 16 : i32
        %shift_left3A_972 = vector.broadcast %shift_left3A_971 : i32 to vector<16xi32>
        %shift_left3A_973 = arith.shli %get3A_970, %shift_left3A_972 : vector<16xi32>
        %bitcast3A_974 = vector.bitcast %shift_left3A_973 : vector<16xi32> to vector<16xf32>
        %bitcast3A_975 = vector.bitcast %get3A_970 : vector<16xi32> to vector<16xf32>
        %mul3A_976 = arith.constant 4 : i32
        %mul3A_977 = arith.muli %mul3A_976, %scan3A_172 : i32
        %add3A_978 = arith.constant 1 : i32
        %add3A_979 = arith.addi %mul3A_977, %add3A_978 : i32
        %get3A_980 = arith.constant 0 : i32
        %get3A_981 = arith.index_cast %get3A_980 : i32 to index
        %get3A_982 = arith.index_cast %add3A_979 : i32 to index
        %get3A_983 = arith.constant 176 : index
        %get3A_984 = tpu.vector_load %arg7[%get3A_981, %get3A_982, %get3A_983] {strides = array<i32>} : memref<2x64x384xi32, #tpu.memory_space<vmem>>, vector<16xi32>,
        %shift_left3A_985 = arith.constant 16 : i32
        %shift_left3A_986 = vector.broadcast %shift_left3A_985 : i32 to vector<16xi32>
        %shift_left3A_987 = arith.shli %get3A_984, %shift_left3A_986 : vector<16xi32>
        %bitcast3A_988 = vector.bitcast %shift_left3A_987 : vector<16xi32> to vector<16xf32>
        %bitcast3A_989 = vector.bitcast %get3A_984 : vector<16xi32> to vector<16xf32>
        %add3A_990 = arith.addf %bitcast3A_974, %bitcast3A_988 : vector<16xf32>
        %add3A_991 = arith.addf %bitcast3A_975, %bitcast3A_989 : vector<16xf32>
        %mul3A_992 = arith.constant 4 : i32
        %mul3A_993 = arith.muli %mul3A_992, %scan3A_172 : i32
        %add3A_994 = arith.constant 2 : i32
        %add3A_995 = arith.addi %mul3A_993, %add3A_994 : i32
        %get3A_996 = arith.constant 0 : i32
        %get3A_997 = arith.index_cast %get3A_996 : i32 to index
        %get3A_998 = arith.index_cast %add3A_995 : i32 to index
        %get3A_999 = arith.constant 176 : index
        %get3A_1000 = tpu.vector_load %arg7[%get3A_997, %get3A_998, %get3A_999] {strides = array<i32>} : memref<2x64x384xi32, #tpu.memory_space<vmem>>, vector<16xi32>,
        %shift_left3A_1001 = arith.constant 16 : i32
        %shift_left3A_1002 = vector.broadcast %shift_left3A_1001 : i32 to vector<16xi32>
        %shift_left3A_1003 = arith.shli %get3A_1000, %shift_left3A_1002 : vector<16xi32>
        %bitcast3A_1004 = vector.bitcast %shift_left3A_1003 : vector<16xi32> to vector<16xf32>
        %bitcast3A_1005 = vector.bitcast %get3A_1000 : vector<16xi32> to vector<16xf32>
        %add3A_1006 = arith.addf %add3A_990, %bitcast3A_1004 : vector<16xf32>
        %add3A_1007 = arith.addf %add3A_991, %bitcast3A_1005 : vector<16xf32>
        %mul3A_1008 = arith.constant 4 : i32
        %mul3A_1009 = arith.muli %mul3A_1008, %scan3A_172 : i32
        %add3A_1010 = arith.constant 3 : i32
        %add3A_1011 = arith.addi %mul3A_1009, %add3A_1010 : i32
        %get3A_1012 = arith.constant 0 : i32
        %get3A_1013 = arith.index_cast %get3A_1012 : i32 to index
        %get3A_1014 = arith.index_cast %add3A_1011 : i32 to index
        %get3A_1015 = arith.constant 176 : index
        %get3A_1016 = tpu.vector_load %arg7[%get3A_1013, %get3A_1014, %get3A_1015] {strides = array<i32>} : memref<2x64x384xi32, #tpu.memory_space<vmem>>, vector<16xi32>,
        %shift_left3A_1017 = arith.constant 16 : i32
        %shift_left3A_1018 = vector.broadcast %shift_left3A_1017 : i32 to vector<16xi32>
        %shift_left3A_1019 = arith.shli %get3A_1016, %shift_left3A_1018 : vector<16xi32>
        %bitcast3A_1020 = vector.bitcast %shift_left3A_1019 : vector<16xi32> to vector<16xf32>
        %bitcast3A_1021 = vector.bitcast %get3A_1016 : vector<16xi32> to vector<16xf32>
        %add3A_1022 = arith.addf %add3A_1006, %bitcast3A_1020 : vector<16xf32>
        %add3A_1023 = arith.addf %add3A_1007, %bitcast3A_1021 : vector<16xf32>
        %swap3A_1024 = arith.constant 0 : i32
        %swap3A_1025 = arith.index_cast %swap3A_1024 : i32 to index
        %swap3A_1026 = arith.index_cast %scan3A_172 : i32 to index
        %swap3A_1027 = arith.constant 176 : index
        %swap3A_1028 = tpu.vector_load %arg8[%swap3A_1025, %swap3A_1026, %swap3A_1027] {strides = array<i32>} : memref<2x16x768xf32, #tpu.memory_space<vmem>>, vector<16xf32>,
        tpu.vector_store %arg8[%swap3A_1025, %swap3A_1026, %swap3A_1027], %add3A_1022 {strides = array<i32>} : memref<2x16x768xf32, #tpu.memory_space<vmem>>, vector<16xf32>,
        %swap3A_1029 = arith.constant 0 : i32
        %swap3A_1030 = arith.index_cast %swap3A_1029 : i32 to index
        %swap3A_1031 = arith.index_cast %scan3A_172 : i32 to index
        %swap3A_1032 = arith.constant 560 : index
        %swap3A_1033 = tpu.vector_load %arg8[%swap3A_1030, %swap3A_1031, %swap3A_1032] {strides = array<i32>} : memref<2x16x768xf32, #tpu.memory_space<vmem>>, vector<16xf32>,
        tpu.vector_store %arg8[%swap3A_1030, %swap3A_1031, %swap3A_1032], %add3A_1023 {strides = array<i32>} : memref<2x16x768xf32, #tpu.memory_space<vmem>>, vector<16xf32>,
        %mul3A_1034 = arith.constant 4 : i32
        %mul3A_1035 = arith.muli %mul3A_1034, %scan3A_172 : i32
        %add3A_1036 = arith.constant 0 : i32
        %add3A_1037 = arith.addi %mul3A_1035, %add3A_1036 : i32
        %get3A_1038 = arith.constant 0 : i32
        %get3A_1039 = arith.index_cast %get3A_1038 : i32 to index
        %get3A_1040 = arith.index_cast %add3A_1037 : i32 to index
        %get3A_1041 = arith.constant 192 : index
        %get3A_1042 = tpu.vector_load %arg7[%get3A_1039, %get3A_1040, %get3A_1041] {strides = array<i32>} : memref<2x64x384xi32, #tpu.memory_space<vmem>>, vector<16xi32>,
        %shift_left3A_1043 = arith.constant 16 : i32
        %shift_left3A_1044 = vector.broadcast %shift_left3A_1043 : i32 to vector<16xi32>
        %shift_left3A_1045 = arith.shli %get3A_1042, %shift_left3A_1044 : vector<16xi32>
        %bitcast3A_1046 = vector.bitcast %shift_left3A_1045 : vector<16xi32> to vector<16xf32>
        %bitcast3A_1047 = vector.bitcast %get3A_1042 : vector<16xi32> to vector<16xf32>
        %mul3A_1048 = arith.constant 4 : i32
        %mul3A_1049 = arith.muli %mul3A_1048, %scan3A_172 : i32
        %add3A_1050 = arith.constant 1 : i32
        %add3A_1051 = arith.addi %mul3A_1049, %add3A_1050 : i32
        %get3A_1052 = arith.constant 0 : i32
        %get3A_1053 = arith.index_cast %get3A_1052 : i32 to index
        %get3A_1054 = arith.index_cast %add3A_1051 : i32 to index
        %get3A_1055 = arith.constant 192 : index
        %get3A_1056 = tpu.vector_load %arg7[%get3A_1053, %get3A_1054, %get3A_1055] {strides = array<i32>} : memref<2x64x384xi32, #tpu.memory_space<vmem>>, vector<16xi32>,
        %shift_left3A_1057 = arith.constant 16 : i32
        %shift_left3A_1058 = vector.broadcast %shift_left3A_1057 : i32 to vector<16xi32>
        %shift_left3A_1059 = arith.shli %get3A_1056, %shift_left3A_1058 : vector<16xi32>
        %bitcast3A_1060 = vector.bitcast %shift_left3A_1059 : vector<16xi32> to vector<16xf32>
        %bitcast3A_1061 = vector.bitcast %get3A_1056 : vector<16xi32> to vector<16xf32>
        %add3A_1062 = arith.addf %bitcast3A_1046, %bitcast3A_1060 : vector<16xf32>
        %add3A_1063 = arith.addf %bitcast3A_1047, %bitcast3A_1061 : vector<16xf32>
        %mul3A_1064 = arith.constant 4 : i32
        %mul3A_1065 = arith.muli %mul3A_1064, %scan3A_172 : i32
        %add3A_1066 = arith.constant 2 : i32
        %add3A_1067 = arith.addi %mul3A_1065, %add3A_1066 : i32
        %get3A_1068 = arith.constant 0 : i32
        %get3A_1069 = arith.index_cast %get3A_1068 : i32 to index
        %get3A_1070 = arith.index_cast %add3A_1067 : i32 to index
        %get3A_1071 = arith.constant 192 : index
        %get3A_1072 = tpu.vector_load %arg7[%get3A_1069, %get3A_1070, %get3A_1071] {strides = array<i32>} : memref<2x64x384xi32, #tpu.memory_space<vmem>>, vector<16xi32>,
        %shift_left3A_1073 = arith.constant 16 : i32
        %shift_left3A_1074 = vector.broadcast %shift_left3A_1073 : i32 to vector<16xi32>
        %shift_left3A_1075 = arith.shli %get3A_1072, %shift_left3A_1074 : vector<16xi32>
        %bitcast3A_1076 = vector.bitcast %shift_left3A_1075 : vector<16xi32> to vector<16xf32>
        %bitcast3A_1077 = vector.bitcast %get3A_1072 : vector<16xi32> to vector<16xf32>
        %add3A_1078 = arith.addf %add3A_1062, %bitcast3A_1076 : vector<16xf32>
        %add3A_1079 = arith.addf %add3A_1063, %bitcast3A_1077 : vector<16xf32>
        %mul3A_1080 = arith.constant 4 : i32
        %mul3A_1081 = arith.muli %mul3A_1080, %scan3A_172 : i32
        %add3A_1082 = arith.constant 3 : i32
        %add3A_1083 = arith.addi %mul3A_1081, %add3A_1082 : i32
        %get3A_1084 = arith.constant 0 : i32
        %get3A_1085 = arith.index_cast %get3A_1084 : i32 to index
        %get3A_1086 = arith.index_cast %add3A_1083 : i32 to index
        %get3A_1087 = arith.constant 192 : index
        %get3A_1088 = tpu.vector_load %arg7[%get3A_1085, %get3A_1086, %get3A_1087] {strides = array<i32>} : memref<2x64x384xi32, #tpu.memory_space<vmem>>, vector<16xi32>,
        %shift_left3A_1089 = arith.constant 16 : i32
        %shift_left3A_1090 = vector.broadcast %shift_left3A_1089 : i32 to vector<16xi32>
        %shift_left3A_1091 = arith.shli %get3A_1088, %shift_left3A_1090 : vector<16xi32>
        %bitcast3A_1092 = vector.bitcast %shift_left3A_1091 : vector<16xi32> to vector<16xf32>
        %bitcast3A_1093 = vector.bitcast %get3A_1088 : vector<16xi32> to vector<16xf32>
        %add3A_1094 = arith.addf %add3A_1078, %bitcast3A_1092 : vector<16xf32>
        %add3A_1095 = arith.addf %add3A_1079, %bitcast3A_1093 : vector<16xf32>
        %swap3A_1096 = arith.constant 0 : i32
        %swap3A_1097 = arith.index_cast %swap3A_1096 : i32 to index
        %swap3A_1098 = arith.index_cast %scan3A_172 : i32 to index
        %swap3A_1099 = arith.constant 192 : index
        %swap3A_1100 = tpu.vector_load %arg8[%swap3A_1097, %swap3A_1098, %swap3A_1099] {strides = array<i32>} : memref<2x16x768xf32, #tpu.memory_space<vmem>>, vector<16xf32>,
        tpu.vector_store %arg8[%swap3A_1097, %swap3A_1098, %swap3A_1099], %add3A_1094 {strides = array<i32>} : memref<2x16x768xf32, #tpu.memory_space<vmem>>, vector<16xf32>,
        %swap3A_1101 = arith.constant 0 : i32
        %swap3A_1102 = arith.index_cast %swap3A_1101 : i32 to index
        %swap3A_1103 = arith.index_cast %scan3A_172 : i32 to index
        %swap3A_1104 = arith.constant 576 : index
        %swap3A_1105 = tpu.vector_load %arg8[%swap3A_1102, %swap3A_1103, %swap3A_1104] {strides = array<i32>} : memref<2x16x768xf32, #tpu.memory_space<vmem>>, vector<16xf32>,
        tpu.vector_store %arg8[%swap3A_1102, %swap3A_1103, %swap3A_1104], %add3A_1095 {strides = array<i32>} : memref<2x16x768xf32, #tpu.memory_space<vmem>>, vector<16xf32>,
        %mul3A_1106 = arith.constant 4 : i32
        %mul3A_1107 = arith.muli %mul3A_1106, %scan3A_172 : i32
        %add3A_1108 = arith.constant 0 : i32
        %add3A_1109 = arith.addi %mul3A_1107, %add3A_1108 : i32
        %get3A_1110 = arith.constant 0 : i32
        %get3A_1111 = arith.index_cast %get3A_1110 : i32 to index
        %get3A_1112 = arith.index_cast %add3A_1109 : i32 to index
        %get3A_1113 = arith.constant 208 : index
        %get3A_1114 = tpu.vector_load %arg7[%get3A_1111, %get3A_1112, %get3A_1113] {strides = array<i32>} : memref<2x64x384xi32, #tpu.memory_space<vmem>>, vector<16xi32>,
        %shift_left3A_1115 = arith.constant 16 : i32
        %shift_left3A_1116 = vector.broadcast %shift_left3A_1115 : i32 to vector<16xi32>
        %shift_left3A_1117 = arith.shli %get3A_1114, %shift_left3A_1116 : vector<16xi32>
        %bitcast3A_1118 = vector.bitcast %shift_left3A_1117 : vector<16xi32> to vector<16xf32>
        %bitcast3A_1119 = vector.bitcast %get3A_1114 : vector<16xi32> to vector<16xf32>
        %mul3A_1120 = arith.constant 4 : i32
        %mul3A_1121 = arith.muli %mul3A_1120, %scan3A_172 : i32
        %add3A_1122 = arith.constant 1 : i32
        %add3A_1123 = arith.addi %mul3A_1121, %add3A_1122 : i32
        %get3A_1124 = arith.constant 0 : i32
        %get3A_1125 = arith.index_cast %get3A_1124 : i32 to index
        %get3A_1126 = arith.index_cast %add3A_1123 : i32 to index
        %get3A_1127 = arith.constant 208 : index
        %get3A_1128 = tpu.vector_load %arg7[%get3A_1125, %get3A_1126, %get3A_1127] {strides = array<i32>} : memref<2x64x384xi32, #tpu.memory_space<vmem>>, vector<16xi32>,
        %shift_left3A_1129 = arith.constant 16 : i32
        %shift_left3A_1130 = vector.broadcast %shift_left3A_1129 : i32 to vector<16xi32>
        %shift_left3A_1131 = arith.shli %get3A_1128, %shift_left3A_1130 : vector<16xi32>
        %bitcast3A_1132 = vector.bitcast %shift_left3A_1131 : vector<16xi32> to vector<16xf32>
        %bitcast3A_1133 = vector.bitcast %get3A_1128 : vector<16xi32> to vector<16xf32>
        %add3A_1134 = arith.addf %bitcast3A_1118, %bitcast3A_1132 : vector<16xf32>
        %add3A_1135 = arith.addf %bitcast3A_1119, %bitcast3A_1133 : vector<16xf32>
        %mul3A_1136 = arith.constant 4 : i32
        %mul3A_1137 = arith.muli %mul3A_1136, %scan3A_172 : i32
        %add3A_1138 = arith.constant 2 : i32
        %add3A_1139 = arith.addi %mul3A_1137, %add3A_1138 : i32
        %get3A_1140 = arith.constant 0 : i32
        %get3A_1141 = arith.index_cast %get3A_1140 : i32 to index
        %get3A_1142 = arith.index_cast %add3A_1139 : i32 to index
        %get3A_1143 = arith.constant 208 : index
        %get3A_1144 = tpu.vector_load %arg7[%get3A_1141, %get3A_1142, %get3A_1143] {strides = array<i32>} : memref<2x64x384xi32, #tpu.memory_space<vmem>>, vector<16xi32>,
        %shift_left3A_1145 = arith.constant 16 : i32
        %shift_left3A_1146 = vector.broadcast %shift_left3A_1145 : i32 to vector<16xi32>
        %shift_left3A_1147 = arith.shli %get3A_1144, %shift_left3A_1146 : vector<16xi32>
        %bitcast3A_1148 = vector.bitcast %shift_left3A_1147 : vector<16xi32> to vector<16xf32>
        %bitcast3A_1149 = vector.bitcast %get3A_1144 : vector<16xi32> to vector<16xf32>
        %add3A_1150 = arith.addf %add3A_1134, %bitcast3A_1148 : vector<16xf32>
        %add3A_1151 = arith.addf %add3A_1135, %bitcast3A_1149 : vector<16xf32>
        %mul3A_1152 = arith.constant 4 : i32
        %mul3A_1153 = arith.muli %mul3A_1152, %scan3A_172 : i32
        %add3A_1154 = arith.constant 3 : i32
        %add3A_1155 = arith.addi %mul3A_1153, %add3A_1154 : i32
        %get3A_1156 = arith.constant 0 : i32
        %get3A_1157 = arith.index_cast %get3A_1156 : i32 to index
        %get3A_1158 = arith.index_cast %add3A_1155 : i32 to index
        %get3A_1159 = arith.constant 208 : index
        %get3A_1160 = tpu.vector_load %arg7[%get3A_1157, %get3A_1158, %get3A_1159] {strides = array<i32>} : memref<2x64x384xi32, #tpu.memory_space<vmem>>, vector<16xi32>,
        %shift_left3A_1161 = arith.constant 16 : i32
        %shift_left3A_1162 = vector.broadcast %shift_left3A_1161 : i32 to vector<16xi32>
        %shift_left3A_1163 = arith.shli %get3A_1160, %shift_left3A_1162 : vector<16xi32>
        %bitcast3A_1164 = vector.bitcast %shift_left3A_1163 : vector<16xi32> to vector<16xf32>
        %bitcast3A_1165 = vector.bitcast %get3A_1160 : vector<16xi32> to vector<16xf32>
        %add3A_1166 = arith.addf %add3A_1150, %bitcast3A_1164 : vector<16xf32>
        %add3A_1167 = arith.addf %add3A_1151, %bitcast3A_1165 : vector<16xf32>
        %swap3A_1168 = arith.constant 0 : i32
        %swap3A_1169 = arith.index_cast %swap3A_1168 : i32 to index
        %swap3A_1170 = arith.index_cast %scan3A_172 : i32 to index
        %swap3A_1171 = arith.constant 208 : index
        %swap3A_1172 = tpu.vector_load %arg8[%swap3A_1169, %swap3A_1170, %swap3A_1171] {strides = array<i32>} : memref<2x16x768xf32, #tpu.memory_space<vmem>>, vector<16xf32>,
        tpu.vector_store %arg8[%swap3A_1169, %swap3A_1170, %swap3A_1171], %add3A_1166 {strides = array<i32>} : memref<2x16x768xf32, #tpu.memory_space<vmem>>, vector<16xf32>,
        %swap3A_1173 = arith.constant 0 : i32
        %swap3A_1174 = arith.index_cast %swap3A_1173 : i32 to index
        %swap3A_1175 = arith.index_cast %scan3A_172 : i32 to index
        %swap3A_1176 = arith.constant 592 : index
        %swap3A_1177 = tpu.vector_load %arg8[%swap3A_1174, %swap3A_1175, %swap3A_1176] {strides = array<i32>} : memref<2x16x768xf32, #tpu.memory_space<vmem>>, vector<16xf32>,
        tpu.vector_store %arg8[%swap3A_1174, %swap3A_1175, %swap3A_1176], %add3A_1167 {strides = array<i32>} : memref<2x16x768xf32, #tpu.memory_space<vmem>>, vector<16xf32>,
        %mul3A_1178 = arith.constant 4 : i32
        %mul3A_1179 = arith.muli %mul3A_1178, %scan3A_172 : i32
        %add3A_1180 = arith.constant 0 : i32
        %add3A_1181 = arith.addi %mul3A_1179, %add3A_1180 : i32
        %get3A_1182 = arith.constant 0 : i32
        %get3A_1183 = arith.index_cast %get3A_1182 : i32 to index
        %get3A_1184 = arith.index_cast %add3A_1181 : i32 to index
        %get3A_1185 = arith.constant 224 : index
        %get3A_1186 = tpu.vector_load %arg7[%get3A_1183, %get3A_1184, %get3A_1185] {strides = array<i32>} : memref<2x64x384xi32, #tpu.memory_space<vmem>>, vector<16xi32>,
        %shift_left3A_1187 = arith.constant 16 : i32
        %shift_left3A_1188 = vector.broadcast %shift_left3A_1187 : i32 to vector<16xi32>
        %shift_left3A_1189 = arith.shli %get3A_1186, %shift_left3A_1188 : vector<16xi32>
        %bitcast3A_1190 = vector.bitcast %shift_left3A_1189 : vector<16xi32> to vector<16xf32>
        %bitcast3A_1191 = vector.bitcast %get3A_1186 : vector<16xi32> to vector<16xf32>
        %mul3A_1192 = arith.constant 4 : i32
        %mul3A_1193 = arith.muli %mul3A_1192, %scan3A_172 : i32
        %add3A_1194 = arith.constant 1 : i32
        %add3A_1195 = arith.addi %mul3A_1193, %add3A_1194 : i32
        %get3A_1196 = arith.constant 0 : i32
        %get3A_1197 = arith.index_cast %get3A_1196 : i32 to index
        %get3A_1198 = arith.index_cast %add3A_1195 : i32 to index
        %get3A_1199 = arith.constant 224 : index
        %get3A_1200 = tpu.vector_load %arg7[%get3A_1197, %get3A_1198, %get3A_1199] {strides = array<i32>} : memref<2x64x384xi32, #tpu.memory_space<vmem>>, vector<16xi32>,
        %shift_left3A_1201 = arith.constant 16 : i32
        %shift_left3A_1202 = vector.broadcast %shift_left3A_1201 : i32 to vector<16xi32>
        %shift_left3A_1203 = arith.shli %get3A_1200, %shift_left3A_1202 : vector<16xi32>
        %bitcast3A_1204 = vector.bitcast %shift_left3A_1203 : vector<16xi32> to vector<16xf32>
        %bitcast3A_1205 = vector.bitcast %get3A_1200 : vector<16xi32> to vector<16xf32>
        %add3A_1206 = arith.addf %bitcast3A_1190, %bitcast3A_1204 : vector<16xf32>
        %add3A_1207 = arith.addf %bitcast3A_1191, %bitcast3A_1205 : vector<16xf32>
        %mul3A_1208 = arith.constant 4 : i32
        %mul3A_1209 = arith.muli %mul3A_1208, %scan3A_172 : i32
        %add3A_1210 = arith.constant 2 : i32
        %add3A_1211 = arith.addi %mul3A_1209, %add3A_1210 : i32
        %get3A_1212 = arith.constant 0 : i32
        %get3A_1213 = arith.index_cast %get3A_1212 : i32 to index
        %get3A_1214 = arith.index_cast %add3A_1211 : i32 to index
        %get3A_1215 = arith.constant 224 : index
        %get3A_1216 = tpu.vector_load %arg7[%get3A_1213, %get3A_1214, %get3A_1215] {strides = array<i32>} : memref<2x64x384xi32, #tpu.memory_space<vmem>>, vector<16xi32>,
        %shift_left3A_1217 = arith.constant 16 : i32
        %shift_left3A_1218 = vector.broadcast %shift_left3A_1217 : i32 to vector<16xi32>
        %shift_left3A_1219 = arith.shli %get3A_1216, %shift_left3A_1218 : vector<16xi32>
        %bitcast3A_1220 = vector.bitcast %shift_left3A_1219 : vector<16xi32> to vector<16xf32>
        %bitcast3A_1221 = vector.bitcast %get3A_1216 : vector<16xi32> to vector<16xf32>
        %add3A_1222 = arith.addf %add3A_1206, %bitcast3A_1220 : vector<16xf32>
        %add3A_1223 = arith.addf %add3A_1207, %bitcast3A_1221 : vector<16xf32>
        %mul3A_1224 = arith.constant 4 : i32
        %mul3A_1225 = arith.muli %mul3A_1224, %scan3A_172 : i32
        %add3A_1226 = arith.constant 3 : i32
        %add3A_1227 = arith.addi %mul3A_1225, %add3A_1226 : i32
        %get3A_1228 = arith.constant 0 : i32
        %get3A_1229 = arith.index_cast %get3A_1228 : i32 to index
        %get3A_1230 = arith.index_cast %add3A_1227 : i32 to index
        %get3A_1231 = arith.constant 224 : index
        %get3A_1232 = tpu.vector_load %arg7[%get3A_1229, %get3A_1230, %get3A_1231] {strides = array<i32>} : memref<2x64x384xi32, #tpu.memory_space<vmem>>, vector<16xi32>,
        %shift_left3A_1233 = arith.constant 16 : i32
        %shift_left3A_1234 = vector.broadcast %shift_left3A_1233 : i32 to vector<16xi32>
        %shift_left3A_1235 = arith.shli %get3A_1232, %shift_left3A_1234 : vector<16xi32>
        %bitcast3A_1236 = vector.bitcast %shift_left3A_1235 : vector<16xi32> to vector<16xf32>
        %bitcast3A_1237 = vector.bitcast %get3A_1232 : vector<16xi32> to vector<16xf32>
        %add3A_1238 = arith.addf %add3A_1222, %bitcast3A_1236 : vector<16xf32>
        %add3A_1239 = arith.addf %add3A_1223, %bitcast3A_1237 : vector<16xf32>
        %swap3A_1240 = arith.constant 0 : i32
        %swap3A_1241 = arith.index_cast %swap3A_1240 : i32 to index
        %swap3A_1242 = arith.index_cast %scan3A_172 : i32 to index
        %swap3A_1243 = arith.constant 224 : index
        %swap3A_1244 = tpu.vector_load %arg8[%swap3A_1241, %swap3A_1242, %swap3A_1243] {strides = array<i32>} : memref<2x16x768xf32, #tpu.memory_space<vmem>>, vector<16xf32>,
        tpu.vector_store %arg8[%swap3A_1241, %swap3A_1242, %swap3A_1243], %add3A_1238 {strides = array<i32>} : memref<2x16x768xf32, #tpu.memory_space<vmem>>, vector<16xf32>,
        %swap3A_1245 = arith.constant 0 : i32
        %swap3A_1246 = arith.index_cast %swap3A_1245 : i32 to index
        %swap3A_1247 = arith.index_cast %scan3A_172 : i32 to index
        %swap3A_1248 = arith.constant 608 : index
        %swap3A_1249 = tpu.vector_load %arg8[%swap3A_1246, %swap3A_1247, %swap3A_1248] {strides = array<i32>} : memref<2x16x768xf32, #tpu.memory_space<vmem>>, vector<16xf32>,
        tpu.vector_store %arg8[%swap3A_1246, %swap3A_1247, %swap3A_1248], %add3A_1239 {strides = array<i32>} : memref<2x16x768xf32, #tpu.memory_space<vmem>>, vector<16xf32>,
        %mul3A_1250 = arith.constant 4 : i32
        %mul3A_1251 = arith.muli %mul3A_1250, %scan3A_172 : i32
        %add3A_1252 = arith.constant 0 : i32
        %add3A_1253 = arith.addi %mul3A_1251, %add3A_1252 : i32
        %get3A_1254 = arith.constant 0 : i32
        %get3A_1255 = arith.index_cast %get3A_1254 : i32 to index
        %get3A_1256 = arith.index_cast %add3A_1253 : i32 to index
        %get3A_1257 = arith.constant 240 : index
        %get3A_1258 = tpu.vector_load %arg7[%get3A_1255, %get3A_1256, %get3A_1257] {strides = array<i32>} : memref<2x64x384xi32, #tpu.memory_space<vmem>>, vector<16xi32>,
        %shift_left3A_1259 = arith.constant 16 : i32
        %shift_left3A_1260 = vector.broadcast %shift_left3A_1259 : i32 to vector<16xi32>
        %shift_left3A_1261 = arith.shli %get3A_1258, %shift_left3A_1260 : vector<16xi32>
        %bitcast3A_1262 = vector.bitcast %shift_left3A_1261 : vector<16xi32> to vector<16xf32>
        %bitcast3A_1263 = vector.bitcast %get3A_1258 : vector<16xi32> to vector<16xf32>
        %mul3A_1264 = arith.constant 4 : i32
        %mul3A_1265 = arith.muli %mul3A_1264, %scan3A_172 : i32
        %add3A_1266 = arith.constant 1 : i32
        %add3A_1267 = arith.addi %mul3A_1265, %add3A_1266 : i32
        %get3A_1268 = arith.constant 0 : i32
        %get3A_1269 = arith.index_cast %get3A_1268 : i32 to index
        %get3A_1270 = arith.index_cast %add3A_1267 : i32 to index
        %get3A_1271 = arith.constant 240 : index
        %get3A_1272 = tpu.vector_load %arg7[%get3A_1269, %get3A_1270, %get3A_1271] {strides = array<i32>} : memref<2x64x384xi32, #tpu.memory_space<vmem>>, vector<16xi32>,
        %shift_left3A_1273 = arith.constant 16 : i32
        %shift_left3A_1274 = vector.broadcast %shift_left3A_1273 : i32 to vector<16xi32>
        %shift_left3A_1275 = arith.shli %get3A_1272, %shift_left3A_1274 : vector<16xi32>
        %bitcast3A_1276 = vector.bitcast %shift_left3A_1275 : vector<16xi32> to vector<16xf32>
        %bitcast3A_1277 = vector.bitcast %get3A_1272 : vector<16xi32> to vector<16xf32>
        %add3A_1278 = arith.addf %bitcast3A_1262, %bitcast3A_1276 : vector<16xf32>
        %add3A_1279 = arith.addf %bitcast3A_1263, %bitcast3A_1277 : vector<16xf32>
        %mul3A_1280 = arith.constant 4 : i32
        %mul3A_1281 = arith.muli %mul3A_1280, %scan3A_172 : i32
        %add3A_1282 = arith.constant 2 : i32
        %add3A_1283 = arith.addi %mul3A_1281, %add3A_1282 : i32
        %get3A_1284 = arith.constant 0 : i32
        %get3A_1285 = arith.index_cast %get3A_1284 : i32 to index
        %get3A_1286 = arith.index_cast %add3A_1283 : i32 to index
        %get3A_1287 = arith.constant 240 : index
        %get3A_1288 = tpu.vector_load %arg7[%get3A_1285, %get3A_1286, %get3A_1287] {strides = array<i32>} : memref<2x64x384xi32, #tpu.memory_space<vmem>>, vector<16xi32>,
        %shift_left3A_1289 = arith.constant 16 : i32
        %shift_left3A_1290 = vector.broadcast %shift_left3A_1289 : i32 to vector<16xi32>
        %shift_left3A_1291 = arith.shli %get3A_1288, %shift_left3A_1290 : vector<16xi32>
        %bitcast3A_1292 = vector.bitcast %shift_left3A_1291 : vector<16xi32> to vector<16xf32>
        %bitcast3A_1293 = vector.bitcast %get3A_1288 : vector<16xi32> to vector<16xf32>
        %add3A_1294 = arith.addf %add3A_1278, %bitcast3A_1292 : vector<16xf32>
        %add3A_1295 = arith.addf %add3A_1279, %bitcast3A_1293 : vector<16xf32>
        %mul3A_1296 = arith.constant 4 : i32
        %mul3A_1297 = arith.muli %mul3A_1296, %scan3A_172 : i32
        %add3A_1298 = arith.constant 3 : i32
        %add3A_1299 = arith.addi %mul3A_1297, %add3A_1298 : i32
        %get3A_1300 = arith.constant 0 : i32
        %get3A_1301 = arith.index_cast %get3A_1300 : i32 to index
        %get3A_1302 = arith.index_cast %add3A_1299 : i32 to index
        %get3A_1303 = arith.constant 240 : index
        %get3A_1304 = tpu.vector_load %arg7[%get3A_1301, %get3A_1302, %get3A_1303] {strides = array<i32>} : memref<2x64x384xi32, #tpu.memory_space<vmem>>, vector<16xi32>,
        %shift_left3A_1305 = arith.constant 16 : i32
        %shift_left3A_1306 = vector.broadcast %shift_left3A_1305 : i32 to vector<16xi32>
        %shift_left3A_1307 = arith.shli %get3A_1304, %shift_left3A_1306 : vector<16xi32>
        %bitcast3A_1308 = vector.bitcast %shift_left3A_1307 : vector<16xi32> to vector<16xf32>
        %bitcast3A_1309 = vector.bitcast %get3A_1304 : vector<16xi32> to vector<16xf32>
        %add3A_1310 = arith.addf %add3A_1294, %bitcast3A_1308 : vector<16xf32>
        %add3A_1311 = arith.addf %add3A_1295, %bitcast3A_1309 : vector<16xf32>
        %swap3A_1312 = arith.constant 0 : i32
        %swap3A_1313 = arith.index_cast %swap3A_1312 : i32 to index
        %swap3A_1314 = arith.index_cast %scan3A_172 : i32 to index
        %swap3A_1315 = arith.constant 240 : index
        %swap3A_1316 = tpu.vector_load %arg8[%swap3A_1313, %swap3A_1314, %swap3A_1315] {strides = array<i32>} : memref<2x16x768xf32, #tpu.memory_space<vmem>>, vector<16xf32>,
        tpu.vector_store %arg8[%swap3A_1313, %swap3A_1314, %swap3A_1315], %add3A_1310 {strides = array<i32>} : memref<2x16x768xf32, #tpu.memory_space<vmem>>, vector<16xf32>,
        %swap3A_1317 = arith.constant 0 : i32
        %swap3A_1318 = arith.index_cast %swap3A_1317 : i32 to index
        %swap3A_1319 = arith.index_cast %scan3A_172 : i32 to index
        %swap3A_1320 = arith.constant 624 : index
        %swap3A_1321 = tpu.vector_load %arg8[%swap3A_1318, %swap3A_1319, %swap3A_1320] {strides = array<i32>} : memref<2x16x768xf32, #tpu.memory_space<vmem>>, vector<16xf32>,
        tpu.vector_store %arg8[%swap3A_1318, %swap3A_1319, %swap3A_1320], %add3A_1311 {strides = array<i32>} : memref<2x16x768xf32, #tpu.memory_space<vmem>>, vector<16xf32>,
        %mul3A_1322 = arith.constant 4 : i32
        %mul3A_1323 = arith.muli %mul3A_1322, %scan3A_172 : i32
        %add3A_1324 = arith.constant 0 : i32
        %add3A_1325 = arith.addi %mul3A_1323, %add3A_1324 : i32
        %get3A_1326 = arith.constant 0 : i32
        %get3A_1327 = arith.index_cast %get3A_1326 : i32 to index
        %get3A_1328 = arith.index_cast %add3A_1325 : i32 to index
        %get3A_1329 = arith.constant 256 : index
        %get3A_1330 = tpu.vector_load %arg7[%get3A_1327, %get3A_1328, %get3A_1329] {strides = array<i32>} : memref<2x64x384xi32, #tpu.memory_space<vmem>>, vector<16xi32>,
        %shift_left3A_1331 = arith.constant 16 : i32
        %shift_left3A_1332 = vector.broadcast %shift_left3A_1331 : i32 to vector<16xi32>
        %shift_left3A_1333 = arith.shli %get3A_1330, %shift_left3A_1332 : vector<16xi32>
        %bitcast3A_1334 = vector.bitcast %shift_left3A_1333 : vector<16xi32> to vector<16xf32>
        %bitcast3A_1335 = vector.bitcast %get3A_1330 : vector<16xi32> to vector<16xf32>
        %mul3A_1336 = arith.constant 4 : i32
        %mul3A_1337 = arith.muli %mul3A_1336, %scan3A_172 : i32
        %add3A_1338 = arith.constant 1 : i32
        %add3A_1339 = arith.addi %mul3A_1337, %add3A_1338 : i32
        %get3A_1340 = arith.constant 0 : i32
        %get3A_1341 = arith.index_cast %get3A_1340 : i32 to index
        %get3A_1342 = arith.index_cast %add3A_1339 : i32 to index
        %get3A_1343 = arith.constant 256 : index
        %get3A_1344 = tpu.vector_load %arg7[%get3A_1341, %get3A_1342, %get3A_1343] {strides = array<i32>} : memref<2x64x384xi32, #tpu.memory_space<vmem>>, vector<16xi32>,
        %shift_left3A_1345 = arith.constant 16 : i32
        %shift_left3A_1346 = vector.broadcast %shift_left3A_1345 : i32 to vector<16xi32>
        %shift_left3A_1347 = arith.shli %get3A_1344, %shift_left3A_1346 : vector<16xi32>
        %bitcast3A_1348 = vector.bitcast %shift_left3A_1347 : vector<16xi32> to vector<16xf32>
        %bitcast3A_1349 = vector.bitcast %get3A_1344 : vector<16xi32> to vector<16xf32>
        %add3A_1350 = arith.addf %bitcast3A_1334, %bitcast3A_1348 : vector<16xf32>
        %add3A_1351 = arith.addf %bitcast3A_1335, %bitcast3A_1349 : vector<16xf32>
        %mul3A_1352 = arith.constant 4 : i32
        %mul3A_1353 = arith.muli %mul3A_1352, %scan3A_172 : i32
        %add3A_1354 = arith.constant 2 : i32
        %add3A_1355 = arith.addi %mul3A_1353, %add3A_1354 : i32
        %get3A_1356 = arith.constant 0 : i32
        %get3A_1357 = arith.index_cast %get3A_1356 : i32 to index
        %get3A_1358 = arith.index_cast %add3A_1355 : i32 to index
        %get3A_1359 = arith.constant 256 : index
        %get3A_1360 = tpu.vector_load %arg7[%get3A_1357, %get3A_1358, %get3A_1359] {strides = array<i32>} : memref<2x64x384xi32, #tpu.memory_space<vmem>>, vector<16xi32>,
        %shift_left3A_1361 = arith.constant 16 : i32
        %shift_left3A_1362 = vector.broadcast %shift_left3A_1361 : i32 to vector<16xi32>
        %shift_left3A_1363 = arith.shli %get3A_1360, %shift_left3A_1362 : vector<16xi32>
        %bitcast3A_1364 = vector.bitcast %shift_left3A_1363 : vector<16xi32> to vector<16xf32>
        %bitcast3A_1365 = vector.bitcast %get3A_1360 : vector<16xi32> to vector<16xf32>
        %add3A_1366 = arith.addf %add3A_1350, %bitcast3A_1364 : vector<16xf32>
        %add3A_1367 = arith.addf %add3A_1351, %bitcast3A_1365 : vector<16xf32>
        %mul3A_1368 = arith.constant 4 : i32
        %mul3A_1369 = arith.muli %mul3A_1368, %scan3A_172 : i32
        %add3A_1370 = arith.constant 3 : i32
        %add3A_1371 = arith.addi %mul3A_1369, %add3A_1370 : i32
        %get3A_1372 = arith.constant 0 : i32
        %get3A_1373 = arith.index_cast %get3A_1372 : i32 to index
        %get3A_1374 = arith.index_cast %add3A_1371 : i32 to index
        %get3A_1375 = arith.constant 256 : index
        %get3A_1376 = tpu.vector_load %arg7[%get3A_1373, %get3A_1374, %get3A_1375] {strides = array<i32>} : memref<2x64x384xi32, #tpu.memory_space<vmem>>, vector<16xi32>,
        %shift_left3A_1377 = arith.constant 16 : i32
        %shift_left3A_1378 = vector.broadcast %shift_left3A_1377 : i32 to vector<16xi32>
        %shift_left3A_1379 = arith.shli %get3A_1376, %shift_left3A_1378 : vector<16xi32>
        %bitcast3A_1380 = vector.bitcast %shift_left3A_1379 : vector<16xi32> to vector<16xf32>
        %bitcast3A_1381 = vector.bitcast %get3A_1376 : vector<16xi32> to vector<16xf32>
        %add3A_1382 = arith.addf %add3A_1366, %bitcast3A_1380 : vector<16xf32>
        %add3A_1383 = arith.addf %add3A_1367, %bitcast3A_1381 : vector<16xf32>
        %swap3A_1384 = arith.constant 0 : i32
        %swap3A_1385 = arith.index_cast %swap3A_1384 : i32 to index
        %swap3A_1386 = arith.index_cast %scan3A_172 : i32 to index
        %swap3A_1387 = arith.constant 256 : index
        %swap3A_1388 = tpu.vector_load %arg8[%swap3A_1385, %swap3A_1386, %swap3A_1387] {strides = array<i32>} : memref<2x16x768xf32, #tpu.memory_space<vmem>>, vector<16xf32>,
        tpu.vector_store %arg8[%swap3A_1385, %swap3A_1386, %swap3A_1387], %add3A_1382 {strides = array<i32>} : memref<2x16x768xf32, #tpu.memory_space<vmem>>, vector<16xf32>,
        %swap3A_1389 = arith.constant 0 : i32
        %swap3A_1390 = arith.index_cast %swap3A_1389 : i32 to index
        %swap3A_1391 = arith.index_cast %scan3A_172 : i32 to index
        %swap3A_1392 = arith.constant 640 : index
        %swap3A_1393 = tpu.vector_load %arg8[%swap3A_1390, %swap3A_1391, %swap3A_1392] {strides = array<i32>} : memref<2x16x768xf32, #tpu.memory_space<vmem>>, vector<16xf32>,
        tpu.vector_store %arg8[%swap3A_1390, %swap3A_1391, %swap3A_1392], %add3A_1383 {strides = array<i32>} : memref<2x16x768xf32, #tpu.memory_space<vmem>>, vector<16xf32>,
        %mul3A_1394 = arith.constant 4 : i32
        %mul3A_1395 = arith.muli %mul3A_1394, %scan3A_172 : i32
        %add3A_1396 = arith.constant 0 : i32
        %add3A_1397 = arith.addi %mul3A_1395, %add3A_1396 : i32
        %get3A_1398 = arith.constant 0 : i32
        %get3A_1399 = arith.index_cast %get3A_1398 : i32 to index
        %get3A_1400 = arith.index_cast %add3A_1397 : i32 to index
        %get3A_1401 = arith.constant 272 : index
        %get3A_1402 = tpu.vector_load %arg7[%get3A_1399, %get3A_1400, %get3A_1401] {strides = array<i32>} : memref<2x64x384xi32, #tpu.memory_space<vmem>>, vector<16xi32>,
        %shift_left3A_1403 = arith.constant 16 : i32
        %shift_left3A_1404 = vector.broadcast %shift_left3A_1403 : i32 to vector<16xi32>
        %shift_left3A_1405 = arith.shli %get3A_1402, %shift_left3A_1404 : vector<16xi32>
        %bitcast3A_1406 = vector.bitcast %shift_left3A_1405 : vector<16xi32> to vector<16xf32>
        %bitcast3A_1407 = vector.bitcast %get3A_1402 : vector<16xi32> to vector<16xf32>
        %mul3A_1408 = arith.constant 4 : i32
        %mul3A_1409 = arith.muli %mul3A_1408, %scan3A_172 : i32
        %add3A_1410 = arith.constant 1 : i32
        %add3A_1411 = arith.addi %mul3A_1409, %add3A_1410 : i32
        %get3A_1412 = arith.constant 0 : i32
        %get3A_1413 = arith.index_cast %get3A_1412 : i32 to index
        %get3A_1414 = arith.index_cast %add3A_1411 : i32 to index
        %get3A_1415 = arith.constant 272 : index
        %get3A_1416 = tpu.vector_load %arg7[%get3A_1413, %get3A_1414, %get3A_1415] {strides = array<i32>} : memref<2x64x384xi32, #tpu.memory_space<vmem>>, vector<16xi32>,
        %shift_left3A_1417 = arith.constant 16 : i32
        %shift_left3A_1418 = vector.broadcast %shift_left3A_1417 : i32 to vector<16xi32>
        %shift_left3A_1419 = arith.shli %get3A_1416, %shift_left3A_1418 : vector<16xi32>
        %bitcast3A_1420 = vector.bitcast %shift_left3A_1419 : vector<16xi32> to vector<16xf32>
        %bitcast3A_1421 = vector.bitcast %get3A_1416 : vector<16xi32> to vector<16xf32>
        %add3A_1422 = arith.addf %bitcast3A_1406, %bitcast3A_1420 : vector<16xf32>
        %add3A_1423 = arith.addf %bitcast3A_1407, %bitcast3A_1421 : vector<16xf32>
        %mul3A_1424 = arith.constant 4 : i32
        %mul3A_1425 = arith.muli %mul3A_1424, %scan3A_172 : i32
        %add3A_1426 = arith.constant 2 : i32
        %add3A_1427 = arith.addi %mul3A_1425, %add3A_1426 : i32
        %get3A_1428 = arith.constant 0 : i32
        %get3A_1429 = arith.index_cast %get3A_1428 : i32 to index
        %get3A_1430 = arith.index_cast %add3A_1427 : i32 to index
        %get3A_1431 = arith.constant 272 : index
        %get3A_1432 = tpu.vector_load %arg7[%get3A_1429, %get3A_1430, %get3A_1431] {strides = array<i32>} : memref<2x64x384xi32, #tpu.memory_space<vmem>>, vector<16xi32>,
        %shift_left3A_1433 = arith.constant 16 : i32
        %shift_left3A_1434 = vector.broadcast %shift_left3A_1433 : i32 to vector<16xi32>
        %shift_left3A_1435 = arith.shli %get3A_1432, %shift_left3A_1434 : vector<16xi32>
        %bitcast3A_1436 = vector.bitcast %shift_left3A_1435 : vector<16xi32> to vector<16xf32>
        %bitcast3A_1437 = vector.bitcast %get3A_1432 : vector<16xi32> to vector<16xf32>
        %add3A_1438 = arith.addf %add3A_1422, %bitcast3A_1436 : vector<16xf32>
        %add3A_1439 = arith.addf %add3A_1423, %bitcast3A_1437 : vector<16xf32>
        %mul3A_1440 = arith.constant 4 : i32
        %mul3A_1441 = arith.muli %mul3A_1440, %scan3A_172 : i32
        %add3A_1442 = arith.constant 3 : i32
        %add3A_1443 = arith.addi %mul3A_1441, %add3A_1442 : i32
        %get3A_1444 = arith.constant 0 : i32
        %get3A_1445 = arith.index_cast %get3A_1444 : i32 to index
        %get3A_1446 = arith.index_cast %add3A_1443 : i32 to index
        %get3A_1447 = arith.constant 272 : index
        %get3A_1448 = tpu.vector_load %arg7[%get3A_1445, %get3A_1446, %get3A_1447] {strides = array<i32>} : memref<2x64x384xi32, #tpu.memory_space<vmem>>, vector<16xi32>,
        %shift_left3A_1449 = arith.constant 16 : i32
        %shift_left3A_1450 = vector.broadcast %shift_left3A_1449 : i32 to vector<16xi32>
        %shift_left3A_1451 = arith.shli %get3A_1448, %shift_left3A_1450 : vector<16xi32>
        %bitcast3A_1452 = vector.bitcast %shift_left3A_1451 : vector<16xi32> to vector<16xf32>
        %bitcast3A_1453 = vector.bitcast %get3A_1448 : vector<16xi32> to vector<16xf32>
        %add3A_1454 = arith.addf %add3A_1438, %bitcast3A_1452 : vector<16xf32>
        %add3A_1455 = arith.addf %add3A_1439, %bitcast3A_1453 : vector<16xf32>
        %swap3A_1456 = arith.constant 0 : i32
        %swap3A_1457 = arith.index_cast %swap3A_1456 : i32 to index
        %swap3A_1458 = arith.index_cast %scan3A_172 : i32 to index
        %swap3A_1459 = arith.constant 272 : index
        %swap3A_1460 = tpu.vector_load %arg8[%swap3A_1457, %swap3A_1458, %swap3A_1459] {strides = array<i32>} : memref<2x16x768xf32, #tpu.memory_space<vmem>>, vector<16xf32>,
        tpu.vector_store %arg8[%swap3A_1457, %swap3A_1458, %swap3A_1459], %add3A_1454 {strides = array<i32>} : memref<2x16x768xf32, #tpu.memory_space<vmem>>, vector<16xf32>,
        %swap3A_1461 = arith.constant 0 : i32
        %swap3A_1462 = arith.index_cast %swap3A_1461 : i32 to index
        %swap3A_1463 = arith.index_cast %scan3A_172 : i32 to index
        %swap3A_1464 = arith.constant 656 : index
        %swap3A_1465 = tpu.vector_load %arg8[%swap3A_1462, %swap3A_1463, %swap3A_1464] {strides = array<i32>} : memref<2x16x768xf32, #tpu.memory_space<vmem>>, vector<16xf32>,
        tpu.vector_store %arg8[%swap3A_1462, %swap3A_1463, %swap3A_1464], %add3A_1455 {strides = array<i32>} : memref<2x16x768xf32, #tpu.memory_space<vmem>>, vector<16xf32>,
        %mul3A_1466 = arith.constant 4 : i32
        %mul3A_1467 = arith.muli %mul3A_1466, %scan3A_172 : i32
        %add3A_1468 = arith.constant 0 : i32
        %add3A_1469 = arith.addi %mul3A_1467, %add3A_1468 : i32
        %get3A_1470 = arith.constant 0 : i32
        %get3A_1471 = arith.index_cast %get3A_1470 : i32 to index
        %get3A_1472 = arith.index_cast %add3A_1469 : i32 to index
        %get3A_1473 = arith.constant 288 : index
        %get3A_1474 = tpu.vector_load %arg7[%get3A_1471, %get3A_1472, %get3A_1473] {strides = array<i32>} : memref<2x64x384xi32, #tpu.memory_space<vmem>>, vector<16xi32>,
        %shift_left3A_1475 = arith.constant 16 : i32
        %shift_left3A_1476 = vector.broadcast %shift_left3A_1475 : i32 to vector<16xi32>
        %shift_left3A_1477 = arith.shli %get3A_1474, %shift_left3A_1476 : vector<16xi32>
        %bitcast3A_1478 = vector.bitcast %shift_left3A_1477 : vector<16xi32> to vector<16xf32>
        %bitcast3A_1479 = vector.bitcast %get3A_1474 : vector<16xi32> to vector<16xf32>
        %mul3A_1480 = arith.constant 4 : i32
        %mul3A_1481 = arith.muli %mul3A_1480, %scan3A_172 : i32
        %add3A_1482 = arith.constant 1 : i32
        %add3A_1483 = arith.addi %mul3A_1481, %add3A_1482 : i32
        %get3A_1484 = arith.constant 0 : i32
        %get3A_1485 = arith.index_cast %get3A_1484 : i32 to index
        %get3A_1486 = arith.index_cast %add3A_1483 : i32 to index
        %get3A_1487 = arith.constant 288 : index
        %get3A_1488 = tpu.vector_load %arg7[%get3A_1485, %get3A_1486, %get3A_1487] {strides = array<i32>} : memref<2x64x384xi32, #tpu.memory_space<vmem>>, vector<16xi32>,
        %shift_left3A_1489 = arith.constant 16 : i32
        %shift_left3A_1490 = vector.broadcast %shift_left3A_1489 : i32 to vector<16xi32>
        %shift_left3A_1491 = arith.shli %get3A_1488, %shift_left3A_1490 : vector<16xi32>
        %bitcast3A_1492 = vector.bitcast %shift_left3A_1491 : vector<16xi32> to vector<16xf32>
        %bitcast3A_1493 = vector.bitcast %get3A_1488 : vector<16xi32> to vector<16xf32>
        %add3A_1494 = arith.addf %bitcast3A_1478, %bitcast3A_1492 : vector<16xf32>
        %add3A_1495 = arith.addf %bitcast3A_1479, %bitcast3A_1493 : vector<16xf32>
        %mul3A_1496 = arith.constant 4 : i32
        %mul3A_1497 = arith.muli %mul3A_1496, %scan3A_172 : i32
        %add3A_1498 = arith.constant 2 : i32
        %add3A_1499 = arith.addi %mul3A_1497, %add3A_1498 : i32
        %get3A_1500 = arith.constant 0 : i32
        %get3A_1501 = arith.index_cast %get3A_1500 : i32 to index
        %get3A_1502 = arith.index_cast %add3A_1499 : i32 to index
        %get3A_1503 = arith.constant 288 : index
        %get3A_1504 = tpu.vector_load %arg7[%get3A_1501, %get3A_1502, %get3A_1503] {strides = array<i32>} : memref<2x64x384xi32, #tpu.memory_space<vmem>>, vector<16xi32>,
        %shift_left3A_1505 = arith.constant 16 : i32
        %shift_left3A_1506 = vector.broadcast %shift_left3A_1505 : i32 to vector<16xi32>
        %shift_left3A_1507 = arith.shli %get3A_1504, %shift_left3A_1506 : vector<16xi32>
        %bitcast3A_1508 = vector.bitcast %shift_left3A_1507 : vector<16xi32> to vector<16xf32>
        %bitcast3A_1509 = vector.bitcast %get3A_1504 : vector<16xi32> to vector<16xf32>
        %add3A_1510 = arith.addf %add3A_1494, %bitcast3A_1508 : vector<16xf32>
        %add3A_1511 = arith.addf %add3A_1495, %bitcast3A_1509 : vector<16xf32>
        %mul3A_1512 = arith.constant 4 : i32
        %mul3A_1513 = arith.muli %mul3A_1512, %scan3A_172 : i32
        %add3A_1514 = arith.constant 3 : i32
        %add3A_1515 = arith.addi %mul3A_1513, %add3A_1514 : i32
        %get3A_1516 = arith.constant 0 : i32
        %get3A_1517 = arith.index_cast %get3A_1516 : i32 to index
        %get3A_1518 = arith.index_cast %add3A_1515 : i32 to index
        %get3A_1519 = arith.constant 288 : index
        %get3A_1520 = tpu.vector_load %arg7[%get3A_1517, %get3A_1518, %get3A_1519] {strides = array<i32>} : memref<2x64x384xi32, #tpu.memory_space<vmem>>, vector<16xi32>,
        %shift_left3A_1521 = arith.constant 16 : i32
        %shift_left3A_1522 = vector.broadcast %shift_left3A_1521 : i32 to vector<16xi32>
        %shift_left3A_1523 = arith.shli %get3A_1520, %shift_left3A_1522 : vector<16xi32>
        %bitcast3A_1524 = vector.bitcast %shift_left3A_1523 : vector<16xi32> to vector<16xf32>
        %bitcast3A_1525 = vector.bitcast %get3A_1520 : vector<16xi32> to vector<16xf32>
        %add3A_1526 = arith.addf %add3A_1510, %bitcast3A_1524 : vector<16xf32>
        %add3A_1527 = arith.addf %add3A_1511, %bitcast3A_1525 : vector<16xf32>
        %swap3A_1528 = arith.constant 0 : i32
        %swap3A_1529 = arith.index_cast %swap3A_1528 : i32 to index
        %swap3A_1530 = arith.index_cast %scan3A_172 : i32 to index
        %swap3A_1531 = arith.constant 288 : index
        %swap3A_1532 = tpu.vector_load %arg8[%swap3A_1529, %swap3A_1530, %swap3A_1531] {strides = array<i32>} : memref<2x16x768xf32, #tpu.memory_space<vmem>>, vector<16xf32>,
        tpu.vector_store %arg8[%swap3A_1529, %swap3A_1530, %swap3A_1531], %add3A_1526 {strides = array<i32>} : memref<2x16x768xf32, #tpu.memory_space<vmem>>, vector<16xf32>,
        %swap3A_1533 = arith.constant 0 : i32
        %swap3A_1534 = arith.index_cast %swap3A_1533 : i32 to index
        %swap3A_1535 = arith.index_cast %scan3A_172 : i32 to index
        %swap3A_1536 = arith.constant 672 : index
        %swap3A_1537 = tpu.vector_load %arg8[%swap3A_1534, %swap3A_1535, %swap3A_1536] {strides = array<i32>} : memref<2x16x768xf32, #tpu.memory_space<vmem>>, vector<16xf32>,
        tpu.vector_store %arg8[%swap3A_1534, %swap3A_1535, %swap3A_1536], %add3A_1527 {strides = array<i32>} : memref<2x16x768xf32, #tpu.memory_space<vmem>>, vector<16xf32>,
        %mul3A_1538 = arith.constant 4 : i32
        %mul3A_1539 = arith.muli %mul3A_1538, %scan3A_172 : i32
        %add3A_1540 = arith.constant 0 : i32
        %add3A_1541 = arith.addi %mul3A_1539, %add3A_1540 : i32
        %get3A_1542 = arith.constant 0 : i32
        %get3A_1543 = arith.index_cast %get3A_1542 : i32 to index
        %get3A_1544 = arith.index_cast %add3A_1541 : i32 to index
        %get3A_1545 = arith.constant 304 : index
        %get3A_1546 = tpu.vector_load %arg7[%get3A_1543, %get3A_1544, %get3A_1545] {strides = array<i32>} : memref<2x64x384xi32, #tpu.memory_space<vmem>>, vector<16xi32>,
        %shift_left3A_1547 = arith.constant 16 : i32
        %shift_left3A_1548 = vector.broadcast %shift_left3A_1547 : i32 to vector<16xi32>
        %shift_left3A_1549 = arith.shli %get3A_1546, %shift_left3A_1548 : vector<16xi32>
        %bitcast3A_1550 = vector.bitcast %shift_left3A_1549 : vector<16xi32> to vector<16xf32>
        %bitcast3A_1551 = vector.bitcast %get3A_1546 : vector<16xi32> to vector<16xf32>
        %mul3A_1552 = arith.constant 4 : i32
        %mul3A_1553 = arith.muli %mul3A_1552, %scan3A_172 : i32
        %add3A_1554 = arith.constant 1 : i32
        %add3A_1555 = arith.addi %mul3A_1553, %add3A_1554 : i32
        %get3A_1556 = arith.constant 0 : i32
        %get3A_1557 = arith.index_cast %get3A_1556 : i32 to index
        %get3A_1558 = arith.index_cast %add3A_1555 : i32 to index
        %get3A_1559 = arith.constant 304 : index
        %get3A_1560 = tpu.vector_load %arg7[%get3A_1557, %get3A_1558, %get3A_1559] {strides = array<i32>} : memref<2x64x384xi32, #tpu.memory_space<vmem>>, vector<16xi32>,
        %shift_left3A_1561 = arith.constant 16 : i32
        %shift_left3A_1562 = vector.broadcast %shift_left3A_1561 : i32 to vector<16xi32>
        %shift_left3A_1563 = arith.shli %get3A_1560, %shift_left3A_1562 : vector<16xi32>
        %bitcast3A_1564 = vector.bitcast %shift_left3A_1563 : vector<16xi32> to vector<16xf32>
        %bitcast3A_1565 = vector.bitcast %get3A_1560 : vector<16xi32> to vector<16xf32>
        %add3A_1566 = arith.addf %bitcast3A_1550, %bitcast3A_1564 : vector<16xf32>
        %add3A_1567 = arith.addf %bitcast3A_1551, %bitcast3A_1565 : vector<16xf32>
        %mul3A_1568 = arith.constant 4 : i32
        %mul3A_1569 = arith.muli %mul3A_1568, %scan3A_172 : i32
        %add3A_1570 = arith.constant 2 : i32
        %add3A_1571 = arith.addi %mul3A_1569, %add3A_1570 : i32
        %get3A_1572 = arith.constant 0 : i32
        %get3A_1573 = arith.index_cast %get3A_1572 : i32 to index
        %get3A_1574 = arith.index_cast %add3A_1571 : i32 to index
        %get3A_1575 = arith.constant 304 : index
        %get3A_1576 = tpu.vector_load %arg7[%get3A_1573, %get3A_1574, %get3A_1575] {strides = array<i32>} : memref<2x64x384xi32, #tpu.memory_space<vmem>>, vector<16xi32>,
        %shift_left3A_1577 = arith.constant 16 : i32
        %shift_left3A_1578 = vector.broadcast %shift_left3A_1577 : i32 to vector<16xi32>
        %shift_left3A_1579 = arith.shli %get3A_1576, %shift_left3A_1578 : vector<16xi32>
        %bitcast3A_1580 = vector.bitcast %shift_left3A_1579 : vector<16xi32> to vector<16xf32>
        %bitcast3A_1581 = vector.bitcast %get3A_1576 : vector<16xi32> to vector<16xf32>
        %add3A_1582 = arith.addf %add3A_1566, %bitcast3A_1580 : vector<16xf32>
        %add3A_1583 = arith.addf %add3A_1567, %bitcast3A_1581 : vector<16xf32>
        %mul3A_1584 = arith.constant 4 : i32
        %mul3A_1585 = arith.muli %mul3A_1584, %scan3A_172 : i32
        %add3A_1586 = arith.constant 3 : i32
        %add3A_1587 = arith.addi %mul3A_1585, %add3A_1586 : i32
        %get3A_1588 = arith.constant 0 : i32
        %get3A_1589 = arith.index_cast %get3A_1588 : i32 to index
        %get3A_1590 = arith.index_cast %add3A_1587 : i32 to index
        %get3A_1591 = arith.constant 304 : index
        %get3A_1592 = tpu.vector_load %arg7[%get3A_1589, %get3A_1590, %get3A_1591] {strides = array<i32>} : memref<2x64x384xi32, #tpu.memory_space<vmem>>, vector<16xi32>,
        %shift_left3A_1593 = arith.constant 16 : i32
        %shift_left3A_1594 = vector.broadcast %shift_left3A_1593 : i32 to vector<16xi32>
        %shift_left3A_1595 = arith.shli %get3A_1592, %shift_left3A_1594 : vector<16xi32>
        %bitcast3A_1596 = vector.bitcast %shift_left3A_1595 : vector<16xi32> to vector<16xf32>
        %bitcast3A_1597 = vector.bitcast %get3A_1592 : vector<16xi32> to vector<16xf32>
        %add3A_1598 = arith.addf %add3A_1582, %bitcast3A_1596 : vector<16xf32>
        %add3A_1599 = arith.addf %add3A_1583, %bitcast3A_1597 : vector<16xf32>
        %swap3A_1600 = arith.constant 0 : i32
        %swap3A_1601 = arith.index_cast %swap3A_1600 : i32 to index
        %swap3A_1602 = arith.index_cast %scan3A_172 : i32 to index
        %swap3A_1603 = arith.constant 304 : index
        %swap3A_1604 = tpu.vector_load %arg8[%swap3A_1601, %swap3A_1602, %swap3A_1603] {strides = array<i32>} : memref<2x16x768xf32, #tpu.memory_space<vmem>>, vector<16xf32>,
        tpu.vector_store %arg8[%swap3A_1601, %swap3A_1602, %swap3A_1603], %add3A_1598 {strides = array<i32>} : memref<2x16x768xf32, #tpu.memory_space<vmem>>, vector<16xf32>,
        %swap3A_1605 = arith.constant 0 : i32
        %swap3A_1606 = arith.index_cast %swap3A_1605 : i32 to index
        %swap3A_1607 = arith.index_cast %scan3A_172 : i32 to index
        %swap3A_1608 = arith.constant 688 : index
        %swap3A_1609 = tpu.vector_load %arg8[%swap3A_1606, %swap3A_1607, %swap3A_1608] {strides = array<i32>} : memref<2x16x768xf32, #tpu.memory_space<vmem>>, vector<16xf32>,
        tpu.vector_store %arg8[%swap3A_1606, %swap3A_1607, %swap3A_1608], %add3A_1599 {strides = array<i32>} : memref<2x16x768xf32, #tpu.memory_space<vmem>>, vector<16xf32>,
        %mul3A_1610 = arith.constant 4 : i32
        %mul3A_1611 = arith.muli %mul3A_1610, %scan3A_172 : i32
        %add3A_1612 = arith.constant 0 : i32
        %add3A_1613 = arith.addi %mul3A_1611, %add3A_1612 : i32
        %get3A_1614 = arith.constant 0 : i32
        %get3A_1615 = arith.index_cast %get3A_1614 : i32 to index
        %get3A_1616 = arith.index_cast %add3A_1613 : i32 to index
        %get3A_1617 = arith.constant 320 : index
        %get3A_1618 = tpu.vector_load %arg7[%get3A_1615, %get3A_1616, %get3A_1617] {strides = array<i32>} : memref<2x64x384xi32, #tpu.memory_space<vmem>>, vector<16xi32>,
        %shift_left3A_1619 = arith.constant 16 : i32
        %shift_left3A_1620 = vector.broadcast %shift_left3A_1619 : i32 to vector<16xi32>
        %shift_left3A_1621 = arith.shli %get3A_1618, %shift_left3A_1620 : vector<16xi32>
        %bitcast3A_1622 = vector.bitcast %shift_left3A_1621 : vector<16xi32> to vector<16xf32>
        %bitcast3A_1623 = vector.bitcast %get3A_1618 : vector<16xi32> to vector<16xf32>
        %mul3A_1624 = arith.constant 4 : i32
        %mul3A_1625 = arith.muli %mul3A_1624, %scan3A_172 : i32
        %add3A_1626 = arith.constant 1 : i32
        %add3A_1627 = arith.addi %mul3A_1625, %add3A_1626 : i32
        %get3A_1628 = arith.constant 0 : i32
        %get3A_1629 = arith.index_cast %get3A_1628 : i32 to index
        %get3A_1630 = arith.index_cast %add3A_1627 : i32 to index
        %get3A_1631 = arith.constant 320 : index
        %get3A_1632 = tpu.vector_load %arg7[%get3A_1629, %get3A_1630, %get3A_1631] {strides = array<i32>} : memref<2x64x384xi32, #tpu.memory_space<vmem>>, vector<16xi32>,
        %shift_left3A_1633 = arith.constant 16 : i32
        %shift_left3A_1634 = vector.broadcast %shift_left3A_1633 : i32 to vector<16xi32>
        %shift_left3A_1635 = arith.shli %get3A_1632, %shift_left3A_1634 : vector<16xi32>
        %bitcast3A_1636 = vector.bitcast %shift_left3A_1635 : vector<16xi32> to vector<16xf32>
        %bitcast3A_1637 = vector.bitcast %get3A_1632 : vector<16xi32> to vector<16xf32>
        %add3A_1638 = arith.addf %bitcast3A_1622, %bitcast3A_1636 : vector<16xf32>
        %add3A_1639 = arith.addf %bitcast3A_1623, %bitcast3A_1637 : vector<16xf32>
        %mul3A_1640 = arith.constant 4 : i32
        %mul3A_1641 = arith.muli %mul3A_1640, %scan3A_172 : i32
        %add3A_1642 = arith.constant 2 : i32
        %add3A_1643 = arith.addi %mul3A_1641, %add3A_1642 : i32
        %get3A_1644 = arith.constant 0 : i32
        %get3A_1645 = arith.index_cast %get3A_1644 : i32 to index
        %get3A_1646 = arith.index_cast %add3A_1643 : i32 to index
        %get3A_1647 = arith.constant 320 : index
        %get3A_1648 = tpu.vector_load %arg7[%get3A_1645, %get3A_1646, %get3A_1647] {strides = array<i32>} : memref<2x64x384xi32, #tpu.memory_space<vmem>>, vector<16xi32>,
        %shift_left3A_1649 = arith.constant 16 : i32
        %shift_left3A_1650 = vector.broadcast %shift_left3A_1649 : i32 to vector<16xi32>
        %shift_left3A_1651 = arith.shli %get3A_1648, %shift_left3A_1650 : vector<16xi32>
        %bitcast3A_1652 = vector.bitcast %shift_left3A_1651 : vector<16xi32> to vector<16xf32>
        %bitcast3A_1653 = vector.bitcast %get3A_1648 : vector<16xi32> to vector<16xf32>
        %add3A_1654 = arith.addf %add3A_1638, %bitcast3A_1652 : vector<16xf32>
        %add3A_1655 = arith.addf %add3A_1639, %bitcast3A_1653 : vector<16xf32>
        %mul3A_1656 = arith.constant 4 : i32
        %mul3A_1657 = arith.muli %mul3A_1656, %scan3A_172 : i32
        %add3A_1658 = arith.constant 3 : i32
        %add3A_1659 = arith.addi %mul3A_1657, %add3A_1658 : i32
        %get3A_1660 = arith.constant 0 : i32
        %get3A_1661 = arith.index_cast %get3A_1660 : i32 to index
        %get3A_1662 = arith.index_cast %add3A_1659 : i32 to index
        %get3A_1663 = arith.constant 320 : index
        %get3A_1664 = tpu.vector_load %arg7[%get3A_1661, %get3A_1662, %get3A_1663] {strides = array<i32>} : memref<2x64x384xi32, #tpu.memory_space<vmem>>, vector<16xi32>,
        %shift_left3A_1665 = arith.constant 16 : i32
        %shift_left3A_1666 = vector.broadcast %shift_left3A_1665 : i32 to vector<16xi32>
        %shift_left3A_1667 = arith.shli %get3A_1664, %shift_left3A_1666 : vector<16xi32>
        %bitcast3A_1668 = vector.bitcast %shift_left3A_1667 : vector<16xi32> to vector<16xf32>
        %bitcast3A_1669 = vector.bitcast %get3A_1664 : vector<16xi32> to vector<16xf32>
        %add3A_1670 = arith.addf %add3A_1654, %bitcast3A_1668 : vector<16xf32>
        %add3A_1671 = arith.addf %add3A_1655, %bitcast3A_1669 : vector<16xf32>
        %swap3A_1672 = arith.constant 0 : i32
        %swap3A_1673 = arith.index_cast %swap3A_1672 : i32 to index
        %swap3A_1674 = arith.index_cast %scan3A_172 : i32 to index
        %swap3A_1675 = arith.constant 320 : index
        %swap3A_1676 = tpu.vector_load %arg8[%swap3A_1673, %swap3A_1674, %swap3A_1675] {strides = array<i32>} : memref<2x16x768xf32, #tpu.memory_space<vmem>>, vector<16xf32>,
        tpu.vector_store %arg8[%swap3A_1673, %swap3A_1674, %swap3A_1675], %add3A_1670 {strides = array<i32>} : memref<2x16x768xf32, #tpu.memory_space<vmem>>, vector<16xf32>,
        %swap3A_1677 = arith.constant 0 : i32
        %swap3A_1678 = arith.index_cast %swap3A_1677 : i32 to index
        %swap3A_1679 = arith.index_cast %scan3A_172 : i32 to index
        %swap3A_1680 = arith.constant 704 : index
        %swap3A_1681 = tpu.vector_load %arg8[%swap3A_1678, %swap3A_1679, %swap3A_1680] {strides = array<i32>} : memref<2x16x768xf32, #tpu.memory_space<vmem>>, vector<16xf32>,
        tpu.vector_store %arg8[%swap3A_1678, %swap3A_1679, %swap3A_1680], %add3A_1671 {strides = array<i32>} : memref<2x16x768xf32, #tpu.memory_space<vmem>>, vector<16xf32>,
        %mul3A_1682 = arith.constant 4 : i32
        %mul3A_1683 = arith.muli %mul3A_1682, %scan3A_172 : i32
        %add3A_1684 = arith.constant 0 : i32
        %add3A_1685 = arith.addi %mul3A_1683, %add3A_1684 : i32
        %get3A_1686 = arith.constant 0 : i32
        %get3A_1687 = arith.index_cast %get3A_1686 : i32 to index
        %get3A_1688 = arith.index_cast %add3A_1685 : i32 to index
        %get3A_1689 = arith.constant 336 : index
        %get3A_1690 = tpu.vector_load %arg7[%get3A_1687, %get3A_1688, %get3A_1689] {strides = array<i32>} : memref<2x64x384xi32, #tpu.memory_space<vmem>>, vector<16xi32>,
        %shift_left3A_1691 = arith.constant 16 : i32
        %shift_left3A_1692 = vector.broadcast %shift_left3A_1691 : i32 to vector<16xi32>
        %shift_left3A_1693 = arith.shli %get3A_1690, %shift_left3A_1692 : vector<16xi32>
        %bitcast3A_1694 = vector.bitcast %shift_left3A_1693 : vector<16xi32> to vector<16xf32>
        %bitcast3A_1695 = vector.bitcast %get3A_1690 : vector<16xi32> to vector<16xf32>
        %mul3A_1696 = arith.constant 4 : i32
        %mul3A_1697 = arith.muli %mul3A_1696, %scan3A_172 : i32
        %add3A_1698 = arith.constant 1 : i32
        %add3A_1699 = arith.addi %mul3A_1697, %add3A_1698 : i32
        %get3A_1700 = arith.constant 0 : i32
        %get3A_1701 = arith.index_cast %get3A_1700 : i32 to index
        %get3A_1702 = arith.index_cast %add3A_1699 : i32 to index
        %get3A_1703 = arith.constant 336 : index
        %get3A_1704 = tpu.vector_load %arg7[%get3A_1701, %get3A_1702, %get3A_1703] {strides = array<i32>} : memref<2x64x384xi32, #tpu.memory_space<vmem>>, vector<16xi32>,
        %shift_left3A_1705 = arith.constant 16 : i32
        %shift_left3A_1706 = vector.broadcast %shift_left3A_1705 : i32 to vector<16xi32>
        %shift_left3A_1707 = arith.shli %get3A_1704, %shift_left3A_1706 : vector<16xi32>
        %bitcast3A_1708 = vector.bitcast %shift_left3A_1707 : vector<16xi32> to vector<16xf32>
        %bitcast3A_1709 = vector.bitcast %get3A_1704 : vector<16xi32> to vector<16xf32>
        %add3A_1710 = arith.addf %bitcast3A_1694, %bitcast3A_1708 : vector<16xf32>
        %add3A_1711 = arith.addf %bitcast3A_1695, %bitcast3A_1709 : vector<16xf32>
        %mul3A_1712 = arith.constant 4 : i32
        %mul3A_1713 = arith.muli %mul3A_1712, %scan3A_172 : i32
        %add3A_1714 = arith.constant 2 : i32
        %add3A_1715 = arith.addi %mul3A_1713, %add3A_1714 : i32
        %get3A_1716 = arith.constant 0 : i32
        %get3A_1717 = arith.index_cast %get3A_1716 : i32 to index
        %get3A_1718 = arith.index_cast %add3A_1715 : i32 to index
        %get3A_1719 = arith.constant 336 : index
        %get3A_1720 = tpu.vector_load %arg7[%get3A_1717, %get3A_1718, %get3A_1719] {strides = array<i32>} : memref<2x64x384xi32, #tpu.memory_space<vmem>>, vector<16xi32>,
        %shift_left3A_1721 = arith.constant 16 : i32
        %shift_left3A_1722 = vector.broadcast %shift_left3A_1721 : i32 to vector<16xi32>
        %shift_left3A_1723 = arith.shli %get3A_1720, %shift_left3A_1722 : vector<16xi32>
        %bitcast3A_1724 = vector.bitcast %shift_left3A_1723 : vector<16xi32> to vector<16xf32>
        %bitcast3A_1725 = vector.bitcast %get3A_1720 : vector<16xi32> to vector<16xf32>
        %add3A_1726 = arith.addf %add3A_1710, %bitcast3A_1724 : vector<16xf32>
        %add3A_1727 = arith.addf %add3A_1711, %bitcast3A_1725 : vector<16xf32>
        %mul3A_1728 = arith.constant 4 : i32
        %mul3A_1729 = arith.muli %mul3A_1728, %scan3A_172 : i32
        %add3A_1730 = arith.constant 3 : i32
        %add3A_1731 = arith.addi %mul3A_1729, %add3A_1730 : i32
        %get3A_1732 = arith.constant 0 : i32
        %get3A_1733 = arith.index_cast %get3A_1732 : i32 to index
        %get3A_1734 = arith.index_cast %add3A_1731 : i32 to index
        %get3A_1735 = arith.constant 336 : index
        %get3A_1736 = tpu.vector_load %arg7[%get3A_1733, %get3A_1734, %get3A_1735] {strides = array<i32>} : memref<2x64x384xi32, #tpu.memory_space<vmem>>, vector<16xi32>,
        %shift_left3A_1737 = arith.constant 16 : i32
        %shift_left3A_1738 = vector.broadcast %shift_left3A_1737 : i32 to vector<16xi32>
        %shift_left3A_1739 = arith.shli %get3A_1736, %shift_left3A_1738 : vector<16xi32>
        %bitcast3A_1740 = vector.bitcast %shift_left3A_1739 : vector<16xi32> to vector<16xf32>
        %bitcast3A_1741 = vector.bitcast %get3A_1736 : vector<16xi32> to vector<16xf32>
        %add3A_1742 = arith.addf %add3A_1726, %bitcast3A_1740 : vector<16xf32>
        %add3A_1743 = arith.addf %add3A_1727, %bitcast3A_1741 : vector<16xf32>
        %swap3A_1744 = arith.constant 0 : i32
        %swap3A_1745 = arith.index_cast %swap3A_1744 : i32 to index
        %swap3A_1746 = arith.index_cast %scan3A_172 : i32 to index
        %swap3A_1747 = arith.constant 336 : index
        %swap3A_1748 = tpu.vector_load %arg8[%swap3A_1745, %swap3A_1746, %swap3A_1747] {strides = array<i32>} : memref<2x16x768xf32, #tpu.memory_space<vmem>>, vector<16xf32>,
        tpu.vector_store %arg8[%swap3A_1745, %swap3A_1746, %swap3A_1747], %add3A_1742 {strides = array<i32>} : memref<2x16x768xf32, #tpu.memory_space<vmem>>, vector<16xf32>,
        %swap3A_1749 = arith.constant 0 : i32
        %swap3A_1750 = arith.index_cast %swap3A_1749 : i32 to index
        %swap3A_1751 = arith.index_cast %scan3A_172 : i32 to index
        %swap3A_1752 = arith.constant 720 : index
        %swap3A_1753 = tpu.vector_load %arg8[%swap3A_1750, %swap3A_1751, %swap3A_1752] {strides = array<i32>} : memref<2x16x768xf32, #tpu.memory_space<vmem>>, vector<16xf32>,
        tpu.vector_store %arg8[%swap3A_1750, %swap3A_1751, %swap3A_1752], %add3A_1743 {strides = array<i32>} : memref<2x16x768xf32, #tpu.memory_space<vmem>>, vector<16xf32>,
        %mul3A_1754 = arith.constant 4 : i32
        %mul3A_1755 = arith.muli %mul3A_1754, %scan3A_172 : i32
        %add3A_1756 = arith.constant 0 : i32
        %add3A_1757 = arith.addi %mul3A_1755, %add3A_1756 : i32
        %get3A_1758 = arith.constant 0 : i32
        %get3A_1759 = arith.index_cast %get3A_1758 : i32 to index
        %get3A_1760 = arith.index_cast %add3A_1757 : i32 to index
        %get3A_1761 = arith.constant 352 : index
        %get3A_1762 = tpu.vector_load %arg7[%get3A_1759, %get3A_1760, %get3A_1761] {strides = array<i32>} : memref<2x64x384xi32, #tpu.memory_space<vmem>>, vector<16xi32>,
        %shift_left3A_1763 = arith.constant 16 : i32
        %shift_left3A_1764 = vector.broadcast %shift_left3A_1763 : i32 to vector<16xi32>
        %shift_left3A_1765 = arith.shli %get3A_1762, %shift_left3A_1764 : vector<16xi32>
        %bitcast3A_1766 = vector.bitcast %shift_left3A_1765 : vector<16xi32> to vector<16xf32>
        %bitcast3A_1767 = vector.bitcast %get3A_1762 : vector<16xi32> to vector<16xf32>
        %mul3A_1768 = arith.constant 4 : i32
        %mul3A_1769 = arith.muli %mul3A_1768, %scan3A_172 : i32
        %add3A_1770 = arith.constant 1 : i32
        %add3A_1771 = arith.addi %mul3A_1769, %add3A_1770 : i32
        %get3A_1772 = arith.constant 0 : i32
        %get3A_1773 = arith.index_cast %get3A_1772 : i32 to index
        %get3A_1774 = arith.index_cast %add3A_1771 : i32 to index
        %get3A_1775 = arith.constant 352 : index
        %get3A_1776 = tpu.vector_load %arg7[%get3A_1773, %get3A_1774, %get3A_1775] {strides = array<i32>} : memref<2x64x384xi32, #tpu.memory_space<vmem>>, vector<16xi32>,
        %shift_left3A_1777 = arith.constant 16 : i32
        %shift_left3A_1778 = vector.broadcast %shift_left3A_1777 : i32 to vector<16xi32>
        %shift_left3A_1779 = arith.shli %get3A_1776, %shift_left3A_1778 : vector<16xi32>
        %bitcast3A_1780 = vector.bitcast %shift_left3A_1779 : vector<16xi32> to vector<16xf32>
        %bitcast3A_1781 = vector.bitcast %get3A_1776 : vector<16xi32> to vector<16xf32>
        %add3A_1782 = arith.addf %bitcast3A_1766, %bitcast3A_1780 : vector<16xf32>
        %add3A_1783 = arith.addf %bitcast3A_1767, %bitcast3A_1781 : vector<16xf32>
        %mul3A_1784 = arith.constant 4 : i32
        %mul3A_1785 = arith.muli %mul3A_1784, %scan3A_172 : i32
        %add3A_1786 = arith.constant 2 : i32
        %add3A_1787 = arith.addi %mul3A_1785, %add3A_1786 : i32
        %get3A_1788 = arith.constant 0 : i32
        %get3A_1789 = arith.index_cast %get3A_1788 : i32 to index
        %get3A_1790 = arith.index_cast %add3A_1787 : i32 to index
        %get3A_1791 = arith.constant 352 : index
        %get3A_1792 = tpu.vector_load %arg7[%get3A_1789, %get3A_1790, %get3A_1791] {strides = array<i32>} : memref<2x64x384xi32, #tpu.memory_space<vmem>>, vector<16xi32>,
        %shift_left3A_1793 = arith.constant 16 : i32
        %shift_left3A_1794 = vector.broadcast %shift_left3A_1793 : i32 to vector<16xi32>
        %shift_left3A_1795 = arith.shli %get3A_1792, %shift_left3A_1794 : vector<16xi32>
        %bitcast3A_1796 = vector.bitcast %shift_left3A_1795 : vector<16xi32> to vector<16xf32>
        %bitcast3A_1797 = vector.bitcast %get3A_1792 : vector<16xi32> to vector<16xf32>
        %add3A_1798 = arith.addf %add3A_1782, %bitcast3A_1796 : vector<16xf32>
        %add3A_1799 = arith.addf %add3A_1783, %bitcast3A_1797 : vector<16xf32>
        %mul3A_1800 = arith.constant 4 : i32
        %mul3A_1801 = arith.muli %mul3A_1800, %scan3A_172 : i32
        %add3A_1802 = arith.constant 3 : i32
        %add3A_1803 = arith.addi %mul3A_1801, %add3A_1802 : i32
        %get3A_1804 = arith.constant 0 : i32
        %get3A_1805 = arith.index_cast %get3A_1804 : i32 to index
        %get3A_1806 = arith.index_cast %add3A_1803 : i32 to index
        %get3A_1807 = arith.constant 352 : index
        %get3A_1808 = tpu.vector_load %arg7[%get3A_1805, %get3A_1806, %get3A_1807] {strides = array<i32>} : memref<2x64x384xi32, #tpu.memory_space<vmem>>, vector<16xi32>,
        %shift_left3A_1809 = arith.constant 16 : i32
        %shift_left3A_1810 = vector.broadcast %shift_left3A_1809 : i32 to vector<16xi32>
        %shift_left3A_1811 = arith.shli %get3A_1808, %shift_left3A_1810 : vector<16xi32>
        %bitcast3A_1812 = vector.bitcast %shift_left3A_1811 : vector<16xi32> to vector<16xf32>
        %bitcast3A_1813 = vector.bitcast %get3A_1808 : vector<16xi32> to vector<16xf32>
        %add3A_1814 = arith.addf %add3A_1798, %bitcast3A_1812 : vector<16xf32>
        %add3A_1815 = arith.addf %add3A_1799, %bitcast3A_1813 : vector<16xf32>
        %swap3A_1816 = arith.constant 0 : i32
        %swap3A_1817 = arith.index_cast %swap3A_1816 : i32 to index
        %swap3A_1818 = arith.index_cast %scan3A_172 : i32 to index
        %swap3A_1819 = arith.constant 352 : index
        %swap3A_1820 = tpu.vector_load %arg8[%swap3A_1817, %swap3A_1818, %swap3A_1819] {strides = array<i32>} : memref<2x16x768xf32, #tpu.memory_space<vmem>>, vector<16xf32>,
        tpu.vector_store %arg8[%swap3A_1817, %swap3A_1818, %swap3A_1819], %add3A_1814 {strides = array<i32>} : memref<2x16x768xf32, #tpu.memory_space<vmem>>, vector<16xf32>,
        %swap3A_1821 = arith.constant 0 : i32
        %swap3A_1822 = arith.index_cast %swap3A_1821 : i32 to index
        %swap3A_1823 = arith.index_cast %scan3A_172 : i32 to index
        %swap3A_1824 = arith.constant 736 : index
        %swap3A_1825 = tpu.vector_load %arg8[%swap3A_1822, %swap3A_1823, %swap3A_1824] {strides = array<i32>} : memref<2x16x768xf32, #tpu.memory_space<vmem>>, vector<16xf32>,
        tpu.vector_store %arg8[%swap3A_1822, %swap3A_1823, %swap3A_1824], %add3A_1815 {strides = array<i32>} : memref<2x16x768xf32, #tpu.memory_space<vmem>>, vector<16xf32>,
        %mul3A_1826 = arith.constant 4 : i32
        %mul3A_1827 = arith.muli %mul3A_1826, %scan3A_172 : i32
        %add3A_1828 = arith.constant 0 : i32
        %add3A_1829 = arith.addi %mul3A_1827, %add3A_1828 : i32
        %get3A_1830 = arith.constant 0 : i32
        %get3A_1831 = arith.index_cast %get3A_1830 : i32 to index
        %get3A_1832 = arith.index_cast %add3A_1829 : i32 to index
        %get3A_1833 = arith.constant 368 : index
        %get3A_1834 = tpu.vector_load %arg7[%get3A_1831, %get3A_1832, %get3A_1833] {strides = array<i32>} : memref<2x64x384xi32, #tpu.memory_space<vmem>>, vector<16xi32>,
        %shift_left3A_1835 = arith.constant 16 : i32
        %shift_left3A_1836 = vector.broadcast %shift_left3A_1835 : i32 to vector<16xi32>
        %shift_left3A_1837 = arith.shli %get3A_1834, %shift_left3A_1836 : vector<16xi32>
        %bitcast3A_1838 = vector.bitcast %shift_left3A_1837 : vector<16xi32> to vector<16xf32>
        %bitcast3A_1839 = vector.bitcast %get3A_1834 : vector<16xi32> to vector<16xf32>
        %mul3A_1840 = arith.constant 4 : i32
        %mul3A_1841 = arith.muli %mul3A_1840, %scan3A_172 : i32
        %add3A_1842 = arith.constant 1 : i32
        %add3A_1843 = arith.addi %mul3A_1841, %add3A_1842 : i32
        %get3A_1844 = arith.constant 0 : i32
        %get3A_1845 = arith.index_cast %get3A_1844 : i32 to index
        %get3A_1846 = arith.index_cast %add3A_1843 : i32 to index
        %get3A_1847 = arith.constant 368 : index
        %get3A_1848 = tpu.vector_load %arg7[%get3A_1845, %get3A_1846, %get3A_1847] {strides = array<i32>} : memref<2x64x384xi32, #tpu.memory_space<vmem>>, vector<16xi32>,
        %shift_left3A_1849 = arith.constant 16 : i32
        %shift_left3A_1850 = vector.broadcast %shift_left3A_1849 : i32 to vector<16xi32>
        %shift_left3A_1851 = arith.shli %get3A_1848, %shift_left3A_1850 : vector<16xi32>
        %bitcast3A_1852 = vector.bitcast %shift_left3A_1851 : vector<16xi32> to vector<16xf32>
        %bitcast3A_1853 = vector.bitcast %get3A_1848 : vector<16xi32> to vector<16xf32>
        %add3A_1854 = arith.addf %bitcast3A_1838, %bitcast3A_1852 : vector<16xf32>
        %add3A_1855 = arith.addf %bitcast3A_1839, %bitcast3A_1853 : vector<16xf32>
        %mul3A_1856 = arith.constant 4 : i32
        %mul3A_1857 = arith.muli %mul3A_1856, %scan3A_172 : i32
        %add3A_1858 = arith.constant 2 : i32
        %add3A_1859 = arith.addi %mul3A_1857, %add3A_1858 : i32
        %get3A_1860 = arith.constant 0 : i32
        %get3A_1861 = arith.index_cast %get3A_1860 : i32 to index
        %get3A_1862 = arith.index_cast %add3A_1859 : i32 to index
        %get3A_1863 = arith.constant 368 : index
        %get3A_1864 = tpu.vector_load %arg7[%get3A_1861, %get3A_1862, %get3A_1863] {strides = array<i32>} : memref<2x64x384xi32, #tpu.memory_space<vmem>>, vector<16xi32>,
        %shift_left3A_1865 = arith.constant 16 : i32
        %shift_left3A_1866 = vector.broadcast %shift_left3A_1865 : i32 to vector<16xi32>
        %shift_left3A_1867 = arith.shli %get3A_1864, %shift_left3A_1866 : vector<16xi32>
        %bitcast3A_1868 = vector.bitcast %shift_left3A_1867 : vector<16xi32> to vector<16xf32>
        %bitcast3A_1869 = vector.bitcast %get3A_1864 : vector<16xi32> to vector<16xf32>
        %add3A_1870 = arith.addf %add3A_1854, %bitcast3A_1868 : vector<16xf32>
        %add3A_1871 = arith.addf %add3A_1855, %bitcast3A_1869 : vector<16xf32>
        %mul3A_1872 = arith.constant 4 : i32
        %mul3A_1873 = arith.muli %mul3A_1872, %scan3A_172 : i32
        %add3A_1874 = arith.constant 3 : i32
        %add3A_1875 = arith.addi %mul3A_1873, %add3A_1874 : i32
        %get3A_1876 = arith.constant 0 : i32
        %get3A_1877 = arith.index_cast %get3A_1876 : i32 to index
        %get3A_1878 = arith.index_cast %add3A_1875 : i32 to index
        %get3A_1879 = arith.constant 368 : index
        %get3A_1880 = tpu.vector_load %arg7[%get3A_1877, %get3A_1878, %get3A_1879] {strides = array<i32>} : memref<2x64x384xi32, #tpu.memory_space<vmem>>, vector<16xi32>,
        %shift_left3A_1881 = arith.constant 16 : i32
        %shift_left3A_1882 = vector.broadcast %shift_left3A_1881 : i32 to vector<16xi32>
        %shift_left3A_1883 = arith.shli %get3A_1880, %shift_left3A_1882 : vector<16xi32>
        %bitcast3A_1884 = vector.bitcast %shift_left3A_1883 : vector<16xi32> to vector<16xf32>
        %bitcast3A_1885 = vector.bitcast %get3A_1880 : vector<16xi32> to vector<16xf32>
        %add3A_1886 = arith.addf %add3A_1870, %bitcast3A_1884 : vector<16xf32>
        %add3A_1887 = arith.addf %add3A_1871, %bitcast3A_1885 : vector<16xf32>
        %swap3A_1888 = arith.constant 0 : i32
        %swap3A_1889 = arith.index_cast %swap3A_1888 : i32 to index
        %swap3A_1890 = arith.index_cast %scan3A_172 : i32 to index
        %swap3A_1891 = arith.constant 368 : index
        %swap3A_1892 = tpu.vector_load %arg8[%swap3A_1889, %swap3A_1890, %swap3A_1891] {strides = array<i32>} : memref<2x16x768xf32, #tpu.memory_space<vmem>>, vector<16xf32>,
        tpu.vector_store %arg8[%swap3A_1889, %swap3A_1890, %swap3A_1891], %add3A_1886 {strides = array<i32>} : memref<2x16x768xf32, #tpu.memory_space<vmem>>, vector<16xf32>,
        %swap3A_1893 = arith.constant 0 : i32
        %swap3A_1894 = arith.index_cast %swap3A_1893 : i32 to index
        %swap3A_1895 = arith.index_cast %scan3A_172 : i32 to index
        %swap3A_1896 = arith.constant 752 : index
        %swap3A_1897 = tpu.vector_load %arg8[%swap3A_1894, %swap3A_1895, %swap3A_1896] {strides = array<i32>} : memref<2x16x768xf32, #tpu.memory_space<vmem>>, vector<16xf32>,
        tpu.vector_store %arg8[%swap3A_1894, %swap3A_1895, %swap3A_1896], %add3A_1887 {strides = array<i32>} : memref<2x16x768xf32, #tpu.memory_space<vmem>>, vector<16xf32>,
      }
      %scan3A_107 = arith.constant 16 : i32
      %mul3A_108 = arith.constant 16 : i32
      %mul3A_109 = arith.muli %add3A_83, %mul3A_108 : i32
      %add3A_110 = arith.addi %mul3A_2, %mul3A_109 : i32
      %dma_start3A_111 = arith.constant 0 : i32
      %dma_start3A_112 = arith.constant 0 : i32
      %dma_start3A_113 = arith.constant 0 : i32
      %dma_start3A_114 = tpu.memref_slice %arg8[%dma_start3A_111, %dma_start3A_112, %dma_start3A_113] : memref<2x16x768xf32, #tpu.memory_space<vmem>> -> memref<1x16x768xf32, #tpu.memory_space<vmem>>
      %dma_start3A_115 = tpu.memref_squeeze %dma_start3A_114 : memref<1x16x768xf32, #tpu.memory_space<vmem>> -> memref<16x768xf32, #tpu.memory_space<vmem>>
      %dma_start3A_116 = arith.constant 0 : i32
      %dma_start3A_117 = tpu.memref_slice %arg4[%add3A_110, %dma_start3A_116] : memref<16384x768xf32, #tpu.memory_space<hbm>> -> memref<16x768xf32, #tpu.memory_space<hbm>>
      %dma_start3A_118 = arith.constant 0 : i32
      %dma_start3A_119 = tpu.memref_slice %arg4[%add3A_110, %dma_start3A_118] : memref<16384x768xf32, #tpu.memory_space<hbm>> -> memref<16x768xf32, #tpu.memory_space<hbm>>
      %dma_start3A_120 = arith.constant 0 : i32
      %dma_start3A_121 = arith.constant 0 : i32
      %dma_start3A_122 = tpu.memref_slice %arg8[%dma_start3A_111, %dma_start3A_120, %dma_start3A_121] : memref<2x16x768xf32, #tpu.memory_space<vmem>> -> memref<1x16x768xf32, #tpu.memory_space<vmem>>
      %dma_start3A_123 = tpu.memref_squeeze %dma_start3A_122 : memref<1x16x768xf32, #tpu.memory_space<vmem>> -> memref<16x768xf32, #tpu.memory_space<vmem>>
      tpu.enqueue_dma source(%dma_start3A_123 : memref<16x768xf32, #tpu.memory_space<vmem>>) target(%dma_start3A_119 : memref<16x768xf32, #tpu.memory_space<hbm>>) target_semaphore(%arg11 : memref<!tpu.dma_semaphore, #tpu.memory_space<semaphore_mem>>)
      %mul3A_124 = arith.constant 2 : i32
      %mul3A_125 = arith.muli %scan3A_79, %mul3A_124 : i32
      %add3A_126 = arith.constant 1 : i32
      %add3A_127 = arith.addi %mul3A_125, %add3A_126 : i32
      %add3A_128 = arith.constant 1 : i32
      %add3A_129 = arith.addi %add3A_127, %add3A_128 : i32
      %lt3A_130 = arith.constant 32 : i32
      %lt3A_131 = arith.cmpi slt, %add3A_129, %lt3A_130 : i32
      %convert_element_type3A_132 = arith.extui %lt3A_131 : i1 to i32
      %cond3A_133 = arith.constant 0 : i32
      %cond3A_134 = arith.cmpi ne, %convert_element_type3A_132, %cond3A_133 : i32
      scf.if %cond3A_134 {
        %add3A_172 = arith.constant 1 : i32
        %add3A_173 = arith.addi %add3A_127, %add3A_172 : i32
        %mul3A_174 = arith.constant 4 : i32
        %mul3A_175 = arith.muli %mul3A_174, %add3A_173 : i32
        %add3A_176 = vector.broadcast %mul3A_175 : i32 to vector<16xi32>
        %add3A_177 = arith.addi %and3A_10, %add3A_176 : vector<16xi32>
        %add3A_178 = arith.constant 0 : i32
        %add3A_179 = vector.broadcast %add3A_178 : i32 to vector<16xi32>
        %add3A_180 = arith.addi %shift_right_arithmetic3A_8, %add3A_179 : vector<16xi32>
        %gather3A_181 = tpu.vector_load_idx %arg5[%add3A_180, %add3A_177] : memref<16x128xi32, #tpu.memory_space<vmem>>[vector<16xi32>, vector<16xi32>], vector<16xi32>,
        %swap3A_182 = arith.constant 0 : index
        %swap3A_183 = tpu.vector_load %arg6[%swap3A_182] {strides = array<i32>} : memref<128xi32, #tpu.memory_space<vmem>>, vector<16xi32>,
        tpu.vector_store %arg6[%swap3A_182], %gather3A_181 {strides = array<i32>} : memref<128xi32, #tpu.memory_space<vmem>>, vector<16xi32>,
        %add3A_184 = arith.constant 4 : i32
        %add3A_185 = vector.broadcast %add3A_184 : i32 to vector<16xi32>
        %add3A_186 = arith.addi %shift_right_arithmetic3A_8, %add3A_185 : vector<16xi32>
        %gather3A_187 = tpu.vector_load_idx %arg5[%add3A_186, %add3A_177] : memref<16x128xi32, #tpu.memory_space<vmem>>[vector<16xi32>, vector<16xi32>], vector<16xi32>,
        %swap3A_188 = arith.constant 16 : index
        %swap3A_189 = tpu.vector_load %arg6[%swap3A_188] {strides = array<i32>} : memref<128xi32, #tpu.memory_space<vmem>>, vector<16xi32>,
        tpu.vector_store %arg6[%swap3A_188], %gather3A_187 {strides = array<i32>} : memref<128xi32, #tpu.memory_space<vmem>>, vector<16xi32>,
        %add3A_190 = arith.constant 8 : i32
        %add3A_191 = vector.broadcast %add3A_190 : i32 to vector<16xi32>
        %add3A_192 = arith.addi %shift_right_arithmetic3A_8, %add3A_191 : vector<16xi32>
        %gather3A_193 = tpu.vector_load_idx %arg5[%add3A_192, %add3A_177] : memref<16x128xi32, #tpu.memory_space<vmem>>[vector<16xi32>, vector<16xi32>], vector<16xi32>,
        %swap3A_194 = arith.constant 32 : index
        %swap3A_195 = tpu.vector_load %arg6[%swap3A_194] {strides = array<i32>} : memref<128xi32, #tpu.memory_space<vmem>>, vector<16xi32>,
        tpu.vector_store %arg6[%swap3A_194], %gather3A_193 {strides = array<i32>} : memref<128xi32, #tpu.memory_space<vmem>>, vector<16xi32>,
        %add3A_196 = arith.constant 12 : i32
        %add3A_197 = vector.broadcast %add3A_196 : i32 to vector<16xi32>
        %add3A_198 = arith.addi %shift_right_arithmetic3A_8, %add3A_197 : vector<16xi32>
        %gather3A_199 = tpu.vector_load_idx %arg5[%add3A_198, %add3A_177] : memref<16x128xi32, #tpu.memory_space<vmem>>[vector<16xi32>, vector<16xi32>], vector<16xi32>,
        %swap3A_200 = arith.constant 48 : index
        %swap3A_201 = tpu.vector_load %arg6[%swap3A_200] {strides = array<i32>} : memref<128xi32, #tpu.memory_space<vmem>>, vector<16xi32>,
        tpu.vector_store %arg6[%swap3A_200], %gather3A_199 {strides = array<i32>} : memref<128xi32, #tpu.memory_space<vmem>>, vector<16xi32>,
        %add3A_202 = arith.constant 1 : i32
        %add3A_203 = arith.addi %add3A_127, %add3A_202 : i32
        %dma_start3A_204 = arith.constant 0 : i32
        %dma_start3A_205 = arith.constant 0 : i32
        %dma_start3A_206 = arith.constant 0 : i32
        %dma_start3A_207 = tpu.memref_slice %arg7[%dma_start3A_204, %dma_start3A_205, %dma_start3A_206] : memref<2x64x384xi32, #tpu.memory_space<vmem>> -> memref<1x64x384xi32, #tpu.memory_space<vmem>>
        %dma_start3A_208 = tpu.memref_squeeze %dma_start3A_207 : memref<1x64x384xi32, #tpu.memory_space<vmem>> -> memref<64x384xi32, #tpu.memory_space<vmem>>
        %dma_start3A_209 = arith.constant 0 : i32
        %dma_start3A_210 = tpu.memref_slice %arg6[%dma_start3A_209] : memref<128xi32, #tpu.memory_space<vmem>> -> memref<64xi32, #tpu.memory_space<vmem>>
        %dma_start3A_211 = arith.constant 0 : i32
        %dma_start3A_212 = arith.constant 0 : i32
        %dma_start3A_213 = tpu.memref_slice %arg2[%dma_start3A_211, %dma_start3A_212] : memref<8192x384xi32, #tpu.memory_space<hbm>> -> memref<8192x384xi32, #tpu.memory_space<hbm>>
        tpu.enqueue_indirect_dma source(%dma_start3A_213 : memref<8192x384xi32, #tpu.memory_space<hbm>>) target(%dma_start3A_208 : memref<64x384xi32, #tpu.memory_space<vmem>>) offsets(%dma_start3A_210 : memref<64xi32, #tpu.memory_space<vmem>>) semaphore(%arg9 : memref<!tpu.dma_semaphore, #tpu.memory_space<semaphore_mem>>)
      } else {
      }
      %dma_wait3A_135 = arith.constant 1 : i32
      %dma_wait3A_136 = arith.constant 0 : i32
      %dma_wait3A_137 = arith.constant 0 : i32
      %dma_wait3A_138 = tpu.memref_slice %arg7[%dma_wait3A_135, %dma_wait3A_136, %dma_wait3A_137] : memref<2x64x384xi32, #tpu.memory_space<vmem>> -> memref<1x64x384xi32, #tpu.memory_space<vmem>>
      %dma_wait3A_139 = tpu.memref_squeeze %dma_wait3A_138 : memref<1x64x384xi32, #tpu.memory_space<vmem>> -> memref<64x384xi32, #tpu.memory_space<vmem>>
      %dma_wait3A_140 = arith.constant 64 : i32
      %dma_wait3A_141 = tpu.memref_slice %arg6[%dma_wait3A_140] : memref<128xi32, #tpu.memory_space<vmem>> -> memref<64xi32, #tpu.memory_space<vmem>>
      %dma_wait3A_142 = arith.constant 0 : i32
      %dma_wait3A_143 = arith.constant 0 : i32
      %dma_wait3A_144 = tpu.memref_slice %arg2[%dma_wait3A_142, %dma_wait3A_143] : memref<8192x384xi32, #tpu.memory_space<hbm>> -> memref<8192x384xi32, #tpu.memory_space<hbm>>
      tpu.wait_indirect_dma semaphore(%arg10 : memref<!tpu.dma_semaphore, #tpu.memory_space<semaphore_mem>>) src(%dma_wait3A_144 : memref<8192x384xi32, #tpu.memory_space<hbm>>) dst(%dma_wait3A_139 : memref<64x384xi32, #tpu.memory_space<vmem>>)
      %ge3A_145 = arith.constant 2 : i32
      %ge3A_146 = arith.cmpi sge, %add3A_127, %ge3A_145 : i32
      %convert_element_type3A_147 = arith.extui %ge3A_146 : i1 to i32
      %cond3A_148 = arith.constant 0 : i32
      %cond3A_149 = arith.cmpi ne, %convert_element_type3A_147, %cond3A_148 : i32
      scf.if %cond3A_149 {
        %sub3A = arith.constant 2 : i32
        %sub3A_172 = arith.subi %add3A_127, %sub3A : i32
        %mul3A_173 = arith.constant 16 : i32
        %mul3A_174 = arith.muli %sub3A_172, %mul3A_173 : i32
        %add3A_175 = arith.addi %mul3A_2, %mul3A_174 : i32
        %dma_wait3A_176 = arith.constant 1 : i32
        %dma_wait3A_177 = arith.constant 0 : i32
        %dma_wait3A_178 = arith.constant 0 : i32
        %dma_wait3A_179 = tpu.memref_slice %arg8[%dma_wait3A_176, %dma_wait3A_177, %dma_wait3A_178] : memref<2x16x768xf32, #tpu.memory_space<vmem>> -> memref<1x16x768xf32, #tpu.memory_space<vmem>>
        %dma_wait3A_180 = tpu.memref_squeeze %dma_wait3A_179 : memref<1x16x768xf32, #tpu.memory_space<vmem>> -> memref<16x768xf32, #tpu.memory_space<vmem>>
        %dma_wait3A_181 = arith.constant 0 : i32
        %dma_wait3A_182 = tpu.memref_slice %arg4[%add3A_175, %dma_wait3A_181] : memref<16384x768xf32, #tpu.memory_space<hbm>> -> memref<16x768xf32, #tpu.memory_space<hbm>>
        %dma_wait3A_183 = arith.constant 0 : i32
        %dma_wait3A_184 = tpu.memref_slice %arg4[%add3A_175, %dma_wait3A_183] : memref<16384x768xf32, #tpu.memory_space<hbm>> -> memref<16x768xf32, #tpu.memory_space<hbm>>
        %dma_wait3A_185 = arith.constant 0 : i32
        %dma_wait3A_186 = arith.constant 0 : i32
        %dma_wait3A_187 = tpu.memref_slice %arg8[%dma_wait3A_176, %dma_wait3A_185, %dma_wait3A_186] : memref<2x16x768xf32, #tpu.memory_space<vmem>> -> memref<1x16x768xf32, #tpu.memory_space<vmem>>
        %dma_wait3A_188 = tpu.memref_squeeze %dma_wait3A_187 : memref<1x16x768xf32, #tpu.memory_space<vmem>> -> memref<16x768xf32, #tpu.memory_space<vmem>>
        tpu.wait_dma2 semaphore(%arg12 : memref<!tpu.dma_semaphore, #tpu.memory_space<semaphore_mem>>) src(%dma_wait3A_188 : memref<16x768xf32, #tpu.memory_space<vmem>>) dst(%dma_wait3A_184 : memref<16x768xf32, #tpu.memory_space<hbm>>)
      } else {
      }
      %scan3A_150 = arith.constant 0 : i32
      %scan3A_151 = arith.constant 0 : i32
      %scan3A_152 = arith.constant 16 : i32
      %scan3A_153 = arith.addi %scan3A_151, %scan3A_152 : i32
      %scan3A_154 = arith.constant 1 : i32
      scf.for %scan3A_172 = %scan3A_151 to %scan3A_153 step %scan3A_154  : i32 {
        %mul3A_173 = arith.constant 4 : i32
        %mul3A_174 = arith.muli %mul3A_173, %scan3A_172 : i32
        %add3A_175 = arith.constant 0 : i32
        %add3A_176 = arith.addi %mul3A_174, %add3A_175 : i32
        %get3A = arith.constant 1 : i32
        %get3A_177 = arith.index_cast %get3A : i32 to index
        %get3A_178 = arith.index_cast %add3A_176 : i32 to index
        %get3A_179 = arith.constant 0 : index
        %get3A_180 = tpu.vector_load %arg7[%get3A_177, %get3A_178, %get3A_179] {strides = array<i32>} : memref<2x64x384xi32, #tpu.memory_space<vmem>>, vector<16xi32>,
        %shift_left3A = arith.constant 16 : i32
        %shift_left3A_181 = vector.broadcast %shift_left3A : i32 to vector<16xi32>
        %shift_left3A_182 = arith.shli %get3A_180, %shift_left3A_181 : vector<16xi32>
        %bitcast3A = vector.bitcast %shift_left3A_182 : vector<16xi32> to vector<16xf32>
        %bitcast3A_183 = vector.bitcast %get3A_180 : vector<16xi32> to vector<16xf32>
        %mul3A_184 = arith.constant 4 : i32
        %mul3A_185 = arith.muli %mul3A_184, %scan3A_172 : i32
        %add3A_186 = arith.constant 1 : i32
        %add3A_187 = arith.addi %mul3A_185, %add3A_186 : i32
        %get3A_188 = arith.constant 1 : i32
        %get3A_189 = arith.index_cast %get3A_188 : i32 to index
        %get3A_190 = arith.index_cast %add3A_187 : i32 to index
        %get3A_191 = arith.constant 0 : index
        %get3A_192 = tpu.vector_load %arg7[%get3A_189, %get3A_190, %get3A_191] {strides = array<i32>} : memref<2x64x384xi32, #tpu.memory_space<vmem>>, vector<16xi32>,
        %shift_left3A_193 = arith.constant 16 : i32
        %shift_left3A_194 = vector.broadcast %shift_left3A_193 : i32 to vector<16xi32>
        %shift_left3A_195 = arith.shli %get3A_192, %shift_left3A_194 : vector<16xi32>
        %bitcast3A_196 = vector.bitcast %shift_left3A_195 : vector<16xi32> to vector<16xf32>
        %bitcast3A_197 = vector.bitcast %get3A_192 : vector<16xi32> to vector<16xf32>
        %add3A_198 = arith.addf %bitcast3A, %bitcast3A_196 : vector<16xf32>
        %add3A_199 = arith.addf %bitcast3A_183, %bitcast3A_197 : vector<16xf32>
        %mul3A_200 = arith.constant 4 : i32
        %mul3A_201 = arith.muli %mul3A_200, %scan3A_172 : i32
        %add3A_202 = arith.constant 2 : i32
        %add3A_203 = arith.addi %mul3A_201, %add3A_202 : i32
        %get3A_204 = arith.constant 1 : i32
        %get3A_205 = arith.index_cast %get3A_204 : i32 to index
        %get3A_206 = arith.index_cast %add3A_203 : i32 to index
        %get3A_207 = arith.constant 0 : index
        %get3A_208 = tpu.vector_load %arg7[%get3A_205, %get3A_206, %get3A_207] {strides = array<i32>} : memref<2x64x384xi32, #tpu.memory_space<vmem>>, vector<16xi32>,
        %shift_left3A_209 = arith.constant 16 : i32
        %shift_left3A_210 = vector.broadcast %shift_left3A_209 : i32 to vector<16xi32>
        %shift_left3A_211 = arith.shli %get3A_208, %shift_left3A_210 : vector<16xi32>
        %bitcast3A_212 = vector.bitcast %shift_left3A_211 : vector<16xi32> to vector<16xf32>
        %bitcast3A_213 = vector.bitcast %get3A_208 : vector<16xi32> to vector<16xf32>
        %add3A_214 = arith.addf %add3A_198, %bitcast3A_212 : vector<16xf32>
        %add3A_215 = arith.addf %add3A_199, %bitcast3A_213 : vector<16xf32>
        %mul3A_216 = arith.constant 4 : i32
        %mul3A_217 = arith.muli %mul3A_216, %scan3A_172 : i32
        %add3A_218 = arith.constant 3 : i32
        %add3A_219 = arith.addi %mul3A_217, %add3A_218 : i32
        %get3A_220 = arith.constant 1 : i32
        %get3A_221 = arith.index_cast %get3A_220 : i32 to index
        %get3A_222 = arith.index_cast %add3A_219 : i32 to index
        %get3A_223 = arith.constant 0 : index
        %get3A_224 = tpu.vector_load %arg7[%get3A_221, %get3A_222, %get3A_223] {strides = array<i32>} : memref<2x64x384xi32, #tpu.memory_space<vmem>>, vector<16xi32>,
        %shift_left3A_225 = arith.constant 16 : i32
        %shift_left3A_226 = vector.broadcast %shift_left3A_225 : i32 to vector<16xi32>
        %shift_left3A_227 = arith.shli %get3A_224, %shift_left3A_226 : vector<16xi32>
        %bitcast3A_228 = vector.bitcast %shift_left3A_227 : vector<16xi32> to vector<16xf32>
        %bitcast3A_229 = vector.bitcast %get3A_224 : vector<16xi32> to vector<16xf32>
        %add3A_230 = arith.addf %add3A_214, %bitcast3A_228 : vector<16xf32>
        %add3A_231 = arith.addf %add3A_215, %bitcast3A_229 : vector<16xf32>
        %swap3A_232 = arith.constant 1 : i32
        %swap3A_233 = arith.index_cast %swap3A_232 : i32 to index
        %swap3A_234 = arith.index_cast %scan3A_172 : i32 to index
        %swap3A_235 = arith.constant 0 : index
        %swap3A_236 = tpu.vector_load %arg8[%swap3A_233, %swap3A_234, %swap3A_235] {strides = array<i32>} : memref<2x16x768xf32, #tpu.memory_space<vmem>>, vector<16xf32>,
        tpu.vector_store %arg8[%swap3A_233, %swap3A_234, %swap3A_235], %add3A_230 {strides = array<i32>} : memref<2x16x768xf32, #tpu.memory_space<vmem>>, vector<16xf32>,
        %swap3A_237 = arith.constant 1 : i32
        %swap3A_238 = arith.index_cast %swap3A_237 : i32 to index
        %swap3A_239 = arith.index_cast %scan3A_172 : i32 to index
        %swap3A_240 = arith.constant 384 : index
        %swap3A_241 = tpu.vector_load %arg8[%swap3A_238, %swap3A_239, %swap3A_240] {strides = array<i32>} : memref<2x16x768xf32, #tpu.memory_space<vmem>>, vector<16xf32>,
        tpu.vector_store %arg8[%swap3A_238, %swap3A_239, %swap3A_240], %add3A_231 {strides = array<i32>} : memref<2x16x768xf32, #tpu.memory_space<vmem>>, vector<16xf32>,
        %mul3A_242 = arith.constant 4 : i32
        %mul3A_243 = arith.muli %mul3A_242, %scan3A_172 : i32
        %add3A_244 = arith.constant 0 : i32
        %add3A_245 = arith.addi %mul3A_243, %add3A_244 : i32
        %get3A_246 = arith.constant 1 : i32
        %get3A_247 = arith.index_cast %get3A_246 : i32 to index
        %get3A_248 = arith.index_cast %add3A_245 : i32 to index
        %get3A_249 = arith.constant 16 : index
        %get3A_250 = tpu.vector_load %arg7[%get3A_247, %get3A_248, %get3A_249] {strides = array<i32>} : memref<2x64x384xi32, #tpu.memory_space<vmem>>, vector<16xi32>,
        %shift_left3A_251 = arith.constant 16 : i32
        %shift_left3A_252 = vector.broadcast %shift_left3A_251 : i32 to vector<16xi32>
        %shift_left3A_253 = arith.shli %get3A_250, %shift_left3A_252 : vector<16xi32>
        %bitcast3A_254 = vector.bitcast %shift_left3A_253 : vector<16xi32> to vector<16xf32>
        %bitcast3A_255 = vector.bitcast %get3A_250 : vector<16xi32> to vector<16xf32>
        %mul3A_256 = arith.constant 4 : i32
        %mul3A_257 = arith.muli %mul3A_256, %scan3A_172 : i32
        %add3A_258 = arith.constant 1 : i32
        %add3A_259 = arith.addi %mul3A_257, %add3A_258 : i32
        %get3A_260 = arith.constant 1 : i32
        %get3A_261 = arith.index_cast %get3A_260 : i32 to index
        %get3A_262 = arith.index_cast %add3A_259 : i32 to index
        %get3A_263 = arith.constant 16 : index
        %get3A_264 = tpu.vector_load %arg7[%get3A_261, %get3A_262, %get3A_263] {strides = array<i32>} : memref<2x64x384xi32, #tpu.memory_space<vmem>>, vector<16xi32>,
        %shift_left3A_265 = arith.constant 16 : i32
        %shift_left3A_266 = vector.broadcast %shift_left3A_265 : i32 to vector<16xi32>
        %shift_left3A_267 = arith.shli %get3A_264, %shift_left3A_266 : vector<16xi32>
        %bitcast3A_268 = vector.bitcast %shift_left3A_267 : vector<16xi32> to vector<16xf32>
        %bitcast3A_269 = vector.bitcast %get3A_264 : vector<16xi32> to vector<16xf32>
        %add3A_270 = arith.addf %bitcast3A_254, %bitcast3A_268 : vector<16xf32>
        %add3A_271 = arith.addf %bitcast3A_255, %bitcast3A_269 : vector<16xf32>
        %mul3A_272 = arith.constant 4 : i32
        %mul3A_273 = arith.muli %mul3A_272, %scan3A_172 : i32
        %add3A_274 = arith.constant 2 : i32
        %add3A_275 = arith.addi %mul3A_273, %add3A_274 : i32
        %get3A_276 = arith.constant 1 : i32
        %get3A_277 = arith.index_cast %get3A_276 : i32 to index
        %get3A_278 = arith.index_cast %add3A_275 : i32 to index
        %get3A_279 = arith.constant 16 : index
        %get3A_280 = tpu.vector_load %arg7[%get3A_277, %get3A_278, %get3A_279] {strides = array<i32>} : memref<2x64x384xi32, #tpu.memory_space<vmem>>, vector<16xi32>,
        %shift_left3A_281 = arith.constant 16 : i32
        %shift_left3A_282 = vector.broadcast %shift_left3A_281 : i32 to vector<16xi32>
        %shift_left3A_283 = arith.shli %get3A_280, %shift_left3A_282 : vector<16xi32>
        %bitcast3A_284 = vector.bitcast %shift_left3A_283 : vector<16xi32> to vector<16xf32>
        %bitcast3A_285 = vector.bitcast %get3A_280 : vector<16xi32> to vector<16xf32>
        %add3A_286 = arith.addf %add3A_270, %bitcast3A_284 : vector<16xf32>
        %add3A_287 = arith.addf %add3A_271, %bitcast3A_285 : vector<16xf32>
        %mul3A_288 = arith.constant 4 : i32
        %mul3A_289 = arith.muli %mul3A_288, %scan3A_172 : i32
        %add3A_290 = arith.constant 3 : i32
        %add3A_291 = arith.addi %mul3A_289, %add3A_290 : i32
        %get3A_292 = arith.constant 1 : i32
        %get3A_293 = arith.index_cast %get3A_292 : i32 to index
        %get3A_294 = arith.index_cast %add3A_291 : i32 to index
        %get3A_295 = arith.constant 16 : index
        %get3A_296 = tpu.vector_load %arg7[%get3A_293, %get3A_294, %get3A_295] {strides = array<i32>} : memref<2x64x384xi32, #tpu.memory_space<vmem>>, vector<16xi32>,
        %shift_left3A_297 = arith.constant 16 : i32
        %shift_left3A_298 = vector.broadcast %shift_left3A_297 : i32 to vector<16xi32>
        %shift_left3A_299 = arith.shli %get3A_296, %shift_left3A_298 : vector<16xi32>
        %bitcast3A_300 = vector.bitcast %shift_left3A_299 : vector<16xi32> to vector<16xf32>
        %bitcast3A_301 = vector.bitcast %get3A_296 : vector<16xi32> to vector<16xf32>
        %add3A_302 = arith.addf %add3A_286, %bitcast3A_300 : vector<16xf32>
        %add3A_303 = arith.addf %add3A_287, %bitcast3A_301 : vector<16xf32>
        %swap3A_304 = arith.constant 1 : i32
        %swap3A_305 = arith.index_cast %swap3A_304 : i32 to index
        %swap3A_306 = arith.index_cast %scan3A_172 : i32 to index
        %swap3A_307 = arith.constant 16 : index
        %swap3A_308 = tpu.vector_load %arg8[%swap3A_305, %swap3A_306, %swap3A_307] {strides = array<i32>} : memref<2x16x768xf32, #tpu.memory_space<vmem>>, vector<16xf32>,
        tpu.vector_store %arg8[%swap3A_305, %swap3A_306, %swap3A_307], %add3A_302 {strides = array<i32>} : memref<2x16x768xf32, #tpu.memory_space<vmem>>, vector<16xf32>,
        %swap3A_309 = arith.constant 1 : i32
        %swap3A_310 = arith.index_cast %swap3A_309 : i32 to index
        %swap3A_311 = arith.index_cast %scan3A_172 : i32 to index
        %swap3A_312 = arith.constant 400 : index
        %swap3A_313 = tpu.vector_load %arg8[%swap3A_310, %swap3A_311, %swap3A_312] {strides = array<i32>} : memref<2x16x768xf32, #tpu.memory_space<vmem>>, vector<16xf32>,
        tpu.vector_store %arg8[%swap3A_310, %swap3A_311, %swap3A_312], %add3A_303 {strides = array<i32>} : memref<2x16x768xf32, #tpu.memory_space<vmem>>, vector<16xf32>,
        %mul3A_314 = arith.constant 4 : i32
        %mul3A_315 = arith.muli %mul3A_314, %scan3A_172 : i32
        %add3A_316 = arith.constant 0 : i32
        %add3A_317 = arith.addi %mul3A_315, %add3A_316 : i32
        %get3A_318 = arith.constant 1 : i32
        %get3A_319 = arith.index_cast %get3A_318 : i32 to index
        %get3A_320 = arith.index_cast %add3A_317 : i32 to index
        %get3A_321 = arith.constant 32 : index
        %get3A_322 = tpu.vector_load %arg7[%get3A_319, %get3A_320, %get3A_321] {strides = array<i32>} : memref<2x64x384xi32, #tpu.memory_space<vmem>>, vector<16xi32>,
        %shift_left3A_323 = arith.constant 16 : i32
        %shift_left3A_324 = vector.broadcast %shift_left3A_323 : i32 to vector<16xi32>
        %shift_left3A_325 = arith.shli %get3A_322, %shift_left3A_324 : vector<16xi32>
        %bitcast3A_326 = vector.bitcast %shift_left3A_325 : vector<16xi32> to vector<16xf32>
        %bitcast3A_327 = vector.bitcast %get3A_322 : vector<16xi32> to vector<16xf32>
        %mul3A_328 = arith.constant 4 : i32
        %mul3A_329 = arith.muli %mul3A_328, %scan3A_172 : i32
        %add3A_330 = arith.constant 1 : i32
        %add3A_331 = arith.addi %mul3A_329, %add3A_330 : i32
        %get3A_332 = arith.constant 1 : i32
        %get3A_333 = arith.index_cast %get3A_332 : i32 to index
        %get3A_334 = arith.index_cast %add3A_331 : i32 to index
        %get3A_335 = arith.constant 32 : index
        %get3A_336 = tpu.vector_load %arg7[%get3A_333, %get3A_334, %get3A_335] {strides = array<i32>} : memref<2x64x384xi32, #tpu.memory_space<vmem>>, vector<16xi32>,
        %shift_left3A_337 = arith.constant 16 : i32
        %shift_left3A_338 = vector.broadcast %shift_left3A_337 : i32 to vector<16xi32>
        %shift_left3A_339 = arith.shli %get3A_336, %shift_left3A_338 : vector<16xi32>
        %bitcast3A_340 = vector.bitcast %shift_left3A_339 : vector<16xi32> to vector<16xf32>
        %bitcast3A_341 = vector.bitcast %get3A_336 : vector<16xi32> to vector<16xf32>
        %add3A_342 = arith.addf %bitcast3A_326, %bitcast3A_340 : vector<16xf32>
        %add3A_343 = arith.addf %bitcast3A_327, %bitcast3A_341 : vector<16xf32>
        %mul3A_344 = arith.constant 4 : i32
        %mul3A_345 = arith.muli %mul3A_344, %scan3A_172 : i32
        %add3A_346 = arith.constant 2 : i32
        %add3A_347 = arith.addi %mul3A_345, %add3A_346 : i32
        %get3A_348 = arith.constant 1 : i32
        %get3A_349 = arith.index_cast %get3A_348 : i32 to index
        %get3A_350 = arith.index_cast %add3A_347 : i32 to index
        %get3A_351 = arith.constant 32 : index
        %get3A_352 = tpu.vector_load %arg7[%get3A_349, %get3A_350, %get3A_351] {strides = array<i32>} : memref<2x64x384xi32, #tpu.memory_space<vmem>>, vector<16xi32>,
        %shift_left3A_353 = arith.constant 16 : i32
        %shift_left3A_354 = vector.broadcast %shift_left3A_353 : i32 to vector<16xi32>
        %shift_left3A_355 = arith.shli %get3A_352, %shift_left3A_354 : vector<16xi32>
        %bitcast3A_356 = vector.bitcast %shift_left3A_355 : vector<16xi32> to vector<16xf32>
        %bitcast3A_357 = vector.bitcast %get3A_352 : vector<16xi32> to vector<16xf32>
        %add3A_358 = arith.addf %add3A_342, %bitcast3A_356 : vector<16xf32>
        %add3A_359 = arith.addf %add3A_343, %bitcast3A_357 : vector<16xf32>
        %mul3A_360 = arith.constant 4 : i32
        %mul3A_361 = arith.muli %mul3A_360, %scan3A_172 : i32
        %add3A_362 = arith.constant 3 : i32
        %add3A_363 = arith.addi %mul3A_361, %add3A_362 : i32
        %get3A_364 = arith.constant 1 : i32
        %get3A_365 = arith.index_cast %get3A_364 : i32 to index
        %get3A_366 = arith.index_cast %add3A_363 : i32 to index
        %get3A_367 = arith.constant 32 : index
        %get3A_368 = tpu.vector_load %arg7[%get3A_365, %get3A_366, %get3A_367] {strides = array<i32>} : memref<2x64x384xi32, #tpu.memory_space<vmem>>, vector<16xi32>,
        %shift_left3A_369 = arith.constant 16 : i32
        %shift_left3A_370 = vector.broadcast %shift_left3A_369 : i32 to vector<16xi32>
        %shift_left3A_371 = arith.shli %get3A_368, %shift_left3A_370 : vector<16xi32>
        %bitcast3A_372 = vector.bitcast %shift_left3A_371 : vector<16xi32> to vector<16xf32>
        %bitcast3A_373 = vector.bitcast %get3A_368 : vector<16xi32> to vector<16xf32>
        %add3A_374 = arith.addf %add3A_358, %bitcast3A_372 : vector<16xf32>
        %add3A_375 = arith.addf %add3A_359, %bitcast3A_373 : vector<16xf32>
        %swap3A_376 = arith.constant 1 : i32
        %swap3A_377 = arith.index_cast %swap3A_376 : i32 to index
        %swap3A_378 = arith.index_cast %scan3A_172 : i32 to index
        %swap3A_379 = arith.constant 32 : index
        %swap3A_380 = tpu.vector_load %arg8[%swap3A_377, %swap3A_378, %swap3A_379] {strides = array<i32>} : memref<2x16x768xf32, #tpu.memory_space<vmem>>, vector<16xf32>,
        tpu.vector_store %arg8[%swap3A_377, %swap3A_378, %swap3A_379], %add3A_374 {strides = array<i32>} : memref<2x16x768xf32, #tpu.memory_space<vmem>>, vector<16xf32>,
        %swap3A_381 = arith.constant 1 : i32
        %swap3A_382 = arith.index_cast %swap3A_381 : i32 to index
        %swap3A_383 = arith.index_cast %scan3A_172 : i32 to index
        %swap3A_384 = arith.constant 416 : index
        %swap3A_385 = tpu.vector_load %arg8[%swap3A_382, %swap3A_383, %swap3A_384] {strides = array<i32>} : memref<2x16x768xf32, #tpu.memory_space<vmem>>, vector<16xf32>,
        tpu.vector_store %arg8[%swap3A_382, %swap3A_383, %swap3A_384], %add3A_375 {strides = array<i32>} : memref<2x16x768xf32, #tpu.memory_space<vmem>>, vector<16xf32>,
        %mul3A_386 = arith.constant 4 : i32
        %mul3A_387 = arith.muli %mul3A_386, %scan3A_172 : i32
        %add3A_388 = arith.constant 0 : i32
        %add3A_389 = arith.addi %mul3A_387, %add3A_388 : i32
        %get3A_390 = arith.constant 1 : i32
        %get3A_391 = arith.index_cast %get3A_390 : i32 to index
        %get3A_392 = arith.index_cast %add3A_389 : i32 to index
        %get3A_393 = arith.constant 48 : index
        %get3A_394 = tpu.vector_load %arg7[%get3A_391, %get3A_392, %get3A_393] {strides = array<i32>} : memref<2x64x384xi32, #tpu.memory_space<vmem>>, vector<16xi32>,
        %shift_left3A_395 = arith.constant 16 : i32
        %shift_left3A_396 = vector.broadcast %shift_left3A_395 : i32 to vector<16xi32>
        %shift_left3A_397 = arith.shli %get3A_394, %shift_left3A_396 : vector<16xi32>
        %bitcast3A_398 = vector.bitcast %shift_left3A_397 : vector<16xi32> to vector<16xf32>
        %bitcast3A_399 = vector.bitcast %get3A_394 : vector<16xi32> to vector<16xf32>
        %mul3A_400 = arith.constant 4 : i32
        %mul3A_401 = arith.muli %mul3A_400, %scan3A_172 : i32
        %add3A_402 = arith.constant 1 : i32
        %add3A_403 = arith.addi %mul3A_401, %add3A_402 : i32
        %get3A_404 = arith.constant 1 : i32
        %get3A_405 = arith.index_cast %get3A_404 : i32 to index
        %get3A_406 = arith.index_cast %add3A_403 : i32 to index
        %get3A_407 = arith.constant 48 : index
        %get3A_408 = tpu.vector_load %arg7[%get3A_405, %get3A_406, %get3A_407] {strides = array<i32>} : memref<2x64x384xi32, #tpu.memory_space<vmem>>, vector<16xi32>,
        %shift_left3A_409 = arith.constant 16 : i32
        %shift_left3A_410 = vector.broadcast %shift_left3A_409 : i32 to vector<16xi32>
        %shift_left3A_411 = arith.shli %get3A_408, %shift_left3A_410 : vector<16xi32>
        %bitcast3A_412 = vector.bitcast %shift_left3A_411 : vector<16xi32> to vector<16xf32>
        %bitcast3A_413 = vector.bitcast %get3A_408 : vector<16xi32> to vector<16xf32>
        %add3A_414 = arith.addf %bitcast3A_398, %bitcast3A_412 : vector<16xf32>
        %add3A_415 = arith.addf %bitcast3A_399, %bitcast3A_413 : vector<16xf32>
        %mul3A_416 = arith.constant 4 : i32
        %mul3A_417 = arith.muli %mul3A_416, %scan3A_172 : i32
        %add3A_418 = arith.constant 2 : i32
        %add3A_419 = arith.addi %mul3A_417, %add3A_418 : i32
        %get3A_420 = arith.constant 1 : i32
        %get3A_421 = arith.index_cast %get3A_420 : i32 to index
        %get3A_422 = arith.index_cast %add3A_419 : i32 to index
        %get3A_423 = arith.constant 48 : index
        %get3A_424 = tpu.vector_load %arg7[%get3A_421, %get3A_422, %get3A_423] {strides = array<i32>} : memref<2x64x384xi32, #tpu.memory_space<vmem>>, vector<16xi32>,
        %shift_left3A_425 = arith.constant 16 : i32
        %shift_left3A_426 = vector.broadcast %shift_left3A_425 : i32 to vector<16xi32>
        %shift_left3A_427 = arith.shli %get3A_424, %shift_left3A_426 : vector<16xi32>
        %bitcast3A_428 = vector.bitcast %shift_left3A_427 : vector<16xi32> to vector<16xf32>
        %bitcast3A_429 = vector.bitcast %get3A_424 : vector<16xi32> to vector<16xf32>
        %add3A_430 = arith.addf %add3A_414, %bitcast3A_428 : vector<16xf32>
        %add3A_431 = arith.addf %add3A_415, %bitcast3A_429 : vector<16xf32>
        %mul3A_432 = arith.constant 4 : i32
        %mul3A_433 = arith.muli %mul3A_432, %scan3A_172 : i32
        %add3A_434 = arith.constant 3 : i32
        %add3A_435 = arith.addi %mul3A_433, %add3A_434 : i32
        %get3A_436 = arith.constant 1 : i32
        %get3A_437 = arith.index_cast %get3A_436 : i32 to index
        %get3A_438 = arith.index_cast %add3A_435 : i32 to index
        %get3A_439 = arith.constant 48 : index
        %get3A_440 = tpu.vector_load %arg7[%get3A_437, %get3A_438, %get3A_439] {strides = array<i32>} : memref<2x64x384xi32, #tpu.memory_space<vmem>>, vector<16xi32>,
        %shift_left3A_441 = arith.constant 16 : i32
        %shift_left3A_442 = vector.broadcast %shift_left3A_441 : i32 to vector<16xi32>
        %shift_left3A_443 = arith.shli %get3A_440, %shift_left3A_442 : vector<16xi32>
        %bitcast3A_444 = vector.bitcast %shift_left3A_443 : vector<16xi32> to vector<16xf32>
        %bitcast3A_445 = vector.bitcast %get3A_440 : vector<16xi32> to vector<16xf32>
        %add3A_446 = arith.addf %add3A_430, %bitcast3A_444 : vector<16xf32>
        %add3A_447 = arith.addf %add3A_431, %bitcast3A_445 : vector<16xf32>
        %swap3A_448 = arith.constant 1 : i32
        %swap3A_449 = arith.index_cast %swap3A_448 : i32 to index
        %swap3A_450 = arith.index_cast %scan3A_172 : i32 to index
        %swap3A_451 = arith.constant 48 : index
        %swap3A_452 = tpu.vector_load %arg8[%swap3A_449, %swap3A_450, %swap3A_451] {strides = array<i32>} : memref<2x16x768xf32, #tpu.memory_space<vmem>>, vector<16xf32>,
        tpu.vector_store %arg8[%swap3A_449, %swap3A_450, %swap3A_451], %add3A_446 {strides = array<i32>} : memref<2x16x768xf32, #tpu.memory_space<vmem>>, vector<16xf32>,
        %swap3A_453 = arith.constant 1 : i32
        %swap3A_454 = arith.index_cast %swap3A_453 : i32 to index
        %swap3A_455 = arith.index_cast %scan3A_172 : i32 to index
        %swap3A_456 = arith.constant 432 : index
        %swap3A_457 = tpu.vector_load %arg8[%swap3A_454, %swap3A_455, %swap3A_456] {strides = array<i32>} : memref<2x16x768xf32, #tpu.memory_space<vmem>>, vector<16xf32>,
        tpu.vector_store %arg8[%swap3A_454, %swap3A_455, %swap3A_456], %add3A_447 {strides = array<i32>} : memref<2x16x768xf32, #tpu.memory_space<vmem>>, vector<16xf32>,
        %mul3A_458 = arith.constant 4 : i32
        %mul3A_459 = arith.muli %mul3A_458, %scan3A_172 : i32
        %add3A_460 = arith.constant 0 : i32
        %add3A_461 = arith.addi %mul3A_459, %add3A_460 : i32
        %get3A_462 = arith.constant 1 : i32
        %get3A_463 = arith.index_cast %get3A_462 : i32 to index
        %get3A_464 = arith.index_cast %add3A_461 : i32 to index
        %get3A_465 = arith.constant 64 : index
        %get3A_466 = tpu.vector_load %arg7[%get3A_463, %get3A_464, %get3A_465] {strides = array<i32>} : memref<2x64x384xi32, #tpu.memory_space<vmem>>, vector<16xi32>,
        %shift_left3A_467 = arith.constant 16 : i32
        %shift_left3A_468 = vector.broadcast %shift_left3A_467 : i32 to vector<16xi32>
        %shift_left3A_469 = arith.shli %get3A_466, %shift_left3A_468 : vector<16xi32>
        %bitcast3A_470 = vector.bitcast %shift_left3A_469 : vector<16xi32> to vector<16xf32>
        %bitcast3A_471 = vector.bitcast %get3A_466 : vector<16xi32> to vector<16xf32>
        %mul3A_472 = arith.constant 4 : i32
        %mul3A_473 = arith.muli %mul3A_472, %scan3A_172 : i32
        %add3A_474 = arith.constant 1 : i32
        %add3A_475 = arith.addi %mul3A_473, %add3A_474 : i32
        %get3A_476 = arith.constant 1 : i32
        %get3A_477 = arith.index_cast %get3A_476 : i32 to index
        %get3A_478 = arith.index_cast %add3A_475 : i32 to index
        %get3A_479 = arith.constant 64 : index
        %get3A_480 = tpu.vector_load %arg7[%get3A_477, %get3A_478, %get3A_479] {strides = array<i32>} : memref<2x64x384xi32, #tpu.memory_space<vmem>>, vector<16xi32>,
        %shift_left3A_481 = arith.constant 16 : i32
        %shift_left3A_482 = vector.broadcast %shift_left3A_481 : i32 to vector<16xi32>
        %shift_left3A_483 = arith.shli %get3A_480, %shift_left3A_482 : vector<16xi32>
        %bitcast3A_484 = vector.bitcast %shift_left3A_483 : vector<16xi32> to vector<16xf32>
        %bitcast3A_485 = vector.bitcast %get3A_480 : vector<16xi32> to vector<16xf32>
        %add3A_486 = arith.addf %bitcast3A_470, %bitcast3A_484 : vector<16xf32>
        %add3A_487 = arith.addf %bitcast3A_471, %bitcast3A_485 : vector<16xf32>
        %mul3A_488 = arith.constant 4 : i32
        %mul3A_489 = arith.muli %mul3A_488, %scan3A_172 : i32
        %add3A_490 = arith.constant 2 : i32
        %add3A_491 = arith.addi %mul3A_489, %add3A_490 : i32
        %get3A_492 = arith.constant 1 : i32
        %get3A_493 = arith.index_cast %get3A_492 : i32 to index
        %get3A_494 = arith.index_cast %add3A_491 : i32 to index
        %get3A_495 = arith.constant 64 : index
        %get3A_496 = tpu.vector_load %arg7[%get3A_493, %get3A_494, %get3A_495] {strides = array<i32>} : memref<2x64x384xi32, #tpu.memory_space<vmem>>, vector<16xi32>,
        %shift_left3A_497 = arith.constant 16 : i32
        %shift_left3A_498 = vector.broadcast %shift_left3A_497 : i32 to vector<16xi32>
        %shift_left3A_499 = arith.shli %get3A_496, %shift_left3A_498 : vector<16xi32>
        %bitcast3A_500 = vector.bitcast %shift_left3A_499 : vector<16xi32> to vector<16xf32>
        %bitcast3A_501 = vector.bitcast %get3A_496 : vector<16xi32> to vector<16xf32>
        %add3A_502 = arith.addf %add3A_486, %bitcast3A_500 : vector<16xf32>
        %add3A_503 = arith.addf %add3A_487, %bitcast3A_501 : vector<16xf32>
        %mul3A_504 = arith.constant 4 : i32
        %mul3A_505 = arith.muli %mul3A_504, %scan3A_172 : i32
        %add3A_506 = arith.constant 3 : i32
        %add3A_507 = arith.addi %mul3A_505, %add3A_506 : i32
        %get3A_508 = arith.constant 1 : i32
        %get3A_509 = arith.index_cast %get3A_508 : i32 to index
        %get3A_510 = arith.index_cast %add3A_507 : i32 to index
        %get3A_511 = arith.constant 64 : index
        %get3A_512 = tpu.vector_load %arg7[%get3A_509, %get3A_510, %get3A_511] {strides = array<i32>} : memref<2x64x384xi32, #tpu.memory_space<vmem>>, vector<16xi32>,
        %shift_left3A_513 = arith.constant 16 : i32
        %shift_left3A_514 = vector.broadcast %shift_left3A_513 : i32 to vector<16xi32>
        %shift_left3A_515 = arith.shli %get3A_512, %shift_left3A_514 : vector<16xi32>
        %bitcast3A_516 = vector.bitcast %shift_left3A_515 : vector<16xi32> to vector<16xf32>
        %bitcast3A_517 = vector.bitcast %get3A_512 : vector<16xi32> to vector<16xf32>
        %add3A_518 = arith.addf %add3A_502, %bitcast3A_516 : vector<16xf32>
        %add3A_519 = arith.addf %add3A_503, %bitcast3A_517 : vector<16xf32>
        %swap3A_520 = arith.constant 1 : i32
        %swap3A_521 = arith.index_cast %swap3A_520 : i32 to index
        %swap3A_522 = arith.index_cast %scan3A_172 : i32 to index
        %swap3A_523 = arith.constant 64 : index
        %swap3A_524 = tpu.vector_load %arg8[%swap3A_521, %swap3A_522, %swap3A_523] {strides = array<i32>} : memref<2x16x768xf32, #tpu.memory_space<vmem>>, vector<16xf32>,
        tpu.vector_store %arg8[%swap3A_521, %swap3A_522, %swap3A_523], %add3A_518 {strides = array<i32>} : memref<2x16x768xf32, #tpu.memory_space<vmem>>, vector<16xf32>,
        %swap3A_525 = arith.constant 1 : i32
        %swap3A_526 = arith.index_cast %swap3A_525 : i32 to index
        %swap3A_527 = arith.index_cast %scan3A_172 : i32 to index
        %swap3A_528 = arith.constant 448 : index
        %swap3A_529 = tpu.vector_load %arg8[%swap3A_526, %swap3A_527, %swap3A_528] {strides = array<i32>} : memref<2x16x768xf32, #tpu.memory_space<vmem>>, vector<16xf32>,
        tpu.vector_store %arg8[%swap3A_526, %swap3A_527, %swap3A_528], %add3A_519 {strides = array<i32>} : memref<2x16x768xf32, #tpu.memory_space<vmem>>, vector<16xf32>,
        %mul3A_530 = arith.constant 4 : i32
        %mul3A_531 = arith.muli %mul3A_530, %scan3A_172 : i32
        %add3A_532 = arith.constant 0 : i32
        %add3A_533 = arith.addi %mul3A_531, %add3A_532 : i32
        %get3A_534 = arith.constant 1 : i32
        %get3A_535 = arith.index_cast %get3A_534 : i32 to index
        %get3A_536 = arith.index_cast %add3A_533 : i32 to index
        %get3A_537 = arith.constant 80 : index
        %get3A_538 = tpu.vector_load %arg7[%get3A_535, %get3A_536, %get3A_537] {strides = array<i32>} : memref<2x64x384xi32, #tpu.memory_space<vmem>>, vector<16xi32>,
        %shift_left3A_539 = arith.constant 16 : i32
        %shift_left3A_540 = vector.broadcast %shift_left3A_539 : i32 to vector<16xi32>
        %shift_left3A_541 = arith.shli %get3A_538, %shift_left3A_540 : vector<16xi32>
        %bitcast3A_542 = vector.bitcast %shift_left3A_541 : vector<16xi32> to vector<16xf32>
        %bitcast3A_543 = vector.bitcast %get3A_538 : vector<16xi32> to vector<16xf32>
        %mul3A_544 = arith.constant 4 : i32
        %mul3A_545 = arith.muli %mul3A_544, %scan3A_172 : i32
        %add3A_546 = arith.constant 1 : i32
        %add3A_547 = arith.addi %mul3A_545, %add3A_546 : i32
        %get3A_548 = arith.constant 1 : i32
        %get3A_549 = arith.index_cast %get3A_548 : i32 to index
        %get3A_550 = arith.index_cast %add3A_547 : i32 to index
        %get3A_551 = arith.constant 80 : index
        %get3A_552 = tpu.vector_load %arg7[%get3A_549, %get3A_550, %get3A_551] {strides = array<i32>} : memref<2x64x384xi32, #tpu.memory_space<vmem>>, vector<16xi32>,
        %shift_left3A_553 = arith.constant 16 : i32
        %shift_left3A_554 = vector.broadcast %shift_left3A_553 : i32 to vector<16xi32>
        %shift_left3A_555 = arith.shli %get3A_552, %shift_left3A_554 : vector<16xi32>
        %bitcast3A_556 = vector.bitcast %shift_left3A_555 : vector<16xi32> to vector<16xf32>
        %bitcast3A_557 = vector.bitcast %get3A_552 : vector<16xi32> to vector<16xf32>
        %add3A_558 = arith.addf %bitcast3A_542, %bitcast3A_556 : vector<16xf32>
        %add3A_559 = arith.addf %bitcast3A_543, %bitcast3A_557 : vector<16xf32>
        %mul3A_560 = arith.constant 4 : i32
        %mul3A_561 = arith.muli %mul3A_560, %scan3A_172 : i32
        %add3A_562 = arith.constant 2 : i32
        %add3A_563 = arith.addi %mul3A_561, %add3A_562 : i32
        %get3A_564 = arith.constant 1 : i32
        %get3A_565 = arith.index_cast %get3A_564 : i32 to index
        %get3A_566 = arith.index_cast %add3A_563 : i32 to index
        %get3A_567 = arith.constant 80 : index
        %get3A_568 = tpu.vector_load %arg7[%get3A_565, %get3A_566, %get3A_567] {strides = array<i32>} : memref<2x64x384xi32, #tpu.memory_space<vmem>>, vector<16xi32>,
        %shift_left3A_569 = arith.constant 16 : i32
        %shift_left3A_570 = vector.broadcast %shift_left3A_569 : i32 to vector<16xi32>
        %shift_left3A_571 = arith.shli %get3A_568, %shift_left3A_570 : vector<16xi32>
        %bitcast3A_572 = vector.bitcast %shift_left3A_571 : vector<16xi32> to vector<16xf32>
        %bitcast3A_573 = vector.bitcast %get3A_568 : vector<16xi32> to vector<16xf32>
        %add3A_574 = arith.addf %add3A_558, %bitcast3A_572 : vector<16xf32>
        %add3A_575 = arith.addf %add3A_559, %bitcast3A_573 : vector<16xf32>
        %mul3A_576 = arith.constant 4 : i32
        %mul3A_577 = arith.muli %mul3A_576, %scan3A_172 : i32
        %add3A_578 = arith.constant 3 : i32
        %add3A_579 = arith.addi %mul3A_577, %add3A_578 : i32
        %get3A_580 = arith.constant 1 : i32
        %get3A_581 = arith.index_cast %get3A_580 : i32 to index
        %get3A_582 = arith.index_cast %add3A_579 : i32 to index
        %get3A_583 = arith.constant 80 : index
        %get3A_584 = tpu.vector_load %arg7[%get3A_581, %get3A_582, %get3A_583] {strides = array<i32>} : memref<2x64x384xi32, #tpu.memory_space<vmem>>, vector<16xi32>,
        %shift_left3A_585 = arith.constant 16 : i32
        %shift_left3A_586 = vector.broadcast %shift_left3A_585 : i32 to vector<16xi32>
        %shift_left3A_587 = arith.shli %get3A_584, %shift_left3A_586 : vector<16xi32>
        %bitcast3A_588 = vector.bitcast %shift_left3A_587 : vector<16xi32> to vector<16xf32>
        %bitcast3A_589 = vector.bitcast %get3A_584 : vector<16xi32> to vector<16xf32>
        %add3A_590 = arith.addf %add3A_574, %bitcast3A_588 : vector<16xf32>
        %add3A_591 = arith.addf %add3A_575, %bitcast3A_589 : vector<16xf32>
        %swap3A_592 = arith.constant 1 : i32
        %swap3A_593 = arith.index_cast %swap3A_592 : i32 to index
        %swap3A_594 = arith.index_cast %scan3A_172 : i32 to index
        %swap3A_595 = arith.constant 80 : index
        %swap3A_596 = tpu.vector_load %arg8[%swap3A_593, %swap3A_594, %swap3A_595] {strides = array<i32>} : memref<2x16x768xf32, #tpu.memory_space<vmem>>, vector<16xf32>,
        tpu.vector_store %arg8[%swap3A_593, %swap3A_594, %swap3A_595], %add3A_590 {strides = array<i32>} : memref<2x16x768xf32, #tpu.memory_space<vmem>>, vector<16xf32>,
        %swap3A_597 = arith.constant 1 : i32
        %swap3A_598 = arith.index_cast %swap3A_597 : i32 to index
        %swap3A_599 = arith.index_cast %scan3A_172 : i32 to index
        %swap3A_600 = arith.constant 464 : index
        %swap3A_601 = tpu.vector_load %arg8[%swap3A_598, %swap3A_599, %swap3A_600] {strides = array<i32>} : memref<2x16x768xf32, #tpu.memory_space<vmem>>, vector<16xf32>,
        tpu.vector_store %arg8[%swap3A_598, %swap3A_599, %swap3A_600], %add3A_591 {strides = array<i32>} : memref<2x16x768xf32, #tpu.memory_space<vmem>>, vector<16xf32>,
        %mul3A_602 = arith.constant 4 : i32
        %mul3A_603 = arith.muli %mul3A_602, %scan3A_172 : i32
        %add3A_604 = arith.constant 0 : i32
        %add3A_605 = arith.addi %mul3A_603, %add3A_604 : i32
        %get3A_606 = arith.constant 1 : i32
        %get3A_607 = arith.index_cast %get3A_606 : i32 to index
        %get3A_608 = arith.index_cast %add3A_605 : i32 to index
        %get3A_609 = arith.constant 96 : index
        %get3A_610 = tpu.vector_load %arg7[%get3A_607, %get3A_608, %get3A_609] {strides = array<i32>} : memref<2x64x384xi32, #tpu.memory_space<vmem>>, vector<16xi32>,
        %shift_left3A_611 = arith.constant 16 : i32
        %shift_left3A_612 = vector.broadcast %shift_left3A_611 : i32 to vector<16xi32>
        %shift_left3A_613 = arith.shli %get3A_610, %shift_left3A_612 : vector<16xi32>
        %bitcast3A_614 = vector.bitcast %shift_left3A_613 : vector<16xi32> to vector<16xf32>
        %bitcast3A_615 = vector.bitcast %get3A_610 : vector<16xi32> to vector<16xf32>
        %mul3A_616 = arith.constant 4 : i32
        %mul3A_617 = arith.muli %mul3A_616, %scan3A_172 : i32
        %add3A_618 = arith.constant 1 : i32
        %add3A_619 = arith.addi %mul3A_617, %add3A_618 : i32
        %get3A_620 = arith.constant 1 : i32
        %get3A_621 = arith.index_cast %get3A_620 : i32 to index
        %get3A_622 = arith.index_cast %add3A_619 : i32 to index
        %get3A_623 = arith.constant 96 : index
        %get3A_624 = tpu.vector_load %arg7[%get3A_621, %get3A_622, %get3A_623] {strides = array<i32>} : memref<2x64x384xi32, #tpu.memory_space<vmem>>, vector<16xi32>,
        %shift_left3A_625 = arith.constant 16 : i32
        %shift_left3A_626 = vector.broadcast %shift_left3A_625 : i32 to vector<16xi32>
        %shift_left3A_627 = arith.shli %get3A_624, %shift_left3A_626 : vector<16xi32>
        %bitcast3A_628 = vector.bitcast %shift_left3A_627 : vector<16xi32> to vector<16xf32>
        %bitcast3A_629 = vector.bitcast %get3A_624 : vector<16xi32> to vector<16xf32>
        %add3A_630 = arith.addf %bitcast3A_614, %bitcast3A_628 : vector<16xf32>
        %add3A_631 = arith.addf %bitcast3A_615, %bitcast3A_629 : vector<16xf32>
        %mul3A_632 = arith.constant 4 : i32
        %mul3A_633 = arith.muli %mul3A_632, %scan3A_172 : i32
        %add3A_634 = arith.constant 2 : i32
        %add3A_635 = arith.addi %mul3A_633, %add3A_634 : i32
        %get3A_636 = arith.constant 1 : i32
        %get3A_637 = arith.index_cast %get3A_636 : i32 to index
        %get3A_638 = arith.index_cast %add3A_635 : i32 to index
        %get3A_639 = arith.constant 96 : index
        %get3A_640 = tpu.vector_load %arg7[%get3A_637, %get3A_638, %get3A_639] {strides = array<i32>} : memref<2x64x384xi32, #tpu.memory_space<vmem>>, vector<16xi32>,
        %shift_left3A_641 = arith.constant 16 : i32
        %shift_left3A_642 = vector.broadcast %shift_left3A_641 : i32 to vector<16xi32>
        %shift_left3A_643 = arith.shli %get3A_640, %shift_left3A_642 : vector<16xi32>
        %bitcast3A_644 = vector.bitcast %shift_left3A_643 : vector<16xi32> to vector<16xf32>
        %bitcast3A_645 = vector.bitcast %get3A_640 : vector<16xi32> to vector<16xf32>
        %add3A_646 = arith.addf %add3A_630, %bitcast3A_644 : vector<16xf32>
        %add3A_647 = arith.addf %add3A_631, %bitcast3A_645 : vector<16xf32>
        %mul3A_648 = arith.constant 4 : i32
        %mul3A_649 = arith.muli %mul3A_648, %scan3A_172 : i32
        %add3A_650 = arith.constant 3 : i32
        %add3A_651 = arith.addi %mul3A_649, %add3A_650 : i32
        %get3A_652 = arith.constant 1 : i32
        %get3A_653 = arith.index_cast %get3A_652 : i32 to index
        %get3A_654 = arith.index_cast %add3A_651 : i32 to index
        %get3A_655 = arith.constant 96 : index
        %get3A_656 = tpu.vector_load %arg7[%get3A_653, %get3A_654, %get3A_655] {strides = array<i32>} : memref<2x64x384xi32, #tpu.memory_space<vmem>>, vector<16xi32>,
        %shift_left3A_657 = arith.constant 16 : i32
        %shift_left3A_658 = vector.broadcast %shift_left3A_657 : i32 to vector<16xi32>
        %shift_left3A_659 = arith.shli %get3A_656, %shift_left3A_658 : vector<16xi32>
        %bitcast3A_660 = vector.bitcast %shift_left3A_659 : vector<16xi32> to vector<16xf32>
        %bitcast3A_661 = vector.bitcast %get3A_656 : vector<16xi32> to vector<16xf32>
        %add3A_662 = arith.addf %add3A_646, %bitcast3A_660 : vector<16xf32>
        %add3A_663 = arith.addf %add3A_647, %bitcast3A_661 : vector<16xf32>
        %swap3A_664 = arith.constant 1 : i32
        %swap3A_665 = arith.index_cast %swap3A_664 : i32 to index
        %swap3A_666 = arith.index_cast %scan3A_172 : i32 to index
        %swap3A_667 = arith.constant 96 : index
        %swap3A_668 = tpu.vector_load %arg8[%swap3A_665, %swap3A_666, %swap3A_667] {strides = array<i32>} : memref<2x16x768xf32, #tpu.memory_space<vmem>>, vector<16xf32>,
        tpu.vector_store %arg8[%swap3A_665, %swap3A_666, %swap3A_667], %add3A_662 {strides = array<i32>} : memref<2x16x768xf32, #tpu.memory_space<vmem>>, vector<16xf32>,
        %swap3A_669 = arith.constant 1 : i32
        %swap3A_670 = arith.index_cast %swap3A_669 : i32 to index
        %swap3A_671 = arith.index_cast %scan3A_172 : i32 to index
        %swap3A_672 = arith.constant 480 : index
        %swap3A_673 = tpu.vector_load %arg8[%swap3A_670, %swap3A_671, %swap3A_672] {strides = array<i32>} : memref<2x16x768xf32, #tpu.memory_space<vmem>>, vector<16xf32>,
        tpu.vector_store %arg8[%swap3A_670, %swap3A_671, %swap3A_672], %add3A_663 {strides = array<i32>} : memref<2x16x768xf32, #tpu.memory_space<vmem>>, vector<16xf32>,
        %mul3A_674 = arith.constant 4 : i32
        %mul3A_675 = arith.muli %mul3A_674, %scan3A_172 : i32
        %add3A_676 = arith.constant 0 : i32
        %add3A_677 = arith.addi %mul3A_675, %add3A_676 : i32
        %get3A_678 = arith.constant 1 : i32
        %get3A_679 = arith.index_cast %get3A_678 : i32 to index
        %get3A_680 = arith.index_cast %add3A_677 : i32 to index
        %get3A_681 = arith.constant 112 : index
        %get3A_682 = tpu.vector_load %arg7[%get3A_679, %get3A_680, %get3A_681] {strides = array<i32>} : memref<2x64x384xi32, #tpu.memory_space<vmem>>, vector<16xi32>,
        %shift_left3A_683 = arith.constant 16 : i32
        %shift_left3A_684 = vector.broadcast %shift_left3A_683 : i32 to vector<16xi32>
        %shift_left3A_685 = arith.shli %get3A_682, %shift_left3A_684 : vector<16xi32>
        %bitcast3A_686 = vector.bitcast %shift_left3A_685 : vector<16xi32> to vector<16xf32>
        %bitcast3A_687 = vector.bitcast %get3A_682 : vector<16xi32> to vector<16xf32>
        %mul3A_688 = arith.constant 4 : i32
        %mul3A_689 = arith.muli %mul3A_688, %scan3A_172 : i32
        %add3A_690 = arith.constant 1 : i32
        %add3A_691 = arith.addi %mul3A_689, %add3A_690 : i32
        %get3A_692 = arith.constant 1 : i32
        %get3A_693 = arith.index_cast %get3A_692 : i32 to index
        %get3A_694 = arith.index_cast %add3A_691 : i32 to index
        %get3A_695 = arith.constant 112 : index
        %get3A_696 = tpu.vector_load %arg7[%get3A_693, %get3A_694, %get3A_695] {strides = array<i32>} : memref<2x64x384xi32, #tpu.memory_space<vmem>>, vector<16xi32>,
        %shift_left3A_697 = arith.constant 16 : i32
        %shift_left3A_698 = vector.broadcast %shift_left3A_697 : i32 to vector<16xi32>
        %shift_left3A_699 = arith.shli %get3A_696, %shift_left3A_698 : vector<16xi32>
        %bitcast3A_700 = vector.bitcast %shift_left3A_699 : vector<16xi32> to vector<16xf32>
        %bitcast3A_701 = vector.bitcast %get3A_696 : vector<16xi32> to vector<16xf32>
        %add3A_702 = arith.addf %bitcast3A_686, %bitcast3A_700 : vector<16xf32>
        %add3A_703 = arith.addf %bitcast3A_687, %bitcast3A_701 : vector<16xf32>
        %mul3A_704 = arith.constant 4 : i32
        %mul3A_705 = arith.muli %mul3A_704, %scan3A_172 : i32
        %add3A_706 = arith.constant 2 : i32
        %add3A_707 = arith.addi %mul3A_705, %add3A_706 : i32
        %get3A_708 = arith.constant 1 : i32
        %get3A_709 = arith.index_cast %get3A_708 : i32 to index
        %get3A_710 = arith.index_cast %add3A_707 : i32 to index
        %get3A_711 = arith.constant 112 : index
        %get3A_712 = tpu.vector_load %arg7[%get3A_709, %get3A_710, %get3A_711] {strides = array<i32>} : memref<2x64x384xi32, #tpu.memory_space<vmem>>, vector<16xi32>,
        %shift_left3A_713 = arith.constant 16 : i32
        %shift_left3A_714 = vector.broadcast %shift_left3A_713 : i32 to vector<16xi32>
        %shift_left3A_715 = arith.shli %get3A_712, %shift_left3A_714 : vector<16xi32>
        %bitcast3A_716 = vector.bitcast %shift_left3A_715 : vector<16xi32> to vector<16xf32>
        %bitcast3A_717 = vector.bitcast %get3A_712 : vector<16xi32> to vector<16xf32>
        %add3A_718 = arith.addf %add3A_702, %bitcast3A_716 : vector<16xf32>
        %add3A_719 = arith.addf %add3A_703, %bitcast3A_717 : vector<16xf32>
        %mul3A_720 = arith.constant 4 : i32
        %mul3A_721 = arith.muli %mul3A_720, %scan3A_172 : i32
        %add3A_722 = arith.constant 3 : i32
        %add3A_723 = arith.addi %mul3A_721, %add3A_722 : i32
        %get3A_724 = arith.constant 1 : i32
        %get3A_725 = arith.index_cast %get3A_724 : i32 to index
        %get3A_726 = arith.index_cast %add3A_723 : i32 to index
        %get3A_727 = arith.constant 112 : index
        %get3A_728 = tpu.vector_load %arg7[%get3A_725, %get3A_726, %get3A_727] {strides = array<i32>} : memref<2x64x384xi32, #tpu.memory_space<vmem>>, vector<16xi32>,
        %shift_left3A_729 = arith.constant 16 : i32
        %shift_left3A_730 = vector.broadcast %shift_left3A_729 : i32 to vector<16xi32>
        %shift_left3A_731 = arith.shli %get3A_728, %shift_left3A_730 : vector<16xi32>
        %bitcast3A_732 = vector.bitcast %shift_left3A_731 : vector<16xi32> to vector<16xf32>
        %bitcast3A_733 = vector.bitcast %get3A_728 : vector<16xi32> to vector<16xf32>
        %add3A_734 = arith.addf %add3A_718, %bitcast3A_732 : vector<16xf32>
        %add3A_735 = arith.addf %add3A_719, %bitcast3A_733 : vector<16xf32>
        %swap3A_736 = arith.constant 1 : i32
        %swap3A_737 = arith.index_cast %swap3A_736 : i32 to index
        %swap3A_738 = arith.index_cast %scan3A_172 : i32 to index
        %swap3A_739 = arith.constant 112 : index
        %swap3A_740 = tpu.vector_load %arg8[%swap3A_737, %swap3A_738, %swap3A_739] {strides = array<i32>} : memref<2x16x768xf32, #tpu.memory_space<vmem>>, vector<16xf32>,
        tpu.vector_store %arg8[%swap3A_737, %swap3A_738, %swap3A_739], %add3A_734 {strides = array<i32>} : memref<2x16x768xf32, #tpu.memory_space<vmem>>, vector<16xf32>,
        %swap3A_741 = arith.constant 1 : i32
        %swap3A_742 = arith.index_cast %swap3A_741 : i32 to index
        %swap3A_743 = arith.index_cast %scan3A_172 : i32 to index
        %swap3A_744 = arith.constant 496 : index
        %swap3A_745 = tpu.vector_load %arg8[%swap3A_742, %swap3A_743, %swap3A_744] {strides = array<i32>} : memref<2x16x768xf32, #tpu.memory_space<vmem>>, vector<16xf32>,
        tpu.vector_store %arg8[%swap3A_742, %swap3A_743, %swap3A_744], %add3A_735 {strides = array<i32>} : memref<2x16x768xf32, #tpu.memory_space<vmem>>, vector<16xf32>,
        %mul3A_746 = arith.constant 4 : i32
        %mul3A_747 = arith.muli %mul3A_746, %scan3A_172 : i32
        %add3A_748 = arith.constant 0 : i32
        %add3A_749 = arith.addi %mul3A_747, %add3A_748 : i32
        %get3A_750 = arith.constant 1 : i32
        %get3A_751 = arith.index_cast %get3A_750 : i32 to index
        %get3A_752 = arith.index_cast %add3A_749 : i32 to index
        %get3A_753 = arith.constant 128 : index
        %get3A_754 = tpu.vector_load %arg7[%get3A_751, %get3A_752, %get3A_753] {strides = array<i32>} : memref<2x64x384xi32, #tpu.memory_space<vmem>>, vector<16xi32>,
        %shift_left3A_755 = arith.constant 16 : i32
        %shift_left3A_756 = vector.broadcast %shift_left3A_755 : i32 to vector<16xi32>
        %shift_left3A_757 = arith.shli %get3A_754, %shift_left3A_756 : vector<16xi32>
        %bitcast3A_758 = vector.bitcast %shift_left3A_757 : vector<16xi32> to vector<16xf32>
        %bitcast3A_759 = vector.bitcast %get3A_754 : vector<16xi32> to vector<16xf32>
        %mul3A_760 = arith.constant 4 : i32
        %mul3A_761 = arith.muli %mul3A_760, %scan3A_172 : i32
        %add3A_762 = arith.constant 1 : i32
        %add3A_763 = arith.addi %mul3A_761, %add3A_762 : i32
        %get3A_764 = arith.constant 1 : i32
        %get3A_765 = arith.index_cast %get3A_764 : i32 to index
        %get3A_766 = arith.index_cast %add3A_763 : i32 to index
        %get3A_767 = arith.constant 128 : index
        %get3A_768 = tpu.vector_load %arg7[%get3A_765, %get3A_766, %get3A_767] {strides = array<i32>} : memref<2x64x384xi32, #tpu.memory_space<vmem>>, vector<16xi32>,
        %shift_left3A_769 = arith.constant 16 : i32
        %shift_left3A_770 = vector.broadcast %shift_left3A_769 : i32 to vector<16xi32>
        %shift_left3A_771 = arith.shli %get3A_768, %shift_left3A_770 : vector<16xi32>
        %bitcast3A_772 = vector.bitcast %shift_left3A_771 : vector<16xi32> to vector<16xf32>
        %bitcast3A_773 = vector.bitcast %get3A_768 : vector<16xi32> to vector<16xf32>
        %add3A_774 = arith.addf %bitcast3A_758, %bitcast3A_772 : vector<16xf32>
        %add3A_775 = arith.addf %bitcast3A_759, %bitcast3A_773 : vector<16xf32>
        %mul3A_776 = arith.constant 4 : i32
        %mul3A_777 = arith.muli %mul3A_776, %scan3A_172 : i32
        %add3A_778 = arith.constant 2 : i32
        %add3A_779 = arith.addi %mul3A_777, %add3A_778 : i32
        %get3A_780 = arith.constant 1 : i32
        %get3A_781 = arith.index_cast %get3A_780 : i32 to index
        %get3A_782 = arith.index_cast %add3A_779 : i32 to index
        %get3A_783 = arith.constant 128 : index
        %get3A_784 = tpu.vector_load %arg7[%get3A_781, %get3A_782, %get3A_783] {strides = array<i32>} : memref<2x64x384xi32, #tpu.memory_space<vmem>>, vector<16xi32>,
        %shift_left3A_785 = arith.constant 16 : i32
        %shift_left3A_786 = vector.broadcast %shift_left3A_785 : i32 to vector<16xi32>
        %shift_left3A_787 = arith.shli %get3A_784, %shift_left3A_786 : vector<16xi32>
        %bitcast3A_788 = vector.bitcast %shift_left3A_787 : vector<16xi32> to vector<16xf32>
        %bitcast3A_789 = vector.bitcast %get3A_784 : vector<16xi32> to vector<16xf32>
        %add3A_790 = arith.addf %add3A_774, %bitcast3A_788 : vector<16xf32>
        %add3A_791 = arith.addf %add3A_775, %bitcast3A_789 : vector<16xf32>
        %mul3A_792 = arith.constant 4 : i32
        %mul3A_793 = arith.muli %mul3A_792, %scan3A_172 : i32
        %add3A_794 = arith.constant 3 : i32
        %add3A_795 = arith.addi %mul3A_793, %add3A_794 : i32
        %get3A_796 = arith.constant 1 : i32
        %get3A_797 = arith.index_cast %get3A_796 : i32 to index
        %get3A_798 = arith.index_cast %add3A_795 : i32 to index
        %get3A_799 = arith.constant 128 : index
        %get3A_800 = tpu.vector_load %arg7[%get3A_797, %get3A_798, %get3A_799] {strides = array<i32>} : memref<2x64x384xi32, #tpu.memory_space<vmem>>, vector<16xi32>,
        %shift_left3A_801 = arith.constant 16 : i32
        %shift_left3A_802 = vector.broadcast %shift_left3A_801 : i32 to vector<16xi32>
        %shift_left3A_803 = arith.shli %get3A_800, %shift_left3A_802 : vector<16xi32>
        %bitcast3A_804 = vector.bitcast %shift_left3A_803 : vector<16xi32> to vector<16xf32>
        %bitcast3A_805 = vector.bitcast %get3A_800 : vector<16xi32> to vector<16xf32>
        %add3A_806 = arith.addf %add3A_790, %bitcast3A_804 : vector<16xf32>
        %add3A_807 = arith.addf %add3A_791, %bitcast3A_805 : vector<16xf32>
        %swap3A_808 = arith.constant 1 : i32
        %swap3A_809 = arith.index_cast %swap3A_808 : i32 to index
        %swap3A_810 = arith.index_cast %scan3A_172 : i32 to index
        %swap3A_811 = arith.constant 128 : index
        %swap3A_812 = tpu.vector_load %arg8[%swap3A_809, %swap3A_810, %swap3A_811] {strides = array<i32>} : memref<2x16x768xf32, #tpu.memory_space<vmem>>, vector<16xf32>,
        tpu.vector_store %arg8[%swap3A_809, %swap3A_810, %swap3A_811], %add3A_806 {strides = array<i32>} : memref<2x16x768xf32, #tpu.memory_space<vmem>>, vector<16xf32>,
        %swap3A_813 = arith.constant 1 : i32
        %swap3A_814 = arith.index_cast %swap3A_813 : i32 to index
        %swap3A_815 = arith.index_cast %scan3A_172 : i32 to index
        %swap3A_816 = arith.constant 512 : index
        %swap3A_817 = tpu.vector_load %arg8[%swap3A_814, %swap3A_815, %swap3A_816] {strides = array<i32>} : memref<2x16x768xf32, #tpu.memory_space<vmem>>, vector<16xf32>,
        tpu.vector_store %arg8[%swap3A_814, %swap3A_815, %swap3A_816], %add3A_807 {strides = array<i32>} : memref<2x16x768xf32, #tpu.memory_space<vmem>>, vector<16xf32>,
        %mul3A_818 = arith.constant 4 : i32
        %mul3A_819 = arith.muli %mul3A_818, %scan3A_172 : i32
        %add3A_820 = arith.constant 0 : i32
        %add3A_821 = arith.addi %mul3A_819, %add3A_820 : i32
        %get3A_822 = arith.constant 1 : i32
        %get3A_823 = arith.index_cast %get3A_822 : i32 to index
        %get3A_824 = arith.index_cast %add3A_821 : i32 to index
        %get3A_825 = arith.constant 144 : index
        %get3A_826 = tpu.vector_load %arg7[%get3A_823, %get3A_824, %get3A_825] {strides = array<i32>} : memref<2x64x384xi32, #tpu.memory_space<vmem>>, vector<16xi32>,
        %shift_left3A_827 = arith.constant 16 : i32
        %shift_left3A_828 = vector.broadcast %shift_left3A_827 : i32 to vector<16xi32>
        %shift_left3A_829 = arith.shli %get3A_826, %shift_left3A_828 : vector<16xi32>
        %bitcast3A_830 = vector.bitcast %shift_left3A_829 : vector<16xi32> to vector<16xf32>
        %bitcast3A_831 = vector.bitcast %get3A_826 : vector<16xi32> to vector<16xf32>
        %mul3A_832 = arith.constant 4 : i32
        %mul3A_833 = arith.muli %mul3A_832, %scan3A_172 : i32
        %add3A_834 = arith.constant 1 : i32
        %add3A_835 = arith.addi %mul3A_833, %add3A_834 : i32
        %get3A_836 = arith.constant 1 : i32
        %get3A_837 = arith.index_cast %get3A_836 : i32 to index
        %get3A_838 = arith.index_cast %add3A_835 : i32 to index
        %get3A_839 = arith.constant 144 : index
        %get3A_840 = tpu.vector_load %arg7[%get3A_837, %get3A_838, %get3A_839] {strides = array<i32>} : memref<2x64x384xi32, #tpu.memory_space<vmem>>, vector<16xi32>,
        %shift_left3A_841 = arith.constant 16 : i32
        %shift_left3A_842 = vector.broadcast %shift_left3A_841 : i32 to vector<16xi32>
        %shift_left3A_843 = arith.shli %get3A_840, %shift_left3A_842 : vector<16xi32>
        %bitcast3A_844 = vector.bitcast %shift_left3A_843 : vector<16xi32> to vector<16xf32>
        %bitcast3A_845 = vector.bitcast %get3A_840 : vector<16xi32> to vector<16xf32>
        %add3A_846 = arith.addf %bitcast3A_830, %bitcast3A_844 : vector<16xf32>
        %add3A_847 = arith.addf %bitcast3A_831, %bitcast3A_845 : vector<16xf32>
        %mul3A_848 = arith.constant 4 : i32
        %mul3A_849 = arith.muli %mul3A_848, %scan3A_172 : i32
        %add3A_850 = arith.constant 2 : i32
        %add3A_851 = arith.addi %mul3A_849, %add3A_850 : i32
        %get3A_852 = arith.constant 1 : i32
        %get3A_853 = arith.index_cast %get3A_852 : i32 to index
        %get3A_854 = arith.index_cast %add3A_851 : i32 to index
        %get3A_855 = arith.constant 144 : index
        %get3A_856 = tpu.vector_load %arg7[%get3A_853, %get3A_854, %get3A_855] {strides = array<i32>} : memref<2x64x384xi32, #tpu.memory_space<vmem>>, vector<16xi32>,
        %shift_left3A_857 = arith.constant 16 : i32
        %shift_left3A_858 = vector.broadcast %shift_left3A_857 : i32 to vector<16xi32>
        %shift_left3A_859 = arith.shli %get3A_856, %shift_left3A_858 : vector<16xi32>
        %bitcast3A_860 = vector.bitcast %shift_left3A_859 : vector<16xi32> to vector<16xf32>
        %bitcast3A_861 = vector.bitcast %get3A_856 : vector<16xi32> to vector<16xf32>
        %add3A_862 = arith.addf %add3A_846, %bitcast3A_860 : vector<16xf32>
        %add3A_863 = arith.addf %add3A_847, %bitcast3A_861 : vector<16xf32>
        %mul3A_864 = arith.constant 4 : i32
        %mul3A_865 = arith.muli %mul3A_864, %scan3A_172 : i32
        %add3A_866 = arith.constant 3 : i32
        %add3A_867 = arith.addi %mul3A_865, %add3A_866 : i32
        %get3A_868 = arith.constant 1 : i32
        %get3A_869 = arith.index_cast %get3A_868 : i32 to index
        %get3A_870 = arith.index_cast %add3A_867 : i32 to index
        %get3A_871 = arith.constant 144 : index
        %get3A_872 = tpu.vector_load %arg7[%get3A_869, %get3A_870, %get3A_871] {strides = array<i32>} : memref<2x64x384xi32, #tpu.memory_space<vmem>>, vector<16xi32>,
        %shift_left3A_873 = arith.constant 16 : i32
        %shift_left3A_874 = vector.broadcast %shift_left3A_873 : i32 to vector<16xi32>
        %shift_left3A_875 = arith.shli %get3A_872, %shift_left3A_874 : vector<16xi32>
        %bitcast3A_876 = vector.bitcast %shift_left3A_875 : vector<16xi32> to vector<16xf32>
        %bitcast3A_877 = vector.bitcast %get3A_872 : vector<16xi32> to vector<16xf32>
        %add3A_878 = arith.addf %add3A_862, %bitcast3A_876 : vector<16xf32>
        %add3A_879 = arith.addf %add3A_863, %bitcast3A_877 : vector<16xf32>
        %swap3A_880 = arith.constant 1 : i32
        %swap3A_881 = arith.index_cast %swap3A_880 : i32 to index
        %swap3A_882 = arith.index_cast %scan3A_172 : i32 to index
        %swap3A_883 = arith.constant 144 : index
        %swap3A_884 = tpu.vector_load %arg8[%swap3A_881, %swap3A_882, %swap3A_883] {strides = array<i32>} : memref<2x16x768xf32, #tpu.memory_space<vmem>>, vector<16xf32>,
        tpu.vector_store %arg8[%swap3A_881, %swap3A_882, %swap3A_883], %add3A_878 {strides = array<i32>} : memref<2x16x768xf32, #tpu.memory_space<vmem>>, vector<16xf32>,
        %swap3A_885 = arith.constant 1 : i32
        %swap3A_886 = arith.index_cast %swap3A_885 : i32 to index
        %swap3A_887 = arith.index_cast %scan3A_172 : i32 to index
        %swap3A_888 = arith.constant 528 : index
        %swap3A_889 = tpu.vector_load %arg8[%swap3A_886, %swap3A_887, %swap3A_888] {strides = array<i32>} : memref<2x16x768xf32, #tpu.memory_space<vmem>>, vector<16xf32>,
        tpu.vector_store %arg8[%swap3A_886, %swap3A_887, %swap3A_888], %add3A_879 {strides = array<i32>} : memref<2x16x768xf32, #tpu.memory_space<vmem>>, vector<16xf32>,
        %mul3A_890 = arith.constant 4 : i32
        %mul3A_891 = arith.muli %mul3A_890, %scan3A_172 : i32
        %add3A_892 = arith.constant 0 : i32
        %add3A_893 = arith.addi %mul3A_891, %add3A_892 : i32
        %get3A_894 = arith.constant 1 : i32
        %get3A_895 = arith.index_cast %get3A_894 : i32 to index
        %get3A_896 = arith.index_cast %add3A_893 : i32 to index
        %get3A_897 = arith.constant 160 : index
        %get3A_898 = tpu.vector_load %arg7[%get3A_895, %get3A_896, %get3A_897] {strides = array<i32>} : memref<2x64x384xi32, #tpu.memory_space<vmem>>, vector<16xi32>,
        %shift_left3A_899 = arith.constant 16 : i32
        %shift_left3A_900 = vector.broadcast %shift_left3A_899 : i32 to vector<16xi32>
        %shift_left3A_901 = arith.shli %get3A_898, %shift_left3A_900 : vector<16xi32>
        %bitcast3A_902 = vector.bitcast %shift_left3A_901 : vector<16xi32> to vector<16xf32>
        %bitcast3A_903 = vector.bitcast %get3A_898 : vector<16xi32> to vector<16xf32>
        %mul3A_904 = arith.constant 4 : i32
        %mul3A_905 = arith.muli %mul3A_904, %scan3A_172 : i32
        %add3A_906 = arith.constant 1 : i32
        %add3A_907 = arith.addi %mul3A_905, %add3A_906 : i32
        %get3A_908 = arith.constant 1 : i32
        %get3A_909 = arith.index_cast %get3A_908 : i32 to index
        %get3A_910 = arith.index_cast %add3A_907 : i32 to index
        %get3A_911 = arith.constant 160 : index
        %get3A_912 = tpu.vector_load %arg7[%get3A_909, %get3A_910, %get3A_911] {strides = array<i32>} : memref<2x64x384xi32, #tpu.memory_space<vmem>>, vector<16xi32>,
        %shift_left3A_913 = arith.constant 16 : i32
        %shift_left3A_914 = vector.broadcast %shift_left3A_913 : i32 to vector<16xi32>
        %shift_left3A_915 = arith.shli %get3A_912, %shift_left3A_914 : vector<16xi32>
        %bitcast3A_916 = vector.bitcast %shift_left3A_915 : vector<16xi32> to vector<16xf32>
        %bitcast3A_917 = vector.bitcast %get3A_912 : vector<16xi32> to vector<16xf32>
        %add3A_918 = arith.addf %bitcast3A_902, %bitcast3A_916 : vector<16xf32>
        %add3A_919 = arith.addf %bitcast3A_903, %bitcast3A_917 : vector<16xf32>
        %mul3A_920 = arith.constant 4 : i32
        %mul3A_921 = arith.muli %mul3A_920, %scan3A_172 : i32
        %add3A_922 = arith.constant 2 : i32
        %add3A_923 = arith.addi %mul3A_921, %add3A_922 : i32
        %get3A_924 = arith.constant 1 : i32
        %get3A_925 = arith.index_cast %get3A_924 : i32 to index
        %get3A_926 = arith.index_cast %add3A_923 : i32 to index
        %get3A_927 = arith.constant 160 : index
        %get3A_928 = tpu.vector_load %arg7[%get3A_925, %get3A_926, %get3A_927] {strides = array<i32>} : memref<2x64x384xi32, #tpu.memory_space<vmem>>, vector<16xi32>,
        %shift_left3A_929 = arith.constant 16 : i32
        %shift_left3A_930 = vector.broadcast %shift_left3A_929 : i32 to vector<16xi32>
        %shift_left3A_931 = arith.shli %get3A_928, %shift_left3A_930 : vector<16xi32>
        %bitcast3A_932 = vector.bitcast %shift_left3A_931 : vector<16xi32> to vector<16xf32>
        %bitcast3A_933 = vector.bitcast %get3A_928 : vector<16xi32> to vector<16xf32>
        %add3A_934 = arith.addf %add3A_918, %bitcast3A_932 : vector<16xf32>
        %add3A_935 = arith.addf %add3A_919, %bitcast3A_933 : vector<16xf32>
        %mul3A_936 = arith.constant 4 : i32
        %mul3A_937 = arith.muli %mul3A_936, %scan3A_172 : i32
        %add3A_938 = arith.constant 3 : i32
        %add3A_939 = arith.addi %mul3A_937, %add3A_938 : i32
        %get3A_940 = arith.constant 1 : i32
        %get3A_941 = arith.index_cast %get3A_940 : i32 to index
        %get3A_942 = arith.index_cast %add3A_939 : i32 to index
        %get3A_943 = arith.constant 160 : index
        %get3A_944 = tpu.vector_load %arg7[%get3A_941, %get3A_942, %get3A_943] {strides = array<i32>} : memref<2x64x384xi32, #tpu.memory_space<vmem>>, vector<16xi32>,
        %shift_left3A_945 = arith.constant 16 : i32
        %shift_left3A_946 = vector.broadcast %shift_left3A_945 : i32 to vector<16xi32>
        %shift_left3A_947 = arith.shli %get3A_944, %shift_left3A_946 : vector<16xi32>
        %bitcast3A_948 = vector.bitcast %shift_left3A_947 : vector<16xi32> to vector<16xf32>
        %bitcast3A_949 = vector.bitcast %get3A_944 : vector<16xi32> to vector<16xf32>
        %add3A_950 = arith.addf %add3A_934, %bitcast3A_948 : vector<16xf32>
        %add3A_951 = arith.addf %add3A_935, %bitcast3A_949 : vector<16xf32>
        %swap3A_952 = arith.constant 1 : i32
        %swap3A_953 = arith.index_cast %swap3A_952 : i32 to index
        %swap3A_954 = arith.index_cast %scan3A_172 : i32 to index
        %swap3A_955 = arith.constant 160 : index
        %swap3A_956 = tpu.vector_load %arg8[%swap3A_953, %swap3A_954, %swap3A_955] {strides = array<i32>} : memref<2x16x768xf32, #tpu.memory_space<vmem>>, vector<16xf32>,
        tpu.vector_store %arg8[%swap3A_953, %swap3A_954, %swap3A_955], %add3A_950 {strides = array<i32>} : memref<2x16x768xf32, #tpu.memory_space<vmem>>, vector<16xf32>,
        %swap3A_957 = arith.constant 1 : i32
        %swap3A_958 = arith.index_cast %swap3A_957 : i32 to index
        %swap3A_959 = arith.index_cast %scan3A_172 : i32 to index
        %swap3A_960 = arith.constant 544 : index
        %swap3A_961 = tpu.vector_load %arg8[%swap3A_958, %swap3A_959, %swap3A_960] {strides = array<i32>} : memref<2x16x768xf32, #tpu.memory_space<vmem>>, vector<16xf32>,
        tpu.vector_store %arg8[%swap3A_958, %swap3A_959, %swap3A_960], %add3A_951 {strides = array<i32>} : memref<2x16x768xf32, #tpu.memory_space<vmem>>, vector<16xf32>,
        %mul3A_962 = arith.constant 4 : i32
        %mul3A_963 = arith.muli %mul3A_962, %scan3A_172 : i32
        %add3A_964 = arith.constant 0 : i32
        %add3A_965 = arith.addi %mul3A_963, %add3A_964 : i32
        %get3A_966 = arith.constant 1 : i32
        %get3A_967 = arith.index_cast %get3A_966 : i32 to index
        %get3A_968 = arith.index_cast %add3A_965 : i32 to index
        %get3A_969 = arith.constant 176 : index
        %get3A_970 = tpu.vector_load %arg7[%get3A_967, %get3A_968, %get3A_969] {strides = array<i32>} : memref<2x64x384xi32, #tpu.memory_space<vmem>>, vector<16xi32>,
        %shift_left3A_971 = arith.constant 16 : i32
        %shift_left3A_972 = vector.broadcast %shift_left3A_971 : i32 to vector<16xi32>
        %shift_left3A_973 = arith.shli %get3A_970, %shift_left3A_972 : vector<16xi32>
        %bitcast3A_974 = vector.bitcast %shift_left3A_973 : vector<16xi32> to vector<16xf32>
        %bitcast3A_975 = vector.bitcast %get3A_970 : vector<16xi32> to vector<16xf32>
        %mul3A_976 = arith.constant 4 : i32
        %mul3A_977 = arith.muli %mul3A_976, %scan3A_172 : i32
        %add3A_978 = arith.constant 1 : i32
        %add3A_979 = arith.addi %mul3A_977, %add3A_978 : i32
        %get3A_980 = arith.constant 1 : i32
        %get3A_981 = arith.index_cast %get3A_980 : i32 to index
        %get3A_982 = arith.index_cast %add3A_979 : i32 to index
        %get3A_983 = arith.constant 176 : index
        %get3A_984 = tpu.vector_load %arg7[%get3A_981, %get3A_982, %get3A_983] {strides = array<i32>} : memref<2x64x384xi32, #tpu.memory_space<vmem>>, vector<16xi32>,
        %shift_left3A_985 = arith.constant 16 : i32
        %shift_left3A_986 = vector.broadcast %shift_left3A_985 : i32 to vector<16xi32>
        %shift_left3A_987 = arith.shli %get3A_984, %shift_left3A_986 : vector<16xi32>
        %bitcast3A_988 = vector.bitcast %shift_left3A_987 : vector<16xi32> to vector<16xf32>
        %bitcast3A_989 = vector.bitcast %get3A_984 : vector<16xi32> to vector<16xf32>
        %add3A_990 = arith.addf %bitcast3A_974, %bitcast3A_988 : vector<16xf32>
        %add3A_991 = arith.addf %bitcast3A_975, %bitcast3A_989 : vector<16xf32>
        %mul3A_992 = arith.constant 4 : i32
        %mul3A_993 = arith.muli %mul3A_992, %scan3A_172 : i32
        %add3A_994 = arith.constant 2 : i32
        %add3A_995 = arith.addi %mul3A_993, %add3A_994 : i32
        %get3A_996 = arith.constant 1 : i32
        %get3A_997 = arith.index_cast %get3A_996 : i32 to index
        %get3A_998 = arith.index_cast %add3A_995 : i32 to index
        %get3A_999 = arith.constant 176 : index
        %get3A_1000 = tpu.vector_load %arg7[%get3A_997, %get3A_998, %get3A_999] {strides = array<i32>} : memref<2x64x384xi32, #tpu.memory_space<vmem>>, vector<16xi32>,
        %shift_left3A_1001 = arith.constant 16 : i32
        %shift_left3A_1002 = vector.broadcast %shift_left3A_1001 : i32 to vector<16xi32>
        %shift_left3A_1003 = arith.shli %get3A_1000, %shift_left3A_1002 : vector<16xi32>
        %bitcast3A_1004 = vector.bitcast %shift_left3A_1003 : vector<16xi32> to vector<16xf32>
        %bitcast3A_1005 = vector.bitcast %get3A_1000 : vector<16xi32> to vector<16xf32>
        %add3A_1006 = arith.addf %add3A_990, %bitcast3A_1004 : vector<16xf32>
        %add3A_1007 = arith.addf %add3A_991, %bitcast3A_1005 : vector<16xf32>
        %mul3A_1008 = arith.constant 4 : i32
        %mul3A_1009 = arith.muli %mul3A_1008, %scan3A_172 : i32
        %add3A_1010 = arith.constant 3 : i32
        %add3A_1011 = arith.addi %mul3A_1009, %add3A_1010 : i32
        %get3A_1012 = arith.constant 1 : i32
        %get3A_1013 = arith.index_cast %get3A_1012 : i32 to index
        %get3A_1014 = arith.index_cast %add3A_1011 : i32 to index
        %get3A_1015 = arith.constant 176 : index
        %get3A_1016 = tpu.vector_load %arg7[%get3A_1013, %get3A_1014, %get3A_1015] {strides = array<i32>} : memref<2x64x384xi32, #tpu.memory_space<vmem>>, vector<16xi32>,
        %shift_left3A_1017 = arith.constant 16 : i32
        %shift_left3A_1018 = vector.broadcast %shift_left3A_1017 : i32 to vector<16xi32>
        %shift_left3A_1019 = arith.shli %get3A_1016, %shift_left3A_1018 : vector<16xi32>
        %bitcast3A_1020 = vector.bitcast %shift_left3A_1019 : vector<16xi32> to vector<16xf32>
        %bitcast3A_1021 = vector.bitcast %get3A_1016 : vector<16xi32> to vector<16xf32>
        %add3A_1022 = arith.addf %add3A_1006, %bitcast3A_1020 : vector<16xf32>
        %add3A_1023 = arith.addf %add3A_1007, %bitcast3A_1021 : vector<16xf32>
        %swap3A_1024 = arith.constant 1 : i32
        %swap3A_1025 = arith.index_cast %swap3A_1024 : i32 to index
        %swap3A_1026 = arith.index_cast %scan3A_172 : i32 to index
        %swap3A_1027 = arith.constant 176 : index
        %swap3A_1028 = tpu.vector_load %arg8[%swap3A_1025, %swap3A_1026, %swap3A_1027] {strides = array<i32>} : memref<2x16x768xf32, #tpu.memory_space<vmem>>, vector<16xf32>,
        tpu.vector_store %arg8[%swap3A_1025, %swap3A_1026, %swap3A_1027], %add3A_1022 {strides = array<i32>} : memref<2x16x768xf32, #tpu.memory_space<vmem>>, vector<16xf32>,
        %swap3A_1029 = arith.constant 1 : i32
        %swap3A_1030 = arith.index_cast %swap3A_1029 : i32 to index
        %swap3A_1031 = arith.index_cast %scan3A_172 : i32 to index
        %swap3A_1032 = arith.constant 560 : index
        %swap3A_1033 = tpu.vector_load %arg8[%swap3A_1030, %swap3A_1031, %swap3A_1032] {strides = array<i32>} : memref<2x16x768xf32, #tpu.memory_space<vmem>>, vector<16xf32>,
        tpu.vector_store %arg8[%swap3A_1030, %swap3A_1031, %swap3A_1032], %add3A_1023 {strides = array<i32>} : memref<2x16x768xf32, #tpu.memory_space<vmem>>, vector<16xf32>,
        %mul3A_1034 = arith.constant 4 : i32
        %mul3A_1035 = arith.muli %mul3A_1034, %scan3A_172 : i32
        %add3A_1036 = arith.constant 0 : i32
        %add3A_1037 = arith.addi %mul3A_1035, %add3A_1036 : i32
        %get3A_1038 = arith.constant 1 : i32
        %get3A_1039 = arith.index_cast %get3A_1038 : i32 to index
        %get3A_1040 = arith.index_cast %add3A_1037 : i32 to index
        %get3A_1041 = arith.constant 192 : index
        %get3A_1042 = tpu.vector_load %arg7[%get3A_1039, %get3A_1040, %get3A_1041] {strides = array<i32>} : memref<2x64x384xi32, #tpu.memory_space<vmem>>, vector<16xi32>,
        %shift_left3A_1043 = arith.constant 16 : i32
        %shift_left3A_1044 = vector.broadcast %shift_left3A_1043 : i32 to vector<16xi32>
        %shift_left3A_1045 = arith.shli %get3A_1042, %shift_left3A_1044 : vector<16xi32>
        %bitcast3A_1046 = vector.bitcast %shift_left3A_1045 : vector<16xi32> to vector<16xf32>
        %bitcast3A_1047 = vector.bitcast %get3A_1042 : vector<16xi32> to vector<16xf32>
        %mul3A_1048 = arith.constant 4 : i32
        %mul3A_1049 = arith.muli %mul3A_1048, %scan3A_172 : i32
        %add3A_1050 = arith.constant 1 : i32
        %add3A_1051 = arith.addi %mul3A_1049, %add3A_1050 : i32
        %get3A_1052 = arith.constant 1 : i32
        %get3A_1053 = arith.index_cast %get3A_1052 : i32 to index
        %get3A_1054 = arith.index_cast %add3A_1051 : i32 to index
        %get3A_1055 = arith.constant 192 : index
        %get3A_1056 = tpu.vector_load %arg7[%get3A_1053, %get3A_1054, %get3A_1055] {strides = array<i32>} : memref<2x64x384xi32, #tpu.memory_space<vmem>>, vector<16xi32>,
        %shift_left3A_1057 = arith.constant 16 : i32
        %shift_left3A_1058 = vector.broadcast %shift_left3A_1057 : i32 to vector<16xi32>
        %shift_left3A_1059 = arith.shli %get3A_1056, %shift_left3A_1058 : vector<16xi32>
        %bitcast3A_1060 = vector.bitcast %shift_left3A_1059 : vector<16xi32> to vector<16xf32>
        %bitcast3A_1061 = vector.bitcast %get3A_1056 : vector<16xi32> to vector<16xf32>
        %add3A_1062 = arith.addf %bitcast3A_1046, %bitcast3A_1060 : vector<16xf32>
        %add3A_1063 = arith.addf %bitcast3A_1047, %bitcast3A_1061 : vector<16xf32>
        %mul3A_1064 = arith.constant 4 : i32
        %mul3A_1065 = arith.muli %mul3A_1064, %scan3A_172 : i32
        %add3A_1066 = arith.constant 2 : i32
        %add3A_1067 = arith.addi %mul3A_1065, %add3A_1066 : i32
        %get3A_1068 = arith.constant 1 : i32
        %get3A_1069 = arith.index_cast %get3A_1068 : i32 to index
        %get3A_1070 = arith.index_cast %add3A_1067 : i32 to index
        %get3A_1071 = arith.constant 192 : index
        %get3A_1072 = tpu.vector_load %arg7[%get3A_1069, %get3A_1070, %get3A_1071] {strides = array<i32>} : memref<2x64x384xi32, #tpu.memory_space<vmem>>, vector<16xi32>,
        %shift_left3A_1073 = arith.constant 16 : i32
        %shift_left3A_1074 = vector.broadcast %shift_left3A_1073 : i32 to vector<16xi32>
        %shift_left3A_1075 = arith.shli %get3A_1072, %shift_left3A_1074 : vector<16xi32>
        %bitcast3A_1076 = vector.bitcast %shift_left3A_1075 : vector<16xi32> to vector<16xf32>
        %bitcast3A_1077 = vector.bitcast %get3A_1072 : vector<16xi32> to vector<16xf32>
        %add3A_1078 = arith.addf %add3A_1062, %bitcast3A_1076 : vector<16xf32>
        %add3A_1079 = arith.addf %add3A_1063, %bitcast3A_1077 : vector<16xf32>
        %mul3A_1080 = arith.constant 4 : i32
        %mul3A_1081 = arith.muli %mul3A_1080, %scan3A_172 : i32
        %add3A_1082 = arith.constant 3 : i32
        %add3A_1083 = arith.addi %mul3A_1081, %add3A_1082 : i32
        %get3A_1084 = arith.constant 1 : i32
        %get3A_1085 = arith.index_cast %get3A_1084 : i32 to index
        %get3A_1086 = arith.index_cast %add3A_1083 : i32 to index
        %get3A_1087 = arith.constant 192 : index
        %get3A_1088 = tpu.vector_load %arg7[%get3A_1085, %get3A_1086, %get3A_1087] {strides = array<i32>} : memref<2x64x384xi32, #tpu.memory_space<vmem>>, vector<16xi32>,
        %shift_left3A_1089 = arith.constant 16 : i32
        %shift_left3A_1090 = vector.broadcast %shift_left3A_1089 : i32 to vector<16xi32>
        %shift_left3A_1091 = arith.shli %get3A_1088, %shift_left3A_1090 : vector<16xi32>
        %bitcast3A_1092 = vector.bitcast %shift_left3A_1091 : vector<16xi32> to vector<16xf32>
        %bitcast3A_1093 = vector.bitcast %get3A_1088 : vector<16xi32> to vector<16xf32>
        %add3A_1094 = arith.addf %add3A_1078, %bitcast3A_1092 : vector<16xf32>
        %add3A_1095 = arith.addf %add3A_1079, %bitcast3A_1093 : vector<16xf32>
        %swap3A_1096 = arith.constant 1 : i32
        %swap3A_1097 = arith.index_cast %swap3A_1096 : i32 to index
        %swap3A_1098 = arith.index_cast %scan3A_172 : i32 to index
        %swap3A_1099 = arith.constant 192 : index
        %swap3A_1100 = tpu.vector_load %arg8[%swap3A_1097, %swap3A_1098, %swap3A_1099] {strides = array<i32>} : memref<2x16x768xf32, #tpu.memory_space<vmem>>, vector<16xf32>,
        tpu.vector_store %arg8[%swap3A_1097, %swap3A_1098, %swap3A_1099], %add3A_1094 {strides = array<i32>} : memref<2x16x768xf32, #tpu.memory_space<vmem>>, vector<16xf32>,
        %swap3A_1101 = arith.constant 1 : i32
        %swap3A_1102 = arith.index_cast %swap3A_1101 : i32 to index
        %swap3A_1103 = arith.index_cast %scan3A_172 : i32 to index
        %swap3A_1104 = arith.constant 576 : index
        %swap3A_1105 = tpu.vector_load %arg8[%swap3A_1102, %swap3A_1103, %swap3A_1104] {strides = array<i32>} : memref<2x16x768xf32, #tpu.memory_space<vmem>>, vector<16xf32>,
        tpu.vector_store %arg8[%swap3A_1102, %swap3A_1103, %swap3A_1104], %add3A_1095 {strides = array<i32>} : memref<2x16x768xf32, #tpu.memory_space<vmem>>, vector<16xf32>,
        %mul3A_1106 = arith.constant 4 : i32
        %mul3A_1107 = arith.muli %mul3A_1106, %scan3A_172 : i32
        %add3A_1108 = arith.constant 0 : i32
        %add3A_1109 = arith.addi %mul3A_1107, %add3A_1108 : i32
        %get3A_1110 = arith.constant 1 : i32
        %get3A_1111 = arith.index_cast %get3A_1110 : i32 to index
        %get3A_1112 = arith.index_cast %add3A_1109 : i32 to index
        %get3A_1113 = arith.constant 208 : index
        %get3A_1114 = tpu.vector_load %arg7[%get3A_1111, %get3A_1112, %get3A_1113] {strides = array<i32>} : memref<2x64x384xi32, #tpu.memory_space<vmem>>, vector<16xi32>,
        %shift_left3A_1115 = arith.constant 16 : i32
        %shift_left3A_1116 = vector.broadcast %shift_left3A_1115 : i32 to vector<16xi32>
        %shift_left3A_1117 = arith.shli %get3A_1114, %shift_left3A_1116 : vector<16xi32>
        %bitcast3A_1118 = vector.bitcast %shift_left3A_1117 : vector<16xi32> to vector<16xf32>
        %bitcast3A_1119 = vector.bitcast %get3A_1114 : vector<16xi32> to vector<16xf32>
        %mul3A_1120 = arith.constant 4 : i32
        %mul3A_1121 = arith.muli %mul3A_1120, %scan3A_172 : i32
        %add3A_1122 = arith.constant 1 : i32
        %add3A_1123 = arith.addi %mul3A_1121, %add3A_1122 : i32
        %get3A_1124 = arith.constant 1 : i32
        %get3A_1125 = arith.index_cast %get3A_1124 : i32 to index
        %get3A_1126 = arith.index_cast %add3A_1123 : i32 to index
        %get3A_1127 = arith.constant 208 : index
        %get3A_1128 = tpu.vector_load %arg7[%get3A_1125, %get3A_1126, %get3A_1127] {strides = array<i32>} : memref<2x64x384xi32, #tpu.memory_space<vmem>>, vector<16xi32>,
        %shift_left3A_1129 = arith.constant 16 : i32
        %shift_left3A_1130 = vector.broadcast %shift_left3A_1129 : i32 to vector<16xi32>
        %shift_left3A_1131 = arith.shli %get3A_1128, %shift_left3A_1130 : vector<16xi32>
        %bitcast3A_1132 = vector.bitcast %shift_left3A_1131 : vector<16xi32> to vector<16xf32>
        %bitcast3A_1133 = vector.bitcast %get3A_1128 : vector<16xi32> to vector<16xf32>
        %add3A_1134 = arith.addf %bitcast3A_1118, %bitcast3A_1132 : vector<16xf32>
        %add3A_1135 = arith.addf %bitcast3A_1119, %bitcast3A_1133 : vector<16xf32>
        %mul3A_1136 = arith.constant 4 : i32
        %mul3A_1137 = arith.muli %mul3A_1136, %scan3A_172 : i32
        %add3A_1138 = arith.constant 2 : i32
        %add3A_1139 = arith.addi %mul3A_1137, %add3A_1138 : i32
        %get3A_1140 = arith.constant 1 : i32
        %get3A_1141 = arith.index_cast %get3A_1140 : i32 to index
        %get3A_1142 = arith.index_cast %add3A_1139 : i32 to index
        %get3A_1143 = arith.constant 208 : index
        %get3A_1144 = tpu.vector_load %arg7[%get3A_1141, %get3A_1142, %get3A_1143] {strides = array<i32>} : memref<2x64x384xi32, #tpu.memory_space<vmem>>, vector<16xi32>,
        %shift_left3A_1145 = arith.constant 16 : i32
        %shift_left3A_1146 = vector.broadcast %shift_left3A_1145 : i32 to vector<16xi32>
        %shift_left3A_1147 = arith.shli %get3A_1144, %shift_left3A_1146 : vector<16xi32>
        %bitcast3A_1148 = vector.bitcast %shift_left3A_1147 : vector<16xi32> to vector<16xf32>
        %bitcast3A_1149 = vector.bitcast %get3A_1144 : vector<16xi32> to vector<16xf32>
        %add3A_1150 = arith.addf %add3A_1134, %bitcast3A_1148 : vector<16xf32>
        %add3A_1151 = arith.addf %add3A_1135, %bitcast3A_1149 : vector<16xf32>
        %mul3A_1152 = arith.constant 4 : i32
        %mul3A_1153 = arith.muli %mul3A_1152, %scan3A_172 : i32
        %add3A_1154 = arith.constant 3 : i32
        %add3A_1155 = arith.addi %mul3A_1153, %add3A_1154 : i32
        %get3A_1156 = arith.constant 1 : i32
        %get3A_1157 = arith.index_cast %get3A_1156 : i32 to index
        %get3A_1158 = arith.index_cast %add3A_1155 : i32 to index
        %get3A_1159 = arith.constant 208 : index
        %get3A_1160 = tpu.vector_load %arg7[%get3A_1157, %get3A_1158, %get3A_1159] {strides = array<i32>} : memref<2x64x384xi32, #tpu.memory_space<vmem>>, vector<16xi32>,
        %shift_left3A_1161 = arith.constant 16 : i32
        %shift_left3A_1162 = vector.broadcast %shift_left3A_1161 : i32 to vector<16xi32>
        %shift_left3A_1163 = arith.shli %get3A_1160, %shift_left3A_1162 : vector<16xi32>
        %bitcast3A_1164 = vector.bitcast %shift_left3A_1163 : vector<16xi32> to vector<16xf32>
        %bitcast3A_1165 = vector.bitcast %get3A_1160 : vector<16xi32> to vector<16xf32>
        %add3A_1166 = arith.addf %add3A_1150, %bitcast3A_1164 : vector<16xf32>
        %add3A_1167 = arith.addf %add3A_1151, %bitcast3A_1165 : vector<16xf32>
        %swap3A_1168 = arith.constant 1 : i32
        %swap3A_1169 = arith.index_cast %swap3A_1168 : i32 to index
        %swap3A_1170 = arith.index_cast %scan3A_172 : i32 to index
        %swap3A_1171 = arith.constant 208 : index
        %swap3A_1172 = tpu.vector_load %arg8[%swap3A_1169, %swap3A_1170, %swap3A_1171] {strides = array<i32>} : memref<2x16x768xf32, #tpu.memory_space<vmem>>, vector<16xf32>,
        tpu.vector_store %arg8[%swap3A_1169, %swap3A_1170, %swap3A_1171], %add3A_1166 {strides = array<i32>} : memref<2x16x768xf32, #tpu.memory_space<vmem>>, vector<16xf32>,
        %swap3A_1173 = arith.constant 1 : i32
        %swap3A_1174 = arith.index_cast %swap3A_1173 : i32 to index
        %swap3A_1175 = arith.index_cast %scan3A_172 : i32 to index
        %swap3A_1176 = arith.constant 592 : index
        %swap3A_1177 = tpu.vector_load %arg8[%swap3A_1174, %swap3A_1175, %swap3A_1176] {strides = array<i32>} : memref<2x16x768xf32, #tpu.memory_space<vmem>>, vector<16xf32>,
        tpu.vector_store %arg8[%swap3A_1174, %swap3A_1175, %swap3A_1176], %add3A_1167 {strides = array<i32>} : memref<2x16x768xf32, #tpu.memory_space<vmem>>, vector<16xf32>,
        %mul3A_1178 = arith.constant 4 : i32
        %mul3A_1179 = arith.muli %mul3A_1178, %scan3A_172 : i32
        %add3A_1180 = arith.constant 0 : i32
        %add3A_1181 = arith.addi %mul3A_1179, %add3A_1180 : i32
        %get3A_1182 = arith.constant 1 : i32
        %get3A_1183 = arith.index_cast %get3A_1182 : i32 to index
        %get3A_1184 = arith.index_cast %add3A_1181 : i32 to index
        %get3A_1185 = arith.constant 224 : index
        %get3A_1186 = tpu.vector_load %arg7[%get3A_1183, %get3A_1184, %get3A_1185] {strides = array<i32>} : memref<2x64x384xi32, #tpu.memory_space<vmem>>, vector<16xi32>,
        %shift_left3A_1187 = arith.constant 16 : i32
        %shift_left3A_1188 = vector.broadcast %shift_left3A_1187 : i32 to vector<16xi32>
        %shift_left3A_1189 = arith.shli %get3A_1186, %shift_left3A_1188 : vector<16xi32>
        %bitcast3A_1190 = vector.bitcast %shift_left3A_1189 : vector<16xi32> to vector<16xf32>
        %bitcast3A_1191 = vector.bitcast %get3A_1186 : vector<16xi32> to vector<16xf32>
        %mul3A_1192 = arith.constant 4 : i32
        %mul3A_1193 = arith.muli %mul3A_1192, %scan3A_172 : i32
        %add3A_1194 = arith.constant 1 : i32
        %add3A_1195 = arith.addi %mul3A_1193, %add3A_1194 : i32
        %get3A_1196 = arith.constant 1 : i32
        %get3A_1197 = arith.index_cast %get3A_1196 : i32 to index
        %get3A_1198 = arith.index_cast %add3A_1195 : i32 to index
        %get3A_1199 = arith.constant 224 : index
        %get3A_1200 = tpu.vector_load %arg7[%get3A_1197, %get3A_1198, %get3A_1199] {strides = array<i32>} : memref<2x64x384xi32, #tpu.memory_space<vmem>>, vector<16xi32>,
        %shift_left3A_1201 = arith.constant 16 : i32
        %shift_left3A_1202 = vector.broadcast %shift_left3A_1201 : i32 to vector<16xi32>
        %shift_left3A_1203 = arith.shli %get3A_1200, %shift_left3A_1202 : vector<16xi32>
        %bitcast3A_1204 = vector.bitcast %shift_left3A_1203 : vector<16xi32> to vector<16xf32>
        %bitcast3A_1205 = vector.bitcast %get3A_1200 : vector<16xi32> to vector<16xf32>
        %add3A_1206 = arith.addf %bitcast3A_1190, %bitcast3A_1204 : vector<16xf32>
        %add3A_1207 = arith.addf %bitcast3A_1191, %bitcast3A_1205 : vector<16xf32>
        %mul3A_1208 = arith.constant 4 : i32
        %mul3A_1209 = arith.muli %mul3A_1208, %scan3A_172 : i32
        %add3A_1210 = arith.constant 2 : i32
        %add3A_1211 = arith.addi %mul3A_1209, %add3A_1210 : i32
        %get3A_1212 = arith.constant 1 : i32
        %get3A_1213 = arith.index_cast %get3A_1212 : i32 to index
        %get3A_1214 = arith.index_cast %add3A_1211 : i32 to index
        %get3A_1215 = arith.constant 224 : index
        %get3A_1216 = tpu.vector_load %arg7[%get3A_1213, %get3A_1214, %get3A_1215] {strides = array<i32>} : memref<2x64x384xi32, #tpu.memory_space<vmem>>, vector<16xi32>,
        %shift_left3A_1217 = arith.constant 16 : i32
        %shift_left3A_1218 = vector.broadcast %shift_left3A_1217 : i32 to vector<16xi32>
        %shift_left3A_1219 = arith.shli %get3A_1216, %shift_left3A_1218 : vector<16xi32>
        %bitcast3A_1220 = vector.bitcast %shift_left3A_1219 : vector<16xi32> to vector<16xf32>
        %bitcast3A_1221 = vector.bitcast %get3A_1216 : vector<16xi32> to vector<16xf32>
        %add3A_1222 = arith.addf %add3A_1206, %bitcast3A_1220 : vector<16xf32>
        %add3A_1223 = arith.addf %add3A_1207, %bitcast3A_1221 : vector<16xf32>
        %mul3A_1224 = arith.constant 4 : i32
        %mul3A_1225 = arith.muli %mul3A_1224, %scan3A_172 : i32
        %add3A_1226 = arith.constant 3 : i32
        %add3A_1227 = arith.addi %mul3A_1225, %add3A_1226 : i32
        %get3A_1228 = arith.constant 1 : i32
        %get3A_1229 = arith.index_cast %get3A_1228 : i32 to index
        %get3A_1230 = arith.index_cast %add3A_1227 : i32 to index
        %get3A_1231 = arith.constant 224 : index
        %get3A_1232 = tpu.vector_load %arg7[%get3A_1229, %get3A_1230, %get3A_1231] {strides = array<i32>} : memref<2x64x384xi32, #tpu.memory_space<vmem>>, vector<16xi32>,
        %shift_left3A_1233 = arith.constant 16 : i32
        %shift_left3A_1234 = vector.broadcast %shift_left3A_1233 : i32 to vector<16xi32>
        %shift_left3A_1235 = arith.shli %get3A_1232, %shift_left3A_1234 : vector<16xi32>
        %bitcast3A_1236 = vector.bitcast %shift_left3A_1235 : vector<16xi32> to vector<16xf32>
        %bitcast3A_1237 = vector.bitcast %get3A_1232 : vector<16xi32> to vector<16xf32>
        %add3A_1238 = arith.addf %add3A_1222, %bitcast3A_1236 : vector<16xf32>
        %add3A_1239 = arith.addf %add3A_1223, %bitcast3A_1237 : vector<16xf32>
        %swap3A_1240 = arith.constant 1 : i32
        %swap3A_1241 = arith.index_cast %swap3A_1240 : i32 to index
        %swap3A_1242 = arith.index_cast %scan3A_172 : i32 to index
        %swap3A_1243 = arith.constant 224 : index
        %swap3A_1244 = tpu.vector_load %arg8[%swap3A_1241, %swap3A_1242, %swap3A_1243] {strides = array<i32>} : memref<2x16x768xf32, #tpu.memory_space<vmem>>, vector<16xf32>,
        tpu.vector_store %arg8[%swap3A_1241, %swap3A_1242, %swap3A_1243], %add3A_1238 {strides = array<i32>} : memref<2x16x768xf32, #tpu.memory_space<vmem>>, vector<16xf32>,
        %swap3A_1245 = arith.constant 1 : i32
        %swap3A_1246 = arith.index_cast %swap3A_1245 : i32 to index
        %swap3A_1247 = arith.index_cast %scan3A_172 : i32 to index
        %swap3A_1248 = arith.constant 608 : index
        %swap3A_1249 = tpu.vector_load %arg8[%swap3A_1246, %swap3A_1247, %swap3A_1248] {strides = array<i32>} : memref<2x16x768xf32, #tpu.memory_space<vmem>>, vector<16xf32>,
        tpu.vector_store %arg8[%swap3A_1246, %swap3A_1247, %swap3A_1248], %add3A_1239 {strides = array<i32>} : memref<2x16x768xf32, #tpu.memory_space<vmem>>, vector<16xf32>,
        %mul3A_1250 = arith.constant 4 : i32
        %mul3A_1251 = arith.muli %mul3A_1250, %scan3A_172 : i32
        %add3A_1252 = arith.constant 0 : i32
        %add3A_1253 = arith.addi %mul3A_1251, %add3A_1252 : i32
        %get3A_1254 = arith.constant 1 : i32
        %get3A_1255 = arith.index_cast %get3A_1254 : i32 to index
        %get3A_1256 = arith.index_cast %add3A_1253 : i32 to index
        %get3A_1257 = arith.constant 240 : index
        %get3A_1258 = tpu.vector_load %arg7[%get3A_1255, %get3A_1256, %get3A_1257] {strides = array<i32>} : memref<2x64x384xi32, #tpu.memory_space<vmem>>, vector<16xi32>,
        %shift_left3A_1259 = arith.constant 16 : i32
        %shift_left3A_1260 = vector.broadcast %shift_left3A_1259 : i32 to vector<16xi32>
        %shift_left3A_1261 = arith.shli %get3A_1258, %shift_left3A_1260 : vector<16xi32>
        %bitcast3A_1262 = vector.bitcast %shift_left3A_1261 : vector<16xi32> to vector<16xf32>
        %bitcast3A_1263 = vector.bitcast %get3A_1258 : vector<16xi32> to vector<16xf32>
        %mul3A_1264 = arith.constant 4 : i32
        %mul3A_1265 = arith.muli %mul3A_1264, %scan3A_172 : i32
        %add3A_1266 = arith.constant 1 : i32
        %add3A_1267 = arith.addi %mul3A_1265, %add3A_1266 : i32
        %get3A_1268 = arith.constant 1 : i32
        %get3A_1269 = arith.index_cast %get3A_1268 : i32 to index
        %get3A_1270 = arith.index_cast %add3A_1267 : i32 to index
        %get3A_1271 = arith.constant 240 : index
        %get3A_1272 = tpu.vector_load %arg7[%get3A_1269, %get3A_1270, %get3A_1271] {strides = array<i32>} : memref<2x64x384xi32, #tpu.memory_space<vmem>>, vector<16xi32>,
        %shift_left3A_1273 = arith.constant 16 : i32
        %shift_left3A_1274 = vector.broadcast %shift_left3A_1273 : i32 to vector<16xi32>
        %shift_left3A_1275 = arith.shli %get3A_1272, %shift_left3A_1274 : vector<16xi32>
        %bitcast3A_1276 = vector.bitcast %shift_left3A_1275 : vector<16xi32> to vector<16xf32>
        %bitcast3A_1277 = vector.bitcast %get3A_1272 : vector<16xi32> to vector<16xf32>
        %add3A_1278 = arith.addf %bitcast3A_1262, %bitcast3A_1276 : vector<16xf32>
        %add3A_1279 = arith.addf %bitcast3A_1263, %bitcast3A_1277 : vector<16xf32>
        %mul3A_1280 = arith.constant 4 : i32
        %mul3A_1281 = arith.muli %mul3A_1280, %scan3A_172 : i32
        %add3A_1282 = arith.constant 2 : i32
        %add3A_1283 = arith.addi %mul3A_1281, %add3A_1282 : i32
        %get3A_1284 = arith.constant 1 : i32
        %get3A_1285 = arith.index_cast %get3A_1284 : i32 to index
        %get3A_1286 = arith.index_cast %add3A_1283 : i32 to index
        %get3A_1287 = arith.constant 240 : index
        %get3A_1288 = tpu.vector_load %arg7[%get3A_1285, %get3A_1286, %get3A_1287] {strides = array<i32>} : memref<2x64x384xi32, #tpu.memory_space<vmem>>, vector<16xi32>,
        %shift_left3A_1289 = arith.constant 16 : i32
        %shift_left3A_1290 = vector.broadcast %shift_left3A_1289 : i32 to vector<16xi32>
        %shift_left3A_1291 = arith.shli %get3A_1288, %shift_left3A_1290 : vector<16xi32>
        %bitcast3A_1292 = vector.bitcast %shift_left3A_1291 : vector<16xi32> to vector<16xf32>
        %bitcast3A_1293 = vector.bitcast %get3A_1288 : vector<16xi32> to vector<16xf32>
        %add3A_1294 = arith.addf %add3A_1278, %bitcast3A_1292 : vector<16xf32>
        %add3A_1295 = arith.addf %add3A_1279, %bitcast3A_1293 : vector<16xf32>
        %mul3A_1296 = arith.constant 4 : i32
        %mul3A_1297 = arith.muli %mul3A_1296, %scan3A_172 : i32
        %add3A_1298 = arith.constant 3 : i32
        %add3A_1299 = arith.addi %mul3A_1297, %add3A_1298 : i32
        %get3A_1300 = arith.constant 1 : i32
        %get3A_1301 = arith.index_cast %get3A_1300 : i32 to index
        %get3A_1302 = arith.index_cast %add3A_1299 : i32 to index
        %get3A_1303 = arith.constant 240 : index
        %get3A_1304 = tpu.vector_load %arg7[%get3A_1301, %get3A_1302, %get3A_1303] {strides = array<i32>} : memref<2x64x384xi32, #tpu.memory_space<vmem>>, vector<16xi32>,
        %shift_left3A_1305 = arith.constant 16 : i32
        %shift_left3A_1306 = vector.broadcast %shift_left3A_1305 : i32 to vector<16xi32>
        %shift_left3A_1307 = arith.shli %get3A_1304, %shift_left3A_1306 : vector<16xi32>
        %bitcast3A_1308 = vector.bitcast %shift_left3A_1307 : vector<16xi32> to vector<16xf32>
        %bitcast3A_1309 = vector.bitcast %get3A_1304 : vector<16xi32> to vector<16xf32>
        %add3A_1310 = arith.addf %add3A_1294, %bitcast3A_1308 : vector<16xf32>
        %add3A_1311 = arith.addf %add3A_1295, %bitcast3A_1309 : vector<16xf32>
        %swap3A_1312 = arith.constant 1 : i32
        %swap3A_1313 = arith.index_cast %swap3A_1312 : i32 to index
        %swap3A_1314 = arith.index_cast %scan3A_172 : i32 to index
        %swap3A_1315 = arith.constant 240 : index
        %swap3A_1316 = tpu.vector_load %arg8[%swap3A_1313, %swap3A_1314, %swap3A_1315] {strides = array<i32>} : memref<2x16x768xf32, #tpu.memory_space<vmem>>, vector<16xf32>,
        tpu.vector_store %arg8[%swap3A_1313, %swap3A_1314, %swap3A_1315], %add3A_1310 {strides = array<i32>} : memref<2x16x768xf32, #tpu.memory_space<vmem>>, vector<16xf32>,
        %swap3A_1317 = arith.constant 1 : i32
        %swap3A_1318 = arith.index_cast %swap3A_1317 : i32 to index
        %swap3A_1319 = arith.index_cast %scan3A_172 : i32 to index
        %swap3A_1320 = arith.constant 624 : index
        %swap3A_1321 = tpu.vector_load %arg8[%swap3A_1318, %swap3A_1319, %swap3A_1320] {strides = array<i32>} : memref<2x16x768xf32, #tpu.memory_space<vmem>>, vector<16xf32>,
        tpu.vector_store %arg8[%swap3A_1318, %swap3A_1319, %swap3A_1320], %add3A_1311 {strides = array<i32>} : memref<2x16x768xf32, #tpu.memory_space<vmem>>, vector<16xf32>,
        %mul3A_1322 = arith.constant 4 : i32
        %mul3A_1323 = arith.muli %mul3A_1322, %scan3A_172 : i32
        %add3A_1324 = arith.constant 0 : i32
        %add3A_1325 = arith.addi %mul3A_1323, %add3A_1324 : i32
        %get3A_1326 = arith.constant 1 : i32
        %get3A_1327 = arith.index_cast %get3A_1326 : i32 to index
        %get3A_1328 = arith.index_cast %add3A_1325 : i32 to index
        %get3A_1329 = arith.constant 256 : index
        %get3A_1330 = tpu.vector_load %arg7[%get3A_1327, %get3A_1328, %get3A_1329] {strides = array<i32>} : memref<2x64x384xi32, #tpu.memory_space<vmem>>, vector<16xi32>,
        %shift_left3A_1331 = arith.constant 16 : i32
        %shift_left3A_1332 = vector.broadcast %shift_left3A_1331 : i32 to vector<16xi32>
        %shift_left3A_1333 = arith.shli %get3A_1330, %shift_left3A_1332 : vector<16xi32>
        %bitcast3A_1334 = vector.bitcast %shift_left3A_1333 : vector<16xi32> to vector<16xf32>
        %bitcast3A_1335 = vector.bitcast %get3A_1330 : vector<16xi32> to vector<16xf32>
        %mul3A_1336 = arith.constant 4 : i32
        %mul3A_1337 = arith.muli %mul3A_1336, %scan3A_172 : i32
        %add3A_1338 = arith.constant 1 : i32
        %add3A_1339 = arith.addi %mul3A_1337, %add3A_1338 : i32
        %get3A_1340 = arith.constant 1 : i32
        %get3A_1341 = arith.index_cast %get3A_1340 : i32 to index
        %get3A_1342 = arith.index_cast %add3A_1339 : i32 to index
        %get3A_1343 = arith.constant 256 : index
        %get3A_1344 = tpu.vector_load %arg7[%get3A_1341, %get3A_1342, %get3A_1343] {strides = array<i32>} : memref<2x64x384xi32, #tpu.memory_space<vmem>>, vector<16xi32>,
        %shift_left3A_1345 = arith.constant 16 : i32
        %shift_left3A_1346 = vector.broadcast %shift_left3A_1345 : i32 to vector<16xi32>
        %shift_left3A_1347 = arith.shli %get3A_1344, %shift_left3A_1346 : vector<16xi32>
        %bitcast3A_1348 = vector.bitcast %shift_left3A_1347 : vector<16xi32> to vector<16xf32>
        %bitcast3A_1349 = vector.bitcast %get3A_1344 : vector<16xi32> to vector<16xf32>
        %add3A_1350 = arith.addf %bitcast3A_1334, %bitcast3A_1348 : vector<16xf32>
        %add3A_1351 = arith.addf %bitcast3A_1335, %bitcast3A_1349 : vector<16xf32>
        %mul3A_1352 = arith.constant 4 : i32
        %mul3A_1353 = arith.muli %mul3A_1352, %scan3A_172 : i32
        %add3A_1354 = arith.constant 2 : i32
        %add3A_1355 = arith.addi %mul3A_1353, %add3A_1354 : i32
        %get3A_1356 = arith.constant 1 : i32
        %get3A_1357 = arith.index_cast %get3A_1356 : i32 to index
        %get3A_1358 = arith.index_cast %add3A_1355 : i32 to index
        %get3A_1359 = arith.constant 256 : index
        %get3A_1360 = tpu.vector_load %arg7[%get3A_1357, %get3A_1358, %get3A_1359] {strides = array<i32>} : memref<2x64x384xi32, #tpu.memory_space<vmem>>, vector<16xi32>,
        %shift_left3A_1361 = arith.constant 16 : i32
        %shift_left3A_1362 = vector.broadcast %shift_left3A_1361 : i32 to vector<16xi32>
        %shift_left3A_1363 = arith.shli %get3A_1360, %shift_left3A_1362 : vector<16xi32>
        %bitcast3A_1364 = vector.bitcast %shift_left3A_1363 : vector<16xi32> to vector<16xf32>
        %bitcast3A_1365 = vector.bitcast %get3A_1360 : vector<16xi32> to vector<16xf32>
        %add3A_1366 = arith.addf %add3A_1350, %bitcast3A_1364 : vector<16xf32>
        %add3A_1367 = arith.addf %add3A_1351, %bitcast3A_1365 : vector<16xf32>
        %mul3A_1368 = arith.constant 4 : i32
        %mul3A_1369 = arith.muli %mul3A_1368, %scan3A_172 : i32
        %add3A_1370 = arith.constant 3 : i32
        %add3A_1371 = arith.addi %mul3A_1369, %add3A_1370 : i32
        %get3A_1372 = arith.constant 1 : i32
        %get3A_1373 = arith.index_cast %get3A_1372 : i32 to index
        %get3A_1374 = arith.index_cast %add3A_1371 : i32 to index
        %get3A_1375 = arith.constant 256 : index
        %get3A_1376 = tpu.vector_load %arg7[%get3A_1373, %get3A_1374, %get3A_1375] {strides = array<i32>} : memref<2x64x384xi32, #tpu.memory_space<vmem>>, vector<16xi32>,
        %shift_left3A_1377 = arith.constant 16 : i32
        %shift_left3A_1378 = vector.broadcast %shift_left3A_1377 : i32 to vector<16xi32>
        %shift_left3A_1379 = arith.shli %get3A_1376, %shift_left3A_1378 : vector<16xi32>
        %bitcast3A_1380 = vector.bitcast %shift_left3A_1379 : vector<16xi32> to vector<16xf32>
        %bitcast3A_1381 = vector.bitcast %get3A_1376 : vector<16xi32> to vector<16xf32>
        %add3A_1382 = arith.addf %add3A_1366, %bitcast3A_1380 : vector<16xf32>
        %add3A_1383 = arith.addf %add3A_1367, %bitcast3A_1381 : vector<16xf32>
        %swap3A_1384 = arith.constant 1 : i32
        %swap3A_1385 = arith.index_cast %swap3A_1384 : i32 to index
        %swap3A_1386 = arith.index_cast %scan3A_172 : i32 to index
        %swap3A_1387 = arith.constant 256 : index
        %swap3A_1388 = tpu.vector_load %arg8[%swap3A_1385, %swap3A_1386, %swap3A_1387] {strides = array<i32>} : memref<2x16x768xf32, #tpu.memory_space<vmem>>, vector<16xf32>,
        tpu.vector_store %arg8[%swap3A_1385, %swap3A_1386, %swap3A_1387], %add3A_1382 {strides = array<i32>} : memref<2x16x768xf32, #tpu.memory_space<vmem>>, vector<16xf32>,
        %swap3A_1389 = arith.constant 1 : i32
        %swap3A_1390 = arith.index_cast %swap3A_1389 : i32 to index
        %swap3A_1391 = arith.index_cast %scan3A_172 : i32 to index
        %swap3A_1392 = arith.constant 640 : index
        %swap3A_1393 = tpu.vector_load %arg8[%swap3A_1390, %swap3A_1391, %swap3A_1392] {strides = array<i32>} : memref<2x16x768xf32, #tpu.memory_space<vmem>>, vector<16xf32>,
        tpu.vector_store %arg8[%swap3A_1390, %swap3A_1391, %swap3A_1392], %add3A_1383 {strides = array<i32>} : memref<2x16x768xf32, #tpu.memory_space<vmem>>, vector<16xf32>,
        %mul3A_1394 = arith.constant 4 : i32
        %mul3A_1395 = arith.muli %mul3A_1394, %scan3A_172 : i32
        %add3A_1396 = arith.constant 0 : i32
        %add3A_1397 = arith.addi %mul3A_1395, %add3A_1396 : i32
        %get3A_1398 = arith.constant 1 : i32
        %get3A_1399 = arith.index_cast %get3A_1398 : i32 to index
        %get3A_1400 = arith.index_cast %add3A_1397 : i32 to index
        %get3A_1401 = arith.constant 272 : index
        %get3A_1402 = tpu.vector_load %arg7[%get3A_1399, %get3A_1400, %get3A_1401] {strides = array<i32>} : memref<2x64x384xi32, #tpu.memory_space<vmem>>, vector<16xi32>,
        %shift_left3A_1403 = arith.constant 16 : i32
        %shift_left3A_1404 = vector.broadcast %shift_left3A_1403 : i32 to vector<16xi32>
        %shift_left3A_1405 = arith.shli %get3A_1402, %shift_left3A_1404 : vector<16xi32>
        %bitcast3A_1406 = vector.bitcast %shift_left3A_1405 : vector<16xi32> to vector<16xf32>
        %bitcast3A_1407 = vector.bitcast %get3A_1402 : vector<16xi32> to vector<16xf32>
        %mul3A_1408 = arith.constant 4 : i32
        %mul3A_1409 = arith.muli %mul3A_1408, %scan3A_172 : i32
        %add3A_1410 = arith.constant 1 : i32
        %add3A_1411 = arith.addi %mul3A_1409, %add3A_1410 : i32
        %get3A_1412 = arith.constant 1 : i32
        %get3A_1413 = arith.index_cast %get3A_1412 : i32 to index
        %get3A_1414 = arith.index_cast %add3A_1411 : i32 to index
        %get3A_1415 = arith.constant 272 : index
        %get3A_1416 = tpu.vector_load %arg7[%get3A_1413, %get3A_1414, %get3A_1415] {strides = array<i32>} : memref<2x64x384xi32, #tpu.memory_space<vmem>>, vector<16xi32>,
        %shift_left3A_1417 = arith.constant 16 : i32
        %shift_left3A_1418 = vector.broadcast %shift_left3A_1417 : i32 to vector<16xi32>
        %shift_left3A_1419 = arith.shli %get3A_1416, %shift_left3A_1418 : vector<16xi32>
        %bitcast3A_1420 = vector.bitcast %shift_left3A_1419 : vector<16xi32> to vector<16xf32>
        %bitcast3A_1421 = vector.bitcast %get3A_1416 : vector<16xi32> to vector<16xf32>
        %add3A_1422 = arith.addf %bitcast3A_1406, %bitcast3A_1420 : vector<16xf32>
        %add3A_1423 = arith.addf %bitcast3A_1407, %bitcast3A_1421 : vector<16xf32>
        %mul3A_1424 = arith.constant 4 : i32
        %mul3A_1425 = arith.muli %mul3A_1424, %scan3A_172 : i32
        %add3A_1426 = arith.constant 2 : i32
        %add3A_1427 = arith.addi %mul3A_1425, %add3A_1426 : i32
        %get3A_1428 = arith.constant 1 : i32
        %get3A_1429 = arith.index_cast %get3A_1428 : i32 to index
        %get3A_1430 = arith.index_cast %add3A_1427 : i32 to index
        %get3A_1431 = arith.constant 272 : index
        %get3A_1432 = tpu.vector_load %arg7[%get3A_1429, %get3A_1430, %get3A_1431] {strides = array<i32>} : memref<2x64x384xi32, #tpu.memory_space<vmem>>, vector<16xi32>,
        %shift_left3A_1433 = arith.constant 16 : i32
        %shift_left3A_1434 = vector.broadcast %shift_left3A_1433 : i32 to vector<16xi32>
        %shift_left3A_1435 = arith.shli %get3A_1432, %shift_left3A_1434 : vector<16xi32>
        %bitcast3A_1436 = vector.bitcast %shift_left3A_1435 : vector<16xi32> to vector<16xf32>
        %bitcast3A_1437 = vector.bitcast %get3A_1432 : vector<16xi32> to vector<16xf32>
        %add3A_1438 = arith.addf %add3A_1422, %bitcast3A_1436 : vector<16xf32>
        %add3A_1439 = arith.addf %add3A_1423, %bitcast3A_1437 : vector<16xf32>
        %mul3A_1440 = arith.constant 4 : i32
        %mul3A_1441 = arith.muli %mul3A_1440, %scan3A_172 : i32
        %add3A_1442 = arith.constant 3 : i32
        %add3A_1443 = arith.addi %mul3A_1441, %add3A_1442 : i32
        %get3A_1444 = arith.constant 1 : i32
        %get3A_1445 = arith.index_cast %get3A_1444 : i32 to index
        %get3A_1446 = arith.index_cast %add3A_1443 : i32 to index
        %get3A_1447 = arith.constant 272 : index
        %get3A_1448 = tpu.vector_load %arg7[%get3A_1445, %get3A_1446, %get3A_1447] {strides = array<i32>} : memref<2x64x384xi32, #tpu.memory_space<vmem>>, vector<16xi32>,
        %shift_left3A_1449 = arith.constant 16 : i32
        %shift_left3A_1450 = vector.broadcast %shift_left3A_1449 : i32 to vector<16xi32>
        %shift_left3A_1451 = arith.shli %get3A_1448, %shift_left3A_1450 : vector<16xi32>
        %bitcast3A_1452 = vector.bitcast %shift_left3A_1451 : vector<16xi32> to vector<16xf32>
        %bitcast3A_1453 = vector.bitcast %get3A_1448 : vector<16xi32> to vector<16xf32>
        %add3A_1454 = arith.addf %add3A_1438, %bitcast3A_1452 : vector<16xf32>
        %add3A_1455 = arith.addf %add3A_1439, %bitcast3A_1453 : vector<16xf32>
        %swap3A_1456 = arith.constant 1 : i32
        %swap3A_1457 = arith.index_cast %swap3A_1456 : i32 to index
        %swap3A_1458 = arith.index_cast %scan3A_172 : i32 to index
        %swap3A_1459 = arith.constant 272 : index
        %swap3A_1460 = tpu.vector_load %arg8[%swap3A_1457, %swap3A_1458, %swap3A_1459] {strides = array<i32>} : memref<2x16x768xf32, #tpu.memory_space<vmem>>, vector<16xf32>,
        tpu.vector_store %arg8[%swap3A_1457, %swap3A_1458, %swap3A_1459], %add3A_1454 {strides = array<i32>} : memref<2x16x768xf32, #tpu.memory_space<vmem>>, vector<16xf32>,
        %swap3A_1461 = arith.constant 1 : i32
        %swap3A_1462 = arith.index_cast %swap3A_1461 : i32 to index
        %swap3A_1463 = arith.index_cast %scan3A_172 : i32 to index
        %swap3A_1464 = arith.constant 656 : index
        %swap3A_1465 = tpu.vector_load %arg8[%swap3A_1462, %swap3A_1463, %swap3A_1464] {strides = array<i32>} : memref<2x16x768xf32, #tpu.memory_space<vmem>>, vector<16xf32>,
        tpu.vector_store %arg8[%swap3A_1462, %swap3A_1463, %swap3A_1464], %add3A_1455 {strides = array<i32>} : memref<2x16x768xf32, #tpu.memory_space<vmem>>, vector<16xf32>,
        %mul3A_1466 = arith.constant 4 : i32
        %mul3A_1467 = arith.muli %mul3A_1466, %scan3A_172 : i32
        %add3A_1468 = arith.constant 0 : i32
        %add3A_1469 = arith.addi %mul3A_1467, %add3A_1468 : i32
        %get3A_1470 = arith.constant 1 : i32
        %get3A_1471 = arith.index_cast %get3A_1470 : i32 to index
        %get3A_1472 = arith.index_cast %add3A_1469 : i32 to index
        %get3A_1473 = arith.constant 288 : index
        %get3A_1474 = tpu.vector_load %arg7[%get3A_1471, %get3A_1472, %get3A_1473] {strides = array<i32>} : memref<2x64x384xi32, #tpu.memory_space<vmem>>, vector<16xi32>,
        %shift_left3A_1475 = arith.constant 16 : i32
        %shift_left3A_1476 = vector.broadcast %shift_left3A_1475 : i32 to vector<16xi32>
        %shift_left3A_1477 = arith.shli %get3A_1474, %shift_left3A_1476 : vector<16xi32>
        %bitcast3A_1478 = vector.bitcast %shift_left3A_1477 : vector<16xi32> to vector<16xf32>
        %bitcast3A_1479 = vector.bitcast %get3A_1474 : vector<16xi32> to vector<16xf32>
        %mul3A_1480 = arith.constant 4 : i32
        %mul3A_1481 = arith.muli %mul3A_1480, %scan3A_172 : i32
        %add3A_1482 = arith.constant 1 : i32
        %add3A_1483 = arith.addi %mul3A_1481, %add3A_1482 : i32
        %get3A_1484 = arith.constant 1 : i32
        %get3A_1485 = arith.index_cast %get3A_1484 : i32 to index
        %get3A_1486 = arith.index_cast %add3A_1483 : i32 to index
        %get3A_1487 = arith.constant 288 : index
        %get3A_1488 = tpu.vector_load %arg7[%get3A_1485, %get3A_1486, %get3A_1487] {strides = array<i32>} : memref<2x64x384xi32, #tpu.memory_space<vmem>>, vector<16xi32>,
        %shift_left3A_1489 = arith.constant 16 : i32
        %shift_left3A_1490 = vector.broadcast %shift_left3A_1489 : i32 to vector<16xi32>
        %shift_left3A_1491 = arith.shli %get3A_1488, %shift_left3A_1490 : vector<16xi32>
        %bitcast3A_1492 = vector.bitcast %shift_left3A_1491 : vector<16xi32> to vector<16xf32>
        %bitcast3A_1493 = vector.bitcast %get3A_1488 : vector<16xi32> to vector<16xf32>
        %add3A_1494 = arith.addf %bitcast3A_1478, %bitcast3A_1492 : vector<16xf32>
        %add3A_1495 = arith.addf %bitcast3A_1479, %bitcast3A_1493 : vector<16xf32>
        %mul3A_1496 = arith.constant 4 : i32
        %mul3A_1497 = arith.muli %mul3A_1496, %scan3A_172 : i32
        %add3A_1498 = arith.constant 2 : i32
        %add3A_1499 = arith.addi %mul3A_1497, %add3A_1498 : i32
        %get3A_1500 = arith.constant 1 : i32
        %get3A_1501 = arith.index_cast %get3A_1500 : i32 to index
        %get3A_1502 = arith.index_cast %add3A_1499 : i32 to index
        %get3A_1503 = arith.constant 288 : index
        %get3A_1504 = tpu.vector_load %arg7[%get3A_1501, %get3A_1502, %get3A_1503] {strides = array<i32>} : memref<2x64x384xi32, #tpu.memory_space<vmem>>, vector<16xi32>,
        %shift_left3A_1505 = arith.constant 16 : i32
        %shift_left3A_1506 = vector.broadcast %shift_left3A_1505 : i32 to vector<16xi32>
        %shift_left3A_1507 = arith.shli %get3A_1504, %shift_left3A_1506 : vector<16xi32>
        %bitcast3A_1508 = vector.bitcast %shift_left3A_1507 : vector<16xi32> to vector<16xf32>
        %bitcast3A_1509 = vector.bitcast %get3A_1504 : vector<16xi32> to vector<16xf32>
        %add3A_1510 = arith.addf %add3A_1494, %bitcast3A_1508 : vector<16xf32>
        %add3A_1511 = arith.addf %add3A_1495, %bitcast3A_1509 : vector<16xf32>
        %mul3A_1512 = arith.constant 4 : i32
        %mul3A_1513 = arith.muli %mul3A_1512, %scan3A_172 : i32
        %add3A_1514 = arith.constant 3 : i32
        %add3A_1515 = arith.addi %mul3A_1513, %add3A_1514 : i32
        %get3A_1516 = arith.constant 1 : i32
        %get3A_1517 = arith.index_cast %get3A_1516 : i32 to index
        %get3A_1518 = arith.index_cast %add3A_1515 : i32 to index
        %get3A_1519 = arith.constant 288 : index
        %get3A_1520 = tpu.vector_load %arg7[%get3A_1517, %get3A_1518, %get3A_1519] {strides = array<i32>} : memref<2x64x384xi32, #tpu.memory_space<vmem>>, vector<16xi32>,
        %shift_left3A_1521 = arith.constant 16 : i32
        %shift_left3A_1522 = vector.broadcast %shift_left3A_1521 : i32 to vector<16xi32>
        %shift_left3A_1523 = arith.shli %get3A_1520, %shift_left3A_1522 : vector<16xi32>
        %bitcast3A_1524 = vector.bitcast %shift_left3A_1523 : vector<16xi32> to vector<16xf32>
        %bitcast3A_1525 = vector.bitcast %get3A_1520 : vector<16xi32> to vector<16xf32>
        %add3A_1526 = arith.addf %add3A_1510, %bitcast3A_1524 : vector<16xf32>
        %add3A_1527 = arith.addf %add3A_1511, %bitcast3A_1525 : vector<16xf32>
        %swap3A_1528 = arith.constant 1 : i32
        %swap3A_1529 = arith.index_cast %swap3A_1528 : i32 to index
        %swap3A_1530 = arith.index_cast %scan3A_172 : i32 to index
        %swap3A_1531 = arith.constant 288 : index
        %swap3A_1532 = tpu.vector_load %arg8[%swap3A_1529, %swap3A_1530, %swap3A_1531] {strides = array<i32>} : memref<2x16x768xf32, #tpu.memory_space<vmem>>, vector<16xf32>,
        tpu.vector_store %arg8[%swap3A_1529, %swap3A_1530, %swap3A_1531], %add3A_1526 {strides = array<i32>} : memref<2x16x768xf32, #tpu.memory_space<vmem>>, vector<16xf32>,
        %swap3A_1533 = arith.constant 1 : i32
        %swap3A_1534 = arith.index_cast %swap3A_1533 : i32 to index
        %swap3A_1535 = arith.index_cast %scan3A_172 : i32 to index
        %swap3A_1536 = arith.constant 672 : index
        %swap3A_1537 = tpu.vector_load %arg8[%swap3A_1534, %swap3A_1535, %swap3A_1536] {strides = array<i32>} : memref<2x16x768xf32, #tpu.memory_space<vmem>>, vector<16xf32>,
        tpu.vector_store %arg8[%swap3A_1534, %swap3A_1535, %swap3A_1536], %add3A_1527 {strides = array<i32>} : memref<2x16x768xf32, #tpu.memory_space<vmem>>, vector<16xf32>,
        %mul3A_1538 = arith.constant 4 : i32
        %mul3A_1539 = arith.muli %mul3A_1538, %scan3A_172 : i32
        %add3A_1540 = arith.constant 0 : i32
        %add3A_1541 = arith.addi %mul3A_1539, %add3A_1540 : i32
        %get3A_1542 = arith.constant 1 : i32
        %get3A_1543 = arith.index_cast %get3A_1542 : i32 to index
        %get3A_1544 = arith.index_cast %add3A_1541 : i32 to index
        %get3A_1545 = arith.constant 304 : index
        %get3A_1546 = tpu.vector_load %arg7[%get3A_1543, %get3A_1544, %get3A_1545] {strides = array<i32>} : memref<2x64x384xi32, #tpu.memory_space<vmem>>, vector<16xi32>,
        %shift_left3A_1547 = arith.constant 16 : i32
        %shift_left3A_1548 = vector.broadcast %shift_left3A_1547 : i32 to vector<16xi32>
        %shift_left3A_1549 = arith.shli %get3A_1546, %shift_left3A_1548 : vector<16xi32>
        %bitcast3A_1550 = vector.bitcast %shift_left3A_1549 : vector<16xi32> to vector<16xf32>
        %bitcast3A_1551 = vector.bitcast %get3A_1546 : vector<16xi32> to vector<16xf32>
        %mul3A_1552 = arith.constant 4 : i32
        %mul3A_1553 = arith.muli %mul3A_1552, %scan3A_172 : i32
        %add3A_1554 = arith.constant 1 : i32
        %add3A_1555 = arith.addi %mul3A_1553, %add3A_1554 : i32
        %get3A_1556 = arith.constant 1 : i32
        %get3A_1557 = arith.index_cast %get3A_1556 : i32 to index
        %get3A_1558 = arith.index_cast %add3A_1555 : i32 to index
        %get3A_1559 = arith.constant 304 : index
        %get3A_1560 = tpu.vector_load %arg7[%get3A_1557, %get3A_1558, %get3A_1559] {strides = array<i32>} : memref<2x64x384xi32, #tpu.memory_space<vmem>>, vector<16xi32>,
        %shift_left3A_1561 = arith.constant 16 : i32
        %shift_left3A_1562 = vector.broadcast %shift_left3A_1561 : i32 to vector<16xi32>
        %shift_left3A_1563 = arith.shli %get3A_1560, %shift_left3A_1562 : vector<16xi32>
        %bitcast3A_1564 = vector.bitcast %shift_left3A_1563 : vector<16xi32> to vector<16xf32>
        %bitcast3A_1565 = vector.bitcast %get3A_1560 : vector<16xi32> to vector<16xf32>
        %add3A_1566 = arith.addf %bitcast3A_1550, %bitcast3A_1564 : vector<16xf32>
        %add3A_1567 = arith.addf %bitcast3A_1551, %bitcast3A_1565 : vector<16xf32>
        %mul3A_1568 = arith.constant 4 : i32
        %mul3A_1569 = arith.muli %mul3A_1568, %scan3A_172 : i32
        %add3A_1570 = arith.constant 2 : i32
        %add3A_1571 = arith.addi %mul3A_1569, %add3A_1570 : i32
        %get3A_1572 = arith.constant 1 : i32
        %get3A_1573 = arith.index_cast %get3A_1572 : i32 to index
        %get3A_1574 = arith.index_cast %add3A_1571 : i32 to index
        %get3A_1575 = arith.constant 304 : index
        %get3A_1576 = tpu.vector_load %arg7[%get3A_1573, %get3A_1574, %get3A_1575] {strides = array<i32>} : memref<2x64x384xi32, #tpu.memory_space<vmem>>, vector<16xi32>,
        %shift_left3A_1577 = arith.constant 16 : i32
        %shift_left3A_1578 = vector.broadcast %shift_left3A_1577 : i32 to vector<16xi32>
        %shift_left3A_1579 = arith.shli %get3A_1576, %shift_left3A_1578 : vector<16xi32>
        %bitcast3A_1580 = vector.bitcast %shift_left3A_1579 : vector<16xi32> to vector<16xf32>
        %bitcast3A_1581 = vector.bitcast %get3A_1576 : vector<16xi32> to vector<16xf32>
        %add3A_1582 = arith.addf %add3A_1566, %bitcast3A_1580 : vector<16xf32>
        %add3A_1583 = arith.addf %add3A_1567, %bitcast3A_1581 : vector<16xf32>
        %mul3A_1584 = arith.constant 4 : i32
        %mul3A_1585 = arith.muli %mul3A_1584, %scan3A_172 : i32
        %add3A_1586 = arith.constant 3 : i32
        %add3A_1587 = arith.addi %mul3A_1585, %add3A_1586 : i32
        %get3A_1588 = arith.constant 1 : i32
        %get3A_1589 = arith.index_cast %get3A_1588 : i32 to index
        %get3A_1590 = arith.index_cast %add3A_1587 : i32 to index
        %get3A_1591 = arith.constant 304 : index
        %get3A_1592 = tpu.vector_load %arg7[%get3A_1589, %get3A_1590, %get3A_1591] {strides = array<i32>} : memref<2x64x384xi32, #tpu.memory_space<vmem>>, vector<16xi32>,
        %shift_left3A_1593 = arith.constant 16 : i32
        %shift_left3A_1594 = vector.broadcast %shift_left3A_1593 : i32 to vector<16xi32>
        %shift_left3A_1595 = arith.shli %get3A_1592, %shift_left3A_1594 : vector<16xi32>
        %bitcast3A_1596 = vector.bitcast %shift_left3A_1595 : vector<16xi32> to vector<16xf32>
        %bitcast3A_1597 = vector.bitcast %get3A_1592 : vector<16xi32> to vector<16xf32>
        %add3A_1598 = arith.addf %add3A_1582, %bitcast3A_1596 : vector<16xf32>
        %add3A_1599 = arith.addf %add3A_1583, %bitcast3A_1597 : vector<16xf32>
        %swap3A_1600 = arith.constant 1 : i32
        %swap3A_1601 = arith.index_cast %swap3A_1600 : i32 to index
        %swap3A_1602 = arith.index_cast %scan3A_172 : i32 to index
        %swap3A_1603 = arith.constant 304 : index
        %swap3A_1604 = tpu.vector_load %arg8[%swap3A_1601, %swap3A_1602, %swap3A_1603] {strides = array<i32>} : memref<2x16x768xf32, #tpu.memory_space<vmem>>, vector<16xf32>,
        tpu.vector_store %arg8[%swap3A_1601, %swap3A_1602, %swap3A_1603], %add3A_1598 {strides = array<i32>} : memref<2x16x768xf32, #tpu.memory_space<vmem>>, vector<16xf32>,
        %swap3A_1605 = arith.constant 1 : i32
        %swap3A_1606 = arith.index_cast %swap3A_1605 : i32 to index
        %swap3A_1607 = arith.index_cast %scan3A_172 : i32 to index
        %swap3A_1608 = arith.constant 688 : index
        %swap3A_1609 = tpu.vector_load %arg8[%swap3A_1606, %swap3A_1607, %swap3A_1608] {strides = array<i32>} : memref<2x16x768xf32, #tpu.memory_space<vmem>>, vector<16xf32>,
        tpu.vector_store %arg8[%swap3A_1606, %swap3A_1607, %swap3A_1608], %add3A_1599 {strides = array<i32>} : memref<2x16x768xf32, #tpu.memory_space<vmem>>, vector<16xf32>,
        %mul3A_1610 = arith.constant 4 : i32
        %mul3A_1611 = arith.muli %mul3A_1610, %scan3A_172 : i32
        %add3A_1612 = arith.constant 0 : i32
        %add3A_1613 = arith.addi %mul3A_1611, %add3A_1612 : i32
        %get3A_1614 = arith.constant 1 : i32
        %get3A_1615 = arith.index_cast %get3A_1614 : i32 to index
        %get3A_1616 = arith.index_cast %add3A_1613 : i32 to index
        %get3A_1617 = arith.constant 320 : index
        %get3A_1618 = tpu.vector_load %arg7[%get3A_1615, %get3A_1616, %get3A_1617] {strides = array<i32>} : memref<2x64x384xi32, #tpu.memory_space<vmem>>, vector<16xi32>,
        %shift_left3A_1619 = arith.constant 16 : i32
        %shift_left3A_1620 = vector.broadcast %shift_left3A_1619 : i32 to vector<16xi32>
        %shift_left3A_1621 = arith.shli %get3A_1618, %shift_left3A_1620 : vector<16xi32>
        %bitcast3A_1622 = vector.bitcast %shift_left3A_1621 : vector<16xi32> to vector<16xf32>
        %bitcast3A_1623 = vector.bitcast %get3A_1618 : vector<16xi32> to vector<16xf32>
        %mul3A_1624 = arith.constant 4 : i32
        %mul3A_1625 = arith.muli %mul3A_1624, %scan3A_172 : i32
        %add3A_1626 = arith.constant 1 : i32
        %add3A_1627 = arith.addi %mul3A_1625, %add3A_1626 : i32
        %get3A_1628 = arith.constant 1 : i32
        %get3A_1629 = arith.index_cast %get3A_1628 : i32 to index
        %get3A_1630 = arith.index_cast %add3A_1627 : i32 to index
        %get3A_1631 = arith.constant 320 : index
        %get3A_1632 = tpu.vector_load %arg7[%get3A_1629, %get3A_1630, %get3A_1631] {strides = array<i32>} : memref<2x64x384xi32, #tpu.memory_space<vmem>>, vector<16xi32>,
        %shift_left3A_1633 = arith.constant 16 : i32
        %shift_left3A_1634 = vector.broadcast %shift_left3A_1633 : i32 to vector<16xi32>
        %shift_left3A_1635 = arith.shli %get3A_1632, %shift_left3A_1634 : vector<16xi32>
        %bitcast3A_1636 = vector.bitcast %shift_left3A_1635 : vector<16xi32> to vector<16xf32>
        %bitcast3A_1637 = vector.bitcast %get3A_1632 : vector<16xi32> to vector<16xf32>
        %add3A_1638 = arith.addf %bitcast3A_1622, %bitcast3A_1636 : vector<16xf32>
        %add3A_1639 = arith.addf %bitcast3A_1623, %bitcast3A_1637 : vector<16xf32>
        %mul3A_1640 = arith.constant 4 : i32
        %mul3A_1641 = arith.muli %mul3A_1640, %scan3A_172 : i32
        %add3A_1642 = arith.constant 2 : i32
        %add3A_1643 = arith.addi %mul3A_1641, %add3A_1642 : i32
        %get3A_1644 = arith.constant 1 : i32
        %get3A_1645 = arith.index_cast %get3A_1644 : i32 to index
        %get3A_1646 = arith.index_cast %add3A_1643 : i32 to index
        %get3A_1647 = arith.constant 320 : index
        %get3A_1648 = tpu.vector_load %arg7[%get3A_1645, %get3A_1646, %get3A_1647] {strides = array<i32>} : memref<2x64x384xi32, #tpu.memory_space<vmem>>, vector<16xi32>,
        %shift_left3A_1649 = arith.constant 16 : i32
        %shift_left3A_1650 = vector.broadcast %shift_left3A_1649 : i32 to vector<16xi32>
        %shift_left3A_1651 = arith.shli %get3A_1648, %shift_left3A_1650 : vector<16xi32>
        %bitcast3A_1652 = vector.bitcast %shift_left3A_1651 : vector<16xi32> to vector<16xf32>
        %bitcast3A_1653 = vector.bitcast %get3A_1648 : vector<16xi32> to vector<16xf32>
        %add3A_1654 = arith.addf %add3A_1638, %bitcast3A_1652 : vector<16xf32>
        %add3A_1655 = arith.addf %add3A_1639, %bitcast3A_1653 : vector<16xf32>
        %mul3A_1656 = arith.constant 4 : i32
        %mul3A_1657 = arith.muli %mul3A_1656, %scan3A_172 : i32
        %add3A_1658 = arith.constant 3 : i32
        %add3A_1659 = arith.addi %mul3A_1657, %add3A_1658 : i32
        %get3A_1660 = arith.constant 1 : i32
        %get3A_1661 = arith.index_cast %get3A_1660 : i32 to index
        %get3A_1662 = arith.index_cast %add3A_1659 : i32 to index
        %get3A_1663 = arith.constant 320 : index
        %get3A_1664 = tpu.vector_load %arg7[%get3A_1661, %get3A_1662, %get3A_1663] {strides = array<i32>} : memref<2x64x384xi32, #tpu.memory_space<vmem>>, vector<16xi32>,
        %shift_left3A_1665 = arith.constant 16 : i32
        %shift_left3A_1666 = vector.broadcast %shift_left3A_1665 : i32 to vector<16xi32>
        %shift_left3A_1667 = arith.shli %get3A_1664, %shift_left3A_1666 : vector<16xi32>
        %bitcast3A_1668 = vector.bitcast %shift_left3A_1667 : vector<16xi32> to vector<16xf32>
        %bitcast3A_1669 = vector.bitcast %get3A_1664 : vector<16xi32> to vector<16xf32>
        %add3A_1670 = arith.addf %add3A_1654, %bitcast3A_1668 : vector<16xf32>
        %add3A_1671 = arith.addf %add3A_1655, %bitcast3A_1669 : vector<16xf32>
        %swap3A_1672 = arith.constant 1 : i32
        %swap3A_1673 = arith.index_cast %swap3A_1672 : i32 to index
        %swap3A_1674 = arith.index_cast %scan3A_172 : i32 to index
        %swap3A_1675 = arith.constant 320 : index
        %swap3A_1676 = tpu.vector_load %arg8[%swap3A_1673, %swap3A_1674, %swap3A_1675] {strides = array<i32>} : memref<2x16x768xf32, #tpu.memory_space<vmem>>, vector<16xf32>,
        tpu.vector_store %arg8[%swap3A_1673, %swap3A_1674, %swap3A_1675], %add3A_1670 {strides = array<i32>} : memref<2x16x768xf32, #tpu.memory_space<vmem>>, vector<16xf32>,
        %swap3A_1677 = arith.constant 1 : i32
        %swap3A_1678 = arith.index_cast %swap3A_1677 : i32 to index
        %swap3A_1679 = arith.index_cast %scan3A_172 : i32 to index
        %swap3A_1680 = arith.constant 704 : index
        %swap3A_1681 = tpu.vector_load %arg8[%swap3A_1678, %swap3A_1679, %swap3A_1680] {strides = array<i32>} : memref<2x16x768xf32, #tpu.memory_space<vmem>>, vector<16xf32>,
        tpu.vector_store %arg8[%swap3A_1678, %swap3A_1679, %swap3A_1680], %add3A_1671 {strides = array<i32>} : memref<2x16x768xf32, #tpu.memory_space<vmem>>, vector<16xf32>,
        %mul3A_1682 = arith.constant 4 : i32
        %mul3A_1683 = arith.muli %mul3A_1682, %scan3A_172 : i32
        %add3A_1684 = arith.constant 0 : i32
        %add3A_1685 = arith.addi %mul3A_1683, %add3A_1684 : i32
        %get3A_1686 = arith.constant 1 : i32
        %get3A_1687 = arith.index_cast %get3A_1686 : i32 to index
        %get3A_1688 = arith.index_cast %add3A_1685 : i32 to index
        %get3A_1689 = arith.constant 336 : index
        %get3A_1690 = tpu.vector_load %arg7[%get3A_1687, %get3A_1688, %get3A_1689] {strides = array<i32>} : memref<2x64x384xi32, #tpu.memory_space<vmem>>, vector<16xi32>,
        %shift_left3A_1691 = arith.constant 16 : i32
        %shift_left3A_1692 = vector.broadcast %shift_left3A_1691 : i32 to vector<16xi32>
        %shift_left3A_1693 = arith.shli %get3A_1690, %shift_left3A_1692 : vector<16xi32>
        %bitcast3A_1694 = vector.bitcast %shift_left3A_1693 : vector<16xi32> to vector<16xf32>
        %bitcast3A_1695 = vector.bitcast %get3A_1690 : vector<16xi32> to vector<16xf32>
        %mul3A_1696 = arith.constant 4 : i32
        %mul3A_1697 = arith.muli %mul3A_1696, %scan3A_172 : i32
        %add3A_1698 = arith.constant 1 : i32
        %add3A_1699 = arith.addi %mul3A_1697, %add3A_1698 : i32
        %get3A_1700 = arith.constant 1 : i32
        %get3A_1701 = arith.index_cast %get3A_1700 : i32 to index
        %get3A_1702 = arith.index_cast %add3A_1699 : i32 to index
        %get3A_1703 = arith.constant 336 : index
        %get3A_1704 = tpu.vector_load %arg7[%get3A_1701, %get3A_1702, %get3A_1703] {strides = array<i32>} : memref<2x64x384xi32, #tpu.memory_space<vmem>>, vector<16xi32>,
        %shift_left3A_1705 = arith.constant 16 : i32
        %shift_left3A_1706 = vector.broadcast %shift_left3A_1705 : i32 to vector<16xi32>
        %shift_left3A_1707 = arith.shli %get3A_1704, %shift_left3A_1706 : vector<16xi32>
        %bitcast3A_1708 = vector.bitcast %shift_left3A_1707 : vector<16xi32> to vector<16xf32>
        %bitcast3A_1709 = vector.bitcast %get3A_1704 : vector<16xi32> to vector<16xf32>
        %add3A_1710 = arith.addf %bitcast3A_1694, %bitcast3A_1708 : vector<16xf32>
        %add3A_1711 = arith.addf %bitcast3A_1695, %bitcast3A_1709 : vector<16xf32>
        %mul3A_1712 = arith.constant 4 : i32
        %mul3A_1713 = arith.muli %mul3A_1712, %scan3A_172 : i32
        %add3A_1714 = arith.constant 2 : i32
        %add3A_1715 = arith.addi %mul3A_1713, %add3A_1714 : i32
        %get3A_1716 = arith.constant 1 : i32
        %get3A_1717 = arith.index_cast %get3A_1716 : i32 to index
        %get3A_1718 = arith.index_cast %add3A_1715 : i32 to index
        %get3A_1719 = arith.constant 336 : index
        %get3A_1720 = tpu.vector_load %arg7[%get3A_1717, %get3A_1718, %get3A_1719] {strides = array<i32>} : memref<2x64x384xi32, #tpu.memory_space<vmem>>, vector<16xi32>,
        %shift_left3A_1721 = arith.constant 16 : i32
        %shift_left3A_1722 = vector.broadcast %shift_left3A_1721 : i32 to vector<16xi32>
        %shift_left3A_1723 = arith.shli %get3A_1720, %shift_left3A_1722 : vector<16xi32>
        %bitcast3A_1724 = vector.bitcast %shift_left3A_1723 : vector<16xi32> to vector<16xf32>
        %bitcast3A_1725 = vector.bitcast %get3A_1720 : vector<16xi32> to vector<16xf32>
        %add3A_1726 = arith.addf %add3A_1710, %bitcast3A_1724 : vector<16xf32>
        %add3A_1727 = arith.addf %add3A_1711, %bitcast3A_1725 : vector<16xf32>
        %mul3A_1728 = arith.constant 4 : i32
        %mul3A_1729 = arith.muli %mul3A_1728, %scan3A_172 : i32
        %add3A_1730 = arith.constant 3 : i32
        %add3A_1731 = arith.addi %mul3A_1729, %add3A_1730 : i32
        %get3A_1732 = arith.constant 1 : i32
        %get3A_1733 = arith.index_cast %get3A_1732 : i32 to index
        %get3A_1734 = arith.index_cast %add3A_1731 : i32 to index
        %get3A_1735 = arith.constant 336 : index
        %get3A_1736 = tpu.vector_load %arg7[%get3A_1733, %get3A_1734, %get3A_1735] {strides = array<i32>} : memref<2x64x384xi32, #tpu.memory_space<vmem>>, vector<16xi32>,
        %shift_left3A_1737 = arith.constant 16 : i32
        %shift_left3A_1738 = vector.broadcast %shift_left3A_1737 : i32 to vector<16xi32>
        %shift_left3A_1739 = arith.shli %get3A_1736, %shift_left3A_1738 : vector<16xi32>
        %bitcast3A_1740 = vector.bitcast %shift_left3A_1739 : vector<16xi32> to vector<16xf32>
        %bitcast3A_1741 = vector.bitcast %get3A_1736 : vector<16xi32> to vector<16xf32>
        %add3A_1742 = arith.addf %add3A_1726, %bitcast3A_1740 : vector<16xf32>
        %add3A_1743 = arith.addf %add3A_1727, %bitcast3A_1741 : vector<16xf32>
        %swap3A_1744 = arith.constant 1 : i32
        %swap3A_1745 = arith.index_cast %swap3A_1744 : i32 to index
        %swap3A_1746 = arith.index_cast %scan3A_172 : i32 to index
        %swap3A_1747 = arith.constant 336 : index
        %swap3A_1748 = tpu.vector_load %arg8[%swap3A_1745, %swap3A_1746, %swap3A_1747] {strides = array<i32>} : memref<2x16x768xf32, #tpu.memory_space<vmem>>, vector<16xf32>,
        tpu.vector_store %arg8[%swap3A_1745, %swap3A_1746, %swap3A_1747], %add3A_1742 {strides = array<i32>} : memref<2x16x768xf32, #tpu.memory_space<vmem>>, vector<16xf32>,
        %swap3A_1749 = arith.constant 1 : i32
        %swap3A_1750 = arith.index_cast %swap3A_1749 : i32 to index
        %swap3A_1751 = arith.index_cast %scan3A_172 : i32 to index
        %swap3A_1752 = arith.constant 720 : index
        %swap3A_1753 = tpu.vector_load %arg8[%swap3A_1750, %swap3A_1751, %swap3A_1752] {strides = array<i32>} : memref<2x16x768xf32, #tpu.memory_space<vmem>>, vector<16xf32>,
        tpu.vector_store %arg8[%swap3A_1750, %swap3A_1751, %swap3A_1752], %add3A_1743 {strides = array<i32>} : memref<2x16x768xf32, #tpu.memory_space<vmem>>, vector<16xf32>,
        %mul3A_1754 = arith.constant 4 : i32
        %mul3A_1755 = arith.muli %mul3A_1754, %scan3A_172 : i32
        %add3A_1756 = arith.constant 0 : i32
        %add3A_1757 = arith.addi %mul3A_1755, %add3A_1756 : i32
        %get3A_1758 = arith.constant 1 : i32
        %get3A_1759 = arith.index_cast %get3A_1758 : i32 to index
        %get3A_1760 = arith.index_cast %add3A_1757 : i32 to index
        %get3A_1761 = arith.constant 352 : index
        %get3A_1762 = tpu.vector_load %arg7[%get3A_1759, %get3A_1760, %get3A_1761] {strides = array<i32>} : memref<2x64x384xi32, #tpu.memory_space<vmem>>, vector<16xi32>,
        %shift_left3A_1763 = arith.constant 16 : i32
        %shift_left3A_1764 = vector.broadcast %shift_left3A_1763 : i32 to vector<16xi32>
        %shift_left3A_1765 = arith.shli %get3A_1762, %shift_left3A_1764 : vector<16xi32>
        %bitcast3A_1766 = vector.bitcast %shift_left3A_1765 : vector<16xi32> to vector<16xf32>
        %bitcast3A_1767 = vector.bitcast %get3A_1762 : vector<16xi32> to vector<16xf32>
        %mul3A_1768 = arith.constant 4 : i32
        %mul3A_1769 = arith.muli %mul3A_1768, %scan3A_172 : i32
        %add3A_1770 = arith.constant 1 : i32
        %add3A_1771 = arith.addi %mul3A_1769, %add3A_1770 : i32
        %get3A_1772 = arith.constant 1 : i32
        %get3A_1773 = arith.index_cast %get3A_1772 : i32 to index
        %get3A_1774 = arith.index_cast %add3A_1771 : i32 to index
        %get3A_1775 = arith.constant 352 : index
        %get3A_1776 = tpu.vector_load %arg7[%get3A_1773, %get3A_1774, %get3A_1775] {strides = array<i32>} : memref<2x64x384xi32, #tpu.memory_space<vmem>>, vector<16xi32>,
        %shift_left3A_1777 = arith.constant 16 : i32
        %shift_left3A_1778 = vector.broadcast %shift_left3A_1777 : i32 to vector<16xi32>
        %shift_left3A_1779 = arith.shli %get3A_1776, %shift_left3A_1778 : vector<16xi32>
        %bitcast3A_1780 = vector.bitcast %shift_left3A_1779 : vector<16xi32> to vector<16xf32>
        %bitcast3A_1781 = vector.bitcast %get3A_1776 : vector<16xi32> to vector<16xf32>
        %add3A_1782 = arith.addf %bitcast3A_1766, %bitcast3A_1780 : vector<16xf32>
        %add3A_1783 = arith.addf %bitcast3A_1767, %bitcast3A_1781 : vector<16xf32>
        %mul3A_1784 = arith.constant 4 : i32
        %mul3A_1785 = arith.muli %mul3A_1784, %scan3A_172 : i32
        %add3A_1786 = arith.constant 2 : i32
        %add3A_1787 = arith.addi %mul3A_1785, %add3A_1786 : i32
        %get3A_1788 = arith.constant 1 : i32
        %get3A_1789 = arith.index_cast %get3A_1788 : i32 to index
        %get3A_1790 = arith.index_cast %add3A_1787 : i32 to index
        %get3A_1791 = arith.constant 352 : index
        %get3A_1792 = tpu.vector_load %arg7[%get3A_1789, %get3A_1790, %get3A_1791] {strides = array<i32>} : memref<2x64x384xi32, #tpu.memory_space<vmem>>, vector<16xi32>,
        %shift_left3A_1793 = arith.constant 16 : i32
        %shift_left3A_1794 = vector.broadcast %shift_left3A_1793 : i32 to vector<16xi32>
        %shift_left3A_1795 = arith.shli %get3A_1792, %shift_left3A_1794 : vector<16xi32>
        %bitcast3A_1796 = vector.bitcast %shift_left3A_1795 : vector<16xi32> to vector<16xf32>
        %bitcast3A_1797 = vector.bitcast %get3A_1792 : vector<16xi32> to vector<16xf32>
        %add3A_1798 = arith.addf %add3A_1782, %bitcast3A_1796 : vector<16xf32>
        %add3A_1799 = arith.addf %add3A_1783, %bitcast3A_1797 : vector<16xf32>
        %mul3A_1800 = arith.constant 4 : i32
        %mul3A_1801 = arith.muli %mul3A_1800, %scan3A_172 : i32
        %add3A_1802 = arith.constant 3 : i32
        %add3A_1803 = arith.addi %mul3A_1801, %add3A_1802 : i32
        %get3A_1804 = arith.constant 1 : i32
        %get3A_1805 = arith.index_cast %get3A_1804 : i32 to index
        %get3A_1806 = arith.index_cast %add3A_1803 : i32 to index
        %get3A_1807 = arith.constant 352 : index
        %get3A_1808 = tpu.vector_load %arg7[%get3A_1805, %get3A_1806, %get3A_1807] {strides = array<i32>} : memref<2x64x384xi32, #tpu.memory_space<vmem>>, vector<16xi32>,
        %shift_left3A_1809 = arith.constant 16 : i32
        %shift_left3A_1810 = vector.broadcast %shift_left3A_1809 : i32 to vector<16xi32>
        %shift_left3A_1811 = arith.shli %get3A_1808, %shift_left3A_1810 : vector<16xi32>
        %bitcast3A_1812 = vector.bitcast %shift_left3A_1811 : vector<16xi32> to vector<16xf32>
        %bitcast3A_1813 = vector.bitcast %get3A_1808 : vector<16xi32> to vector<16xf32>
        %add3A_1814 = arith.addf %add3A_1798, %bitcast3A_1812 : vector<16xf32>
        %add3A_1815 = arith.addf %add3A_1799, %bitcast3A_1813 : vector<16xf32>
        %swap3A_1816 = arith.constant 1 : i32
        %swap3A_1817 = arith.index_cast %swap3A_1816 : i32 to index
        %swap3A_1818 = arith.index_cast %scan3A_172 : i32 to index
        %swap3A_1819 = arith.constant 352 : index
        %swap3A_1820 = tpu.vector_load %arg8[%swap3A_1817, %swap3A_1818, %swap3A_1819] {strides = array<i32>} : memref<2x16x768xf32, #tpu.memory_space<vmem>>, vector<16xf32>,
        tpu.vector_store %arg8[%swap3A_1817, %swap3A_1818, %swap3A_1819], %add3A_1814 {strides = array<i32>} : memref<2x16x768xf32, #tpu.memory_space<vmem>>, vector<16xf32>,
        %swap3A_1821 = arith.constant 1 : i32
        %swap3A_1822 = arith.index_cast %swap3A_1821 : i32 to index
        %swap3A_1823 = arith.index_cast %scan3A_172 : i32 to index
        %swap3A_1824 = arith.constant 736 : index
        %swap3A_1825 = tpu.vector_load %arg8[%swap3A_1822, %swap3A_1823, %swap3A_1824] {strides = array<i32>} : memref<2x16x768xf32, #tpu.memory_space<vmem>>, vector<16xf32>,
        tpu.vector_store %arg8[%swap3A_1822, %swap3A_1823, %swap3A_1824], %add3A_1815 {strides = array<i32>} : memref<2x16x768xf32, #tpu.memory_space<vmem>>, vector<16xf32>,
        %mul3A_1826 = arith.constant 4 : i32
        %mul3A_1827 = arith.muli %mul3A_1826, %scan3A_172 : i32
        %add3A_1828 = arith.constant 0 : i32
        %add3A_1829 = arith.addi %mul3A_1827, %add3A_1828 : i32
        %get3A_1830 = arith.constant 1 : i32
        %get3A_1831 = arith.index_cast %get3A_1830 : i32 to index
        %get3A_1832 = arith.index_cast %add3A_1829 : i32 to index
        %get3A_1833 = arith.constant 368 : index
        %get3A_1834 = tpu.vector_load %arg7[%get3A_1831, %get3A_1832, %get3A_1833] {strides = array<i32>} : memref<2x64x384xi32, #tpu.memory_space<vmem>>, vector<16xi32>,
        %shift_left3A_1835 = arith.constant 16 : i32
        %shift_left3A_1836 = vector.broadcast %shift_left3A_1835 : i32 to vector<16xi32>
        %shift_left3A_1837 = arith.shli %get3A_1834, %shift_left3A_1836 : vector<16xi32>
        %bitcast3A_1838 = vector.bitcast %shift_left3A_1837 : vector<16xi32> to vector<16xf32>
        %bitcast3A_1839 = vector.bitcast %get3A_1834 : vector<16xi32> to vector<16xf32>
        %mul3A_1840 = arith.constant 4 : i32
        %mul3A_1841 = arith.muli %mul3A_1840, %scan3A_172 : i32
        %add3A_1842 = arith.constant 1 : i32
        %add3A_1843 = arith.addi %mul3A_1841, %add3A_1842 : i32
        %get3A_1844 = arith.constant 1 : i32
        %get3A_1845 = arith.index_cast %get3A_1844 : i32 to index
        %get3A_1846 = arith.index_cast %add3A_1843 : i32 to index
        %get3A_1847 = arith.constant 368 : index
        %get3A_1848 = tpu.vector_load %arg7[%get3A_1845, %get3A_1846, %get3A_1847] {strides = array<i32>} : memref<2x64x384xi32, #tpu.memory_space<vmem>>, vector<16xi32>,
        %shift_left3A_1849 = arith.constant 16 : i32
        %shift_left3A_1850 = vector.broadcast %shift_left3A_1849 : i32 to vector<16xi32>
        %shift_left3A_1851 = arith.shli %get3A_1848, %shift_left3A_1850 : vector<16xi32>
        %bitcast3A_1852 = vector.bitcast %shift_left3A_1851 : vector<16xi32> to vector<16xf32>
        %bitcast3A_1853 = vector.bitcast %get3A_1848 : vector<16xi32> to vector<16xf32>
        %add3A_1854 = arith.addf %bitcast3A_1838, %bitcast3A_1852 : vector<16xf32>
        %add3A_1855 = arith.addf %bitcast3A_1839, %bitcast3A_1853 : vector<16xf32>
        %mul3A_1856 = arith.constant 4 : i32
        %mul3A_1857 = arith.muli %mul3A_1856, %scan3A_172 : i32
        %add3A_1858 = arith.constant 2 : i32
        %add3A_1859 = arith.addi %mul3A_1857, %add3A_1858 : i32
        %get3A_1860 = arith.constant 1 : i32
        %get3A_1861 = arith.index_cast %get3A_1860 : i32 to index
        %get3A_1862 = arith.index_cast %add3A_1859 : i32 to index
        %get3A_1863 = arith.constant 368 : index
        %get3A_1864 = tpu.vector_load %arg7[%get3A_1861, %get3A_1862, %get3A_1863] {strides = array<i32>} : memref<2x64x384xi32, #tpu.memory_space<vmem>>, vector<16xi32>,
        %shift_left3A_1865 = arith.constant 16 : i32
        %shift_left3A_1866 = vector.broadcast %shift_left3A_1865 : i32 to vector<16xi32>
        %shift_left3A_1867 = arith.shli %get3A_1864, %shift_left3A_1866 : vector<16xi32>
        %bitcast3A_1868 = vector.bitcast %shift_left3A_1867 : vector<16xi32> to vector<16xf32>
        %bitcast3A_1869 = vector.bitcast %get3A_1864 : vector<16xi32> to vector<16xf32>
        %add3A_1870 = arith.addf %add3A_1854, %bitcast3A_1868 : vector<16xf32>
        %add3A_1871 = arith.addf %add3A_1855, %bitcast3A_1869 : vector<16xf32>
        %mul3A_1872 = arith.constant 4 : i32
        %mul3A_1873 = arith.muli %mul3A_1872, %scan3A_172 : i32
        %add3A_1874 = arith.constant 3 : i32
        %add3A_1875 = arith.addi %mul3A_1873, %add3A_1874 : i32
        %get3A_1876 = arith.constant 1 : i32
        %get3A_1877 = arith.index_cast %get3A_1876 : i32 to index
        %get3A_1878 = arith.index_cast %add3A_1875 : i32 to index
        %get3A_1879 = arith.constant 368 : index
        %get3A_1880 = tpu.vector_load %arg7[%get3A_1877, %get3A_1878, %get3A_1879] {strides = array<i32>} : memref<2x64x384xi32, #tpu.memory_space<vmem>>, vector<16xi32>,
        %shift_left3A_1881 = arith.constant 16 : i32
        %shift_left3A_1882 = vector.broadcast %shift_left3A_1881 : i32 to vector<16xi32>
        %shift_left3A_1883 = arith.shli %get3A_1880, %shift_left3A_1882 : vector<16xi32>
        %bitcast3A_1884 = vector.bitcast %shift_left3A_1883 : vector<16xi32> to vector<16xf32>
        %bitcast3A_1885 = vector.bitcast %get3A_1880 : vector<16xi32> to vector<16xf32>
        %add3A_1886 = arith.addf %add3A_1870, %bitcast3A_1884 : vector<16xf32>
        %add3A_1887 = arith.addf %add3A_1871, %bitcast3A_1885 : vector<16xf32>
        %swap3A_1888 = arith.constant 1 : i32
        %swap3A_1889 = arith.index_cast %swap3A_1888 : i32 to index
        %swap3A_1890 = arith.index_cast %scan3A_172 : i32 to index
        %swap3A_1891 = arith.constant 368 : index
        %swap3A_1892 = tpu.vector_load %arg8[%swap3A_1889, %swap3A_1890, %swap3A_1891] {strides = array<i32>} : memref<2x16x768xf32, #tpu.memory_space<vmem>>, vector<16xf32>,
        tpu.vector_store %arg8[%swap3A_1889, %swap3A_1890, %swap3A_1891], %add3A_1886 {strides = array<i32>} : memref<2x16x768xf32, #tpu.memory_space<vmem>>, vector<16xf32>,
        %swap3A_1893 = arith.constant 1 : i32
        %swap3A_1894 = arith.index_cast %swap3A_1893 : i32 to index
        %swap3A_1895 = arith.index_cast %scan3A_172 : i32 to index
        %swap3A_1896 = arith.constant 752 : index
        %swap3A_1897 = tpu.vector_load %arg8[%swap3A_1894, %swap3A_1895, %swap3A_1896] {strides = array<i32>} : memref<2x16x768xf32, #tpu.memory_space<vmem>>, vector<16xf32>,
        tpu.vector_store %arg8[%swap3A_1894, %swap3A_1895, %swap3A_1896], %add3A_1887 {strides = array<i32>} : memref<2x16x768xf32, #tpu.memory_space<vmem>>, vector<16xf32>,
      }
      %scan3A_155 = arith.constant 16 : i32
      %mul3A_156 = arith.constant 16 : i32
      %mul3A_157 = arith.muli %add3A_127, %mul3A_156 : i32
      %add3A_158 = arith.addi %mul3A_2, %mul3A_157 : i32
      %dma_start3A_159 = arith.constant 1 : i32
      %dma_start3A_160 = arith.constant 0 : i32
      %dma_start3A_161 = arith.constant 0 : i32
      %dma_start3A_162 = tpu.memref_slice %arg8[%dma_start3A_159, %dma_start3A_160, %dma_start3A_161] : memref<2x16x768xf32, #tpu.memory_space<vmem>> -> memref<1x16x768xf32, #tpu.memory_space<vmem>>
      %dma_start3A_163 = tpu.memref_squeeze %dma_start3A_162 : memref<1x16x768xf32, #tpu.memory_space<vmem>> -> memref<16x768xf32, #tpu.memory_space<vmem>>
      %dma_start3A_164 = arith.constant 0 : i32
      %dma_start3A_165 = tpu.memref_slice %arg4[%add3A_158, %dma_start3A_164] : memref<16384x768xf32, #tpu.memory_space<hbm>> -> memref<16x768xf32, #tpu.memory_space<hbm>>
      %dma_start3A_166 = arith.constant 0 : i32
      %dma_start3A_167 = tpu.memref_slice %arg4[%add3A_158, %dma_start3A_166] : memref<16384x768xf32, #tpu.memory_space<hbm>> -> memref<16x768xf32, #tpu.memory_space<hbm>>
      %dma_start3A_168 = arith.constant 0 : i32
      %dma_start3A_169 = arith.constant 0 : i32
      %dma_start3A_170 = tpu.memref_slice %arg8[%dma_start3A_159, %dma_start3A_168, %dma_start3A_169] : memref<2x16x768xf32, #tpu.memory_space<vmem>> -> memref<1x16x768xf32, #tpu.memory_space<vmem>>
      %dma_start3A_171 = tpu.memref_squeeze %dma_start3A_170 : memref<1x16x768xf32, #tpu.memory_space<vmem>> -> memref<16x768xf32, #tpu.memory_space<vmem>>
      tpu.enqueue_dma source(%dma_start3A_171 : memref<16x768xf32, #tpu.memory_space<vmem>>) target(%dma_start3A_167 : memref<16x768xf32, #tpu.memory_space<hbm>>) target_semaphore(%arg12 : memref<!tpu.dma_semaphore, #tpu.memory_space<semaphore_mem>>)
    }
    %scan3A_49 = arith.constant 16 : i32
    %add3A_50 = arith.constant 480 : i32
    %add3A_51 = arith.addi %mul3A_2, %add3A_50 : i32
    %dma_wait3A = arith.constant 0 : i32
    %dma_wait3A_52 = arith.constant 0 : i32
    %dma_wait3A_53 = arith.constant 0 : i32
    %dma_wait3A_54 = tpu.memref_slice %arg8[%dma_wait3A, %dma_wait3A_52, %dma_wait3A_53] : memref<2x16x768xf32, #tpu.memory_space<vmem>> -> memref<1x16x768xf32, #tpu.memory_space<vmem>>
    %dma_wait3A_55 = tpu.memref_squeeze %dma_wait3A_54 : memref<1x16x768xf32, #tpu.memory_space<vmem>> -> memref<16x768xf32, #tpu.memory_space<vmem>>
    %dma_wait3A_56 = arith.constant 0 : i32
    %dma_wait3A_57 = tpu.memref_slice %arg4[%add3A_51, %dma_wait3A_56] : memref<16384x768xf32, #tpu.memory_space<hbm>> -> memref<16x768xf32, #tpu.memory_space<hbm>>
    %dma_wait3A_58 = arith.constant 0 : i32
    %dma_wait3A_59 = tpu.memref_slice %arg4[%add3A_51, %dma_wait3A_58] : memref<16384x768xf32, #tpu.memory_space<hbm>> -> memref<16x768xf32, #tpu.memory_space<hbm>>
    %dma_wait3A_60 = arith.constant 0 : i32
    %dma_wait3A_61 = arith.constant 0 : i32
    %dma_wait3A_62 = tpu.memref_slice %arg8[%dma_wait3A, %dma_wait3A_60, %dma_wait3A_61] : memref<2x16x768xf32, #tpu.memory_space<vmem>> -> memref<1x16x768xf32, #tpu.memory_space<vmem>>
    %dma_wait3A_63 = tpu.memref_squeeze %dma_wait3A_62 : memref<1x16x768xf32, #tpu.memory_space<vmem>> -> memref<16x768xf32, #tpu.memory_space<vmem>>
    tpu.wait_dma2 semaphore(%arg11 : memref<!tpu.dma_semaphore, #tpu.memory_space<semaphore_mem>>) src(%dma_wait3A_63 : memref<16x768xf32, #tpu.memory_space<vmem>>) dst(%dma_wait3A_59 : memref<16x768xf32, #tpu.memory_space<hbm>>)
    %add3A_64 = arith.constant 496 : i32
    %add3A_65 = arith.addi %mul3A_2, %add3A_64 : i32
    %dma_wait3A_66 = arith.constant 1 : i32
    %dma_wait3A_67 = arith.constant 0 : i32
    %dma_wait3A_68 = arith.constant 0 : i32
    %dma_wait3A_69 = tpu.memref_slice %arg8[%dma_wait3A_66, %dma_wait3A_67, %dma_wait3A_68] : memref<2x16x768xf32, #tpu.memory_space<vmem>> -> memref<1x16x768xf32, #tpu.memory_space<vmem>>
    %dma_wait3A_70 = tpu.memref_squeeze %dma_wait3A_69 : memref<1x16x768xf32, #tpu.memory_space<vmem>> -> memref<16x768xf32, #tpu.memory_space<vmem>>
    %dma_wait3A_71 = arith.constant 0 : i32
    %dma_wait3A_72 = tpu.memref_slice %arg4[%add3A_65, %dma_wait3A_71] : memref<16384x768xf32, #tpu.memory_space<hbm>> -> memref<16x768xf32, #tpu.memory_space<hbm>>
    %dma_wait3A_73 = arith.constant 0 : i32
    %dma_wait3A_74 = tpu.memref_slice %arg4[%add3A_65, %dma_wait3A_73] : memref<16384x768xf32, #tpu.memory_space<hbm>> -> memref<16x768xf32, #tpu.memory_space<hbm>>
    %dma_wait3A_75 = arith.constant 0 : i32
    %dma_wait3A_76 = arith.constant 0 : i32
    %dma_wait3A_77 = tpu.memref_slice %arg8[%dma_wait3A_66, %dma_wait3A_75, %dma_wait3A_76] : memref<2x16x768xf32, #tpu.memory_space<vmem>> -> memref<1x16x768xf32, #tpu.memory_space<vmem>>
    %dma_wait3A_78 = tpu.memref_squeeze %dma_wait3A_77 : memref<1x16x768xf32, #tpu.memory_space<vmem>> -> memref<16x768xf32, #tpu.memory_space<vmem>>
    tpu.wait_dma2 semaphore(%arg12 : memref<!tpu.dma_semaphore, #tpu.memory_space<semaphore_mem>>) src(%dma_wait3A_78 : memref<16x768xf32, #tpu.memory_space<vmem>>) dst(%dma_wait3A_74 : memref<16x768xf32, #tpu.memory_space<hbm>>)
    return
  }
}

module attributes {stable_mosaic.version = 14 : i64} {
  func.func @_ln_body(%arg0: i32, %arg1: memref<2048x768xf32, #tpu.memory_space<vmem>>, %arg2: memref<1x768xf32, #tpu.memory_space<vmem>>, %arg3: memref<1x768xf32, #tpu.memory_space<vmem>>, %arg4: memref<2048x384xi32, #tpu.memory_space<vmem>>) attributes {dimension_semantics = [#tpu.dimension_semantics<arbitrary>], iteration_bounds = array<i64: 4>, scalar_prefetch = 0 : i64, scratch_operands = 0 : i64, tpu.core_type = #tpu.core_type<tc>, window_params = [{transform_indices = @transform_0, window_bounds = array<i64: 2048, 768>}, {pipeline_mode = #tpu.pipeline_mode<synchronous>, transform_indices = @transform_1, window_bounds = array<i64: 1, 768>}, {pipeline_mode = #tpu.pipeline_mode<synchronous>, transform_indices = @transform_2, window_bounds = array<i64: 1, 768>}, {transform_indices = @transform_3, window_bounds = array<i64: 2048, 384>}]} {
    %get3A = arith.constant 0 : index
    %get3A_0 = arith.constant 0 : index
    %get3A_1 = vector.load %arg1[%get3A, %get3A_0] : memref<2048x768xf32, #tpu.memory_space<vmem>>, vector<2048x768xf32>
    %mul3A = arith.constant 1.000000e+00 : f32
    %mul3A_2 = vector.broadcast %mul3A : f32 to vector<2048x768xf32>
    %mul3A_3 = arith.mulf %get3A_1, %mul3A_2 : vector<2048x768xf32>
    %reduce_sum3A = arith.constant dense<0.000000e+00> : vector<2048xf32>
    %reduce_sum3A_4 = vector.multi_reduction <add>, %mul3A_3, %reduce_sum3A [1] : vector<2048x768xf32> to vector<2048xf32>
    %broadcast_in_dim3A = vector.shape_cast %reduce_sum3A_4 : vector<2048xf32> to vector<2048x1xf32>
    %div3A = arith.constant 7.680000e+02 : f32
    %div3A_5 = vector.broadcast %div3A : f32 to vector<2048x1xf32>
    %div3A_6 = arith.divf %broadcast_in_dim3A, %div3A_5 : vector<2048x1xf32>
    %sub3A = vector.broadcast %div3A_6 : vector<2048x1xf32> to vector<2048x768xf32>
    %sub3A_7 = arith.subf %mul3A_3, %sub3A : vector<2048x768xf32>
    %mul3A_8 = arith.mulf %sub3A_7, %sub3A_7 : vector<2048x768xf32>
    %reduce_sum3A_9 = arith.constant dense<0.000000e+00> : vector<2048xf32>
    %reduce_sum3A_10 = vector.multi_reduction <add>, %mul3A_8, %reduce_sum3A_9 [1] : vector<2048x768xf32> to vector<2048xf32>
    %broadcast_in_dim3A_11 = vector.shape_cast %reduce_sum3A_10 : vector<2048xf32> to vector<2048x1xf32>
    %div3A_12 = arith.constant 7.680000e+02 : f32
    %div3A_13 = vector.broadcast %div3A_12 : f32 to vector<2048x1xf32>
    %div3A_14 = arith.divf %broadcast_in_dim3A_11, %div3A_13 : vector<2048x1xf32>
    %add3A = arith.constant 9.99999974E-6 : f32
    %add3A_15 = vector.broadcast %add3A : f32 to vector<2048x1xf32>
    %add3A_16 = arith.addf %div3A_14, %add3A_15 : vector<2048x1xf32>
    %rsqrt3A = math.rsqrt %add3A_16 : vector<2048x1xf32>
    %mul3A_17 = vector.broadcast %rsqrt3A : vector<2048x1xf32> to vector<2048x768xf32>
    %mul3A_18 = arith.mulf %sub3A_7, %mul3A_17 : vector<2048x768xf32>
    %get3A_19 = arith.constant 0 : index
    %get3A_20 = arith.constant 0 : index
    %get3A_21 = vector.load %arg2[%get3A_19, %get3A_20] : memref<1x768xf32, #tpu.memory_space<vmem>>, vector<1x768xf32>
    %mul3A_22 = vector.broadcast %get3A_21 : vector<1x768xf32> to vector<2048x768xf32>
    %mul3A_23 = arith.mulf %mul3A_18, %mul3A_22 : vector<2048x768xf32>
    %get3A_24 = arith.constant 0 : index
    %get3A_25 = arith.constant 0 : index
    %get3A_26 = vector.load %arg3[%get3A_24, %get3A_25] : memref<1x768xf32, #tpu.memory_space<vmem>>, vector<1x768xf32>
    %add3A_27 = vector.broadcast %get3A_26 : vector<1x768xf32> to vector<2048x768xf32>
    %add3A_28 = arith.addf %mul3A_23, %add3A_27 : vector<2048x768xf32>
    %bitcast_convert_type3A = tpu.bitcast %add3A_28 : vector<2048x768xf32> -> vector<2048x768xi32>
    %slice3A = vector.extract_strided_slice %bitcast_convert_type3A {offsets = [0, 0], sizes = [2048, 384], strides = [1, 1]} : vector<2048x768xi32> to vector<2048x384xi32>
    %add3A_29 = arith.constant 32767 : i32
    %add3A_30 = vector.broadcast %add3A_29 : i32 to vector<2048x384xi32>
    %add3A_31 = arith.addi %slice3A, %add3A_30 : vector<2048x384xi32>
    %shift_right_logical3A = arith.constant 16 : i32
    %shift_right_logical3A_32 = vector.broadcast %shift_right_logical3A : i32 to vector<2048x384xi32>
    %shift_right_logical3A_33 = arith.shrui %slice3A, %shift_right_logical3A_32 : vector<2048x384xi32>
    %and3A = arith.constant 1 : i32
    %and3A_34 = vector.broadcast %and3A : i32 to vector<2048x384xi32>
    %and3A_35 = arith.andi %shift_right_logical3A_33, %and3A_34 : vector<2048x384xi32>
    %add3A_36 = arith.addi %add3A_31, %and3A_35 : vector<2048x384xi32>
    %shift_right_logical3A_37 = arith.constant 16 : i32
    %shift_right_logical3A_38 = vector.broadcast %shift_right_logical3A_37 : i32 to vector<2048x384xi32>
    %shift_right_logical3A_39 = arith.shrui %add3A_36, %shift_right_logical3A_38 : vector<2048x384xi32>
    %slice3A_40 = vector.extract_strided_slice %bitcast_convert_type3A {offsets = [0, 384], sizes = [2048, 384], strides = [1, 1]} : vector<2048x768xi32> to vector<2048x384xi32>
    %add3A_41 = arith.constant 32767 : i32
    %add3A_42 = vector.broadcast %add3A_41 : i32 to vector<2048x384xi32>
    %add3A_43 = arith.addi %slice3A_40, %add3A_42 : vector<2048x384xi32>
    %shift_right_logical3A_44 = arith.constant 16 : i32
    %shift_right_logical3A_45 = vector.broadcast %shift_right_logical3A_44 : i32 to vector<2048x384xi32>
    %shift_right_logical3A_46 = arith.shrui %slice3A_40, %shift_right_logical3A_45 : vector<2048x384xi32>
    %and3A_47 = arith.constant 1 : i32
    %and3A_48 = vector.broadcast %and3A_47 : i32 to vector<2048x384xi32>
    %and3A_49 = arith.andi %shift_right_logical3A_46, %and3A_48 : vector<2048x384xi32>
    %add3A_50 = arith.addi %add3A_43, %and3A_49 : vector<2048x384xi32>
    %shift_right_logical3A_51 = arith.constant 16 : i32
    %shift_right_logical3A_52 = vector.broadcast %shift_right_logical3A_51 : i32 to vector<2048x384xi32>
    %shift_right_logical3A_53 = arith.shrui %add3A_50, %shift_right_logical3A_52 : vector<2048x384xi32>
    %shift_left3A = arith.constant 16 : i32
    %shift_left3A_54 = vector.broadcast %shift_left3A : i32 to vector<2048x384xi32>
    %shift_left3A_55 = arith.shli %shift_right_logical3A_53, %shift_left3A_54 : vector<2048x384xi32>
    %or3A = arith.ori %shift_right_logical3A_39, %shift_left3A_55 : vector<2048x384xi32>
    %bitcast_convert_type3A_56 = tpu.bitcast %or3A : vector<2048x384xi32> -> vector<2048x384xi32>
    %swap3A = arith.constant 0 : index
    %swap3A_57 = arith.constant 0 : index
    %swap3A_58 = vector.load %arg4[%swap3A, %swap3A_57] : memref<2048x384xi32, #tpu.memory_space<vmem>>, vector<2048x384xi32>
    tpu.vector_store %arg4[%swap3A, %swap3A_57], %bitcast_convert_type3A_56 {strides = array<i32>} : memref<2048x384xi32, #tpu.memory_space<vmem>>, vector<2048x384xi32>,
    return
  }
  func.func @transform_0(%arg0: i32) -> (i32, i32) {
    %c0_i32 = arith.constant 0 : i32
    %c0_i32_0 = arith.constant 0 : i32
    return %arg0, %c0_i32 : i32, i32
  }
  func.func @transform_1(%arg0: i32) -> (i32, i32) {
    %c0_i32 = arith.constant 0 : i32
    %c0_i32_0 = arith.constant 0 : i32
    %c0_i32_1 = arith.constant 0 : i32
    return %c0_i32, %c0_i32_0 : i32, i32
  }
  func.func @transform_2(%arg0: i32) -> (i32, i32) {
    %c0_i32 = arith.constant 0 : i32
    %c0_i32_0 = arith.constant 0 : i32
    %c0_i32_1 = arith.constant 0 : i32
    return %c0_i32, %c0_i32_0 : i32, i32
  }
  func.func @transform_3(%arg0: i32) -> (i32, i32) {
    %c0_i32 = arith.constant 0 : i32
    %c0_i32_0 = arith.constant 0 : i32
    return %arg0, %c0_i32 : i32, i32
  }
}

</mosaic_0001>

<sc_bundles>
// kernel: kernel.4.cloned.1.call-start
scs
__scs_entry_jumppad:
0x0: {  	(pc) =	sbr.rel $0x88, $3  }
0x1: {  	(tag) =	ssettag $0x0;
	lr =	simm.s32 $0x1  }
0x2: {  	[smem:$0x3F9D] =	sst lr;
	_ =	strace $0xD0000000  }
0x3: {  	_ = 	snop  }
0x4: {  	_ = 	snop  }
0x5: {  	_ = 	snop  }
0x6: {  	_ = 	snop  }
0x7: {  	_ = 	snop  }
__scs_overlays_trampoline_lowered:
0x8: {  	[smem:$0x3FAC] =	sst s0  }
0x9: {  	[smem:$0x3FAD] =	sst s1  }
0xa: {  	[smem:$0x3FAE] =	sst s2  }
0xb: {  	[smem:$0x3FAF] =	sst s3  }
0xc: {  	[smem:$0x3FB0] =	sst s4  }
0xd: {  	[smem:$0x3FB1] =	sst s5  }
0xe: {  	[smem:$0x3FB2] =	sst s6  }
0xf: {  	[smem:$0x3FB3] =	sst s7  }
0x10: {  	[smem:$0x3FB4] =	sst s8  }
0x11: {  	[smem:$0x3FB5] =	sst s9;
	s0 =	simm.s32 @!p0 $0x0  }
0x12: {  	s1 =	sld [smem:$0x3F9B];
	s0 =	simm.s32 @p0 $0x1  }
0x13: {  	[smem:$0x3FB6] =	sst s0;
	s0 =	simm.s32 @!p1 $0x0  }
0x14: {  	s2 =	sld [smem:$0x3F9A];
	s0 =	simm.s32 @p1 $0x1  }
0x15: {  	[smem:$0x3FB7] =	sst s0;
	s0 =	simm.s32 @!p2 $0x0  }
0x16: {  	s3 =	sld [smem:$0x3FDB];
	s0 =	simm.s32 @p2 $0x1  }
0x17: {  	s4 =	simm.s32 $0x1BF5;
	[smem:$0x3FB9] =	sst s0  }
0x18: {  	s0 =	sld [smem:$0x3F9C];
	_ =	swait.ge [sflag:s4], $0x0  }
0x19: {  	s7 =	sld [smem:$0x3F9D]  }
0x1a: {  	s8 =	sadd.s32 $0xFFFFE003, lr  }
0x1b: {  	s9 =	sadd.s32 $0xFFFFFEF7, lr;
	s5 =	simm.s32 $0xFFFFFFFF;
	p2 =	slt.u32 s8, $0xFFFFF086  }
0x1c: {  	p1 =	slt.u32 s9, $0xF7A;
	s5 =	simm.s32 @!p2 $0x0  }
0x1d: {  	s5 =	simm.s32 @p1 $0x1;
	p0 =	seq.s32 s7, s2  }
0x1e: {  	s7 =	smul.u32 @!p0 $0xF7A, s2;
	p2 =	seq.s32 @!p0 s5, $0x0  }
0x1f: {  	s9 =	smul.u32 $0xF7A, s1;
	s8 =	simm.s32 @!p0 $0x1BF5;
	p2 =	por !p2, p0  }
0x20: {  	[sflag:s8] =	ssyncset.s32 @!p0 $0xFFFFF086;
	s6 =	sadd.s32 @!p0 s3, s7;
	s7 =	simm.s32 @!p0 $0x108  }
0x21: {  	s3 =	sadd.s32 s3, s9;
	s6 =	sadd.s32 @!p0 $0x88, s6;
	s7 =	simm.s32 @p2 $0x1082  }
0x22: {  	[simem:s7], [sflag:s8] =	dma.local @!p0 [hbm:s6], $0xF7A  }
0x23: {  	s9 =	sor.u32 $0xD0000000, s2;
	s6 =	simm.s32 $0x108;
	_ =	swait.ge @!p0 [sflag:s8], $0x0  }
0x24: {  	s3 =	sadd.s32 $0x88, s3;
	s6 =	simm.s32 @!p1 $0x1082;
	[sflag:s4] =	ssyncset.s32 $0xFFFFF086  }
0x25: {  	[simem:s6], [sflag:s4] =	dma.local [hbm:s3], $0xF7A  }
0x26: {  	[smem:$0x3F9D] =	sst s1;
	(tag) =	ssettag s2;
	_ =	strace s9  }
0x27: {  	s1 =	sld [smem:$0x3FAD]  }
0x28: {  	s2 =	sld [smem:$0x3FAE]  }
0x29: {  	s4 =	sld [smem:$0x3FB0]  }
0x2a: {  	p0 =	seq.s32 s5, $0x0;
	s5 =	sld [smem:$0x3FB1]  }
0x2b: {  	s6 =	sld [smem:$0x3FB2]  }
0x2c: {  	s7 =	sld [smem:$0x3FB3]  }
0x2d: {  	s3 =	simm.s32 $0x108;
	s8 =	sld [smem:$0x3FB4]  }
0x2e: {  	s3 =	simm.s32 @!p0 $0x1082;
	s9 =	sld [smem:$0x3FB5]  }
0x2f: {  	lr =	sadd.s32 s0, s3;
	s0 =	sld [smem:$0x3FAC]  }
0x30: {  	s3 =	sld [smem:$0x3FAF]  }
0x31: {  	[smem:$0x3FB8] =	sst s10  }
0x32: {  	s10 =	sld [smem:$0x3FB6];
	_ =	sdelay $0x3  }
0x33: {  	p0 =	seq.s32 s10, $0x1;
	s10 =	sld [smem:$0x3FB8];
	_ =	sdelay $0x3  }
0x34: {  	[smem:$0x3FB8] =	sst s10  }
0x35: {  	s10 =	sld [smem:$0x3FB7];
	_ =	sdelay $0x3  }
0x36: {  	p1 =	seq.s32 s10, $0x1;
	s10 =	sld [smem:$0x3FB8];
	_ =	sdelay $0x3  }
0x37: {  	[smem:$0x3FB8] =	sst s10  }
0x38: {  	s10 =	sld [smem:$0x3FB9]  }
0x39: {  	_ = 	snop;
	(pc) =	sbr.ind lr, $3  }
0x3a: {  	_ = 	snop  }
0x3b: {  	_ = 	snop  }
0x3c: {  	p2 =	seq.s32 s10, $0x1;
	s10 =	sld [smem:$0x3FB8]  }
0x3d: {  	_ =	shalt  }
0x3e: {  	_ =	shalt  }
0x3f: {  	_ =	shalt  }
0x40: {  	_ =	shalt  }
0x41: {  	_ =	shalt  }
0x42: {  	_ =	shalt  }
0x43: {  	_ =	shalt  }
0x44: {  	_ =	shalt  }
0x45: {  	_ =	shalt  }
0x46: {  	_ =	shalt  }
0x47: {  	_ =	shalt  }
0x48: {  	_ =	shalt  }
0x49: {  	_ =	shalt  }
0x4a: {  	_ =	shalt  }
0x4b: {  	_ =	shalt  }
0x4c: {  	_ =	shalt  }
0x4d: {  	_ =	shalt  }
0x4e: {  	_ =	shalt  }
0x4f: {  	_ =	shalt  }
0x50: {  	_ =	shalt  }
0x51: {  	_ =	shalt  }
0x52: {  	_ =	shalt  }
0x53: {  	_ =	shalt  }
0x54: {  	_ =	shalt  }
0x55: {  	_ =	shalt  }
0x56: {  	_ =	shalt  }
0x57: {  	_ =	shalt  }
0x58: {  	_ =	shalt  }
0x59: {  	_ =	shalt  }
0x5a: {  	_ =	shalt  }
0x5b: {  	_ =	shalt  }
0x5c: {  	_ =	shalt  }
0x5d: {  	_ =	shalt  }
0x5e: {  	_ =	shalt  }
0x5f: {  	_ =	shalt  }
0x60: {  	_ =	shalt  }
0x61: {  	_ =	shalt  }
0x62: {  	_ =	shalt  }
0x63: {  	_ =	shalt  }
0x64: {  	_ =	shalt  }
0x65: {  	_ =	shalt  }
0x66: {  	_ =	shalt  }
0x67: {  	_ =	shalt  }
0x68: {  	_ =	shalt  }
0x69: {  	_ =	shalt  }
0x6a: {  	_ =	shalt  }
0x6b: {  	_ =	shalt  }
0x6c: {  	_ =	shalt  }
0x6d: {  	_ =	shalt  }
0x6e: {  	_ =	shalt  }
0x6f: {  	_ =	shalt  }
0x70: {  	_ =	shalt  }
0x71: {  	_ =	shalt  }
0x72: {  	_ =	shalt  }
0x73: {  	_ =	shalt  }
0x74: {  	_ =	shalt  }
0x75: {  	_ =	shalt  }
0x76: {  	_ =	shalt  }
0x77: {  	_ =	shalt  }
0x78: {  	_ =	shalt  }
0x79: {  	_ =	shalt  }
0x7a: {  	_ =	shalt  }
0x7b: {  	_ =	shalt  }
0x7c: {  	_ =	shalt  }
0x7d: {  	_ =	shalt  }
0x7e: {  	_ =	shalt  }
0x7f: {  	_ =	shalt  }
0x80: {  	_ =	shalt  }
0x81: {  	_ =	shalt  }
0x82: {  	_ =	shalt  }
0x83: {  	_ =	shalt  }
0x84: {  	_ =	shalt  }
0x85: {  	_ =	shalt  }
0x86: {  	_ =	shalt  }
0x87: {  	_ =	shalt  }
.Lfunc_end0:
.L_simem_size_0:
called_computation_lowered:
.L_overlay_start_0:
0x88: {  	s2 =	sld [smem:$0x3FD9]  }
0x89: {  	s3 =	sld [smem:$0x3FFE];
	_ =	sdelay $0x1  }
0x8a: {  	s1 =	srdreg.scid  }
0x8b: {  	s0 =	sand.u32 $0x1, s1  }
0x8c: {  	s17 =	sshll.u32 s0, $0xA;
	s2 =	sadd.s32 s3, s2  }
0x8d: {  	s2 =	sadd.s32 s2, s17  }
0x8e: {  	[smem:$0x3FC4] =	sst s2  }
0x8f: {  	_ = 	snop  }
0x90: {  	s2 =	sld [smem:$0x3FC9]  }
0x91: {  	s18 =	sld [smem:$0x3FD0];
	(tm) =	ssettm $0x1  }
0x92: {  	s4 =	sld [smem:$0x3FFB];
	_ =	sdelay $0x3  }
0x93: {  	_ =	strace s4  }
0x94: {  	s4 =	sld [smem:$0x3FFC];
	_ =	sdelay $0x3  }
0x95: {  	_ =	strace s4  }
0x96: {  	s4 =	sld [smem:$0x3FFD];
	_ =	sdelay $0x3  }
0x97: {  	_ =	strace s4  }
0x98: {  	_ =	strace $0x8FFFFFFF  }
0x99: {  	s19 =	sld [smem:$0x3FDB];
	_ =	sdelay $0x1  }
0x9a: {  	s5 =	simm.s32 $_scs_section_size  }
0x9b: {  	s6 =	simm.s32 $_size__tile_overlayer_lowered;
	s7 =	simm.s32 $_tile_overlayer_lowered  }
0x9c: {  	s22 =	simm.s32 $0x1BFF;
	s21 =	sshll.u32 s7, $0x1;
	s4 =	sadd.s32 s5, s19  }
0x9d: {  	s8 =	simm.s32 $0x0;
	s20 =	sshll.u32 s6, $0x1;
	s6 =	sadd.s32 s21, s4  }
0x9e: {  	[timem:s8], [sflag:s22] =	dma.local [hbm:s6], s20  }
0x9f: {  	_ =	swait.ge [sflag:s22], s20  }
0xa0: {  	s5 =	ssub.s32 $0x0, s20;
	[sflag:s22] =	ssyncset.done $0x0  }
0xa1: {  	[sflag:s22] =	ssyncadd.s32 s5;
	_ =	sdelay $0x1  }
0xa2: {  	s23 =	simm.s32 $0x1B8B  }
0xa3: {  	_ =	swait.ge [sflag:s23], $0x1  }
0xa4: {  	[sflag:s23] =	ssyncset.done $0x0  }
0xa5: {  	s25 =	simm.s32 $0x1B8E;
	s24 =	sld [smem:$0x3FFE];
	[sflag:s23] =	ssyncadd.s32 $0xFFFFFFFF  }
0xa6: {  	s26 =	simm.s32 $execute0_lowered;
	[smem:$0x3FD2] =	sst s25  }
0xa7: {  	s6 =	sshll.u32 s26, $0x1;
	_ =	strace $0x80000046;
	[dreg:$0x1] =	wrdreg $0xFFFFFFFF  }
0xa8: {  	s28 =	simm.s32 $_size_execute0_lowered;
	s4 =	sadd.s32 s4, s6;
	[dreg:$0x0] =	wrdreg $0x0  }
0xa9: {  	s6 =	sshll.u32 s28, $0x1;
	[dreg:$0x2] =	wrdreg s4  }
0xaa: {  	[dreg:$0x3] =	wrdreg s6  }
0xab: {  	[dreg:$0x4] =	wrdreg $0xC0  }
0xac: {  	_ =	task [dreg:s8], $0x5FFFF  }
0xad: {  	[dreg:$0x1] =	wrdreg $0xFFFFFFFF  }
0xae: {  	[dreg:$0x0] =	wrdreg $0x60  }
0xaf: {  	[dreg:$0x2] =	wrdreg s24  }
0xb0: {  	[dreg:$0x3] =	wrdreg s2  }
0xb1: {  	[dreg:$0x4] =	wrdreg s18  }
0xb2: {  	[dreg:$0x5] =	wrdreg $0x9  }
0xb3: {  	_ =	task.clear_ibuf [dreg:s8], $0x6FFFF;
	_ =	strace $0x90000046  }
0xb4: {  	s29 =	simm.s32 $0x9;
	_ =	strace $0x80000048  }
0xb5: {  	_ =	swait.ge [sflag:s29], $0x1  }
0xb6: {  	[sflag:s29] =	ssyncadd.s32 $0xFFFFFFFF  }
0xb7: {  	_ =	strace $0x90000048  }
0xb8: {  	_ =	sfence  }
0xb9: {  	s30 =	sld [smem:$0x0];
	_ =	sdelay $0x2  }
0xba: {  	s31 =	sshll.u32 s1, $0xD;
	s1 =	sshrl.u32 s1, $0x2  }
0xbb: {  	s3 =	sand.u32 $0x4000, s31;
	s1 =	sadd.s32 s1, s30  }
0xbc: {  	s0 =	sor.u32 s3, s0;
	s1 =	sshll.u32 s1, $0x11  }
0xbd: {  	s0 =	sor.u32 s1, s0  }
0xbe: {  	s0 =	sadd.s32 $0x8F2B, s0  }
0xbf: {  	[sflag:s0] =	ssyncadd.remote.s32 $0x1  }
0xc0: {  	_ =	sfence.sel $0xFFFF  }
0xc1: {  	[dreg:$0x0] =	wrdreg $0xFFFFFFFF;
	(pc) =	sbr.abs _section_cstart, $3  }
0xc2: {  	[dreg:$0x1] =	wrdreg $0xFFFFFFFF  }
0xc3: {  	_ =	task.clear_ibuf [dreg:s8], $0x2FFFF;
	_ =	strace $0x9FFFFFFF  }
0xc4: {  	(tm) =	ssettm $0x7FFFFFFF  }
0xc5: {  	_ =	shalt  }
tec
execute0_lowered:
.L_overlay_start_1:
0x0: {  	(tag) =	ssettag $0x1  }
0x1: {  	v0 =	vimm.s32 $0x3210;
	v1 =	vimm.s32 $0x83828180;
	vm0 =	vcmask $0xF00  }
0x2: {  	vm7 =	vcmask $0x2320;
	vm6 =	vcmask $0x2724;
	vm5 =	vcmask $0x2B28  }
0x3: {  	vm4 =	vcmask $0x2F2C;
	vm3 =	vcmask $0x3330;
	vm1 =	vcmask $0x3734  }
0x4: {  	vm10 =	vcmask $0x300;
	vm2 =	vcmask $0x3B38;
	vm8 =	vcmask $0x704  }
0x5: {  	vm9 =	vcmask $0xB08;
	vm12 =	vcmask $0xF0C;
	vm11 =	vcmask $0x1310  }
0x6: {  	v2 =	vimm.s32 $0x583;
	v3 =	vimm.s32 $0x783;
	vm13 =	vcmask $0x1714  }
0x7: {  	vm14 =	vcmask $0x1B18;
	vm15 =	vcmask $0x1F1C;
	v0 =	vunpack.c.l.s4.s8 v0  }
0x8: {  	v1 =	vunpack.c.0.s8.s32 v1;
	v2 =	vsel vm10, $0x400, v2;
	v3 =	vsel vm10, $0x600, v3  }
0x9: {  	v2 =	vsel vm8, $0x401, v2;
	v3 =	vsel vm8, $0x601, v3;
	v0 =	vunpack.c.0.s8.s32 v0  }
0xa: {  	v1 =	vand.u32 $0xFF, v1;
	v2 =	vsel vm9, $0x402, v2;
	v3 =	vsel vm9, $0x602, v3  }
0xb: {  	v2 =	vsel vm12, $0x403, v2;
	v3 =	vsel vm12, $0x603, v3;
	v0 =	vnsel vm0, $0x183, v0  }
0xc: {  	vm0 =	vcmask $0x1F10;
	v2 =	vsel vm11, $0x480, v2;
	v3 =	vsel vm11, $0x680, v3  }
0xd: {  	v0 =	vsel vm0, v1, v0;
	v1 =	vimm.s32 $0x383;
	vm0 =	vmmov $0xffff  }
0xe: {  	v2 =	vsel vm13, $0x481, v2;
	v3 =	vsel vm13, $0x681, v3;
	v0 =	vsel vm7, $0x100, v0  }
0xf: {  	v1 =	vsel vm10, $0x200, v1;
	v2 =	vsel vm14, $0x482, v2;
	v3 =	vsel vm14, $0x682, v3  }
0x10: {  	v0 =	vsel vm6, $0x101, v0;
	v1 =	vsel vm8, $0x201, v1;
	v2 =	vsel vm15, $0x483, v2  }
0x11: {  	v3 =	vsel vm15, $0x683, v3;
	v0 =	vsel vm5, $0x102, v0;
	v1 =	vsel vm9, $0x202, v1  }
0x12: {  	s0 =	rddreg [dreg:$0x0];
	v2 =	vsel vm7, $0x500, v2;
	v3 =	vsel vm7, $0x700, v3;
	v1 =	vsel vm12, $0x203, v1  }
0x13: {  	s3 =	rddreg [dreg:$0x1];
	v0 =	vsel vm4, $0x103, v0;
	v2 =	vsel vm6, $0x501, v2;
	v1 =	vsel vm11, $0x280, v1  }
0x14: {  	s1 =	rddreg [dreg:$0x2];
	s2 =	simm.s32 $0x0;
	s4 =	srdreg.scid;
	v3 =	vsel vm6, $0x701, v3;
	v0 =	vsel vm3, $0x180, v0;
	v1 =	vsel vm13, $0x281, v1  }
0x15: {  	s7 =	stileid.u32;
	s14 =	simm.s32 $0xB080;
	s15 =	simm.s32 $0xB880;
	v2 =	vsel vm5, $0x502, v2;
	v3 =	vsel vm5, $0x702, v3;
	v1 =	vsel vm14, $0x282, v1  }
0x16: {  	s16 =	simm.s32 $0xBC80;
	s17 =	simm.s32 $0xC480;
	s18 =	simm.s32 $0x1;
	v0 =	vsel vm1, $0x181, v0;
	v2 =	vsel vm4, $0x503, v2;
	v1 =	vsel vm15, $0x283, v1  }
0x17: {  	s19 =	simm.s32 $0xC880;
	s20 =	simm.s32 $0x2;
	s21 =	simm.s32 $0x4;
	v3 =	vsel vm4, $0x703, v3;
	v0 =	vsel vm2, $0x182, v0;
	v1 =	vsel vm7, $0x300, v1  }
0x18: {  	s22 =	simm.s32 $0xF880;
	s5 =	sand.u32 $0x1, s4;
	s7 =	sshll.u32 s7, $0x1;
	v2 =	vsel vm3, $0x580, v2;
	v3 =	vsel vm3, $0x780, v3;
	v1 =	vsel vm6, $0x301, v1  }
0x19: {  	[smem:$0x7FF] =	sst s2;
	s6 =	ssub.s32 $0x2, s5;
	s7 =	sor.u32 s5, s7;
	v2 =	vsel vm1, $0x581, v2;
	v4 =	vsel vm1, $0x781, v3;
	v1 =	vsel vm5, $0x302, v1  }
0x1a: {  	s8 =	sshrl.u32 s6, $0x1;
	s5 =	sshll.u32 s7, $0x9;
	s7 =	sshll.u32 s7, $0x7;
	v3 =	vlaneseq.u32;
	v2 =	vsel vm2, $0x582, v2;
	v1 =	vsel vm4, $0x303, v1  }
0x1b: {  	s4 =	sadd.s32 $0x600, s0;
	s6 =	ssub.s32 s6, s8;
	s3 =	sadd.s32 s3, s7;
	v4 =	vsel vm2, $0x782, v4;
	v5 =	vand.u32 $0x7, v3;
	v1 =	vsel vm3, $0x380, v1  }
0x1c: {  	_ =	strace $0x80000047;
	[dreg:$0x4] =	wrdreg s3;
	s31 =	smax.u32 s6, $0x1;
	v6 =	vshrl.u32 v3, $0x3;
	v7 =	vor.u32 $0x8, v3;
	v1 =	vsel vm1, $0x381, v1  }
0x1d: {  	s7 =	sadd.s32 $0x700, s0;
	s3 =	simm.s32 $0x0;
	[dreg:$0x5] =	wrdreg s31;
	v6 =	vmul.u32 $0x8, v6;
	vm1 =	vmmov $0xff;
	v1 =	vsel vm2, $0x382, v1  }
.LBB2_1:
0x1e: {  	[dreg:$0x6] =	wrdreg s3  }
0x1f: {  	s0 =	rddreg [dreg:$0x4]  }
0x20: {  	s30 =	simm.s32 $0x400;
	s6 =	simm.s32 $0x8000;
	s31 =	simm.s32 $0x5  }
0x21: {  	[tilespmem:s2], [sflag:$0x5] =	stream.strided.gather [hbm4b:s0+s30], $0x800, s6, s30, $0x38;
	[tilespmem:$0x12880] =	vst v63  }
0x22: {  	_ =	swait.ge [sflag:s31], $0x800  }
0x23: {  	[sflag:s31] =	ssyncset.done $0x0  }
0x24: {  	[sflag:s31] =	ssyncadd.s32 $0xFFFFF800  }
0x25: {  	v8 =	vld.idx.msk [tilespmem:v0+s2+$0x0], $0xffff;
	_ =	sdelay $0x4  }
0x26: {  	[tilespmem:$0x800] =	vst v8  }
0x27: {  	v9 =	vld.idx.msk [tilespmem:v1+s2+$0x0], $0xffff;
	_ =	sdelay $0x4  }
0x28: {  	[tilespmem:$0x810] =	vst v9  }
0x29: {  	v9 =	vld.idx.msk [tilespmem:v2+s2+$0x0], $0xffff  }
0x2a: {  	v10 =	vshrl.u32 v8, $0x3  }
0x2b: {  	v10 =	vmul.u32 $0x18, v10  }
0x2c: {  	v8 =	vand.u32 $0x7, v8  }
0x2d: {  	v8 =	vor.u32 v8, v10  }
0x2e: {  	v59 =	vperm.xlane v8, v5;
	[tilespmem:$0x820] =	vst v9  }
0x2f: {  	v60 =	vld.idx.msk [tilespmem:v4+s2+$0x0], $0xffff  }
0x30: {  	v9 =	vadd.s32 v6, v59;
	_ =	sdelay $0x1  }
0x31: {  	v8 =	vperm.xlane v8, v7;
	_ =	sdelay $0x1  }
0x32: {  	s3 =	simm.s32 $0x880;
	v8 =	vadd.s32 v6, v8;
	[tilespmem:$0x830] =	vst v60  }
0x33: {  	[tilespmem:s3], [sflag:$0x1] =	stream.indirect_vreg.gather [hbm4b:s4+s2], $0x80, v9, vm0, $0xb8;
	[tilespmem:$0x12880] =	vst v63  }
0x34: {  	s6 =	simm.s32 $0x1080  }
0x35: {  	[tilespmem:s6], [sflag:$0x1] =	stream.indirect_vreg.gather [hbm4b:s7+s2], $0x80, v9, vm1, $0xb8;
	[tilespmem:$0x12880] =	vst v63  }
0x36: {  	s8 =	simm.s32 $0x1480  }
0x37: {  	[tilespmem:s8], [sflag:$0x1] =	stream.indirect_vreg.gather [hbm4b:s4+s2], $0x80, v8, vm0, $0xb8;
	[tilespmem:$0x12880] =	vst v63  }
0x38: {  	s9 =	simm.s32 $0x1C80  }
0x39: {  	[tilespmem:s9], [sflag:$0x1] =	stream.indirect_vreg.gather [hbm4b:s7+s2], $0x80, v8, vm1, $0xb8;
	[tilespmem:$0x12880] =	vst v63  }
0x3a: {  	v8 =	vld [tilespmem:$0x810];
	_ =	sdelay $0x4  }
0x3b: {  	v61 =	vshrl.u32 v8, $0x3  }
0x3c: {  	v9 =	vmul.u32 $0x18, v61  }
0x3d: {  	v8 =	vand.u32 $0x7, v8  }
0x3e: {  	v8 =	vor.u32 v8, v9  }
0x3f: {  	v9 =	vperm.xlane v8, v5;
	_ =	sdelay $0x1  }
0x40: {  	v9 =	vadd.s32 v6, v9;
	_ =	sdelay $0x1  }
0x41: {  	v8 =	vperm.xlane v8, v7;
	_ =	sdelay $0x1  }
0x42: {  	s10 =	simm.s32 $0x2080;
	v8 =	vadd.s32 v6, v8  }
0x43: {  	[tilespmem:s10], [sflag:$0x1] =	stream.indirect_vreg.gather [hbm4b:s4+s2], $0x80, v9, vm0, $0xb8;
	[tilespmem:$0x12880] =	vst v63  }
0x44: {  	s11 =	simm.s32 $0x2880  }
0x45: {  	[tilespmem:s11], [sflag:$0x1] =	stream.indirect_vreg.gather [hbm4b:s7+s2], $0x80, v9, vm1, $0xb8;
	[tilespmem:$0x12880] =	vst v63  }
0x46: {  	s12 =	simm.s32 $0x2C80  }
0x47: {  	[tilespmem:s12], [sflag:$0x1] =	stream.indirect_vreg.gather [hbm4b:s4+s2], $0x80, v8, vm0, $0xb8;
	[tilespmem:$0x12880] =	vst v63  }
0x48: {  	s13 =	simm.s32 $0x3480  }
0x49: {  	[tilespmem:s13], [sflag:$0x1] =	stream.indirect_vreg.gather [hbm4b:s7+s2], $0x80, v8, vm1, $0xb8;
	[tilespmem:$0x12880] =	vst v63  }
0x4a: {  	v8 =	vld [tilespmem:$0x820];
	_ =	sdelay $0x4  }
0x4b: {  	v62 =	vshrl.u32 v8, $0x3  }
0x4c: {  	v9 =	vmul.u32 $0x18, v62  }
0x4d: {  	v8 =	vand.u32 $0x7, v8  }
0x4e: {  	v8 =	vor.u32 v8, v9  }
0x4f: {  	v9 =	vperm.xlane v8, v5;
	_ =	sdelay $0x1  }
0x50: {  	v9 =	vadd.s32 v6, v9;
	_ =	sdelay $0x1  }
0x51: {  	v8 =	vperm.xlane v8, v7;
	_ =	sdelay $0x1  }
0x52: {  	s23 =	simm.s32 $0x3880;
	v8 =	vadd.s32 v6, v8  }
0x53: {  	[tilespmem:s23], [sflag:$0x1] =	stream.indirect_vreg.gather [hbm4b:s4+s2], $0x80, v9, vm0, $0xb8;
	[tilespmem:$0x12880] =	vst v63  }
0x54: {  	s24 =	simm.s32 $0x4080  }
0x55: {  	[tilespmem:s24], [sflag:$0x1] =	stream.indirect_vreg.gather [hbm4b:s7+s2], $0x80, v9, vm1, $0xb8;
	[tilespmem:$0x12880] =	vst v63  }
0x56: {  	s25 =	simm.s32 $0x4480  }
0x57: {  	[tilespmem:s25], [sflag:$0x1] =	stream.indirect_vreg.gather [hbm4b:s4+s2], $0x80, v8, vm0, $0xb8;
	[tilespmem:$0x12880] =	vst v63  }
0x58: {  	s26 =	simm.s32 $0x4C80  }
0x59: {  	[tilespmem:s26], [sflag:$0x1] =	stream.indirect_vreg.gather [hbm4b:s7+s2], $0x80, v8, vm1, $0xb8;
	[tilespmem:$0x12880] =	vst v63  }
0x5a: {  	v8 =	vld [tilespmem:$0x830];
	_ =	sdelay $0x4  }
0x5b: {  	v63 =	vshrl.u32 v8, $0x3  }
0x5c: {  	v9 =	vmul.u32 $0x18, v63  }
0x5d: {  	v8 =	vand.u32 $0x7, v8  }
0x5e: {  	v8 =	vor.u32 v8, v9  }
0x5f: {  	v9 =	vperm.xlane v8, v5;
	_ =	sdelay $0x1  }
0x60: {  	v9 =	vadd.s32 v6, v9;
	_ =	sdelay $0x1  }
0x61: {  	v8 =	vperm.xlane v8, v7;
	_ =	sdelay $0x1  }
0x62: {  	s28 =	simm.s32 $0x5080;
	v8 =	vadd.s32 v6, v8  }
0x63: {  	[tilespmem:s28], [sflag:$0x1] =	stream.indirect_vreg.gather [hbm4b:s4+s2], $0x80, v9, vm0, $0xb8;
	[tilespmem:$0x12880] =	vst v63  }
0x64: {  	s29 =	simm.s32 $0x5880  }
0x65: {  	[tilespmem:s29], [sflag:$0x1] =	stream.indirect_vreg.gather [hbm4b:s7+s2], $0x80, v9, vm1, $0xb8;
	[tilespmem:$0x12880] =	vst v63  }
0x66: {  	s30 =	simm.s32 $0x5C80  }
0x67: {  	[tilespmem:s30], [sflag:$0x1] =	stream.indirect_vreg.gather [hbm4b:s4+s2], $0x80, v8, vm0, $0xb8;
	[tilespmem:$0x12880] =	vst v63  }
0x68: {  	s31 =	simm.s32 $0x6480;
	s23 =	simm.s32 $0x0  }
0x69: {  	[tilespmem:s31], [sflag:$0x1] =	stream.indirect_vreg.gather [hbm4b:s7+s2], $0x80, v8, vm1, $0xb8;
	[tilespmem:$0x12880] =	vst v63  }
.LBB2_2:
0x6a: {  	s24 =	sshllo.u32 s23, $0x1  }
0x6b: {  	s0 =	sshll.u32 s24, $0x2  }
0x6c: {  	v8 =	vor.u32 s0, v0;
	_ =	sdelay $0x4  }
0x6d: {  	v8 =	vld.idx.msk [tilespmem:v8+s2+$0x0], $0xffff  }
0x6e: {  	v9 =	vor.u32 s0, v1;
	_ =	sdelay $0x3  }
0x6f: {  	[tilespmem:$0x840] =	vst v8  }
0x70: {  	v9 =	vld.idx.msk [tilespmem:v9+s2+$0x0], $0xffff  }
0x71: {  	v10 =	vor.u32 s0, v2;
	_ =	sdelay $0x3  }
0x72: {  	[tilespmem:$0x850] =	vst v9  }
0x73: {  	v9 =	vld.idx.msk [tilespmem:v10+s2+$0x0], $0xffff  }
0x74: {  	v11 =	vshrl.u32 v8, $0x3;
	v10 =	vor.u32 s0, v4  }
0x75: {  	v11 =	vmul.u32 $0x18, v11  }
0x76: {  	v8 =	vand.u32 $0x7, v8  }
0x77: {  	v8 =	vor.u32 v8, v11  }
0x78: {  	[tilespmem:$0x860] =	vst v9;
	v9 =	vperm.xlane v8, v5  }
0x79: {  	v10 =	vld.idx.msk [tilespmem:v10+s2+$0x0], $0xffff  }
0x7a: {  	v9 =	vadd.s32 v6, v9;
	_ =	sdelay $0x1  }
0x7b: {  	v8 =	vperm.xlane v8, v7;
	_ =	sdelay $0x1  }
0x7c: {  	s25 =	simm.s32 $0x6880;
	v8 =	vadd.s32 v6, v8;
	[tilespmem:$0x870] =	vst v10  }
0x7d: {  	[tilespmem:s25], [sflag:$0x2] =	stream.indirect_vreg.gather [hbm4b:s4+s2], $0x80, v9, vm0, $0xb8;
	[tilespmem:$0x12880] =	vst v63  }
0x7e: {  	s26 =	simm.s32 $0x7080  }
0x7f: {  	[tilespmem:s26], [sflag:$0x2] =	stream.indirect_vreg.gather [hbm4b:s7+s2], $0x80, v9, vm1, $0xb8;
	[tilespmem:$0x12880] =	vst v63  }
0x80: {  	s30 =	simm.s32 $0x7480  }
0x81: {  	[tilespmem:s30], [sflag:$0x2] =	stream.indirect_vreg.gather [hbm4b:s4+s2], $0x80, v8, vm0, $0xb8;
	[tilespmem:$0x12880] =	vst v63  }
0x82: {  	s3 =	simm.s32 $0x7C80  }
0x83: {  	[tilespmem:s3], [sflag:$0x2] =	stream.indirect_vreg.gather [hbm4b:s7+s2], $0x80, v8, vm1, $0xb8;
	[tilespmem:$0x12880] =	vst v63  }
0x84: {  	v8 =	vld [tilespmem:$0x850];
	_ =	sdelay $0x4  }
0x85: {  	v9 =	vshrl.u32 v8, $0x3  }
0x86: {  	v9 =	vmul.u32 $0x18, v9  }
0x87: {  	v8 =	vand.u32 $0x7, v8  }
0x88: {  	v8 =	vor.u32 v8, v9  }
0x89: {  	v9 =	vperm.xlane v8, v5;
	_ =	sdelay $0x1  }
0x8a: {  	v9 =	vadd.s32 v6, v9;
	_ =	sdelay $0x1  }
0x8b: {  	v8 =	vperm.xlane v8, v7;
	_ =	sdelay $0x1  }
0x8c: {  	s6 =	simm.s32 $0x8080;
	v8 =	vadd.s32 v6, v8  }
0x8d: {  	[tilespmem:s6], [sflag:$0x2] =	stream.indirect_vreg.gather [hbm4b:s4+s2], $0x80, v9, vm0, $0xb8;
	[tilespmem:$0x12880] =	vst v63  }
0x8e: {  	s8 =	simm.s32 $0x8880  }
0x8f: {  	[tilespmem:s8], [sflag:$0x2] =	stream.indirect_vreg.gather [hbm4b:s7+s2], $0x80, v9, vm1, $0xb8;
	[tilespmem:$0x12880] =	vst v63  }
0x90: {  	s9 =	simm.s32 $0x8C80  }
0x91: {  	[tilespmem:s9], [sflag:$0x2] =	stream.indirect_vreg.gather [hbm4b:s4+s2], $0x80, v8, vm0, $0xb8;
	[tilespmem:$0x12880] =	vst v63  }
0x92: {  	s10 =	simm.s32 $0x9480  }
0x93: {  	[tilespmem:s10], [sflag:$0x2] =	stream.indirect_vreg.gather [hbm4b:s7+s2], $0x80, v8, vm1, $0xb8;
	[tilespmem:$0x12880] =	vst v63  }
0x94: {  	v8 =	vld [tilespmem:$0x860];
	_ =	sdelay $0x4  }
0x95: {  	v9 =	vshrl.u32 v8, $0x3  }
0x96: {  	v9 =	vmul.u32 $0x18, v9  }
0x97: {  	v8 =	vand.u32 $0x7, v8  }
0x98: {  	v8 =	vor.u32 v8, v9  }
0x99: {  	v9 =	vperm.xlane v8, v5;
	_ =	sdelay $0x1  }
0x9a: {  	v9 =	vadd.s32 v6, v9;
	_ =	sdelay $0x1  }
0x9b: {  	v8 =	vperm.xlane v8, v7;
	_ =	sdelay $0x1  }
0x9c: {  	s11 =	simm.s32 $0x9880;
	v8 =	vadd.s32 v6, v8  }
0x9d: {  	[tilespmem:s11], [sflag:$0x2] =	stream.indirect_vreg.gather [hbm4b:s4+s2], $0x80, v9, vm0, $0xb8;
	[tilespmem:$0x12880] =	vst v63  }
0x9e: {  	s12 =	simm.s32 $0xA080  }
0x9f: {  	[tilespmem:s12], [sflag:$0x2] =	stream.indirect_vreg.gather [hbm4b:s7+s2], $0x80, v9, vm1, $0xb8;
	[tilespmem:$0x12880] =	vst v63  }
0xa0: {  	s13 =	simm.s32 $0xA480  }
0xa1: {  	[tilespmem:s13], [sflag:$0x2] =	stream.indirect_vreg.gather [hbm4b:s4+s2], $0x80, v8, vm0, $0xb8;
	[tilespmem:$0x12880] =	vst v63  }
0xa2: {  	s25 =	simm.s32 $0xAC80  }
0xa3: {  	[tilespmem:s25], [sflag:$0x2] =	stream.indirect_vreg.gather [hbm4b:s7+s2], $0x80, v8, vm1, $0xb8;
	[tilespmem:$0x12880] =	vst v63  }
0xa4: {  	v8 =	vld [tilespmem:$0x870];
	_ =	sdelay $0x4  }
0xa5: {  	v9 =	vshrl.u32 v8, $0x3  }
0xa6: {  	v9 =	vmul.u32 $0x18, v9  }
0xa7: {  	v8 =	vand.u32 $0x7, v8  }
0xa8: {  	v8 =	vor.u32 v8, v9  }
0xa9: {  	v9 =	vperm.xlane v8, v5;
	_ =	sdelay $0x1  }
0xaa: {  	v9 =	vadd.s32 v6, v9;
	_ =	sdelay $0x1  }
0xab: {  	v8 =	vperm.xlane v8, v7;
	_ =	sdelay $0x1  }
0xac: {  	v8 =	vadd.s32 v6, v8  }
0xad: {  	[tilespmem:s14], [sflag:$0x2] =	stream.indirect_vreg.gather [hbm4b:s4+s2], $0x80, v9, vm0, $0xb8;
	[tilespmem:$0x12880] =	vst v63  }
0xae: {  	_ = 	snop  }
0xaf: {  	[tilespmem:s15], [sflag:$0x2] =	stream.indirect_vreg.gather [hbm4b:s7+s2], $0x80, v9, vm1, $0xb8;
	[tilespmem:$0x12880] =	vst v63  }
0xb0: {  	_ = 	snop  }
0xb1: {  	[tilespmem:s16], [sflag:$0x2] =	stream.indirect_vreg.gather [hbm4b:s4+s2], $0x80, v8, vm0, $0xb8;
	[tilespmem:$0x12880] =	vst v63  }
0xb2: {  	_ = 	snop  }
0xb3: {  	[tilespmem:s17], [sflag:$0x2] =	stream.indirect_vreg.gather [hbm4b:s7+s2], $0x80, v8, vm1, $0xb8;
	[tilespmem:$0x12880] =	vst v63  }
0xb4: {  	s26 =	simm.s32 $0x0;
	_ =	swait.ge [sflag:s18], $0x6000  }
0xb5: {  	p0 =	seq.s32 s23, $0x0;
	s0 =	smul.u32 $0x3000, s26;
	[sflag:s18] =	ssyncset.done $0x0  }
0xb6: {  	s6 =	simm.s32 @!p0 $0x3;
	[sflag:s18] =	ssyncadd.s32 $0xFFFFA000  }
0xb7: {  	s3 =	sshra.s32 s0, $0x2;
	s25 =	simm.s32 $0x0;
	_ =	swait.ge @!p0 [sflag:s6], $0x3000  }
0xb8: {  	s12 =	sadd.s32 $0x880, s3;
	s0 =	sand.u32 $0x200, s25;
	[sflag:s6] =	ssyncset.done @!p0 $0x0  }
0xb9: {  	s9 =	sor.u32 $0x80, s0;
	s30 =	sor.u32 s0, s12;
	[sflag:s6] =	ssyncadd.s32 @!p0 $0xFFFFD000  }
0xba: {  	s8 =	sadd.s32 s9, s12;
	v8 =	vld [tilespmem:s30+$0x0]  }
0xbb: {  	s28 =	sor.u32 $0x100, s0;
	v9 =	vld [tilespmem:s8+$0x0]  }
0xbc: {  	s11 =	sor.u32 s28, s12  }
0xbd: {  	s10 =	sor.u32 $0x180, s0;
	v10 =	vld [tilespmem:s11+$0x0]  }
0xbe: {  	s12 =	sadd.s32 s10, s12  }
0xbf: {  	v11 =	vld [tilespmem:s12+$0x0]  }
0xc0: {  	v12 =	vshll.u32 v8, $0x10;
	v13 =	vshll.u32 v9, $0x10;
	v8 =	vadd.f32 v9, v8  }
0xc1: {  	s13 =	simm.s32 $0x0;
	v9 =	vadd.f32 v13, v12  }
0xc2: {  	s13 =	smul.u32 $0x6000, s13;
	v48 =	vshll.u32 v10, $0x10;
	v8 =	vadd.f32 v10, v8  }
0xc3: {  	v9 =	vadd.f32 v48, v9  }
0xc4: {  	s26 =	sand.u32 $0x380, s25;
	s13 =	sshra.s32 s13, $0x2;
	v10 =	vshll.u32 v11, $0x10;
	v8 =	vadd.f32 v11, v8  }
0xc5: {  	s26 =	sor.u32 s26, s13;
	v9 =	vadd.f32 v10, v9  }
0xc6: {  	[tilespmem:s26+$0xD480] =	vst v8  }
0xc7: {  	[tilespmem:s26+$0xC880] =	vst v9  }
0xc8: {  	v8 =	vld [tilespmem:s30+$0x10]  }
0xc9: {  	v9 =	vld [tilespmem:s8+$0x10];
	_ =	sdelay $0x1  }
0xca: {  	v10 =	vld [tilespmem:s11+$0x10];
	_ =	sdelay $0x1  }
0xcb: {  	v11 =	vld [tilespmem:s12+$0x10]  }
0xcc: {  	v49 =	vshll.u32 v8, $0x10;
	v50 =	vshll.u32 v9, $0x10;
	v8 =	vadd.f32 v9, v8  }
0xcd: {  	v9 =	vadd.f32 v50, v49  }
0xce: {  	v51 =	vshll.u32 v10, $0x10;
	v8 =	vadd.f32 v10, v8  }
0xcf: {  	v9 =	vadd.f32 v51, v9  }
0xd0: {  	v10 =	vshll.u32 v11, $0x10;
	v8 =	vadd.f32 v11, v8  }
0xd1: {  	v9 =	vadd.f32 v10, v9  }
0xd2: {  	[tilespmem:s26+$0xD490] =	vst v8  }
0xd3: {  	[tilespmem:s26+$0xC890] =	vst v9  }
0xd4: {  	v8 =	vld [tilespmem:s30+$0x20]  }
0xd5: {  	v9 =	vld [tilespmem:s8+$0x20];
	_ =	sdelay $0x1  }
0xd6: {  	v10 =	vld [tilespmem:s11+$0x20];
	_ =	sdelay $0x1  }
0xd7: {  	v11 =	vld [tilespmem:s12+$0x20]  }
0xd8: {  	v52 =	vshll.u32 v8, $0x10;
	v53 =	vshll.u32 v9, $0x10;
	v8 =	vadd.f32 v9, v8  }
0xd9: {  	v9 =	vadd.f32 v53, v52  }
0xda: {  	v54 =	vshll.u32 v10, $0x10;
	v8 =	vadd.f32 v10, v8  }
0xdb: {  	v9 =	vadd.f32 v54, v9  }
0xdc: {  	v10 =	vshll.u32 v11, $0x10;
	v8 =	vadd.f32 v11, v8  }
0xdd: {  	v9 =	vadd.f32 v10, v9  }
0xde: {  	[tilespmem:s26+$0xD4A0] =	vst v8  }
0xdf: {  	[tilespmem:s26+$0xC8A0] =	vst v9  }
0xe0: {  	v8 =	vld [tilespmem:s30+$0x30]  }
0xe1: {  	v9 =	vld [tilespmem:s8+$0x30];
	_ =	sdelay $0x1  }
0xe2: {  	v10 =	vld [tilespmem:s11+$0x30];
	_ =	sdelay $0x1  }
0xe3: {  	v11 =	vld [tilespmem:s12+$0x30]  }
0xe4: {  	v55 =	vshll.u32 v8, $0x10;
	v56 =	vshll.u32 v9, $0x10;
	v8 =	vadd.f32 v9, v8  }
0xe5: {  	v9 =	vadd.f32 v56, v55  }
0xe6: {  	v57 =	vshll.u32 v10, $0x10;
	v8 =	vadd.f32 v10, v8  }
0xe7: {  	v9 =	vadd.f32 v57, v9  }
0xe8: {  	v10 =	vshll.u32 v11, $0x10;
	v8 =	vadd.f32 v11, v8  }
0xe9: {  	v9 =	vadd.f32 v10, v9  }
0xea: {  	[tilespmem:s26+$0xD4B0] =	vst v8  }
0xeb: {  	[tilespmem:s26+$0xC8B0] =	vst v9  }
0xec: {  	v8 =	vld [tilespmem:s30+$0x40]  }
0xed: {  	v9 =	vld [tilespmem:s8+$0x40];
	_ =	sdelay $0x1  }
0xee: {  	v10 =	vld [tilespmem:s11+$0x40];
	_ =	sdelay $0x1  }
0xef: {  	v11 =	vld [tilespmem:s12+$0x40]  }
0xf0: {  	v58 =	vshll.u32 v8, $0x10;
	v59 =	vshll.u32 v9, $0x10;
	v8 =	vadd.f32 v9, v8  }
0xf1: {  	v9 =	vadd.f32 v59, v58  }
0xf2: {  	v60 =	vshll.u32 v10, $0x10;
	v8 =	vadd.f32 v10, v8  }
0xf3: {  	v9 =	vadd.f32 v60, v9  }
0xf4: {  	v10 =	vshll.u32 v11, $0x10;
	v8 =	vadd.f32 v11, v8  }
0xf5: {  	v9 =	vadd.f32 v10, v9  }
0xf6: {  	[tilespmem:s26+$0xD4C0] =	vst v8  }
0xf7: {  	[tilespmem:s26+$0xC8C0] =	vst v9  }
0xf8: {  	v8 =	vld [tilespmem:s30+$0x50]  }
0xf9: {  	v9 =	vld [tilespmem:s8+$0x50];
	_ =	sdelay $0x1  }
0xfa: {  	v10 =	vld [tilespmem:s11+$0x50];
	_ =	sdelay $0x1  }
0xfb: {  	v11 =	vld [tilespmem:s12+$0x50]  }
0xfc: {  	v61 =	vshll.u32 v8, $0x10;
	v62 =	vshll.u32 v9, $0x10;
	v8 =	vadd.f32 v9, v8  }
0xfd: {  	v9 =	vadd.f32 v62, v61  }
0xfe: {  	v63 =	vshll.u32 v10, $0x10;
	v8 =	vadd.f32 v10, v8  }
0xff: {  	v9 =	vadd.f32 v63, v9  }
0x100: {  	v10 =	vshll.u32 v11, $0x10;
	v8 =	vadd.f32 v11, v8  }
0x101: {  	v9 =	vadd.f32 v10, v9  }
0x102: {  	[tilespmem:s26+$0xD4D0] =	vst v8  }
0x103: {  	[tilespmem:s26+$0xC8D0] =	vst v9  }
0x104: {  	v8 =	vld [tilespmem:s30+$0x60]  }
0x105: {  	v9 =	vld [tilespmem:s8+$0x60];
	_ =	sdelay $0x1  }
0x106: {  	v10 =	vld [tilespmem:s11+$0x60];
	_ =	sdelay $0x1  }
0x107: {  	v11 =	vld [tilespmem:s12+$0x60]  }
0x108: {  	v16 =	vshll.u32 v8, $0x10;
	v17 =	vshll.u32 v9, $0x10;
	v8 =	vadd.f32 v9, v8  }
0x109: {  	v9 =	vadd.f32 v17, v16  }
0x10a: {  	v18 =	vshll.u32 v10, $0x10;
	v8 =	vadd.f32 v10, v8  }
0x10b: {  	v9 =	vadd.f32 v18, v9  }
0x10c: {  	v10 =	vshll.u32 v11, $0x10;
	v8 =	vadd.f32 v11, v8  }
0x10d: {  	v9 =	vadd.f32 v10, v9  }
0x10e: {  	[tilespmem:s26+$0xD4E0] =	vst v8  }
0x10f: {  	[tilespmem:s26+$0xC8E0] =	vst v9  }
0x110: {  	v8 =	vld [tilespmem:s30+$0x70]  }
0x111: {  	v9 =	vld [tilespmem:s8+$0x70];
	_ =	sdelay $0x1  }
0x112: {  	v10 =	vld [tilespmem:s11+$0x70];
	_ =	sdelay $0x1  }
0x113: {  	v11 =	vld [tilespmem:s12+$0x70]  }
0x114: {  	v19 =	vshll.u32 v8, $0x10;
	v20 =	vshll.u32 v9, $0x10;
	v8 =	vadd.f32 v9, v8  }
0x115: {  	v9 =	vadd.f32 v20, v19  }
0x116: {  	v21 =	vshll.u32 v10, $0x10;
	v8 =	vadd.f32 v10, v8  }
0x117: {  	v9 =	vadd.f32 v21, v9  }
0x118: {  	v10 =	vshll.u32 v11, $0x10;
	v8 =	vadd.f32 v11, v8  }
0x119: {  	v9 =	vadd.f32 v10, v9  }
0x11a: {  	s8 =	sadd.s32 $0xC80, s3;
	[tilespmem:s26+$0xD4F0] =	vst v8  }
0x11b: {  	s11 =	sor.u32 s0, s8;
	[tilespmem:s26+$0xC8F0] =	vst v9  }
0x11c: {  	s13 =	sadd.s32 s9, s8;
	v8 =	vld [tilespmem:s11+$0x0]  }
0x11d: {  	v9 =	vld [tilespmem:s13+$0x0]  }
0x11e: {  	s30 =	sor.u32 s28, s8  }
0x11f: {  	v10 =	vld [tilespmem:s30+$0x0]  }
0x120: {  	s12 =	sadd.s32 s10, s8  }
0x121: {  	v11 =	vld [tilespmem:s12+$0x0]  }
0x122: {  	v22 =	vshll.u32 v8, $0x10;
	v23 =	vshll.u32 v9, $0x10;
	v8 =	vadd.f32 v9, v8  }
0x123: {  	v9 =	vadd.f32 v23, v22  }
0x124: {  	v24 =	vshll.u32 v10, $0x10;
	v8 =	vadd.f32 v10, v8  }
0x125: {  	v9 =	vadd.f32 v24, v9  }
0x126: {  	v10 =	vshll.u32 v11, $0x10;
	v8 =	vadd.f32 v11, v8  }
0x127: {  	v9 =	vadd.f32 v10, v9  }
0x128: {  	[tilespmem:s26+$0xD880] =	vst v8  }
0x129: {  	[tilespmem:s26+$0xCC80] =	vst v9  }
0x12a: {  	v8 =	vld [tilespmem:s11+$0x10]  }
0x12b: {  	v9 =	vld [tilespmem:s13+$0x10];
	_ =	sdelay $0x1  }
0x12c: {  	v10 =	vld [tilespmem:s30+$0x10];
	_ =	sdelay $0x1  }
0x12d: {  	v11 =	vld [tilespmem:s12+$0x10]  }
0x12e: {  	v25 =	vshll.u32 v8, $0x10;
	v26 =	vshll.u32 v9, $0x10;
	v8 =	vadd.f32 v9, v8  }
0x12f: {  	v9 =	vadd.f32 v26, v25  }
0x130: {  	v27 =	vshll.u32 v10, $0x10;
	v8 =	vadd.f32 v10, v8  }
0x131: {  	v9 =	vadd.f32 v27, v9  }
0x132: {  	v10 =	vshll.u32 v11, $0x10;
	v8 =	vadd.f32 v11, v8  }
0x133: {  	v9 =	vadd.f32 v10, v9  }
0x134: {  	[tilespmem:s26+$0xD890] =	vst v8  }
0x135: {  	[tilespmem:s26+$0xCC90] =	vst v9  }
0x136: {  	v8 =	vld [tilespmem:s11+$0x20]  }
0x137: {  	v9 =	vld [tilespmem:s13+$0x20];
	_ =	sdelay $0x1  }
0x138: {  	v10 =	vld [tilespmem:s30+$0x20];
	_ =	sdelay $0x1  }
0x139: {  	v11 =	vld [tilespmem:s12+$0x20]  }
0x13a: {  	v28 =	vshll.u32 v8, $0x10;
	v29 =	vshll.u32 v9, $0x10;
	v8 =	vadd.f32 v9, v8  }
0x13b: {  	v9 =	vadd.f32 v29, v28  }
0x13c: {  	v30 =	vshll.u32 v10, $0x10;
	v8 =	vadd.f32 v10, v8  }
0x13d: {  	v9 =	vadd.f32 v30, v9  }
0x13e: {  	v10 =	vshll.u32 v11, $0x10;
	v8 =	vadd.f32 v11, v8  }
0x13f: {  	v9 =	vadd.f32 v10, v9  }
0x140: {  	[tilespmem:s26+$0xD8A0] =	vst v8  }
0x141: {  	[tilespmem:s26+$0xCCA0] =	vst v9  }
0x142: {  	v8 =	vld [tilespmem:s11+$0x30]  }
0x143: {  	v9 =	vld [tilespmem:s13+$0x30];
	_ =	sdelay $0x1  }
0x144: {  	v10 =	vld [tilespmem:s30+$0x30];
	_ =	sdelay $0x1  }
0x145: {  	v11 =	vld [tilespmem:s12+$0x30]  }
0x146: {  	v31 =	vshll.u32 v8, $0x10;
	v32 =	vshll.u32 v9, $0x10;
	v8 =	vadd.f32 v9, v8  }
0x147: {  	v9 =	vadd.f32 v32, v31  }
0x148: {  	v33 =	vshll.u32 v10, $0x10;
	v8 =	vadd.f32 v10, v8  }
0x149: {  	v9 =	vadd.f32 v33, v9  }
0x14a: {  	v10 =	vshll.u32 v11, $0x10;
	v8 =	vadd.f32 v11, v8  }
0x14b: {  	v9 =	vadd.f32 v10, v9  }
0x14c: {  	[tilespmem:s26+$0xD8B0] =	vst v8  }
0x14d: {  	[tilespmem:s26+$0xCCB0] =	vst v9  }
0x14e: {  	v8 =	vld [tilespmem:s11+$0x40]  }
0x14f: {  	v9 =	vld [tilespmem:s13+$0x40];
	_ =	sdelay $0x1  }
0x150: {  	v10 =	vld [tilespmem:s30+$0x40];
	_ =	sdelay $0x1  }
0x151: {  	v11 =	vld [tilespmem:s12+$0x40]  }
0x152: {  	v34 =	vshll.u32 v8, $0x10;
	v35 =	vshll.u32 v9, $0x10;
	v8 =	vadd.f32 v9, v8  }
0x153: {  	v9 =	vadd.f32 v35, v34  }
0x154: {  	v36 =	vshll.u32 v10, $0x10;
	v8 =	vadd.f32 v10, v8  }
0x155: {  	v9 =	vadd.f32 v36, v9  }
0x156: {  	v10 =	vshll.u32 v11, $0x10;
	v8 =	vadd.f32 v11, v8  }
0x157: {  	v9 =	vadd.f32 v10, v9  }
0x158: {  	[tilespmem:s26+$0xD8C0] =	vst v8  }
0x159: {  	[tilespmem:s26+$0xCCC0] =	vst v9  }
0x15a: {  	v8 =	vld [tilespmem:s11+$0x50]  }
0x15b: {  	v9 =	vld [tilespmem:s13+$0x50];
	_ =	sdelay $0x1  }
0x15c: {  	v10 =	vld [tilespmem:s30+$0x50];
	_ =	sdelay $0x1  }
0x15d: {  	v11 =	vld [tilespmem:s12+$0x50]  }
0x15e: {  	v37 =	vshll.u32 v8, $0x10;
	v38 =	vshll.u32 v9, $0x10;
	v8 =	vadd.f32 v9, v8  }
0x15f: {  	v9 =	vadd.f32 v38, v37  }
0x160: {  	v39 =	vshll.u32 v10, $0x10;
	v8 =	vadd.f32 v10, v8  }
0x161: {  	v9 =	vadd.f32 v39, v9  }
0x162: {  	v10 =	vshll.u32 v11, $0x10;
	v8 =	vadd.f32 v11, v8  }
0x163: {  	v9 =	vadd.f32 v10, v9  }
0x164: {  	[tilespmem:s26+$0xD8D0] =	vst v8  }
0x165: {  	[tilespmem:s26+$0xCCD0] =	vst v9  }
0x166: {  	v8 =	vld [tilespmem:s11+$0x60]  }
0x167: {  	v9 =	vld [tilespmem:s13+$0x60];
	_ =	sdelay $0x1  }
0x168: {  	v10 =	vld [tilespmem:s30+$0x60];
	_ =	sdelay $0x1  }
0x169: {  	v11 =	vld [tilespmem:s12+$0x60]  }
0x16a: {  	v40 =	vshll.u32 v8, $0x10;
	v41 =	vshll.u32 v9, $0x10;
	v8 =	vadd.f32 v9, v8  }
0x16b: {  	v9 =	vadd.f32 v41, v40  }
0x16c: {  	v42 =	vshll.u32 v10, $0x10;
	v8 =	vadd.f32 v10, v8  }
0x16d: {  	v9 =	vadd.f32 v42, v9  }
0x16e: {  	v10 =	vshll.u32 v11, $0x10;
	v8 =	vadd.f32 v11, v8  }
0x16f: {  	v9 =	vadd.f32 v10, v9  }
0x170: {  	[tilespmem:s26+$0xD8E0] =	vst v8  }
0x171: {  	[tilespmem:s26+$0xCCE0] =	vst v9  }
0x172: {  	v8 =	vld [tilespmem:s11+$0x70]  }
0x173: {  	v9 =	vld [tilespmem:s13+$0x70];
	_ =	sdelay $0x1  }
0x174: {  	v10 =	vld [tilespmem:s30+$0x70];
	_ =	sdelay $0x1  }
0x175: {  	v11 =	vld [tilespmem:s12+$0x70]  }
0x176: {  	v43 =	vshll.u32 v8, $0x10;
	v44 =	vshll.u32 v9, $0x10;
	v8 =	vadd.f32 v9, v8  }
0x177: {  	v9 =	vadd.f32 v44, v43  }
0x178: {  	v45 =	vshll.u32 v10, $0x10;
	v8 =	vadd.f32 v10, v8  }
0x179: {  	v9 =	vadd.f32 v45, v9  }
0x17a: {  	v10 =	vshll.u32 v11, $0x10;
	v8 =	vadd.f32 v11, v8  }
0x17b: {  	v9 =	vadd.f32 v10, v9  }
0x17c: {  	s3 =	sadd.s32 $0x1080, s3;
	[tilespmem:s26+$0xD8F0] =	vst v8  }
0x17d: {  	s31 =	sor.u32 s0, s3;
	[tilespmem:s26+$0xCCF0] =	vst v9  }
0x17e: {  	s0 =	sadd.s32 s9, s3;
	v8 =	vld [tilespmem:s31+$0x0]  }
0x17f: {  	v9 =	vld [tilespmem:s0+$0x0]  }
0x180: {  	s9 =	sor.u32 s28, s3  }
0x181: {  	v10 =	vld [tilespmem:s9+$0x0]  }
0x182: {  	s3 =	sadd.s32 s10, s3  }
0x183: {  	v11 =	vld [tilespmem:s3+$0x0]  }
0x184: {  	v46 =	vshll.u32 v8, $0x10;
	v47 =	vshll.u32 v9, $0x10;
	v8 =	vadd.f32 v9, v8  }
0x185: {  	v9 =	vadd.f32 v47, v46  }
0x186: {  	v48 =	vshll.u32 v10, $0x10;
	v8 =	vadd.f32 v10, v8  }
0x187: {  	v9 =	vadd.f32 v48, v9  }
0x188: {  	v10 =	vshll.u32 v11, $0x10;
	v8 =	vadd.f32 v11, v8  }
0x189: {  	v9 =	vadd.f32 v10, v9  }
0x18a: {  	[tilespmem:s26+$0xDC80] =	vst v8  }
0x18b: {  	[tilespmem:s26+$0xD080] =	vst v9  }
0x18c: {  	v8 =	vld [tilespmem:s31+$0x10]  }
0x18d: {  	v9 =	vld [tilespmem:s0+$0x10];
	_ =	sdelay $0x1  }
0x18e: {  	v10 =	vld [tilespmem:s9+$0x10];
	_ =	sdelay $0x1  }
0x18f: {  	v11 =	vld [tilespmem:s3+$0x10]  }
0x190: {  	v49 =	vshll.u32 v8, $0x10;
	v50 =	vshll.u32 v9, $0x10;
	v8 =	vadd.f32 v9, v8  }
0x191: {  	v9 =	vadd.f32 v50, v49  }
0x192: {  	v51 =	vshll.u32 v10, $0x10;
	v8 =	vadd.f32 v10, v8  }
0x193: {  	v9 =	vadd.f32 v51, v9  }
0x194: {  	v10 =	vshll.u32 v11, $0x10;
	v8 =	vadd.f32 v11, v8  }
0x195: {  	v9 =	vadd.f32 v10, v9  }
0x196: {  	[tilespmem:s26+$0xDC90] =	vst v8  }
0x197: {  	[tilespmem:s26+$0xD090] =	vst v9  }
0x198: {  	v8 =	vld [tilespmem:s31+$0x20]  }
0x199: {  	v9 =	vld [tilespmem:s0+$0x20];
	_ =	sdelay $0x1  }
0x19a: {  	v10 =	vld [tilespmem:s9+$0x20];
	_ =	sdelay $0x1  }
0x19b: {  	v11 =	vld [tilespmem:s3+$0x20]  }
0x19c: {  	v52 =	vshll.u32 v8, $0x10;
	v53 =	vshll.u32 v9, $0x10;
	v8 =	vadd.f32 v9, v8  }
0x19d: {  	v9 =	vadd.f32 v53, v52  }
0x19e: {  	v54 =	vshll.u32 v10, $0x10;
	v8 =	vadd.f32 v10, v8  }
0x19f: {  	v9 =	vadd.f32 v54, v9  }
0x1a0: {  	v10 =	vshll.u32 v11, $0x10;
	v8 =	vadd.f32 v11, v8  }
0x1a1: {  	v9 =	vadd.f32 v10, v9  }
0x1a2: {  	[tilespmem:s26+$0xDCA0] =	vst v8  }
0x1a3: {  	[tilespmem:s26+$0xD0A0] =	vst v9  }
0x1a4: {  	v8 =	vld [tilespmem:s31+$0x30]  }
0x1a5: {  	v9 =	vld [tilespmem:s0+$0x30];
	_ =	sdelay $0x1  }
0x1a6: {  	v10 =	vld [tilespmem:s9+$0x30];
	_ =	sdelay $0x1  }
0x1a7: {  	v11 =	vld [tilespmem:s3+$0x30]  }
0x1a8: {  	v55 =	vshll.u32 v8, $0x10;
	v56 =	vshll.u32 v9, $0x10;
	v8 =	vadd.f32 v9, v8  }
0x1a9: {  	v9 =	vadd.f32 v56, v55  }
0x1aa: {  	v57 =	vshll.u32 v10, $0x10;
	v8 =	vadd.f32 v10, v8  }
0x1ab: {  	v9 =	vadd.f32 v57, v9  }
0x1ac: {  	v10 =	vshll.u32 v11, $0x10;
	v8 =	vadd.f32 v11, v8  }
0x1ad: {  	v9 =	vadd.f32 v10, v9  }
0x1ae: {  	[tilespmem:s26+$0xDCB0] =	vst v8  }
0x1af: {  	[tilespmem:s26+$0xD0B0] =	vst v9  }
0x1b0: {  	v8 =	vld [tilespmem:s31+$0x40]  }
0x1b1: {  	v9 =	vld [tilespmem:s0+$0x40];
	_ =	sdelay $0x1  }
0x1b2: {  	v10 =	vld [tilespmem:s9+$0x40];
	_ =	sdelay $0x1  }
0x1b3: {  	v11 =	vld [tilespmem:s3+$0x40]  }
0x1b4: {  	v58 =	vshll.u32 v8, $0x10;
	v59 =	vshll.u32 v9, $0x10;
	v8 =	vadd.f32 v9, v8  }
0x1b5: {  	v9 =	vadd.f32 v59, v58  }
0x1b6: {  	v60 =	vshll.u32 v10, $0x10;
	v8 =	vadd.f32 v10, v8  }
0x1b7: {  	v9 =	vadd.f32 v60, v9  }
0x1b8: {  	v10 =	vshll.u32 v11, $0x10;
	v8 =	vadd.f32 v11, v8  }
0x1b9: {  	v9 =	vadd.f32 v10, v9  }
0x1ba: {  	[tilespmem:s26+$0xDCC0] =	vst v8  }
0x1bb: {  	[tilespmem:s26+$0xD0C0] =	vst v9  }
0x1bc: {  	v8 =	vld [tilespmem:s31+$0x50]  }
0x1bd: {  	v9 =	vld [tilespmem:s0+$0x50];
	_ =	sdelay $0x1  }
0x1be: {  	v10 =	vld [tilespmem:s9+$0x50];
	_ =	sdelay $0x1  }
0x1bf: {  	v11 =	vld [tilespmem:s3+$0x50]  }
0x1c0: {  	v61 =	vshll.u32 v8, $0x10;
	v62 =	vshll.u32 v9, $0x10;
	v8 =	vadd.f32 v9, v8  }
0x1c1: {  	v9 =	vadd.f32 v62, v61  }
0x1c2: {  	v63 =	vshll.u32 v10, $0x10;
	v8 =	vadd.f32 v10, v8  }
0x1c3: {  	v9 =	vadd.f32 v63, v9  }
0x1c4: {  	v10 =	vshll.u32 v11, $0x10;
	v8 =	vadd.f32 v11, v8  }
0x1c5: {  	v9 =	vadd.f32 v10, v9  }
0x1c6: {  	[tilespmem:s26+$0xDCD0] =	vst v8  }
0x1c7: {  	[tilespmem:s26+$0xD0D0] =	vst v9  }
0x1c8: {  	v8 =	vld [tilespmem:s31+$0x60]  }
0x1c9: {  	s29 =	simm.s32 $0x0;
	s28 =	simm.s32 $0x1;
	v9 =	vld [tilespmem:s0+$0x60]  }
.LBB2_3:
0x1ca: {  	p1 =	sne.s32 s28, $0xF;
	v10 =	vld [tilespmem:s9+$0x60];
	s25 =	sadd.s32 $0x80, s25;
	s29 =	sadd.s32 $0x200, s29  }
0x1cb: {  	s13 =	smov.u32 s28;
	s28 =	sadd.s32 $0x1, s28;
	v11 =	vld [tilespmem:s3+$0x60];
	_ =	sdelay $0x2  }
0x1cc: {  	v12 =	vshll.u32 v8, $0x10;
	v13 =	vshll.u32 v9, $0x10;
	v8 =	vadd.f32 v9, v8  }
0x1cd: {  	v9 =	vadd.f32 v13, v12  }
0x1ce: {  	v12 =	vshll.u32 v10, $0x10;
	v8 =	vadd.f32 v10, v8  }
0x1cf: {  	v9 =	vadd.f32 v12, v9  }
0x1d0: {  	v10 =	vshll.u32 v11, $0x10;
	v8 =	vadd.f32 v11, v8  }
0x1d1: {  	v9 =	vadd.f32 v10, v9  }
0x1d2: {  	[tilespmem:s26+$0xDCE0] =	vst v8  }
0x1d3: {  	[tilespmem:s26+$0xD0E0] =	vst v9  }
0x1d4: {  	v8 =	vld [tilespmem:s31+$0x70]  }
0x1d5: {  	v9 =	vld [tilespmem:s0+$0x70]  }
0x1d6: {  	v10 =	vld [tilespmem:s9+$0x70]  }
0x1d7: {  	v11 =	vld [tilespmem:s3+$0x70];
	_ =	sdelay $0x1  }
0x1d8: {  	v12 =	vshll.u32 v8, $0x10  }
0x1d9: {  	v13 =	vshll.u32 v9, $0x10;
	v8 =	vadd.f32 v9, v8  }
0x1da: {  	v9 =	vadd.f32 v13, v12;
	v12 =	vshll.u32 v10, $0x10  }
0x1db: {  	s0 =	sshrl.u32 s13, $0x1;
	v8 =	vadd.f32 v10, v8  }
0x1dc: {  	s0 =	smul.u32 $0x3000, s0;
	v10 =	vshll.u32 v11, $0x10;
	v9 =	vadd.f32 v12, v9  }
0x1dd: {  	v8 =	vadd.f32 v11, v8  }
0x1de: {  	s31 =	sand.u32 $0x200, s29;
	s3 =	sshra.s32 s0, $0x2;
	v9 =	vadd.f32 v10, v9  }
0x1df: {  	s30 =	sor.u32 $0x180, s31;
	s0 =	sor.u32 $0x80, s31;
	s12 =	sadd.s32 $0x880, s3;
	[tilespmem:s26+$0xDCF0] =	vst v8  }
0x1e0: {  	s11 =	sor.u32 s31, s12;
	s8 =	sadd.s32 s0, s12;
	s6 =	sadd.s32 s30, s12;
	[tilespmem:s26+$0xD0F0] =	vst v9  }
0x1e1: {  	s9 =	sor.u32 $0x100, s31;
	s10 =	sadd.s32 $0xC80, s3;
	s3 =	sadd.s32 $0x1080, s3;
	v8 =	vld [tilespmem:s11+$0x0]  }
0x1e2: {  	s12 =	sor.u32 s9, s12;
	v9 =	vld [tilespmem:s8+$0x0]  }
0x1e3: {  	v10 =	vld [tilespmem:s12+$0x0];
	_ =	sdelay $0x1  }
0x1e4: {  	v11 =	vld [tilespmem:s6+$0x0]  }
0x1e5: {  	v12 =	vshll.u32 v8, $0x10  }
0x1e6: {  	v13 =	vshll.u32 v9, $0x10;
	v8 =	vadd.f32 v9, v8  }
0x1e7: {  	s13 =	sshrl.u32 s13, $0x3;
	v9 =	vadd.f32 v13, v12;
	v12 =	vshll.u32 v10, $0x10  }
0x1e8: {  	s13 =	smul.u32 $0x6000, s13;
	v8 =	vadd.f32 v10, v8  }
0x1e9: {  	v9 =	vadd.f32 v12, v9;
	v10 =	vshll.u32 v11, $0x10  }
0x1ea: {  	s13 =	sshra.s32 s13, $0x2;
	s26 =	sand.u32 $0x380, s25;
	v8 =	vadd.f32 v11, v8  }
0x1eb: {  	s26 =	sor.u32 s26, s13;
	v9 =	vadd.f32 v10, v9  }
0x1ec: {  	[tilespmem:s26+$0xD480] =	vst v8  }
0x1ed: {  	[tilespmem:s26+$0xC880] =	vst v9  }
0x1ee: {  	v8 =	vld [tilespmem:s12+$0x10]  }
0x1ef: {  	v9 =	vld [tilespmem:s11+$0x10]  }
0x1f0: {  	v10 =	vld [tilespmem:s8+$0x10];
	_ =	sdelay $0x3  }
0x1f1: {  	v11 =	vshll.u32 v8, $0x10;
	v12 =	vld [tilespmem:s6+$0x10]  }
0x1f2: {  	v13 =	vshll.u32 v9, $0x10;
	v14 =	vshll.u32 v10, $0x10;
	v9 =	vadd.f32 v10, v9  }
0x1f3: {  	v10 =	vadd.f32 v14, v13  }
0x1f4: {  	v8 =	vadd.f32 v8, v9  }
0x1f5: {  	v9 =	vadd.f32 v11, v10  }
0x1f6: {  	v10 =	vshll.u32 v12, $0x10;
	v8 =	vadd.f32 v12, v8  }
0x1f7: {  	v9 =	vadd.f32 v10, v9  }
0x1f8: {  	[tilespmem:s26+$0xD490] =	vst v8  }
0x1f9: {  	[tilespmem:s26+$0xC890] =	vst v9  }
0x1fa: {  	v8 =	vld [tilespmem:s11+$0x20]  }
0x1fb: {  	v9 =	vld [tilespmem:s8+$0x20];
	_ =	sdelay $0x1  }
0x1fc: {  	v10 =	vld [tilespmem:s12+$0x20];
	_ =	sdelay $0x1  }
0x1fd: {  	v11 =	vld [tilespmem:s6+$0x20]  }
0x1fe: {  	v12 =	vshll.u32 v8, $0x10;
	v13 =	vshll.u32 v9, $0x10;
	v8 =	vadd.f32 v9, v8  }
0x1ff: {  	v9 =	vadd.f32 v13, v12  }
0x200: {  	v12 =	vshll.u32 v10, $0x10;
	v8 =	vadd.f32 v10, v8  }
0x201: {  	v9 =	vadd.f32 v12, v9  }
0x202: {  	v10 =	vshll.u32 v11, $0x10;
	v8 =	vadd.f32 v11, v8  }
0x203: {  	v9 =	vadd.f32 v10, v9  }
0x204: {  	[tilespmem:s26+$0xD4A0] =	vst v8  }
0x205: {  	[tilespmem:s26+$0xC8A0] =	vst v9  }
0x206: {  	v8 =	vld [tilespmem:s11+$0x30]  }
0x207: {  	v9 =	vld [tilespmem:s8+$0x30];
	_ =	sdelay $0x1  }
0x208: {  	v10 =	vld [tilespmem:s12+$0x30];
	_ =	sdelay $0x1  }
0x209: {  	v11 =	vld [tilespmem:s6+$0x30]  }
0x20a: {  	v12 =	vshll.u32 v8, $0x10;
	v13 =	vshll.u32 v9, $0x10;
	v8 =	vadd.f32 v9, v8  }
0x20b: {  	v9 =	vadd.f32 v13, v12  }
0x20c: {  	v12 =	vshll.u32 v10, $0x10;
	v8 =	vadd.f32 v10, v8  }
0x20d: {  	v9 =	vadd.f32 v12, v9  }
0x20e: {  	v10 =	vshll.u32 v11, $0x10;
	v8 =	vadd.f32 v11, v8  }
0x20f: {  	v9 =	vadd.f32 v10, v9  }
0x210: {  	[tilespmem:s26+$0xD4B0] =	vst v8  }
0x211: {  	[tilespmem:s26+$0xC8B0] =	vst v9  }
0x212: {  	v8 =	vld [tilespmem:s11+$0x40]  }
0x213: {  	v9 =	vld [tilespmem:s8+$0x40]  }
0x214: {  	v10 =	vld [tilespmem:s12+$0x40]  }
0x215: {  	v11 =	vld [tilespmem:s6+$0x40];
	_ =	sdelay $0x2  }
0x216: {  	v12 =	vshll.u32 v8, $0x10;
	v13 =	vshll.u32 v9, $0x10;
	v8 =	vadd.f32 v9, v8  }
0x217: {  	v9 =	vadd.f32 v13, v12  }
0x218: {  	v12 =	vshll.u32 v10, $0x10;
	v8 =	vadd.f32 v10, v8  }
0x219: {  	v9 =	vadd.f32 v12, v9  }
0x21a: {  	v10 =	vshll.u32 v11, $0x10;
	v8 =	vadd.f32 v11, v8  }
0x21b: {  	v9 =	vadd.f32 v10, v9  }
0x21c: {  	[tilespmem:s26+$0xD4C0] =	vst v8  }
0x21d: {  	[tilespmem:s26+$0xC8C0] =	vst v9  }
0x21e: {  	v8 =	vld [tilespmem:s11+$0x50]  }
0x21f: {  	v9 =	vld [tilespmem:s8+$0x50]  }
0x220: {  	v10 =	vld [tilespmem:s12+$0x50]  }
0x221: {  	v11 =	vld [tilespmem:s6+$0x50];
	_ =	sdelay $0x1  }
0x222: {  	v12 =	vshll.u32 v8, $0x10  }
0x223: {  	v13 =	vshll.u32 v9, $0x10;
	v8 =	vadd.f32 v9, v8  }
0x224: {  	v9 =	vadd.f32 v13, v12  }
0x225: {  	v12 =	vshll.u32 v10, $0x10;
	v8 =	vadd.f32 v10, v8  }
0x226: {  	v9 =	vadd.f32 v12, v9  }
0x227: {  	v10 =	vshll.u32 v11, $0x10;
	v8 =	vadd.f32 v11, v8  }
0x228: {  	v9 =	vadd.f32 v10, v9  }
0x229: {  	[tilespmem:s26+$0xD4D0] =	vst v8  }
0x22a: {  	[tilespmem:s26+$0xC8D0] =	vst v9  }
0x22b: {  	v8 =	vld [tilespmem:s11+$0x60]  }
0x22c: {  	v9 =	vld [tilespmem:s8+$0x60]  }
0x22d: {  	v10 =	vld [tilespmem:s12+$0x60]  }
0x22e: {  	v11 =	vld [tilespmem:s6+$0x60];
	_ =	sdelay $0x2  }
0x22f: {  	v12 =	vshll.u32 v8, $0x10;
	v13 =	vshll.u32 v9, $0x10;
	v8 =	vadd.f32 v9, v8  }
0x230: {  	v9 =	vadd.f32 v13, v12  }
0x231: {  	v12 =	vshll.u32 v10, $0x10;
	v8 =	vadd.f32 v10, v8  }
0x232: {  	v9 =	vadd.f32 v12, v9  }
0x233: {  	v10 =	vshll.u32 v11, $0x10;
	v8 =	vadd.f32 v11, v8  }
0x234: {  	v9 =	vadd.f32 v10, v9  }
0x235: {  	[tilespmem:s26+$0xD4E0] =	vst v8  }
0x236: {  	[tilespmem:s26+$0xC8E0] =	vst v9  }
0x237: {  	v8 =	vld [tilespmem:s11+$0x70]  }
0x238: {  	v9 =	vld [tilespmem:s8+$0x70]  }
0x239: {  	v10 =	vld [tilespmem:s12+$0x70]  }
0x23a: {  	v11 =	vld [tilespmem:s6+$0x70];
	_ =	sdelay $0x2  }
0x23b: {  	v12 =	vshll.u32 v8, $0x10;
	v13 =	vshll.u32 v9, $0x10;
	v8 =	vadd.f32 v9, v8  }
0x23c: {  	v9 =	vadd.f32 v13, v12  }
0x23d: {  	v12 =	vshll.u32 v10, $0x10;
	v8 =	vadd.f32 v10, v8  }
0x23e: {  	v9 =	vadd.f32 v12, v9  }
0x23f: {  	v10 =	vshll.u32 v11, $0x10;
	v8 =	vadd.f32 v11, v8  }
0x240: {  	v9 =	vadd.f32 v10, v9  }
0x241: {  	[tilespmem:s26+$0xD4F0] =	vst v8  }
0x242: {  	s6 =	sor.u32 s31, s10;
	[tilespmem:s26+$0xC8F0] =	vst v9  }
0x243: {  	s8 =	sadd.s32 s0, s10;
	v8 =	vld [tilespmem:s6+$0x0]  }
0x244: {  	s11 =	sor.u32 s9, s10;
	v9 =	vld [tilespmem:s8+$0x0]  }
0x245: {  	s10 =	sadd.s32 s30, s10;
	v10 =	vld [tilespmem:s11+$0x0]  }
0x246: {  	v11 =	vld [tilespmem:s10+$0x0];
	_ =	sdelay $0x1  }
0x247: {  	v12 =	vshll.u32 v8, $0x10  }
0x248: {  	v13 =	vshll.u32 v9, $0x10;
	v8 =	vadd.f32 v9, v8  }
0x249: {  	v9 =	vadd.f32 v13, v12  }
0x24a: {  	v12 =	vshll.u32 v10, $0x10;
	v8 =	vadd.f32 v10, v8  }
0x24b: {  	v9 =	vadd.f32 v12, v9  }
0x24c: {  	v10 =	vshll.u32 v11, $0x10;
	v8 =	vadd.f32 v11, v8  }
0x24d: {  	v9 =	vadd.f32 v10, v9  }
0x24e: {  	[tilespmem:s26+$0xD880] =	vst v8  }
0x24f: {  	[tilespmem:s26+$0xCC80] =	vst v9  }
0x250: {  	v8 =	vld [tilespmem:s6+$0x10]  }
0x251: {  	v9 =	vld [tilespmem:s8+$0x10]  }
0x252: {  	v10 =	vld [tilespmem:s11+$0x10]  }
0x253: {  	v11 =	vld [tilespmem:s10+$0x10];
	_ =	sdelay $0x1  }
0x254: {  	v12 =	vshll.u32 v8, $0x10  }
0x255: {  	v13 =	vshll.u32 v9, $0x10;
	v8 =	vadd.f32 v9, v8  }
0x256: {  	v9 =	vadd.f32 v13, v12  }
0x257: {  	v12 =	vshll.u32 v10, $0x10;
	v8 =	vadd.f32 v10, v8  }
0x258: {  	v9 =	vadd.f32 v12, v9  }
0x259: {  	v10 =	vshll.u32 v11, $0x10;
	v8 =	vadd.f32 v11, v8  }
0x25a: {  	v9 =	vadd.f32 v10, v9  }
0x25b: {  	[tilespmem:s26+$0xD890] =	vst v8  }
0x25c: {  	[tilespmem:s26+$0xCC90] =	vst v9  }
0x25d: {  	v8 =	vld [tilespmem:s6+$0x20]  }
0x25e: {  	v9 =	vld [tilespmem:s8+$0x20]  }
0x25f: {  	v10 =	vld [tilespmem:s11+$0x20]  }
0x260: {  	v11 =	vld [tilespmem:s10+$0x20];
	_ =	sdelay $0x2  }
0x261: {  	v12 =	vshll.u32 v8, $0x10;
	v13 =	vshll.u32 v9, $0x10;
	v8 =	vadd.f32 v9, v8  }
0x262: {  	v9 =	vadd.f32 v13, v12  }
0x263: {  	v12 =	vshll.u32 v10, $0x10;
	v8 =	vadd.f32 v10, v8  }
0x264: {  	v9 =	vadd.f32 v12, v9  }
0x265: {  	v10 =	vshll.u32 v11, $0x10;
	v8 =	vadd.f32 v11, v8  }
0x266: {  	v9 =	vadd.f32 v10, v9  }
0x267: {  	[tilespmem:s26+$0xD8A0] =	vst v8  }
0x268: {  	[tilespmem:s26+$0xCCA0] =	vst v9  }
0x269: {  	v8 =	vld [tilespmem:s6+$0x30]  }
0x26a: {  	v9 =	vld [tilespmem:s8+$0x30]  }
0x26b: {  	v10 =	vld [tilespmem:s11+$0x30]  }
0x26c: {  	v11 =	vld [tilespmem:s10+$0x30];
	_ =	sdelay $0x1  }
0x26d: {  	v12 =	vshll.u32 v8, $0x10  }
0x26e: {  	v13 =	vshll.u32 v9, $0x10;
	v8 =	vadd.f32 v9, v8  }
0x26f: {  	v9 =	vadd.f32 v13, v12  }
0x270: {  	v12 =	vshll.u32 v10, $0x10;
	v8 =	vadd.f32 v10, v8  }
0x271: {  	v9 =	vadd.f32 v12, v9  }
0x272: {  	v10 =	vshll.u32 v11, $0x10;
	v8 =	vadd.f32 v11, v8  }
0x273: {  	v9 =	vadd.f32 v10, v9  }
0x274: {  	[tilespmem:s26+$0xD8B0] =	vst v8  }
0x275: {  	[tilespmem:s26+$0xCCB0] =	vst v9  }
0x276: {  	v8 =	vld [tilespmem:s6+$0x40]  }
0x277: {  	v9 =	vld [tilespmem:s8+$0x40]  }
0x278: {  	v10 =	vld [tilespmem:s11+$0x40]  }
0x279: {  	v11 =	vld [tilespmem:s10+$0x40];
	_ =	sdelay $0x2  }
0x27a: {  	v12 =	vshll.u32 v8, $0x10;
	v13 =	vshll.u32 v9, $0x10;
	v8 =	vadd.f32 v9, v8  }
0x27b: {  	v9 =	vadd.f32 v13, v12  }
0x27c: {  	v12 =	vshll.u32 v10, $0x10;
	v8 =	vadd.f32 v10, v8  }
0x27d: {  	v9 =	vadd.f32 v12, v9  }
0x27e: {  	v10 =	vshll.u32 v11, $0x10;
	v8 =	vadd.f32 v11, v8  }
0x27f: {  	v9 =	vadd.f32 v10, v9  }
0x280: {  	[tilespmem:s26+$0xD8C0] =	vst v8  }
0x281: {  	[tilespmem:s26+$0xCCC0] =	vst v9  }
0x282: {  	v8 =	vld [tilespmem:s6+$0x50]  }
0x283: {  	v9 =	vld [tilespmem:s8+$0x50]  }
0x284: {  	v10 =	vld [tilespmem:s11+$0x50]  }
0x285: {  	v11 =	vld [tilespmem:s10+$0x50];
	_ =	sdelay $0x2  }
0x286: {  	v12 =	vshll.u32 v8, $0x10;
	v13 =	vshll.u32 v9, $0x10;
	v8 =	vadd.f32 v9, v8  }
0x287: {  	v9 =	vadd.f32 v13, v12  }
0x288: {  	v12 =	vshll.u32 v10, $0x10;
	v8 =	vadd.f32 v10, v8  }
0x289: {  	v9 =	vadd.f32 v12, v9  }
0x28a: {  	v10 =	vshll.u32 v11, $0x10;
	v8 =	vadd.f32 v11, v8  }
0x28b: {  	v9 =	vadd.f32 v10, v9  }
0x28c: {  	[tilespmem:s26+$0xD8D0] =	vst v8  }
0x28d: {  	[tilespmem:s26+$0xCCD0] =	vst v9  }
0x28e: {  	v8 =	vld [tilespmem:s6+$0x60]  }
0x28f: {  	v9 =	vld [tilespmem:s8+$0x60]  }
0x290: {  	v10 =	vld [tilespmem:s11+$0x60]  }
0x291: {  	v11 =	vld [tilespmem:s10+$0x60];
	_ =	sdelay $0x2  }
0x292: {  	v12 =	vshll.u32 v8, $0x10;
	v13 =	vshll.u32 v9, $0x10;
	v8 =	vadd.f32 v9, v8  }
0x293: {  	v9 =	vadd.f32 v13, v12  }
0x294: {  	v12 =	vshll.u32 v10, $0x10;
	v8 =	vadd.f32 v10, v8  }
0x295: {  	v9 =	vadd.f32 v12, v9  }
0x296: {  	v10 =	vshll.u32 v11, $0x10;
	v8 =	vadd.f32 v11, v8  }
0x297: {  	v9 =	vadd.f32 v10, v9  }
0x298: {  	[tilespmem:s26+$0xD8E0] =	vst v8  }
0x299: {  	[tilespmem:s26+$0xCCE0] =	vst v9  }
0x29a: {  	v8 =	vld [tilespmem:s6+$0x70]  }
0x29b: {  	v9 =	vld [tilespmem:s8+$0x70]  }
0x29c: {  	v10 =	vld [tilespmem:s11+$0x70]  }
0x29d: {  	v11 =	vld [tilespmem:s10+$0x70];
	_ =	sdelay $0x1  }
0x29e: {  	v12 =	vshll.u32 v8, $0x10  }
0x29f: {  	v13 =	vshll.u32 v9, $0x10;
	v8 =	vadd.f32 v9, v8  }
0x2a0: {  	v9 =	vadd.f32 v13, v12  }
0x2a1: {  	v12 =	vshll.u32 v10, $0x10;
	v8 =	vadd.f32 v10, v8  }
0x2a2: {  	v9 =	vadd.f32 v12, v9  }
0x2a3: {  	v10 =	vshll.u32 v11, $0x10;
	v8 =	vadd.f32 v11, v8  }
0x2a4: {  	v9 =	vadd.f32 v10, v9  }
0x2a5: {  	[tilespmem:s26+$0xD8F0] =	vst v8  }
0x2a6: {  	s31 =	sor.u32 s31, s3;
	[tilespmem:s26+$0xCCF0] =	vst v9  }
0x2a7: {  	s0 =	sadd.s32 s0, s3;
	v8 =	vld [tilespmem:s31+$0x0]  }
0x2a8: {  	s9 =	sor.u32 s9, s3;
	v9 =	vld [tilespmem:s0+$0x0]  }
0x2a9: {  	s3 =	sadd.s32 s30, s3;
	v10 =	vld [tilespmem:s9+$0x0]  }
0x2aa: {  	v11 =	vld [tilespmem:s3+$0x0];
	_ =	sdelay $0x1  }
0x2ab: {  	v12 =	vshll.u32 v8, $0x10  }
0x2ac: {  	v13 =	vshll.u32 v9, $0x10;
	v8 =	vadd.f32 v9, v8  }
0x2ad: {  	v9 =	vadd.f32 v13, v12  }
0x2ae: {  	v12 =	vshll.u32 v10, $0x10;
	v8 =	vadd.f32 v10, v8  }
0x2af: {  	v9 =	vadd.f32 v12, v9  }
0x2b0: {  	v10 =	vshll.u32 v11, $0x10;
	v8 =	vadd.f32 v11, v8  }
0x2b1: {  	v9 =	vadd.f32 v10, v9  }
0x2b2: {  	[tilespmem:s26+$0xDC80] =	vst v8  }
0x2b3: {  	[tilespmem:s26+$0xD080] =	vst v9  }
0x2b4: {  	v8 =	vld [tilespmem:s31+$0x10]  }
0x2b5: {  	v9 =	vld [tilespmem:s0+$0x10]  }
0x2b6: {  	v10 =	vld [tilespmem:s9+$0x10]  }
0x2b7: {  	v11 =	vld [tilespmem:s3+$0x10];
	_ =	sdelay $0x2  }
0x2b8: {  	v12 =	vshll.u32 v8, $0x10;
	v13 =	vshll.u32 v9, $0x10;
	v8 =	vadd.f32 v9, v8  }
0x2b9: {  	v9 =	vadd.f32 v13, v12  }
0x2ba: {  	v12 =	vshll.u32 v10, $0x10;
	v8 =	vadd.f32 v10, v8  }
0x2bb: {  	v9 =	vadd.f32 v12, v9  }
0x2bc: {  	v10 =	vshll.u32 v11, $0x10;
	v8 =	vadd.f32 v11, v8  }
0x2bd: {  	v9 =	vadd.f32 v10, v9  }
0x2be: {  	[tilespmem:s26+$0xDC90] =	vst v8  }
0x2bf: {  	[tilespmem:s26+$0xD090] =	vst v9  }
0x2c0: {  	v8 =	vld [tilespmem:s31+$0x20]  }
0x2c1: {  	v9 =	vld [tilespmem:s0+$0x20]  }
0x2c2: {  	v10 =	vld [tilespmem:s9+$0x20]  }
0x2c3: {  	v11 =	vld [tilespmem:s3+$0x20];
	_ =	sdelay $0x1  }
0x2c4: {  	v12 =	vshll.u32 v8, $0x10  }
0x2c5: {  	v13 =	vshll.u32 v9, $0x10;
	v8 =	vadd.f32 v9, v8  }
0x2c6: {  	v9 =	vadd.f32 v13, v12  }
0x2c7: {  	v12 =	vshll.u32 v10, $0x10;
	v8 =	vadd.f32 v10, v8  }
0x2c8: {  	v9 =	vadd.f32 v12, v9  }
0x2c9: {  	v10 =	vshll.u32 v11, $0x10;
	v8 =	vadd.f32 v11, v8  }
0x2ca: {  	v9 =	vadd.f32 v10, v9  }
0x2cb: {  	[tilespmem:s26+$0xDCA0] =	vst v8  }
0x2cc: {  	[tilespmem:s26+$0xD0A0] =	vst v9  }
0x2cd: {  	v8 =	vld [tilespmem:s31+$0x30]  }
0x2ce: {  	v9 =	vld [tilespmem:s0+$0x30]  }
0x2cf: {  	v10 =	vld [tilespmem:s9+$0x30]  }
0x2d0: {  	v11 =	vld [tilespmem:s3+$0x30];
	_ =	sdelay $0x2  }
0x2d1: {  	v12 =	vshll.u32 v8, $0x10;
	v13 =	vshll.u32 v9, $0x10;
	v8 =	vadd.f32 v9, v8  }
0x2d2: {  	v9 =	vadd.f32 v13, v12  }
0x2d3: {  	v12 =	vshll.u32 v10, $0x10;
	v8 =	vadd.f32 v10, v8  }
0x2d4: {  	v9 =	vadd.f32 v12, v9  }
0x2d5: {  	v10 =	vshll.u32 v11, $0x10;
	v8 =	vadd.f32 v11, v8  }
0x2d6: {  	v9 =	vadd.f32 v10, v9  }
0x2d7: {  	[tilespmem:s26+$0xDCB0] =	vst v8  }
0x2d8: {  	[tilespmem:s26+$0xD0B0] =	vst v9  }
0x2d9: {  	v8 =	vld [tilespmem:s31+$0x40]  }
0x2da: {  	v9 =	vld [tilespmem:s0+$0x40]  }
0x2db: {  	v10 =	vld [tilespmem:s9+$0x40]  }
0x2dc: {  	v11 =	vld [tilespmem:s3+$0x40];
	_ =	sdelay $0x1  }
0x2dd: {  	v12 =	vshll.u32 v8, $0x10  }
0x2de: {  	v13 =	vshll.u32 v9, $0x10;
	v8 =	vadd.f32 v9, v8  }
0x2df: {  	v9 =	vadd.f32 v13, v12  }
0x2e0: {  	v12 =	vshll.u32 v10, $0x10;
	v8 =	vadd.f32 v10, v8  }
0x2e1: {  	v9 =	vadd.f32 v12, v9  }
0x2e2: {  	v10 =	vshll.u32 v11, $0x10;
	v8 =	vadd.f32 v11, v8  }
0x2e3: {  	v9 =	vadd.f32 v10, v9  }
0x2e4: {  	[tilespmem:s26+$0xDCC0] =	vst v8  }
0x2e5: {  	[tilespmem:s26+$0xD0C0] =	vst v9  }
0x2e6: {  	v8 =	vld [tilespmem:s31+$0x50]  }
0x2e7: {  	v9 =	vld [tilespmem:s0+$0x50]  }
0x2e8: {  	v10 =	vld [tilespmem:s9+$0x50]  }
0x2e9: {  	v11 =	vld [tilespmem:s3+$0x50];
	_ =	sdelay $0x1  }
0x2ea: {  	v12 =	vshll.u32 v8, $0x10  }
0x2eb: {  	v13 =	vshll.u32 v9, $0x10;
	v8 =	vadd.f32 v9, v8  }
0x2ec: {  	v9 =	vadd.f32 v13, v12  }
0x2ed: {  	v12 =	vshll.u32 v10, $0x10;
	v8 =	vadd.f32 v10, v8  }
0x2ee: {  	v9 =	vadd.f32 v12, v9  }
0x2ef: {  	v10 =	vshll.u32 v11, $0x10;
	v8 =	vadd.f32 v11, v8  }
.Ltmp0:
0x2f0: {  	v9 =	vadd.f32 v10, v9;
	(pc) =	sbr.rel @p1 .LBB2_3-.Ltmp0, $4  }
0x2f1: {  	[tilespmem:s26+$0xDCD0] =	vst v8  }
0x2f2: {  	[tilespmem:s26+$0xD0D0] =	vst v9  }
0x2f3: {  	v8 =	vld [tilespmem:s31+$0x60]  }
0x2f4: {  	v9 =	vld [tilespmem:s0+$0x60]  }
0x2f5: {  	_ = 	snop  }
0x2f6: {  	v10 =	vld [tilespmem:s9+$0x60];
	_ =	sdelay $0x1  }
0x2f7: {  	v11 =	vld [tilespmem:s3+$0x60]  }
0x2f8: {  	v12 =	vshll.u32 v8, $0x10;
	v13 =	vshll.u32 v9, $0x10;
	v8 =	vadd.f32 v9, v8  }
0x2f9: {  	v54 =	vadd.f32 v13, v12  }
0x2fa: {  	v55 =	vshll.u32 v10, $0x10;
	v8 =	vadd.f32 v10, v8  }
0x2fb: {  	v9 =	vadd.f32 v55, v54  }
0x2fc: {  	v56 =	vshll.u32 v11, $0x10;
	v8 =	vadd.f32 v11, v8  }
0x2fd: {  	v9 =	vadd.f32 v56, v9  }
0x2fe: {  	[tilespmem:s26+$0xDCE0] =	vst v8  }
0x2ff: {  	[tilespmem:s26+$0xD0E0] =	vst v9  }
0x300: {  	v8 =	vld [tilespmem:s31+$0x70]  }
0x301: {  	v9 =	vld [tilespmem:s0+$0x70];
	_ =	sdelay $0x1  }
0x302: {  	v57 =	vld [tilespmem:s9+$0x70];
	_ =	sdelay $0x1  }
0x303: {  	v58 =	vld [tilespmem:s3+$0x70]  }
0x304: {  	v59 =	vshll.u32 v8, $0x10;
	v60 =	vshll.u32 v9, $0x10;
	v8 =	vadd.f32 v9, v8  }
0x305: {  	v61 =	vadd.f32 v60, v59  }
0x306: {  	s31 =	sshll.u32 s23, $0x5;
	v62 =	vshll.u32 v57, $0x10;
	v8 =	vadd.f32 v57, v8  }
0x307: {  	p1 =	sne.s32 s23, $0xF;
	s0 =	sadd.s32 s5, s31;
	v9 =	vadd.f32 v62, v61  }
.Ltmp1:
0x308: {  	s0 =	sshrl.u32 s0, $0x3;
	v63 =	vshll.u32 v58, $0x10;
	v8 =	vadd.f32 v58, v8;
	(pc) =	sbr.rel @p1 .LBB2_6-.Ltmp1, $4  }
0x309: {  	s0 =	smul.u32 $0x300, s0;
	v9 =	vadd.f32 v63, v9  }
0x30a: {  	[tilespmem:s26+$0xDCF0] =	vst v8  }
0x30b: {  	s0 =	sadd.s32 s1, s0;
	[tilespmem:s26+$0xD0F0] =	vst v9  }
0x30c: {  	[hbm4b:s0+s2] =	stream.linear.scatter [tilespmem:s19], [sflag:$0x3], $0x3000, $0x38;
	[tilespmem:$0x12880] =	vst v63  }
.Ltmp2:
0x30d: {  	(pc) =	sbr.rel .LBB2_7-.Ltmp2, $4  }
0x30e: {  	_ = 	snop  }
0x30f: {  	_ =	swait.ge [sflag:s20], $0x6000  }
0x310: {  	[sflag:s20] =	ssyncset.done $0x0  }
0x311: {  	[sflag:s20] =	ssyncadd.s32 $0xFFFFA000  }
.LBB2_6:
0x312: {  	s0 =	sshll.u32 s23, $0x3  }
0x313: {  	s0 =	sadd.s32 $0x8, s0  }
0x314: {  	v8 =	vmov s0  }
0x315: {  	v8 =	vand.u32 $0xFB, v8  }
0x316: {  	v9 =	vadd.s32 v0, v8;
	_ =	sdelay $0x1  }
0x317: {  	v10 =	vshrl.u32 v3, $0x2  }
0x318: {  	v10 =	vmul.u32 $0x80, v10  }
0x319: {  	v11 =	vand.u32 $0x3, v3  }
0x31a: {  	v12 =	vor.u32 $0x200, v10;
	v8 =	vor.u32 v11, v8;
	v9 =	vld.idx.msk [tilespmem:v9+s2+$0x0], $0xffff  }
0x31b: {  	v11 =	vadd.s32 v12, v8;
	_ =	sdelay $0x3  }
0x31c: {  	[tilespmem:$0x800] =	vst v9  }
0x31d: {  	v59 =	vor.u32 $0x400, v10;
	v11 =	vld.idx.msk [tilespmem:v11+s2+$0x0], $0xffff  }
0x31e: {  	v12 =	vadd.s32 v59, v8;
	_ =	sdelay $0x3  }
0x31f: {  	[tilespmem:$0x810] =	vst v11  }
0x320: {  	v10 =	vor.u32 $0x600, v10;
	v11 =	vld.idx.msk [tilespmem:v12+s2+$0x0], $0xffff  }
0x321: {  	v8 =	vadd.s32 v10, v8;
	v60 =	vshrl.u32 v9, $0x3  }
0x322: {  	v10 =	vmul.u32 $0x18, v60  }
0x323: {  	v9 =	vand.u32 $0x7, v9  }
0x324: {  	v9 =	vor.u32 v9, v10  }
0x325: {  	v10 =	vperm.xlane v9, v5;
	[tilespmem:$0x820] =	vst v11  }
0x326: {  	v8 =	vld.idx.msk [tilespmem:v8+s2+$0x0], $0xffff  }
0x327: {  	v10 =	vadd.s32 v6, v10;
	_ =	sdelay $0x1  }
0x328: {  	v9 =	vperm.xlane v9, v7;
	_ =	sdelay $0x1  }
0x329: {  	s30 =	simm.s32 $0x880;
	[tilespmem:$0x830] =	vst v8;
	v8 =	vadd.s32 v6, v9  }
0x32a: {  	[tilespmem:s30], [sflag:$0x1] =	stream.indirect_vreg.gather [hbm4b:s4+s2], $0x80, v10, vm0, $0xb8;
	[tilespmem:$0x12880] =	vst v63  }
0x32b: {  	s31 =	simm.s32 $0x1080  }
0x32c: {  	[tilespmem:s31], [sflag:$0x1] =	stream.indirect_vreg.gather [hbm4b:s7+s2], $0x80, v10, vm1, $0xb8;
	[tilespmem:$0x12880] =	vst v63  }
0x32d: {  	s3 =	simm.s32 $0x1480  }
0x32e: {  	[tilespmem:s3], [sflag:$0x1] =	stream.indirect_vreg.gather [hbm4b:s4+s2], $0x80, v8, vm0, $0xb8;
	[tilespmem:$0x12880] =	vst v63  }
0x32f: {  	s6 =	simm.s32 $0x1C80  }
0x330: {  	[tilespmem:s6], [sflag:$0x1] =	stream.indirect_vreg.gather [hbm4b:s7+s2], $0x80, v8, vm1, $0xb8;
	[tilespmem:$0x12880] =	vst v63  }
0x331: {  	v8 =	vld [tilespmem:$0x810];
	_ =	sdelay $0x4  }
0x332: {  	v61 =	vshrl.u32 v8, $0x3  }
0x333: {  	v9 =	vmul.u32 $0x18, v61  }
0x334: {  	v8 =	vand.u32 $0x7, v8  }
0x335: {  	v8 =	vor.u32 v8, v9  }
0x336: {  	v9 =	vperm.xlane v8, v5;
	_ =	sdelay $0x1  }
0x337: {  	v9 =	vadd.s32 v6, v9;
	_ =	sdelay $0x1  }
0x338: {  	v8 =	vperm.xlane v8, v7;
	_ =	sdelay $0x1  }
0x339: {  	s8 =	simm.s32 $0x2080;
	v8 =	vadd.s32 v6, v8  }
0x33a: {  	[tilespmem:s8], [sflag:$0x1] =	stream.indirect_vreg.gather [hbm4b:s4+s2], $0x80, v9, vm0, $0xb8;
	[tilespmem:$0x12880] =	vst v63  }
0x33b: {  	s9 =	simm.s32 $0x2880  }
0x33c: {  	[tilespmem:s9], [sflag:$0x1] =	stream.indirect_vreg.gather [hbm4b:s7+s2], $0x80, v9, vm1, $0xb8;
	[tilespmem:$0x12880] =	vst v63  }
0x33d: {  	s10 =	simm.s32 $0x2C80  }
0x33e: {  	[tilespmem:s10], [sflag:$0x1] =	stream.indirect_vreg.gather [hbm4b:s4+s2], $0x80, v8, vm0, $0xb8;
	[tilespmem:$0x12880] =	vst v63  }
0x33f: {  	s11 =	simm.s32 $0x3480  }
0x340: {  	[tilespmem:s11], [sflag:$0x1] =	stream.indirect_vreg.gather [hbm4b:s7+s2], $0x80, v8, vm1, $0xb8;
	[tilespmem:$0x12880] =	vst v63  }
0x341: {  	v8 =	vld [tilespmem:$0x820];
	_ =	sdelay $0x4  }
0x342: {  	v62 =	vshrl.u32 v8, $0x3  }
0x343: {  	v9 =	vmul.u32 $0x18, v62  }
0x344: {  	v8 =	vand.u32 $0x7, v8  }
0x345: {  	v8 =	vor.u32 v8, v9  }
0x346: {  	v9 =	vperm.xlane v8, v5;
	_ =	sdelay $0x1  }
0x347: {  	v9 =	vadd.s32 v6, v9;
	_ =	sdelay $0x1  }
0x348: {  	v8 =	vperm.xlane v8, v7;
	_ =	sdelay $0x1  }
0x349: {  	s12 =	simm.s32 $0x3880;
	v8 =	vadd.s32 v6, v8  }
0x34a: {  	[tilespmem:s12], [sflag:$0x1] =	stream.indirect_vreg.gather [hbm4b:s4+s2], $0x80, v9, vm0, $0xb8;
	[tilespmem:$0x12880] =	vst v63  }
0x34b: {  	s13 =	simm.s32 $0x4080  }
0x34c: {  	[tilespmem:s13], [sflag:$0x1] =	stream.indirect_vreg.gather [hbm4b:s7+s2], $0x80, v9, vm1, $0xb8;
	[tilespmem:$0x12880] =	vst v63  }
0x34d: {  	s25 =	simm.s32 $0x4480  }
0x34e: {  	[tilespmem:s25], [sflag:$0x1] =	stream.indirect_vreg.gather [hbm4b:s4+s2], $0x80, v8, vm0, $0xb8;
	[tilespmem:$0x12880] =	vst v63  }
0x34f: {  	s26 =	simm.s32 $0x4C80  }
0x350: {  	[tilespmem:s26], [sflag:$0x1] =	stream.indirect_vreg.gather [hbm4b:s7+s2], $0x80, v8, vm1, $0xb8;
	[tilespmem:$0x12880] =	vst v63  }
0x351: {  	v8 =	vld [tilespmem:$0x830];
	_ =	sdelay $0x4  }
0x352: {  	v63 =	vshrl.u32 v8, $0x3  }
0x353: {  	v9 =	vmul.u32 $0x18, v63  }
0x354: {  	v8 =	vand.u32 $0x7, v8  }
0x355: {  	v8 =	vor.u32 v8, v9  }
0x356: {  	v9 =	vperm.xlane v8, v5;
	_ =	sdelay $0x1  }
0x357: {  	v9 =	vadd.s32 v6, v9;
	_ =	sdelay $0x1  }
0x358: {  	v8 =	vperm.xlane v8, v7;
	_ =	sdelay $0x1  }
0x359: {  	s28 =	simm.s32 $0x5080;
	v8 =	vadd.s32 v6, v8  }
0x35a: {  	[tilespmem:s28], [sflag:$0x1] =	stream.indirect_vreg.gather [hbm4b:s4+s2], $0x80, v9, vm0, $0xb8;
	[tilespmem:$0x12880] =	vst v63  }
0x35b: {  	s29 =	simm.s32 $0x5880  }
0x35c: {  	[tilespmem:s29], [sflag:$0x1] =	stream.indirect_vreg.gather [hbm4b:s7+s2], $0x80, v9, vm1, $0xb8;
	[tilespmem:$0x12880] =	vst v63  }
0x35d: {  	s30 =	simm.s32 $0x5C80  }
0x35e: {  	[tilespmem:s30], [sflag:$0x1] =	stream.indirect_vreg.gather [hbm4b:s4+s2], $0x80, v8, vm0, $0xb8;
	[tilespmem:$0x12880] =	vst v63  }
.Ltmp3:
0x35f: {  	s31 =	simm.s32 $0x6480;
	(pc) =	sbr.rel @p0 .LBB2_8-.Ltmp3, $4  }
0x360: {  	[tilespmem:s31], [sflag:$0x1] =	stream.indirect_vreg.gather [hbm4b:s7+s2], $0x80, v8, vm1, $0xb8;
	[tilespmem:$0x12880] =	vst v63  }
0x361: {  	_ =	swait.ge [sflag:s20], $0x6000  }
0x362: {  	[sflag:s20] =	ssyncset.done $0x0  }
0x363: {  	[sflag:s20] =	ssyncadd.s32 $0xFFFFA000  }
.LBB2_7:
0x364: {  	_ =	swait.ge [sflag:s21], $0x3000  }
0x365: {  	[sflag:s21] =	ssyncset.done $0x0  }
0x366: {  	[sflag:s21] =	ssyncadd.s32 $0xFFFFD000  }
.LBB2_8:
0x367: {  	s0 =	simm.s32 $0x0;
	s3 =	simm.s32 $0x0;
	s9 =	simm.s32 $0x0  }
.LBB2_9:
0x368: {  	s6 =	sshrl.u32 s9, $0x1  }
0x369: {  	s6 =	smul.u32 $0x3000, s6;
	_ =	sdelay $0x1  }
0x36a: {  	s28 =	sshra.s32 s6, $0x2  }
0x36b: {  	s26 =	sand.u32 $0x200, s0;
	s10 =	sadd.s32 $0x6880, s28  }
0x36c: {  	s29 =	sor.u32 $0x80, s26;
	s6 =	sor.u32 s26, s10  }
0x36d: {  	s8 =	sadd.s32 s29, s10;
	v8 =	vld [tilespmem:s6+$0x0]  }
0x36e: {  	s30 =	sor.u32 $0x100, s26;
	v9 =	vld [tilespmem:s8+$0x0]  }
0x36f: {  	s11 =	sor.u32 s30, s10  }
0x370: {  	s31 =	sor.u32 $0x180, s26;
	v10 =	vld [tilespmem:s11+$0x0]  }
0x371: {  	s12 =	sadd.s32 s31, s10  }
0x372: {  	v11 =	vld [tilespmem:s12+$0x0]  }
0x373: {  	v12 =	vshll.u32 v8, $0x10;
	v13 =	vshll.u32 v9, $0x10;
	v8 =	vadd.f32 v9, v8  }
0x374: {  	v12 =	vadd.f32 v13, v12  }
0x375: {  	s25 =	sshrl.u32 s9, $0x3;
	v22 =	vshll.u32 v10, $0x10;
	v8 =	vadd.f32 v10, v8  }
0x376: {  	s10 =	smul.u32 $0x1800, s25;
	v9 =	vadd.f32 v22, v12  }
0x377: {  	s13 =	sand.u32 $0x380, s3;
	v23 =	vshll.u32 v11, $0x10;
	v8 =	vadd.f32 v11, v8  }
0x378: {  	s25 =	sor.u32 s13, s10;
	v9 =	vadd.f32 v23, v9  }
0x379: {  	[tilespmem:s25+$0x10480] =	vst v8  }
0x37a: {  	[tilespmem:s25+$0xF880] =	vst v9  }
0x37b: {  	v8 =	vld [tilespmem:s6+$0x10]  }
0x37c: {  	v9 =	vld [tilespmem:s8+$0x10];
	_ =	sdelay $0x1  }
0x37d: {  	v24 =	vld [tilespmem:s11+$0x10];
	_ =	sdelay $0x1  }
0x37e: {  	v25 =	vld [tilespmem:s12+$0x10]  }
0x37f: {  	v26 =	vshll.u32 v8, $0x10;
	v27 =	vshll.u32 v9, $0x10  }
0x380: {  	v12 =	vadd.f32 v27, v26  }
0x381: {  	v8 =	vadd.f32 v9, v8;
	v28 =	vshll.u32 v24, $0x10  }
0x382: {  	v9 =	vadd.f32 v28, v12  }
0x383: {  	v29 =	vshll.u32 v25, $0x10;
	v8 =	vadd.f32 v24, v8  }
0x384: {  	v9 =	vadd.f32 v29, v9  }
0x385: {  	v8 =	vadd.f32 v25, v8  }
0x386: {  	s13 =	sadd.s32 $0x10480, s25;
	[tilespmem:s25+$0xF890] =	vst v9  }
0x387: {  	[tilespmem:s13+$0x10] =	vst v8  }
0x388: {  	v8 =	vld [tilespmem:s6+$0x20]  }
0x389: {  	v9 =	vld [tilespmem:s8+$0x20];
	_ =	sdelay $0x1  }
0x38a: {  	v30 =	vld [tilespmem:s11+$0x20];
	_ =	sdelay $0x1  }
0x38b: {  	v31 =	vld [tilespmem:s12+$0x20]  }
0x38c: {  	v32 =	vshll.u32 v8, $0x10;
	v33 =	vshll.u32 v9, $0x10  }
0x38d: {  	v12 =	vadd.f32 v33, v32  }
0x38e: {  	v8 =	vadd.f32 v9, v8;
	v34 =	vshll.u32 v30, $0x10  }
0x38f: {  	v9 =	vadd.f32 v34, v12  }
0x390: {  	v35 =	vshll.u32 v31, $0x10;
	v8 =	vadd.f32 v30, v8  }
0x391: {  	v9 =	vadd.f32 v35, v9  }
0x392: {  	v8 =	vadd.f32 v31, v8  }
0x393: {  	[tilespmem:s25+$0xF8A0] =	vst v9  }
0x394: {  	[tilespmem:s13+$0x20] =	vst v8  }
0x395: {  	v8 =	vld [tilespmem:s6+$0x30]  }
0x396: {  	v9 =	vld [tilespmem:s8+$0x30];
	_ =	sdelay $0x1  }
0x397: {  	v36 =	vld [tilespmem:s11+$0x30];
	_ =	sdelay $0x1  }
0x398: {  	v37 =	vld [tilespmem:s12+$0x30]  }
0x399: {  	v38 =	vshll.u32 v8, $0x10;
	v39 =	vshll.u32 v9, $0x10  }
0x39a: {  	v12 =	vadd.f32 v39, v38  }
0x39b: {  	v8 =	vadd.f32 v9, v8;
	v40 =	vshll.u32 v36, $0x10  }
0x39c: {  	v9 =	vadd.f32 v40, v12  }
0x39d: {  	v41 =	vshll.u32 v37, $0x10;
	v8 =	vadd.f32 v36, v8  }
0x39e: {  	v9 =	vadd.f32 v41, v9  }
0x39f: {  	v8 =	vadd.f32 v37, v8  }
0x3a0: {  	[tilespmem:s25+$0xF8B0] =	vst v9  }
0x3a1: {  	[tilespmem:s13+$0x30] =	vst v8  }
0x3a2: {  	v8 =	vld [tilespmem:s6+$0x40]  }
0x3a3: {  	v9 =	vld [tilespmem:s8+$0x40];
	_ =	sdelay $0x1  }
0x3a4: {  	v42 =	vld [tilespmem:s11+$0x40];
	_ =	sdelay $0x1  }
0x3a5: {  	v43 =	vld [tilespmem:s12+$0x40]  }
0x3a6: {  	v44 =	vshll.u32 v8, $0x10;
	v45 =	vshll.u32 v9, $0x10  }
0x3a7: {  	v12 =	vadd.f32 v45, v44  }
0x3a8: {  	v8 =	vadd.f32 v9, v8;
	v46 =	vshll.u32 v42, $0x10  }
0x3a9: {  	v9 =	vadd.f32 v46, v12  }
0x3aa: {  	v47 =	vshll.u32 v43, $0x10;
	v8 =	vadd.f32 v42, v8  }
0x3ab: {  	v9 =	vadd.f32 v47, v9  }
0x3ac: {  	v8 =	vadd.f32 v43, v8  }
0x3ad: {  	[tilespmem:s25+$0xF8C0] =	vst v9  }
0x3ae: {  	[tilespmem:s13+$0x40] =	vst v8  }
0x3af: {  	v8 =	vld [tilespmem:s6+$0x50]  }
0x3b0: {  	v9 =	vld [tilespmem:s8+$0x50];
	_ =	sdelay $0x1  }
0x3b1: {  	v48 =	vld [tilespmem:s11+$0x50];
	_ =	sdelay $0x1  }
0x3b2: {  	v49 =	vld [tilespmem:s12+$0x50]  }
0x3b3: {  	v50 =	vshll.u32 v8, $0x10;
	v51 =	vshll.u32 v9, $0x10  }
0x3b4: {  	v12 =	vadd.f32 v51, v50  }
0x3b5: {  	v8 =	vadd.f32 v9, v8;
	v52 =	vshll.u32 v48, $0x10  }
0x3b6: {  	v9 =	vadd.f32 v52, v12  }
0x3b7: {  	v53 =	vshll.u32 v49, $0x10;
	v8 =	vadd.f32 v48, v8  }
0x3b8: {  	v9 =	vadd.f32 v53, v9  }
0x3b9: {  	v8 =	vadd.f32 v49, v8  }
0x3ba: {  	[tilespmem:s25+$0xF8D0] =	vst v9  }
0x3bb: {  	[tilespmem:s13+$0x50] =	vst v8  }
0x3bc: {  	v8 =	vld [tilespmem:s6+$0x60]  }
0x3bd: {  	v9 =	vld [tilespmem:s8+$0x60];
	_ =	sdelay $0x1  }
0x3be: {  	v54 =	vld [tilespmem:s11+$0x60];
	_ =	sdelay $0x1  }
0x3bf: {  	v55 =	vld [tilespmem:s12+$0x60]  }
0x3c0: {  	v56 =	vshll.u32 v8, $0x10;
	v57 =	vshll.u32 v9, $0x10  }
0x3c1: {  	v12 =	vadd.f32 v57, v56  }
0x3c2: {  	v8 =	vadd.f32 v9, v8;
	v58 =	vshll.u32 v54, $0x10  }
0x3c3: {  	v9 =	vadd.f32 v58, v12  }
0x3c4: {  	v59 =	vshll.u32 v55, $0x10;
	v8 =	vadd.f32 v54, v8  }
0x3c5: {  	v9 =	vadd.f32 v59, v9  }
0x3c6: {  	v8 =	vadd.f32 v55, v8  }
0x3c7: {  	[tilespmem:s25+$0xF8E0] =	vst v9  }
0x3c8: {  	[tilespmem:s13+$0x60] =	vst v8  }
0x3c9: {  	v8 =	vld [tilespmem:s6+$0x70]  }
0x3ca: {  	v9 =	vld [tilespmem:s8+$0x70];
	_ =	sdelay $0x1  }
0x3cb: {  	v60 =	vld [tilespmem:s11+$0x70];
	_ =	sdelay $0x1  }
0x3cc: {  	v61 =	vld [tilespmem:s12+$0x70]  }
0x3cd: {  	v62 =	vshll.u32 v8, $0x10;
	v63 =	vshll.u32 v9, $0x10  }
0x3ce: {  	v12 =	vadd.f32 v63, v62  }
0x3cf: {  	v8 =	vadd.f32 v9, v8;
	v16 =	vshll.u32 v60, $0x10  }
0x3d0: {  	v9 =	vadd.f32 v16, v12  }
0x3d1: {  	v17 =	vshll.u32 v61, $0x10;
	v8 =	vadd.f32 v60, v8  }
0x3d2: {  	v9 =	vadd.f32 v17, v9  }
0x3d3: {  	v8 =	vadd.f32 v61, v8  }
0x3d4: {  	s12 =	sadd.s32 $0x6C80, s28;
	[tilespmem:s25+$0xF8F0] =	vst v9  }
0x3d5: {  	s6 =	sor.u32 s26, s12;
	[tilespmem:s13+$0x70] =	vst v8  }
0x3d6: {  	s8 =	sadd.s32 s29, s12;
	v8 =	vld [tilespmem:s6+$0x0]  }
0x3d7: {  	v9 =	vld [tilespmem:s8+$0x0]  }
0x3d8: {  	s11 =	sor.u32 s30, s12  }
0x3d9: {  	v18 =	vld [tilespmem:s11+$0x0]  }
0x3da: {  	s12 =	sadd.s32 s31, s12  }
0x3db: {  	v19 =	vld [tilespmem:s12+$0x0]  }
0x3dc: {  	v20 =	vshll.u32 v8, $0x10;
	v21 =	vshll.u32 v9, $0x10  }
0x3dd: {  	v12 =	vadd.f32 v21, v20  }
0x3de: {  	v8 =	vadd.f32 v9, v8;
	v22 =	vshll.u32 v18, $0x10  }
0x3df: {  	v9 =	vadd.f32 v22, v12  }
0x3e0: {  	v23 =	vshll.u32 v19, $0x10;
	v8 =	vadd.f32 v18, v8  }
0x3e1: {  	v9 =	vadd.f32 v23, v9  }
0x3e2: {  	v8 =	vadd.f32 v19, v8  }
0x3e3: {  	s13 =	sadd.s32 $0xC880, s25;
	[tilespmem:s25+$0xFC80] =	vst v9  }
0x3e4: {  	[tilespmem:s13+$0x4000] =	vst v8  }
0x3e5: {  	v8 =	vld [tilespmem:s6+$0x10]  }
0x3e6: {  	v9 =	vld [tilespmem:s8+$0x10];
	_ =	sdelay $0x1  }
0x3e7: {  	v24 =	vld [tilespmem:s11+$0x10];
	_ =	sdelay $0x1  }
0x3e8: {  	v25 =	vld [tilespmem:s12+$0x10]  }
0x3e9: {  	v26 =	vshll.u32 v8, $0x10;
	v27 =	vshll.u32 v9, $0x10  }
0x3ea: {  	v12 =	vadd.f32 v27, v26  }
0x3eb: {  	v8 =	vadd.f32 v9, v8;
	v28 =	vshll.u32 v24, $0x10  }
0x3ec: {  	v9 =	vadd.f32 v28, v12  }
0x3ed: {  	v29 =	vshll.u32 v25, $0x10;
	v8 =	vadd.f32 v24, v8  }
0x3ee: {  	v9 =	vadd.f32 v29, v9  }
0x3ef: {  	v8 =	vadd.f32 v25, v8  }
0x3f0: {  	[tilespmem:s25+$0xFC90] =	vst v9  }
0x3f1: {  	[tilespmem:s13+$0x4010] =	vst v8  }
0x3f2: {  	v8 =	vld [tilespmem:s6+$0x20]  }
0x3f3: {  	v9 =	vld [tilespmem:s8+$0x20];
	_ =	sdelay $0x1  }
0x3f4: {  	v30 =	vld [tilespmem:s11+$0x20];
	_ =	sdelay $0x1  }
0x3f5: {  	v31 =	vld [tilespmem:s12+$0x20]  }
0x3f6: {  	v32 =	vshll.u32 v8, $0x10;
	v33 =	vshll.u32 v9, $0x10  }
0x3f7: {  	v12 =	vadd.f32 v33, v32  }
0x3f8: {  	v8 =	vadd.f32 v9, v8;
	v34 =	vshll.u32 v30, $0x10  }
0x3f9: {  	v9 =	vadd.f32 v34, v12  }
0x3fa: {  	v35 =	vshll.u32 v31, $0x10;
	v8 =	vadd.f32 v30, v8  }
0x3fb: {  	v9 =	vadd.f32 v35, v9  }
0x3fc: {  	v8 =	vadd.f32 v31, v8  }
0x3fd: {  	[tilespmem:s25+$0xFCA0] =	vst v9  }
0x3fe: {  	[tilespmem:s13+$0x4020] =	vst v8  }
0x3ff: {  	v8 =	vld [tilespmem:s6+$0x30]  }
0x400: {  	v9 =	vld [tilespmem:s8+$0x30];
	_ =	sdelay $0x1  }
0x401: {  	v36 =	vld [tilespmem:s11+$0x30];
	_ =	sdelay $0x1  }
0x402: {  	v37 =	vld [tilespmem:s12+$0x30]  }
0x403: {  	v38 =	vshll.u32 v8, $0x10;
	v39 =	vshll.u32 v9, $0x10  }
0x404: {  	v12 =	vadd.f32 v39, v38  }
0x405: {  	v8 =	vadd.f32 v9, v8;
	v40 =	vshll.u32 v36, $0x10  }
0x406: {  	v9 =	vadd.f32 v40, v12  }
0x407: {  	v41 =	vshll.u32 v37, $0x10;
	v8 =	vadd.f32 v36, v8  }
0x408: {  	v9 =	vadd.f32 v41, v9  }
0x409: {  	v8 =	vadd.f32 v37, v8  }
0x40a: {  	[tilespmem:s25+$0xFCB0] =	vst v9  }
0x40b: {  	[tilespmem:s13+$0x4030] =	vst v8  }
0x40c: {  	v8 =	vld [tilespmem:s6+$0x40]  }
0x40d: {  	v9 =	vld [tilespmem:s8+$0x40];
	_ =	sdelay $0x1  }
0x40e: {  	v42 =	vld [tilespmem:s11+$0x40];
	_ =	sdelay $0x1  }
0x40f: {  	v43 =	vld [tilespmem:s12+$0x40]  }
0x410: {  	v44 =	vshll.u32 v8, $0x10;
	v45 =	vshll.u32 v9, $0x10  }
0x411: {  	v12 =	vadd.f32 v45, v44  }
0x412: {  	v8 =	vadd.f32 v9, v8;
	v46 =	vshll.u32 v42, $0x10  }
0x413: {  	v9 =	vadd.f32 v46, v12  }
0x414: {  	v47 =	vshll.u32 v43, $0x10;
	v8 =	vadd.f32 v42, v8  }
0x415: {  	v9 =	vadd.f32 v47, v9  }
0x416: {  	v8 =	vadd.f32 v43, v8  }
0x417: {  	[tilespmem:s25+$0xFCC0] =	vst v9  }
0x418: {  	[tilespmem:s13+$0x4040] =	vst v8  }
0x419: {  	v8 =	vld [tilespmem:s6+$0x50]  }
0x41a: {  	v9 =	vld [tilespmem:s8+$0x50];
	_ =	sdelay $0x1  }
0x41b: {  	v48 =	vld [tilespmem:s11+$0x50];
	_ =	sdelay $0x1  }
0x41c: {  	v49 =	vld [tilespmem:s12+$0x50]  }
0x41d: {  	v50 =	vshll.u32 v8, $0x10;
	v51 =	vshll.u32 v9, $0x10  }
0x41e: {  	v12 =	vadd.f32 v51, v50  }
0x41f: {  	v8 =	vadd.f32 v9, v8;
	v52 =	vshll.u32 v48, $0x10  }
0x420: {  	v9 =	vadd.f32 v52, v12  }
0x421: {  	v53 =	vshll.u32 v49, $0x10;
	v8 =	vadd.f32 v48, v8  }
0x422: {  	v9 =	vadd.f32 v53, v9  }
0x423: {  	v8 =	vadd.f32 v49, v8  }
0x424: {  	[tilespmem:s25+$0xFCD0] =	vst v9  }
0x425: {  	[tilespmem:s13+$0x4050] =	vst v8  }
0x426: {  	v8 =	vld [tilespmem:s6+$0x60]  }
0x427: {  	v9 =	vld [tilespmem:s8+$0x60];
	_ =	sdelay $0x1  }
0x428: {  	v54 =	vld [tilespmem:s11+$0x60];
	_ =	sdelay $0x1  }
0x429: {  	v55 =	vld [tilespmem:s12+$0x60]  }
0x42a: {  	v56 =	vshll.u32 v8, $0x10;
	v57 =	vshll.u32 v9, $0x10  }
0x42b: {  	v12 =	vadd.f32 v57, v56  }
0x42c: {  	v8 =	vadd.f32 v9, v8;
	v58 =	vshll.u32 v54, $0x10  }
0x42d: {  	v9 =	vadd.f32 v58, v12  }
0x42e: {  	v59 =	vshll.u32 v55, $0x10;
	v8 =	vadd.f32 v54, v8  }
0x42f: {  	v9 =	vadd.f32 v59, v9  }
0x430: {  	v8 =	vadd.f32 v55, v8  }
0x431: {  	[tilespmem:s25+$0xFCE0] =	vst v9  }
0x432: {  	[tilespmem:s13+$0x4060] =	vst v8  }
0x433: {  	v8 =	vld [tilespmem:s6+$0x70]  }
0x434: {  	v9 =	vld [tilespmem:s8+$0x70];
	_ =	sdelay $0x1  }
0x435: {  	v60 =	vld [tilespmem:s11+$0x70];
	_ =	sdelay $0x1  }
0x436: {  	v61 =	vld [tilespmem:s12+$0x70]  }
0x437: {  	v62 =	vshll.u32 v8, $0x10;
	v63 =	vshll.u32 v9, $0x10  }
0x438: {  	v12 =	vadd.f32 v63, v62  }
0x439: {  	v8 =	vadd.f32 v9, v8;
	v14 =	vshll.u32 v60, $0x10  }
0x43a: {  	v9 =	vadd.f32 v14, v12  }
0x43b: {  	v15 =	vshll.u32 v61, $0x10;
	v8 =	vadd.f32 v60, v8  }
0x43c: {  	v9 =	vadd.f32 v15, v9  }
0x43d: {  	v8 =	vadd.f32 v61, v8  }
0x43e: {  	s11 =	sadd.s32 $0x7080, s28;
	[tilespmem:s25+$0xFCF0] =	vst v9  }
0x43f: {  	s28 =	sor.u32 s26, s11;
	[tilespmem:s13+$0x4070] =	vst v8  }
0x440: {  	s29 =	sadd.s32 s29, s11;
	v8 =	vld [tilespmem:s28+$0x0]  }
0x441: {  	v9 =	vld [tilespmem:s29+$0x0]  }
0x442: {  	s30 =	sor.u32 s30, s11  }
0x443: {  	v16 =	vld [tilespmem:s30+$0x0]  }
0x444: {  	s12 =	sadd.s32 s31, s11  }
0x445: {  	v17 =	vld [tilespmem:s12+$0x0]  }
0x446: {  	v18 =	vshll.u32 v8, $0x10;
	v19 =	vshll.u32 v9, $0x10  }
0x447: {  	v12 =	vadd.f32 v19, v18  }
0x448: {  	v8 =	vadd.f32 v9, v8;
	v20 =	vshll.u32 v16, $0x10  }
0x449: {  	v9 =	vadd.f32 v20, v12  }
0x44a: {  	v21 =	vshll.u32 v17, $0x10;
	v8 =	vadd.f32 v16, v8  }
0x44b: {  	v9 =	vadd.f32 v21, v9  }
0x44c: {  	s10 =	sor.u32 s10, s3;
	v8 =	vadd.f32 v17, v8  }
0x44d: {  	s10 =	sor.u32 $0x4400, s10;
	[tilespmem:s25+$0x10080] =	vst v9  }
0x44e: {  	[tilespmem:s10+$0xC880] =	vst v8  }
0x44f: {  	v8 =	vld [tilespmem:s28+$0x10]  }
0x450: {  	v9 =	vld [tilespmem:s29+$0x10];
	_ =	sdelay $0x1  }
0x451: {  	v22 =	vld [tilespmem:s30+$0x10];
	_ =	sdelay $0x1  }
0x452: {  	v23 =	vld [tilespmem:s12+$0x10]  }
0x453: {  	v24 =	vshll.u32 v8, $0x10;
	v25 =	vshll.u32 v9, $0x10  }
0x454: {  	v12 =	vadd.f32 v25, v24  }
0x455: {  	v8 =	vadd.f32 v9, v8;
	v26 =	vshll.u32 v22, $0x10  }
0x456: {  	v9 =	vadd.f32 v26, v12  }
0x457: {  	v27 =	vshll.u32 v23, $0x10;
	v8 =	vadd.f32 v22, v8  }
0x458: {  	v9 =	vadd.f32 v27, v9  }
0x459: {  	s31 =	sadd.s32 $0x10080, s25;
	v8 =	vadd.f32 v23, v8  }
0x45a: {  	[tilespmem:s31+$0x10] =	vst v9  }
0x45b: {  	[tilespmem:s10+$0xC890] =	vst v8  }
0x45c: {  	v8 =	vld [tilespmem:s28+$0x20]  }
0x45d: {  	v9 =	vld [tilespmem:s29+$0x20];
	_ =	sdelay $0x1  }
0x45e: {  	v28 =	vld [tilespmem:s30+$0x20];
	_ =	sdelay $0x1  }
0x45f: {  	v29 =	vld [tilespmem:s12+$0x20]  }
0x460: {  	v30 =	vshll.u32 v8, $0x10;
	v31 =	vshll.u32 v9, $0x10  }
0x461: {  	v12 =	vadd.f32 v31, v30  }
0x462: {  	v8 =	vadd.f32 v9, v8;
	v32 =	vshll.u32 v28, $0x10  }
0x463: {  	v9 =	vadd.f32 v32, v12  }
0x464: {  	v33 =	vshll.u32 v29, $0x10;
	v8 =	vadd.f32 v28, v8  }
0x465: {  	v9 =	vadd.f32 v33, v9  }
0x466: {  	v8 =	vadd.f32 v29, v8  }
0x467: {  	[tilespmem:s31+$0x20] =	vst v9  }
0x468: {  	[tilespmem:s10+$0xC8A0] =	vst v8  }
0x469: {  	v8 =	vld [tilespmem:s28+$0x30]  }
0x46a: {  	v9 =	vld [tilespmem:s29+$0x30];
	_ =	sdelay $0x1  }
0x46b: {  	v34 =	vld [tilespmem:s30+$0x30];
	_ =	sdelay $0x1  }
0x46c: {  	v35 =	vld [tilespmem:s12+$0x30]  }
0x46d: {  	v36 =	vshll.u32 v8, $0x10;
	v37 =	vshll.u32 v9, $0x10  }
0x46e: {  	v12 =	vadd.f32 v37, v36  }
0x46f: {  	v8 =	vadd.f32 v9, v8;
	v38 =	vshll.u32 v34, $0x10  }
0x470: {  	v9 =	vadd.f32 v38, v12  }
0x471: {  	v39 =	vshll.u32 v35, $0x10;
	v8 =	vadd.f32 v34, v8  }
0x472: {  	v9 =	vadd.f32 v39, v9  }
0x473: {  	v8 =	vadd.f32 v35, v8  }
0x474: {  	[tilespmem:s31+$0x30] =	vst v9  }
0x475: {  	[tilespmem:s10+$0xC8B0] =	vst v8  }
0x476: {  	v8 =	vld [tilespmem:s28+$0x40]  }
0x477: {  	v9 =	vld [tilespmem:s29+$0x40];
	_ =	sdelay $0x1  }
0x478: {  	v40 =	vld [tilespmem:s30+$0x40];
	_ =	sdelay $0x1  }
0x479: {  	v41 =	vld [tilespmem:s12+$0x40]  }
0x47a: {  	v42 =	vshll.u32 v8, $0x10;
	v43 =	vshll.u32 v9, $0x10  }
0x47b: {  	v12 =	vadd.f32 v43, v42  }
0x47c: {  	v8 =	vadd.f32 v9, v8;
	v44 =	vshll.u32 v40, $0x10  }
0x47d: {  	v9 =	vadd.f32 v44, v12  }
0x47e: {  	v45 =	vshll.u32 v41, $0x10;
	v8 =	vadd.f32 v40, v8  }
0x47f: {  	v9 =	vadd.f32 v45, v9  }
0x480: {  	v8 =	vadd.f32 v41, v8  }
0x481: {  	[tilespmem:s31+$0x40] =	vst v9  }
0x482: {  	[tilespmem:s10+$0xC8C0] =	vst v8  }
0x483: {  	v8 =	vld [tilespmem:s28+$0x50]  }
0x484: {  	v9 =	vld [tilespmem:s29+$0x50];
	_ =	sdelay $0x1  }
0x485: {  	v46 =	vld [tilespmem:s30+$0x50];
	_ =	sdelay $0x1  }
0x486: {  	v47 =	vld [tilespmem:s12+$0x50]  }
0x487: {  	v48 =	vshll.u32 v8, $0x10;
	v49 =	vshll.u32 v9, $0x10  }
0x488: {  	v12 =	vadd.f32 v49, v48  }
0x489: {  	v8 =	vadd.f32 v9, v8;
	v50 =	vshll.u32 v46, $0x10  }
0x48a: {  	v9 =	vadd.f32 v50, v12  }
0x48b: {  	v51 =	vshll.u32 v47, $0x10;
	v8 =	vadd.f32 v46, v8  }
0x48c: {  	v9 =	vadd.f32 v51, v9  }
0x48d: {  	v8 =	vadd.f32 v47, v8  }
0x48e: {  	[tilespmem:s31+$0x50] =	vst v9  }
0x48f: {  	[tilespmem:s10+$0xC8D0] =	vst v8  }
0x490: {  	v8 =	vld [tilespmem:s28+$0x60]  }
0x491: {  	v9 =	vld [tilespmem:s29+$0x60];
	_ =	sdelay $0x1  }
0x492: {  	v52 =	vld [tilespmem:s30+$0x60];
	_ =	sdelay $0x1  }
0x493: {  	v53 =	vld [tilespmem:s12+$0x60]  }
0x494: {  	v54 =	vshll.u32 v8, $0x10;
	v55 =	vshll.u32 v9, $0x10  }
0x495: {  	v12 =	vadd.f32 v55, v54  }
0x496: {  	v8 =	vadd.f32 v9, v8;
	v56 =	vshll.u32 v52, $0x10  }
0x497: {  	v9 =	vadd.f32 v56, v12  }
0x498: {  	v57 =	vshll.u32 v53, $0x10;
	v8 =	vadd.f32 v52, v8  }
0x499: {  	v9 =	vadd.f32 v57, v9  }
0x49a: {  	v8 =	vadd.f32 v53, v8  }
0x49b: {  	[tilespmem:s31+$0x60] =	vst v9  }
0x49c: {  	[tilespmem:s10+$0xC8E0] =	vst v8  }
0x49d: {  	v8 =	vld [tilespmem:s28+$0x70]  }
0x49e: {  	v9 =	vld [tilespmem:s29+$0x70];
	_ =	sdelay $0x1  }
0x49f: {  	v58 =	vld [tilespmem:s30+$0x70];
	_ =	sdelay $0x1  }
0x4a0: {  	v59 =	vld [tilespmem:s12+$0x70]  }
0x4a1: {  	v60 =	vshll.u32 v8, $0x10;
	v61 =	vshll.u32 v9, $0x10  }
0x4a2: {  	v12 =	vadd.f32 v61, v60  }
0x4a3: {  	v8 =	vadd.f32 v9, v8;
	v62 =	vshll.u32 v58, $0x10  }
0x4a4: {  	p0 =	sne.s32 s9, $0xF;
	v9 =	vadd.f32 v62, v12  }
.Ltmp4:
0x4a5: {  	v63 =	vshll.u32 v59, $0x10;
	v8 =	vadd.f32 v58, v8;
	(pc) =	sbr.rel @p0 .LBB2_9-.Ltmp4, $4  }
0x4a6: {  	v9 =	vadd.f32 v63, v9  }
0x4a7: {  	v8 =	vadd.f32 v59, v8  }
0x4a8: {  	[tilespmem:s31+$0x70] =	vst v9  }
0x4a9: {  	s0 =	sadd.s32 $0x200, s0;
	s9 =	sadd.s32 $0x1, s9;
	s3 =	sadd.s32 $0x80, s3;
	[tilespmem:s10+$0xC8F0] =	vst v8  }
0x4aa: {  	s0 =	sshll.u32 s24, $0x4;
	s23 =	sadd.s32 $0x1, s23  }
0x4ab: {  	s0 =	sadd.s32 s5, s0;
	p0 =	sne.s32 s23, $0x10  }
.Ltmp5:
0x4ac: {  	s0 =	sshrl.u32 s0, $0x3;
	(pc) =	sbr.rel @p0 .LBB2_2-.Ltmp5, $3  }
0x4ad: {  	s0 =	smul.u32 $0x300, s0;
	_ =	sdelay $0x1  }
0x4ae: {  	s0 =	sadd.s32 s1, s0  }
0x4af: {  	[hbm4b:s0+s2] =	stream.linear.scatter [tilespmem:s22], [sflag:$0x4], $0x3000, $0x38;
	[tilespmem:$0x12880] =	vst v63  }
0x4b0: {  	s0 =	simm.s32 $0x3  }
0x4b1: {  	_ =	swait.ge [sflag:s0], $0x3000  }
0x4b2: {  	[sflag:s0] =	ssyncset.done $0x0  }
0x4b3: {  	[sflag:s0] =	ssyncadd.s32 $0xFFFFD000  }
0x4b4: {  	_ =	swait.ge [sflag:s21], $0x3000  }
0x4b5: {  	s3 =	rddreg [dreg:$0x6]  }
0x4b6: {  	s31 =	rddreg [dreg:$0x5];
	s3 =	sadd.s32 $0x1, s3  }
0x4b7: {  	p0 =	sne.s32 s3, s31  }
.Ltmp6:
0x4b8: {  	_ = 	snop;
	(pc) =	sbr.rel @p0 .LBB2_1-.Ltmp6, $3  }
0x4b9: {  	_ =	sdelay $0x1  }
0x4ba: {  	[sflag:s21] =	ssyncset.done $0x0  }
0x4bb: {  	[sflag:s21] =	ssyncadd.s32 $0xFFFFD000  }
0x4bc: {  	_ =	sfence.sel $0x180000  }
0x4bd: {  	[bflag:$0x0] =	sbarrier.arrive $0xFFFF  }
0x4be: {  	_ =	strace $0x90000047  }
0x4bf: {  	s0 =	stileid.u32;
	[bflag:$0x2] =	sbarrier.arrive $0xFFFF  }
0x4c0: {  	p0 =	sne.s32 s0, $0x0;
	s0 =	rddreg [dreg:$0x3]  }
0x4c1: {  	s0 =	sadd.s32 @!p0 $0x100000, s0  }
0x4c2: {  	[sflag:s0] =	ssyncadd.tile.s32 @!p0 $0x1;
	_ =	shalt  }
.Lfunc_end2:
_tile_overlayer_lowered:
.L_overlay_start_2:
0x4c3: {  	(tag) =	ssettag $0x2  }
0x4c4: {  	s0 =	rddreg [dreg:$0x0];
	s2 =	stileid.u32  }
0x4c5: {  	s1 =	rddreg [dreg:$0x1];
	p0 =	sne.s32 s2, $0x0  }
0x4c6: {  	s3 =	rddreg [dreg:$0x2];
	[bflag:$0x3] =	sbarrier.arrive $0xFFFF;
	s2 =	simm.s32 @!p0 $0x1C05  }
0x4c7: {  	[timem:s3], [sflag:s2] =	dma.local @!p0 [hbm:s0], s1  }
0x4c8: {  	s0 =	simm.s32 @!p0 $0x5  }
0x4c9: {  	_ =	swait.ge @!p0 [sflag:s0], s1  }
0x4ca: {  	s1 =	ssub.s32 @!p0 $0x0, s1;
	[sflag:s0] =	ssyncset.done @!p0 $0x0  }
0x4cb: {  	[sflag:s0] =	ssyncadd.s32 @!p0 s1  }
0x4cc: {  	[bflag:$0x3] =	sbarrier.arrive $0xFFFF  }
0x4cd: {  	_ =	shalt  }

</sc_bundles>
